<compile_context>
chip_gen: v7x
topology: tpu7x:2x2x1
jax: 0.10.2.dev20260603
libtpu: 0.0.44.dev20260713+nightly
codegen_flags: <defaults>
</compile_context>

<pallas_src>
import functools

import jax
import jax.numpy as jnp
from jax import lax
from jax.experimental import pallas as pl
from jax.experimental.pallas import tpu as pltpu
from jax.experimental.pallas import tpu_sc as plsc

N = 10000
E = 160000
D = 256
DE = 16
G = 512
HALF = 128
NP = 10240
STRIPE = NP // 16
DUMMY = N
EP = 163840
CHUNKS = 80
EA_CHUNKS = 40
BLK = 2048
NBLK = NP // BLK

_f32 = jnp.float32


def _make_sc_spmv():
    mesh = plsc.VectorSubcoreMesh(core_axis_name="c", subcore_axis_name="s",
                                  num_cores=2, num_subcores=16)
    HC = CHUNKS // 2
    scratch = [
        pltpu.VMEM_SHARED((NP, HALF), _f32),
        pltpu.VMEM((HC, 128), jnp.int32),
        pltpu.VMEM((HC, 128), jnp.int32),
        pltpu.VMEM((128, HALF), _f32),
        pltpu.VMEM((128, HALF), _f32),
        pltpu.SemaphoreType.DMA,
        pltpu.SemaphoreType.DMA,
        pltpu.SemaphoreType.DMA,
    ]

    def body(table, init, srcs, dsts, out, acc, src_v, dst_v, g0, g1,
             s0, s1, ss):
        c = lax.axis_index("c")
        t = lax.axis_index("s")
        r0 = t * STRIPE

        NSTR = STRIPE // 128
        bufs = (g0, g1)
        pltpu.async_copy(init.at[c, pl.ds(r0, 128)], g0, s0)
        for h in range(NSTR):
            b = bufs[h % 2]
            sem = (s0, s1)[h % 2]
            if h + 1 < NSTR:
                pltpu.async_copy(init.at[c, pl.ds(r0 + (h + 1) * 128, 128)],
                                 bufs[(h + 1) % 2], (s0, s1)[(h + 1) % 2])
            pltpu.make_async_copy(init.at[c, pl.ds(r0 + h * 128, 128)],
                                  b, sem).wait()
            pltpu.sync_copy(b, acc.at[pl.ds(r0 + h * 128, 128)])
        plsc.subcore_barrier()

        tbl = table.at[c]

        for half in range(2):
            pltpu.sync_copy(srcs.at[t, pl.ds(half * HC, HC)], src_v)
            pltpu.sync_copy(dsts.at[t, pl.ds(half * HC, HC)], dst_v)
            pltpu.async_copy(tbl.at[src_v.at[0]], g0, s0)
            pltpu.async_copy(tbl.at[src_v.at[1]], g1, s1)

            def pipe(q, carry):
                j0 = 2 * q
                j1 = 2 * q + 1
                pltpu.make_async_copy(tbl.at[src_v.at[j0]], g0, s0).wait()
                d0 = pltpu.async_copy(g0, acc.at[dst_v.at[j0]], ss, add=True)
                pltpu.make_async_copy(tbl.at[src_v.at[j1]], g1, s1).wait()
                d1 = pltpu.async_copy(g1, acc.at[dst_v.at[j1]], ss, add=True)
                d0.wait()

                @pl.when(q < HC // 2 - 1)
                def _():
                    pltpu.async_copy(tbl.at[src_v.at[j0 + 2]], g0, s0)

                d1.wait()

                @pl.when(q < HC // 2 - 1)
                def _():
                    pltpu.async_copy(tbl.at[src_v.at[j1 + 2]], g1, s1)

                return carry

            lax.fori_loop(0, HC // 2, pipe, 0, unroll=False)

        plsc.subcore_barrier()

        pend = []
        for h in range(NSTR):
            rh = r0 + h * 128
            b = bufs[h % 2]
            if len(pend) >= 2:
                pend.pop(0).wait()
            pltpu.sync_copy(acc.at[pl.ds(rh, 128)], b)
            pend.append(pltpu.async_copy(b, out.at[c, pl.ds(rh, 128)], ss))
        for d in pend:
            d.wait()

    return pl.kernel(body,
                     out_type=(jax.ShapeDtypeStruct((2, NP, HALF), _f32),),
                     mesh=mesh, scratch_types=scratch)


def _make_sc_ea():
    mesh = plsc.VectorSubcoreMesh(core_axis_name="c", subcore_axis_name="s",
                                  num_cores=2, num_subcores=16)
    scratch = [
        pltpu.VMEM_SHARED((NP, HALF), _f32),
        pltpu.VMEM((EA_CHUNKS, 128), jnp.int32),
        pltpu.VMEM((128, HALF), _f32),
        pltpu.VMEM((128, HALF), _f32),
        pltpu.SemaphoreType.DMA,
        pltpu.SemaphoreType.DMA,
        pltpu.SemaphoreType.DMA,
    ]

    def body(ea_val, ea_dst, zeros128, out, acc, dst_v, vbuf, vbuf1,
             s0, s1, ss):
        c = lax.axis_index("c")
        t = lax.axis_index("s")
        r0 = t * STRIPE
        pltpu.sync_copy(ea_dst.at[c, t], dst_v)
        pltpu.sync_copy(zeros128, vbuf)

        def init_chunk(h, carry):
            pltpu.sync_copy(vbuf, acc.at[pl.ds(r0 + h * 128, 128)])
            return carry

        lax.fori_loop(0, STRIPE // 128, init_chunk, 0, unroll=False)
        plsc.subcore_barrier()
        NSTR = STRIPE // 128
        bufs = (vbuf, vbuf1)

        pltpu.async_copy(ea_val.at[c, t, pl.ds(0, 128)], vbuf, s0)
        pltpu.async_copy(ea_val.at[c, t, pl.ds(128, 128)], vbuf1, s1)

        def ea_pipe(q, carry):
            j0 = 2 * q
            j1 = 2 * q + 1
            pltpu.make_async_copy(
                ea_val.at[c, t, pl.ds(j0 * 128, 128)], vbuf, s0).wait()
            d0 = pltpu.async_copy(vbuf, acc.at[dst_v.at[j0]], ss, add=True)
            pltpu.make_async_copy(
                ea_val.at[c, t, pl.ds(j1 * 128, 128)], vbuf1, s1).wait()
            d1 = pltpu.async_copy(vbuf1, acc.at[dst_v.at[j1]], ss, add=True)
            d0.wait()

            @pl.when(q < EA_CHUNKS // 2 - 1)
            def _():
                pltpu.async_copy(
                    ea_val.at[c, t, pl.ds((j0 + 2) * 128, 128)], vbuf, s0)

            d1.wait()

            @pl.when(q < EA_CHUNKS // 2 - 1)
            def _():
                pltpu.async_copy(
                    ea_val.at[c, t, pl.ds((j1 + 2) * 128, 128)], vbuf1, s1)

            return carry

        lax.fori_loop(0, EA_CHUNKS // 2, ea_pipe, 0, unroll=False)
        plsc.subcore_barrier()

        pend = []
        for h in range(NSTR):
            rh = r0 + h * 128
            b = bufs[h % 2]
            if len(pend) >= 2:
                pend.pop(0).wait()
            pltpu.sync_copy(acc.at[pl.ds(rh, 128)], b)
            pend.append(pltpu.async_copy(b, out.at[c, pl.ds(rh, 128)], ss))
        for d in pend:
            d.wait()

    return pl.kernel(body,
                     out_type=(jax.ShapeDtypeStruct((2, NP, HALF), _f32),),
                     mesh=mesh, scratch_types=scratch)


@functools.lru_cache(maxsize=None)
def _sc_spmv():
    return _make_sc_spmv()


@functools.lru_cache(maxsize=None)
def _sc_ea():
    return _make_sc_ea()


def _tc_pre_body(x_ref, ea_ref, w1t_ref, w2t_ref, b_ref, y_ref, b0_ref, ch_ref):
    ea = ea_ref[0] + ea_ref[1]
    ct = jnp.dot(ea, w2t_ref[...], preferred_element_type=_f32,
                 precision=lax.Precision.HIGHEST) + b_ref[...]
    y0 = jnp.dot(x_ref[...], w1t_ref[...], preferred_element_type=_f32,
                 precision=lax.Precision.HIGHEST)
    b0 = y0 + ct
    y_ref[0] = y0[:, :HALF]
    y_ref[1] = y0[:, HALF:]
    b0_ref[0] = b0[:, :HALF]
    b0_ref[1] = b0[:, HALF:]
    ch_ref[0] = ct[:, :HALF]
    ch_ref[1] = ct[:, HALF:]


_tc_pre = pl.pallas_call(
    _tc_pre_body,
    grid=(NBLK,),
    in_specs=[
        pl.BlockSpec((BLK, D), lambda i: (i, 0)),
        pl.BlockSpec((2, BLK, DE), lambda i: (0, i, 0)),
        pl.BlockSpec((D, D), lambda i: (0, 0)),
        pl.BlockSpec((DE, D), lambda i: (0, 0)),
        pl.BlockSpec((1, D), lambda i: (0, 0)),
    ],
    out_specs=[
        pl.BlockSpec((2, BLK, HALF), lambda i: (0, i, 0)),
        pl.BlockSpec((2, BLK, HALF), lambda i: (0, i, 0)),
        pl.BlockSpec((2, BLK, HALF), lambda i: (0, i, 0)),
    ],
    out_shape=[
        jax.ShapeDtypeStruct((2, NP, HALF), _f32),
        jax.ShapeDtypeStruct((2, NP, HALF), _f32),
        jax.ShapeDtypeStruct((2, NP, HALF), _f32),
    ],
)


def _tc_conv_body(x1_ref, ch_ref, w1t_ref, y_ref, b1_ref):
    x1 = jnp.concatenate([x1_ref[0], x1_ref[1]], axis=-1)
    y1 = jnp.dot(x1, w1t_ref[...], preferred_element_type=_f32,
                 precision=lax.Precision.HIGHEST)
    y_ref[0] = y1[:, :HALF]
    y_ref[1] = y1[:, HALF:]
    b1_ref[0] = y1[:, :HALF] + ch_ref[0]
    b1_ref[1] = y1[:, HALF:] + ch_ref[1]


_tc_conv = pl.pallas_call(
    _tc_conv_body,
    grid=(NBLK,),
    in_specs=[
        pl.BlockSpec((2, BLK, HALF), lambda i: (0, i, 0)),
        pl.BlockSpec((2, BLK, HALF), lambda i: (0, i, 0)),
        pl.BlockSpec((D, D), lambda i: (0, 0)),
    ],
    out_specs=[
        pl.BlockSpec((2, BLK, HALF), lambda i: (0, i, 0)),
        pl.BlockSpec((2, BLK, HALF), lambda i: (0, i, 0)),
    ],
    out_shape=[
        jax.ShapeDtypeStruct((2, NP, HALF), _f32),
        jax.ShapeDtypeStruct((2, NP, HALF), _f32),
    ],
)


def _tc_pool_body(x_ref, batch_ref, wot_ref, b_ref,
                  wh1_ref, bh1_ref, wh2_ref, bh2_ref,
                  wp1_ref, bp1_ref, wp2_ref, bp2_ref,
                  mf_ref, o_ref, z_ref):
    x2 = jnp.concatenate([x_ref[0], x_ref[1]], axis=-1)
    l = jnp.dot(x2, wot_ref[...], preferred_element_type=_f32,
                precision=lax.Precision.HIGHEST) + b_ref[...]
    m = jnp.max(l, axis=1, keepdims=True)
    p = jnp.exp(l - m)
    a = p / jnp.sum(p, axis=1, keepdims=True)
    bt = batch_ref[...]
    gid = lax.broadcasted_iota(jnp.int32, (1, G), 1)
    oh = (bt == gid).astype(_f32)
    part = lax.dot_general(oh, a, (((0,), (0,)), ((), ())),
                           preferred_element_type=_f32,
                           precision=lax.Precision.HIGHEST)
    i = pl.program_id(0)

    @pl.when(i == 0)
    def _():
        mf_ref[...] = part

    @pl.when(i > 0)
    def _():
        mf_ref[...] += part

    @pl.when(i == NBLK - 1)
    def _():
        mf = mf_ref[...]
        h1 = jnp.maximum(
            jnp.dot(mf, wh1_ref[...], preferred_element_type=_f32,
                    precision=lax.Precision.HIGHEST) + bh1_ref[...], 0.0)
        z_ref[...] = jnp.dot(h1, wh2_ref[...], preferred_element_type=_f32,
                             precision=lax.Precision.HIGHEST) + bh2_ref[...]
        hid = jnp.dot(mf, wp1_ref[...], preferred_element_type=_f32,
                      precision=lax.Precision.HIGHEST) + bp1_ref[...]
        o = jnp.dot(hid, wp2_ref[...], preferred_element_type=_f32,
                    precision=lax.Precision.HIGHEST) + bp2_ref[...]
        o_ref[...] = jax.nn.sigmoid(o)


_tc_pool = pl.pallas_call(
    _tc_pool_body,
    grid=(NBLK,),
    in_specs=[
        pl.BlockSpec((2, BLK, HALF), lambda i: (0, i, 0)),
        pl.BlockSpec((BLK, 1), lambda i: (i, 0)),
        pl.BlockSpec((D, 512), lambda i: (0, 0)),
        pl.BlockSpec((1, 512), lambda i: (0, 0)),
        pl.BlockSpec((512, 128), lambda i: (0, 0)),
        pl.BlockSpec((1, 128), lambda i: (0, 0)),
        pl.BlockSpec((128, 1), lambda i: (0, 0)),
        pl.BlockSpec((1, 1), lambda i: (0, 0)),
        pl.BlockSpec((512, 50), lambda i: (0, 0)),
        pl.BlockSpec((1, 50), lambda i: (0, 0)),
        pl.BlockSpec((50, 1), lambda i: (0, 0)),
        pl.BlockSpec((1, 1), lambda i: (0, 0)),
    ],
    out_specs=[
        pl.BlockSpec((G, 512), lambda i: (0, 0)),
        pl.BlockSpec((G, 1), lambda i: (0, 0)),
        pl.BlockSpec((G, 1), lambda i: (0, 0)),
    ],
    out_shape=[
        jax.ShapeDtypeStruct((G, 512), _f32),
        jax.ShapeDtypeStruct((G, 1), _f32),
        jax.ShapeDtypeStruct((G, 1), _f32),
    ],
)


def kernel(x, edge_index, edge_attr, smiles, batch, is_supervised,
           W_in, b_in, W_out, b_out, W_p1, b_p1, W_p2, b_p2,
           W_h1, b_h1, W_h2, b_h2):
    del smiles, is_supervised
    xp = jnp.zeros((NP, D), _f32).at[:N].set(x)
    pad = EP - E
    srcp = jnp.concatenate(
        [edge_index[0], jnp.zeros((pad,), jnp.int32)]).reshape(16, CHUNKS, 128)
    dstp = jnp.concatenate(
        [edge_index[1], jnp.full((pad,), DUMMY, jnp.int32)]
    ).reshape(16, CHUNKS, 128)
    ea_dst = jnp.concatenate(
        [edge_index[1], jnp.zeros((pad,), jnp.int32)]
    ).reshape(2, 16, EA_CHUNKS, 128)
    ea128 = jnp.zeros((EP, HALF), _f32).at[:E, :DE].set(edge_attr)
    ea128 = ea128.reshape(2, 16, EP // 32, HALF)
    zeros128 = jnp.zeros((128, HALF), _f32)
    batchp = jnp.concatenate(
        [batch, jnp.full((NP - N,), G, jnp.int32)]).reshape(NP, 1)
    w1t = W_in[:, :D].T
    w2t = W_in[:, D:].T

    eap = _sc_ea()(ea128, ea_dst, zeros128)[0][:, :, :DE]
    y0, b0, ch = _tc_pre(xp, eap, w1t, w2t, b_in.reshape(1, D))
    x1 = _sc_spmv()(y0, b0, srcp, dstp)[0]
    y1, b1 = _tc_conv(x1, ch, w1t)
    x2 = _sc_spmv()(y1, b1, srcp, dstp)[0]
    _, o, z = _tc_pool(x2, batchp, W_out.T, b_out.reshape(1, 512),
                       W_h1.T, b_h1.reshape(1, -1), W_h2.T,
                       b_h2.reshape(1, -1), W_p1.T, b_p1.reshape(1, -1),
                       W_p2.T, b_p2.reshape(1, -1))
    return (o, z)

# --- scband reference (transcript-rebuilt; emitter-appended) ---
"""Pipeline reference for scband-my-net-29549374997144 (READ-ONLY COPY).

The authoritative reference and input builder live on the scoring server;
editing this copy changes nothing except your own understanding.
"""

import jax, jax.numpy as jnp
import numpy as np

N_NODES = 10000
N_EDGES = 160000
D_FEAT = 256
D_EDGE = 16
DEPTH = 3
INNER_ATOM_DIM = 512
NUM_GRAPHS = 512


def _lin(key, out_dim, in_dim):
    k1, k2 = jax.random.split(key)
    bound = 1.0 / np.sqrt(in_dim)
    W = jax.random.uniform(k1, (out_dim, in_dim), minval=-bound, maxval=bound, dtype=jnp.float32)
    b = jax.random.uniform(k2, (out_dim,), minval=-bound, maxval=bound, dtype=jnp.float32)
    return W, b


def setup_inputs(seed: int = 0):
    key = jax.random.key(seed)
    ks = jax.random.split(key, 10)
    x = jax.random.normal(ks[0], (N_NODES, D_FEAT), dtype=jnp.float32)
    edge_index = jax.random.randint(ks[1], (2, N_EDGES), 0, N_NODES, dtype=jnp.int32)
    edge_attr = jax.random.normal(ks[2], (N_EDGES, D_EDGE), dtype=jnp.float32)
    batch = jnp.sort(jax.random.randint(ks[3], (N_NODES,), 0, NUM_GRAPHS, dtype=jnp.int32))
    W_in, b_in = _lin(ks[4], D_FEAT, D_FEAT + D_EDGE)
    W_out, b_out = _lin(ks[5], INNER_ATOM_DIM, D_FEAT)
    W_p1, b_p1 = _lin(ks[6], 50, INNER_ATOM_DIM)
    W_p2, b_p2 = _lin(ks[7], 1, 50)
    W_h1, b_h1 = _lin(ks[8], 128, INNER_ATOM_DIM)
    W_h2, b_h2 = _lin(ks[9], 1, 128)
    return {"x": x, "edge_index": edge_index, "edge_attr": edge_attr, "smiles": 0,
            "batch": batch, "is_supervised": 1,
            "W_in": W_in, "b_in": b_in, "W_out": W_out, "b_out": b_out,
            "W_p1": W_p1, "b_p1": b_p1, "W_p2": W_p2, "b_p2": b_p2,
            "W_h1": W_h1, "b_h1": b_h1, "W_h2": W_h2, "b_h2": b_h2}


def reference(x, edge_index, edge_attr, smiles, batch, is_supervised,
              W_in, b_in, W_out, b_out, W_p1, b_p1, W_p2, b_p2, W_h1, b_h1, W_h2, b_h2):
    # add_self_loops: self loops appended at the end
    self_idx = jnp.arange(N_NODES, dtype=edge_index.dtype)
    src = jnp.concatenate([edge_index[0], self_idx])
    dst = jnp.concatenate([edge_index[1], self_idx])
    zero_ea = jnp.zeros((N_NODES, D_EDGE), dtype=edge_attr.dtype)

    def conv(h):
        # message: cat(x_j, cat(edge_attr, zeros)) ; aggr='add' at dst ; dropout rate 0 == identity
        ea_full = jnp.concatenate([edge_attr, zero_ea], axis=0)
        msg = jnp.concatenate([h[src], ea_full], axis=1)
        agg = jax.ops.segment_sum(msg, dst, num_segments=N_NODES)
        return agg @ W_in.T + b_in

    def pool(h):
        atom_fp = jax.nn.softmax(h @ W_out.T + b_out, axis=1)
        return jax.ops.segment_sum(atom_fp, batch, num_segments=NUM_GRAPHS)

    molecule_fp = pool(x)
    for _ in range(DEPTH):
        molecule_fp = pool(x)
        x = conv(x)
    z = jax.nn.relu(molecule_fp @ W_h1.T + b_h1) @ W_h2.T + b_h2
    hidden = molecule_fp @ W_p1.T + b_p1
    out = hidden @ W_p2.T + b_p2
    return (jax.nn.sigmoid(out), z)

if __name__ == "__main__":
    import jax
    _d = setup_inputs()
    print(jax.jit(kernel)(*tuple(_d.values())))

</pallas_src>

<mosaic_0001>
#map = affine_map<(d0, d1) -> (0, 0, 0, 0)>
#map1 = affine_map<(d0, d1) -> (0, 0)>
#map2 = affine_map<(d0, d1) -> (0, 0, 0)>
module attributes {stable_mosaic.version = 14 : i64} {
  func.func @body(%arg0: i32, %arg1: i32, %arg2: memref<2x16x5120x128xf32, #tpu.memory_space<hbm>>, %arg3: memref<2x16x40x128xi32, #tpu.memory_space<hbm>>, %arg4: memref<128x128xf32, #tpu.memory_space<hbm>>, %arg5: memref<2x10240x128xf32, #tpu.memory_space<hbm>>, %arg6: memref<10240x128xf32, #tpu.memory_space<vmem_shared>>, %arg7: memref<40x128xi32, #tpu.memory_space<vmem>>, %arg8: memref<128x128xf32, #tpu.memory_space<vmem>>, %arg9: memref<128x128xf32, #tpu.memory_space<vmem>>, %arg10: memref<!tpu.dma_semaphore, #tpu.memory_space<semaphore_mem>>, %arg11: memref<!tpu.dma_semaphore, #tpu.memory_space<semaphore_mem>>, %arg12: memref<!tpu.dma_semaphore, #tpu.memory_space<semaphore_mem>>) attributes {dimension_semantics = [#tpu.dimension_semantics<core_parallel>, #tpu.dimension_semantics<subcore_parallel>], iteration_bounds = array<i64: 2, 16>, scalar_prefetch = 0 : i64, scratch_operands = 7 : i64, tpu.core_type = #tpu.core_type<sc_vector_subcore>, window_params = [{transform_indices = #map}, {transform_indices = #map}, {transform_indices = #map1}, {transform_indices = #map2}]} {
    %mul3A = arith.constant 640 : i32
    %mul3A_0 = arith.muli %arg1, %mul3A : i32
    "tpu.region"() ({
      %run_scoped3A = tpu.sem_alloc : memref<!tpu.dma_semaphore, #tpu.memory_space<semaphore_mem>>
      %dma_start3A_96 = arith.constant 0 : i32
      %dma_start3A_97 = arith.constant 0 : i32
      %dma_start3A_98 = tpu.memref_slice %arg3[%arg0, %arg1, %dma_start3A_96, %dma_start3A_97] : memref<2x16x40x128xi32, #tpu.memory_space<hbm>> -> memref<1x1x40x128xi32, #tpu.memory_space<hbm>>
      %dma_start3A_99 = tpu.memref_squeeze %dma_start3A_98 : memref<1x1x40x128xi32, #tpu.memory_space<hbm>> -> memref<40x128xi32, #tpu.memory_space<hbm>>
      %dma_start3A_100 = arith.constant 0 : i32
      %dma_start3A_101 = arith.constant 0 : i32
      %dma_start3A_102 = tpu.memref_slice %arg3[%arg0, %arg1, %dma_start3A_100, %dma_start3A_101] : memref<2x16x40x128xi32, #tpu.memory_space<hbm>> -> memref<1x1x40x128xi32, #tpu.memory_space<hbm>>
      %dma_start3A_103 = tpu.memref_squeeze %dma_start3A_102 : memref<1x1x40x128xi32, #tpu.memory_space<hbm>> -> memref<40x128xi32, #tpu.memory_space<hbm>>
      tpu.enqueue_dma source(%dma_start3A_103 : memref<40x128xi32, #tpu.memory_space<hbm>>) target(%arg7 : memref<40x128xi32, #tpu.memory_space<vmem>>) target_semaphore(%run_scoped3A : memref<!tpu.dma_semaphore, #tpu.memory_space<semaphore_mem>>)
      %dma_wait3A_104 = arith.constant 0 : i32
      %dma_wait3A_105 = arith.constant 0 : i32
      %dma_wait3A_106 = tpu.memref_slice %arg3[%arg0, %arg1, %dma_wait3A_104, %dma_wait3A_105] : memref<2x16x40x128xi32, #tpu.memory_space<hbm>> -> memref<1x1x40x128xi32, #tpu.memory_space<hbm>>
      %dma_wait3A_107 = tpu.memref_squeeze %dma_wait3A_106 : memref<1x1x40x128xi32, #tpu.memory_space<hbm>> -> memref<40x128xi32, #tpu.memory_space<hbm>>
      %dma_wait3A_108 = arith.constant 0 : i32
      %dma_wait3A_109 = arith.constant 0 : i32
      %dma_wait3A_110 = tpu.memref_slice %arg3[%arg0, %arg1, %dma_wait3A_108, %dma_wait3A_109] : memref<2x16x40x128xi32, #tpu.memory_space<hbm>> -> memref<1x1x40x128xi32, #tpu.memory_space<hbm>>
      %dma_wait3A_111 = tpu.memref_squeeze %dma_wait3A_110 : memref<1x1x40x128xi32, #tpu.memory_space<hbm>> -> memref<40x128xi32, #tpu.memory_space<hbm>>
      tpu.wait_dma2 semaphore(%run_scoped3A : memref<!tpu.dma_semaphore, #tpu.memory_space<semaphore_mem>>) src(%dma_wait3A_111 : memref<40x128xi32, #tpu.memory_space<hbm>>) dst(%arg7 : memref<40x128xi32, #tpu.memory_space<vmem>>)
      tpu.yield
    }) : () -> ()
    "tpu.region"() ({
      %run_scoped3A = tpu.sem_alloc : memref<!tpu.dma_semaphore, #tpu.memory_space<semaphore_mem>>
      tpu.enqueue_dma source(%arg4 : memref<128x128xf32, #tpu.memory_space<hbm>>) target(%arg8 : memref<128x128xf32, #tpu.memory_space<vmem>>) target_semaphore(%run_scoped3A : memref<!tpu.dma_semaphore, #tpu.memory_space<semaphore_mem>>)
      tpu.wait_dma2 semaphore(%run_scoped3A : memref<!tpu.dma_semaphore, #tpu.memory_space<semaphore_mem>>) src(%arg4 : memref<128x128xf32, #tpu.memory_space<hbm>>) dst(%arg8 : memref<128x128xf32, #tpu.memory_space<vmem>>)
      tpu.yield
    }) : () -> ()
    %scan3A = arith.constant 0 : i32
    %scan3A_1 = arith.constant 0 : i32
    %scan3A_2 = arith.constant 5 : i32
    %scan3A_3 = arith.addi %scan3A_1, %scan3A_2 : i32
    %scan3A_4 = arith.constant 1 : i32
    scf.for %scan3A_96 = %scan3A_1 to %scan3A_3 step %scan3A_4  : i32 {
      %mul3A_97 = arith.constant 128 : i32
      %mul3A_98 = arith.muli %scan3A_96, %mul3A_97 : i32
      %add3A_99 = arith.addi %mul3A_0, %mul3A_98 : i32
      "tpu.region"() ({
        %run_scoped3A = tpu.sem_alloc : memref<!tpu.dma_semaphore, #tpu.memory_space<semaphore_mem>>
        %dma_start3A_100 = arith.constant 0 : i32
        %dma_start3A_101 = tpu.memref_slice %arg6[%add3A_99, %dma_start3A_100] : memref<10240x128xf32, #tpu.memory_space<vmem_shared>> -> memref<128x128xf32, #tpu.memory_space<vmem_shared>>
        %dma_start3A_102 = arith.constant 0 : i32
        %dma_start3A_103 = tpu.memref_slice %arg6[%add3A_99, %dma_start3A_102] : memref<10240x128xf32, #tpu.memory_space<vmem_shared>> -> memref<128x128xf32, #tpu.memory_space<vmem_shared>>
        tpu.enqueue_dma source(%arg8 : memref<128x128xf32, #tpu.memory_space<vmem>>) target(%dma_start3A_103 : memref<128x128xf32, #tpu.memory_space<vmem_shared>>) target_semaphore(%run_scoped3A : memref<!tpu.dma_semaphore, #tpu.memory_space<semaphore_mem>>)
        %dma_wait3A_104 = arith.constant 0 : i32
        %dma_wait3A_105 = tpu.memref_slice %arg6[%add3A_99, %dma_wait3A_104] : memref<10240x128xf32, #tpu.memory_space<vmem_shared>> -> memref<128x128xf32, #tpu.memory_space<vmem_shared>>
        %dma_wait3A_106 = arith.constant 0 : i32
        %dma_wait3A_107 = tpu.memref_slice %arg6[%add3A_99, %dma_wait3A_106] : memref<10240x128xf32, #tpu.memory_space<vmem_shared>> -> memref<128x128xf32, #tpu.memory_space<vmem_shared>>
        tpu.wait_dma2 semaphore(%run_scoped3A : memref<!tpu.dma_semaphore, #tpu.memory_space<semaphore_mem>>) src(%arg8 : memref<128x128xf32, #tpu.memory_space<vmem>>) dst(%dma_wait3A_107 : memref<128x128xf32, #tpu.memory_space<vmem_shared>>)
        tpu.yield
      }) : () -> ()
    }
    %scan3A_5 = arith.constant 5 : i32
    %barrier3A = arith.constant 0 : index
    tpu.barrier barrier_id(%barrier3A)
    %dma_start3A = arith.constant 0 : i32
    %dma_start3A_6 = arith.constant 0 : i32
    %dma_start3A_7 = tpu.memref_slice %arg2[%arg0, %arg1, %dma_start3A, %dma_start3A_6] : memref<2x16x5120x128xf32, #tpu.memory_space<hbm>> -> memref<1x1x128x128xf32, #tpu.memory_space<hbm>>
    %dma_start3A_8 = tpu.memref_squeeze %dma_start3A_7 : memref<1x1x128x128xf32, #tpu.memory_space<hbm>> -> memref<128x128xf32, #tpu.memory_space<hbm>>
    %dma_start3A_9 = arith.constant 0 : i32
    %dma_start3A_10 = arith.constant 0 : i32
    %dma_start3A_11 = tpu.memref_slice %arg2[%arg0, %arg1, %dma_start3A_9, %dma_start3A_10] : memref<2x16x5120x128xf32, #tpu.memory_space<hbm>> -> memref<1x1x128x128xf32, #tpu.memory_space<hbm>>
    %dma_start3A_12 = tpu.memref_squeeze %dma_start3A_11 : memref<1x1x128x128xf32, #tpu.memory_space<hbm>> -> memref<128x128xf32, #tpu.memory_space<hbm>>
    tpu.enqueue_dma source(%dma_start3A_12 : memref<128x128xf32, #tpu.memory_space<hbm>>) target(%arg8 : memref<128x128xf32, #tpu.memory_space<vmem>>) target_semaphore(%arg10 : memref<!tpu.dma_semaphore, #tpu.memory_space<semaphore_mem>>)
    %dma_start3A_13 = arith.constant 128 : i32
    %dma_start3A_14 = arith.constant 0 : i32
    %dma_start3A_15 = tpu.memref_slice %arg2[%arg0, %arg1, %dma_start3A_13, %dma_start3A_14] : memref<2x16x5120x128xf32, #tpu.memory_space<hbm>> -> memref<1x1x128x128xf32, #tpu.memory_space<hbm>>
    %dma_start3A_16 = tpu.memref_squeeze %dma_start3A_15 : memref<1x1x128x128xf32, #tpu.memory_space<hbm>> -> memref<128x128xf32, #tpu.memory_space<hbm>>
    %dma_start3A_17 = arith.constant 128 : i32
    %dma_start3A_18 = arith.constant 0 : i32
    %dma_start3A_19 = tpu.memref_slice %arg2[%arg0, %arg1, %dma_start3A_17, %dma_start3A_18] : memref<2x16x5120x128xf32, #tpu.memory_space<hbm>> -> memref<1x1x128x128xf32, #tpu.memory_space<hbm>>
    %dma_start3A_20 = tpu.memref_squeeze %dma_start3A_19 : memref<1x1x128x128xf32, #tpu.memory_space<hbm>> -> memref<128x128xf32, #tpu.memory_space<hbm>>
    tpu.enqueue_dma source(%dma_start3A_20 : memref<128x128xf32, #tpu.memory_space<hbm>>) target(%arg9 : memref<128x128xf32, #tpu.memory_space<vmem>>) target_semaphore(%arg11 : memref<!tpu.dma_semaphore, #tpu.memory_space<semaphore_mem>>)
    %scan3A_21 = arith.constant 0 : i32
    %scan3A_22 = arith.constant 0 : i32
    %scan3A_23 = arith.constant 20 : i32
    %scan3A_24 = arith.addi %scan3A_22, %scan3A_23 : i32
    %scan3A_25 = arith.constant 1 : i32
    scf.for %scan3A_96 = %scan3A_22 to %scan3A_24 step %scan3A_25  : i32 {
      %mul3A_97 = arith.constant 2 : i32
      %mul3A_98 = arith.muli %mul3A_97, %scan3A_96 : i32
      %mul3A_99 = arith.constant 2 : i32
      %mul3A_100 = arith.muli %mul3A_99, %scan3A_96 : i32
      %add3A_101 = arith.constant 1 : i32
      %add3A_102 = arith.addi %mul3A_100, %add3A_101 : i32
      %mul3A_103 = arith.constant 128 : i32
      %mul3A_104 = arith.muli %mul3A_98, %mul3A_103 : i32
      %dma_wait3A_105 = arith.constant 0 : i32
      %dma_wait3A_106 = tpu.memref_slice %arg2[%arg0, %arg1, %mul3A_104, %dma_wait3A_105] : memref<2x16x5120x128xf32, #tpu.memory_space<hbm>> -> memref<1x1x128x128xf32, #tpu.memory_space<hbm>>
      %dma_wait3A_107 = tpu.memref_squeeze %dma_wait3A_106 : memref<1x1x128x128xf32, #tpu.memory_space<hbm>> -> memref<128x128xf32, #tpu.memory_space<hbm>>
      %dma_wait3A_108 = arith.constant 0 : i32
      %dma_wait3A_109 = tpu.memref_slice %arg2[%arg0, %arg1, %mul3A_104, %dma_wait3A_108] : memref<2x16x5120x128xf32, #tpu.memory_space<hbm>> -> memref<1x1x128x128xf32, #tpu.memory_space<hbm>>
      %dma_wait3A_110 = tpu.memref_squeeze %dma_wait3A_109 : memref<1x1x128x128xf32, #tpu.memory_space<hbm>> -> memref<128x128xf32, #tpu.memory_space<hbm>>
      tpu.wait_dma2 semaphore(%arg10 : memref<!tpu.dma_semaphore, #tpu.memory_space<semaphore_mem>>) src(%dma_wait3A_110 : memref<128x128xf32, #tpu.memory_space<hbm>>) dst(%arg8 : memref<128x128xf32, #tpu.memory_space<vmem>>)
      %dma_start3A_111 = arith.constant 0 : i32
      %dma_start3A_112 = tpu.memref_slice %arg7[%mul3A_98, %dma_start3A_111] : memref<40x128xi32, #tpu.memory_space<vmem>> -> memref<1x128xi32, #tpu.memory_space<vmem>>
      %dma_start3A_113 = tpu.memref_squeeze %dma_start3A_112 : memref<1x128xi32, #tpu.memory_space<vmem>> -> memref<128xi32, #tpu.memory_space<vmem>>
      %dma_start3A_114 = arith.constant 0 : i32
      %dma_start3A_115 = arith.constant 0 : i32
      %dma_start3A_116 = tpu.memref_slice %arg6[%dma_start3A_114, %dma_start3A_115] : memref<10240x128xf32, #tpu.memory_space<vmem_shared>> -> memref<10240x128xf32, #tpu.memory_space<vmem_shared>>
      tpu.enqueue_indirect_dma source(%arg8 : memref<128x128xf32, #tpu.memory_space<vmem>>) target(%dma_start3A_116 : memref<10240x128xf32, #tpu.memory_space<vmem_shared>>) offsets(%dma_start3A_113 : memref<128xi32, #tpu.memory_space<vmem>>) semaphore(%arg12 : memref<!tpu.dma_semaphore, #tpu.memory_space<semaphore_mem>>) {add = true}
      %mul3A_117 = arith.constant 128 : i32
      %mul3A_118 = arith.muli %add3A_102, %mul3A_117 : i32
      %dma_wait3A_119 = arith.constant 0 : i32
      %dma_wait3A_120 = tpu.memref_slice %arg2[%arg0, %arg1, %mul3A_118, %dma_wait3A_119] : memref<2x16x5120x128xf32, #tpu.memory_space<hbm>> -> memref<1x1x128x128xf32, #tpu.memory_space<hbm>>
      %dma_wait3A_121 = tpu.memref_squeeze %dma_wait3A_120 : memref<1x1x128x128xf32, #tpu.memory_space<hbm>> -> memref<128x128xf32, #tpu.memory_space<hbm>>
      %dma_wait3A_122 = arith.constant 0 : i32
      %dma_wait3A_123 = tpu.memref_slice %arg2[%arg0, %arg1, %mul3A_118, %dma_wait3A_122] : memref<2x16x5120x128xf32, #tpu.memory_space<hbm>> -> memref<1x1x128x128xf32, #tpu.memory_space<hbm>>
      %dma_wait3A_124 = tpu.memref_squeeze %dma_wait3A_123 : memref<1x1x128x128xf32, #tpu.memory_space<hbm>> -> memref<128x128xf32, #tpu.memory_space<hbm>>
      tpu.wait_dma2 semaphore(%arg11 : memref<!tpu.dma_semaphore, #tpu.memory_space<semaphore_mem>>) src(%dma_wait3A_124 : memref<128x128xf32, #tpu.memory_space<hbm>>) dst(%arg9 : memref<128x128xf32, #tpu.memory_space<vmem>>)
      %dma_start3A_125 = arith.constant 0 : i32
      %dma_start3A_126 = tpu.memref_slice %arg7[%add3A_102, %dma_start3A_125] : memref<40x128xi32, #tpu.memory_space<vmem>> -> memref<1x128xi32, #tpu.memory_space<vmem>>
      %dma_start3A_127 = tpu.memref_squeeze %dma_start3A_126 : memref<1x128xi32, #tpu.memory_space<vmem>> -> memref<128xi32, #tpu.memory_space<vmem>>
      %dma_start3A_128 = arith.constant 0 : i32
      %dma_start3A_129 = arith.constant 0 : i32
      %dma_start3A_130 = tpu.memref_slice %arg6[%dma_start3A_128, %dma_start3A_129] : memref<10240x128xf32, #tpu.memory_space<vmem_shared>> -> memref<10240x128xf32, #tpu.memory_space<vmem_shared>>
      tpu.enqueue_indirect_dma source(%arg9 : memref<128x128xf32, #tpu.memory_space<vmem>>) target(%dma_start3A_130 : memref<10240x128xf32, #tpu.memory_space<vmem_shared>>) offsets(%dma_start3A_127 : memref<128xi32, #tpu.memory_space<vmem>>) semaphore(%arg12 : memref<!tpu.dma_semaphore, #tpu.memory_space<semaphore_mem>>) {add = true}
      %dma_wait3A_131 = arith.constant 0 : i32
      %dma_wait3A_132 = tpu.memref_slice %arg7[%mul3A_98, %dma_wait3A_131] : memref<40x128xi32, #tpu.memory_space<vmem>> -> memref<1x128xi32, #tpu.memory_space<vmem>>
      %dma_wait3A_133 = tpu.memref_squeeze %dma_wait3A_132 : memref<1x128xi32, #tpu.memory_space<vmem>> -> memref<128xi32, #tpu.memory_space<vmem>>
      %dma_wait3A_134 = arith.constant 0 : i32
      %dma_wait3A_135 = arith.constant 0 : i32
      %dma_wait3A_136 = tpu.memref_slice %arg6[%dma_wait3A_134, %dma_wait3A_135] : memref<10240x128xf32, #tpu.memory_space<vmem_shared>> -> memref<10240x128xf32, #tpu.memory_space<vmem_shared>>
      tpu.wait_indirect_dma semaphore(%arg12 : memref<!tpu.dma_semaphore, #tpu.memory_space<semaphore_mem>>) src(%arg8 : memref<128x128xf32, #tpu.memory_space<vmem>>) dst(%dma_wait3A_136 : memref<10240x128xf32, #tpu.memory_space<vmem_shared>>)
      %lt3A = arith.constant 19 : i32
      %lt3A_137 = arith.cmpi slt, %scan3A_96, %lt3A : i32
      %convert_element_type3A = arith.extui %lt3A_137 : i1 to i32
      %cond3A = arith.constant 0 : i32
      %cond3A_138 = arith.cmpi ne, %convert_element_type3A, %cond3A : i32
      scf.if %cond3A_138 {
        %add3A_150 = arith.constant 2 : i32
        %add3A_151 = arith.addi %mul3A_98, %add3A_150 : i32
        %mul3A_152 = arith.constant 128 : i32
        %mul3A_153 = arith.muli %add3A_151, %mul3A_152 : i32
        %dma_start3A_154 = arith.constant 0 : i32
        %dma_start3A_155 = tpu.memref_slice %arg2[%arg0, %arg1, %mul3A_153, %dma_start3A_154] : memref<2x16x5120x128xf32, #tpu.memory_space<hbm>> -> memref<1x1x128x128xf32, #tpu.memory_space<hbm>>
        %dma_start3A_156 = tpu.memref_squeeze %dma_start3A_155 : memref<1x1x128x128xf32, #tpu.memory_space<hbm>> -> memref<128x128xf32, #tpu.memory_space<hbm>>
        %dma_start3A_157 = arith.constant 0 : i32
        %dma_start3A_158 = tpu.memref_slice %arg2[%arg0, %arg1, %mul3A_153, %dma_start3A_157] : memref<2x16x5120x128xf32, #tpu.memory_space<hbm>> -> memref<1x1x128x128xf32, #tpu.memory_space<hbm>>
        %dma_start3A_159 = tpu.memref_squeeze %dma_start3A_158 : memref<1x1x128x128xf32, #tpu.memory_space<hbm>> -> memref<128x128xf32, #tpu.memory_space<hbm>>
        tpu.enqueue_dma source(%dma_start3A_159 : memref<128x128xf32, #tpu.memory_space<hbm>>) target(%arg8 : memref<128x128xf32, #tpu.memory_space<vmem>>) target_semaphore(%arg10 : memref<!tpu.dma_semaphore, #tpu.memory_space<semaphore_mem>>)
      } else {
      }
      %dma_wait3A_139 = arith.constant 0 : i32
      %dma_wait3A_140 = tpu.memref_slice %arg7[%add3A_102, %dma_wait3A_139] : memref<40x128xi32, #tpu.memory_space<vmem>> -> memref<1x128xi32, #tpu.memory_space<vmem>>
      %dma_wait3A_141 = tpu.memref_squeeze %dma_wait3A_140 : memref<1x128xi32, #tpu.memory_space<vmem>> -> memref<128xi32, #tpu.memory_space<vmem>>
      %dma_wait3A_142 = arith.constant 0 : i32
      %dma_wait3A_143 = arith.constant 0 : i32
      %dma_wait3A_144 = tpu.memref_slice %arg6[%dma_wait3A_142, %dma_wait3A_143] : memref<10240x128xf32, #tpu.memory_space<vmem_shared>> -> memref<10240x128xf32, #tpu.memory_space<vmem_shared>>
      tpu.wait_indirect_dma semaphore(%arg12 : memref<!tpu.dma_semaphore, #tpu.memory_space<semaphore_mem>>) src(%arg9 : memref<128x128xf32, #tpu.memory_space<vmem>>) dst(%dma_wait3A_144 : memref<10240x128xf32, #tpu.memory_space<vmem_shared>>)
      %lt3A_145 = arith.constant 19 : i32
      %lt3A_146 = arith.cmpi slt, %scan3A_96, %lt3A_145 : i32
      %convert_element_type3A_147 = arith.extui %lt3A_146 : i1 to i32
      %cond3A_148 = arith.constant 0 : i32
      %cond3A_149 = arith.cmpi ne, %convert_element_type3A_147, %cond3A_148 : i32
      scf.if %cond3A_149 {
        %add3A_150 = arith.constant 2 : i32
        %add3A_151 = arith.addi %add3A_102, %add3A_150 : i32
        %mul3A_152 = arith.constant 128 : i32
        %mul3A_153 = arith.muli %add3A_151, %mul3A_152 : i32
        %dma_start3A_154 = arith.constant 0 : i32
        %dma_start3A_155 = tpu.memref_slice %arg2[%arg0, %arg1, %mul3A_153, %dma_start3A_154] : memref<2x16x5120x128xf32, #tpu.memory_space<hbm>> -> memref<1x1x128x128xf32, #tpu.memory_space<hbm>>
        %dma_start3A_156 = tpu.memref_squeeze %dma_start3A_155 : memref<1x1x128x128xf32, #tpu.memory_space<hbm>> -> memref<128x128xf32, #tpu.memory_space<hbm>>
        %dma_start3A_157 = arith.constant 0 : i32
        %dma_start3A_158 = tpu.memref_slice %arg2[%arg0, %arg1, %mul3A_153, %dma_start3A_157] : memref<2x16x5120x128xf32, #tpu.memory_space<hbm>> -> memref<1x1x128x128xf32, #tpu.memory_space<hbm>>
        %dma_start3A_159 = tpu.memref_squeeze %dma_start3A_158 : memref<1x1x128x128xf32, #tpu.memory_space<hbm>> -> memref<128x128xf32, #tpu.memory_space<hbm>>
        tpu.enqueue_dma source(%dma_start3A_159 : memref<128x128xf32, #tpu.memory_space<hbm>>) target(%arg9 : memref<128x128xf32, #tpu.memory_space<vmem>>) target_semaphore(%arg11 : memref<!tpu.dma_semaphore, #tpu.memory_space<semaphore_mem>>)
      } else {
      }
    }
    %scan3A_26 = arith.constant 20 : i32
    %barrier3A_27 = arith.constant 0 : index
    tpu.barrier barrier_id(%barrier3A_27)
    %add3A = arith.constant 0 : i32
    %add3A_28 = arith.addi %mul3A_0, %add3A : i32
    "tpu.region"() ({
      %run_scoped3A = tpu.sem_alloc : memref<!tpu.dma_semaphore, #tpu.memory_space<semaphore_mem>>
      %dma_start3A_96 = arith.constant 0 : i32
      %dma_start3A_97 = tpu.memref_slice %arg6[%add3A_28, %dma_start3A_96] : memref<10240x128xf32, #tpu.memory_space<vmem_shared>> -> memref<128x128xf32, #tpu.memory_space<vmem_shared>>
      %dma_start3A_98 = arith.constant 0 : i32
      %dma_start3A_99 = tpu.memref_slice %arg6[%add3A_28, %dma_start3A_98] : memref<10240x128xf32, #tpu.memory_space<vmem_shared>> -> memref<128x128xf32, #tpu.memory_space<vmem_shared>>
      tpu.enqueue_dma source(%dma_start3A_99 : memref<128x128xf32, #tpu.memory_space<vmem_shared>>) target(%arg8 : memref<128x128xf32, #tpu.memory_space<vmem>>) target_semaphore(%run_scoped3A : memref<!tpu.dma_semaphore, #tpu.memory_space<semaphore_mem>>)
      %dma_wait3A_100 = arith.constant 0 : i32
      %dma_wait3A_101 = tpu.memref_slice %arg6[%add3A_28, %dma_wait3A_100] : memref<10240x128xf32, #tpu.memory_space<vmem_shared>> -> memref<128x128xf32, #tpu.memory_space<vmem_shared>>
      %dma_wait3A_102 = arith.constant 0 : i32
      %dma_wait3A_103 = tpu.memref_slice %arg6[%add3A_28, %dma_wait3A_102] : memref<10240x128xf32, #tpu.memory_space<vmem_shared>> -> memref<128x128xf32, #tpu.memory_space<vmem_shared>>
      tpu.wait_dma2 semaphore(%run_scoped3A : memref<!tpu.dma_semaphore, #tpu.memory_space<semaphore_mem>>) src(%dma_wait3A_103 : memref<128x128xf32, #tpu.memory_space<vmem_shared>>) dst(%arg8 : memref<128x128xf32, #tpu.memory_space<vmem>>)
      tpu.yield
    }) : () -> ()
    %dma_start3A_29 = arith.constant 0 : i32
    %dma_start3A_30 = tpu.memref_slice %arg5[%arg0, %add3A_28, %dma_start3A_29] : memref<2x10240x128xf32, #tpu.memory_space<hbm>> -> memref<1x128x128xf32, #tpu.memory_space<hbm>>
    %dma_start3A_31 = tpu.memref_squeeze %dma_start3A_30 : memref<1x128x128xf32, #tpu.memory_space<hbm>> -> memref<128x128xf32, #tpu.memory_space<hbm>>
    %dma_start3A_32 = arith.constant 0 : i32
    %dma_start3A_33 = tpu.memref_slice %arg5[%arg0, %add3A_28, %dma_start3A_32] : memref<2x10240x128xf32, #tpu.memory_space<hbm>> -> memref<1x128x128xf32, #tpu.memory_space<hbm>>
    %dma_start3A_34 = tpu.memref_squeeze %dma_start3A_33 : memref<1x128x128xf32, #tpu.memory_space<hbm>> -> memref<128x128xf32, #tpu.memory_space<hbm>>
    tpu.enqueue_dma source(%arg8 : memref<128x128xf32, #tpu.memory_space<vmem>>) target(%dma_start3A_34 : memref<128x128xf32, #tpu.memory_space<hbm>>) target_semaphore(%arg12 : memref<!tpu.dma_semaphore, #tpu.memory_space<semaphore_mem>>)
    %add3A_35 = arith.constant 128 : i32
    %add3A_36 = arith.addi %mul3A_0, %add3A_35 : i32
    "tpu.region"() ({
      %run_scoped3A = tpu.sem_alloc : memref<!tpu.dma_semaphore, #tpu.memory_space<semaphore_mem>>
      %dma_start3A_96 = arith.constant 0 : i32
      %dma_start3A_97 = tpu.memref_slice %arg6[%add3A_36, %dma_start3A_96] : memref<10240x128xf32, #tpu.memory_space<vmem_shared>> -> memref<128x128xf32, #tpu.memory_space<vmem_shared>>
      %dma_start3A_98 = arith.constant 0 : i32
      %dma_start3A_99 = tpu.memref_slice %arg6[%add3A_36, %dma_start3A_98] : memref<10240x128xf32, #tpu.memory_space<vmem_shared>> -> memref<128x128xf32, #tpu.memory_space<vmem_shared>>
      tpu.enqueue_dma source(%dma_start3A_99 : memref<128x128xf32, #tpu.memory_space<vmem_shared>>) target(%arg9 : memref<128x128xf32, #tpu.memory_space<vmem>>) target_semaphore(%run_scoped3A : memref<!tpu.dma_semaphore, #tpu.memory_space<semaphore_mem>>)
      %dma_wait3A_100 = arith.constant 0 : i32
      %dma_wait3A_101 = tpu.memref_slice %arg6[%add3A_36, %dma_wait3A_100] : memref<10240x128xf32, #tpu.memory_space<vmem_shared>> -> memref<128x128xf32, #tpu.memory_space<vmem_shared>>
      %dma_wait3A_102 = arith.constant 0 : i32
      %dma_wait3A_103 = tpu.memref_slice %arg6[%add3A_36, %dma_wait3A_102] : memref<10240x128xf32, #tpu.memory_space<vmem_shared>> -> memref<128x128xf32, #tpu.memory_space<vmem_shared>>
      tpu.wait_dma2 semaphore(%run_scoped3A : memref<!tpu.dma_semaphore, #tpu.memory_space<semaphore_mem>>) src(%dma_wait3A_103 : memref<128x128xf32, #tpu.memory_space<vmem_shared>>) dst(%arg9 : memref<128x128xf32, #tpu.memory_space<vmem>>)
      tpu.yield
    }) : () -> ()
    %dma_start3A_37 = arith.constant 0 : i32
    %dma_start3A_38 = tpu.memref_slice %arg5[%arg0, %add3A_36, %dma_start3A_37] : memref<2x10240x128xf32, #tpu.memory_space<hbm>> -> memref<1x128x128xf32, #tpu.memory_space<hbm>>
    %dma_start3A_39 = tpu.memref_squeeze %dma_start3A_38 : memref<1x128x128xf32, #tpu.memory_space<hbm>> -> memref<128x128xf32, #tpu.memory_space<hbm>>
    %dma_start3A_40 = arith.constant 0 : i32
    %dma_start3A_41 = tpu.memref_slice %arg5[%arg0, %add3A_36, %dma_start3A_40] : memref<2x10240x128xf32, #tpu.memory_space<hbm>> -> memref<1x128x128xf32, #tpu.memory_space<hbm>>
    %dma_start3A_42 = tpu.memref_squeeze %dma_start3A_41 : memref<1x128x128xf32, #tpu.memory_space<hbm>> -> memref<128x128xf32, #tpu.memory_space<hbm>>
    tpu.enqueue_dma source(%arg9 : memref<128x128xf32, #tpu.memory_space<vmem>>) target(%dma_start3A_42 : memref<128x128xf32, #tpu.memory_space<hbm>>) target_semaphore(%arg12 : memref<!tpu.dma_semaphore, #tpu.memory_space<semaphore_mem>>)
    %add3A_43 = arith.constant 256 : i32
    %add3A_44 = arith.addi %mul3A_0, %add3A_43 : i32
    %dma_wait3A = arith.constant 0 : i32
    %dma_wait3A_45 = tpu.memref_slice %arg5[%arg0, %add3A_28, %dma_wait3A] : memref<2x10240x128xf32, #tpu.memory_space<hbm>> -> memref<1x128x128xf32, #tpu.memory_space<hbm>>
    %dma_wait3A_46 = tpu.memref_squeeze %dma_wait3A_45 : memref<1x128x128xf32, #tpu.memory_space<hbm>> -> memref<128x128xf32, #tpu.memory_space<hbm>>
    %dma_wait3A_47 = arith.constant 0 : i32
    %dma_wait3A_48 = tpu.memref_slice %arg5[%arg0, %add3A_28, %dma_wait3A_47] : memref<2x10240x128xf32, #tpu.memory_space<hbm>> -> memref<1x128x128xf32, #tpu.memory_space<hbm>>
    %dma_wait3A_49 = tpu.memref_squeeze %dma_wait3A_48 : memref<1x128x128xf32, #tpu.memory_space<hbm>> -> memref<128x128xf32, #tpu.memory_space<hbm>>
    tpu.wait_dma2 semaphore(%arg12 : memref<!tpu.dma_semaphore, #tpu.memory_space<semaphore_mem>>) src(%arg8 : memref<128x128xf32, #tpu.memory_space<vmem>>) dst(%dma_wait3A_49 : memref<128x128xf32, #tpu.memory_space<hbm>>)
    "tpu.region"() ({
      %run_scoped3A = tpu.sem_alloc : memref<!tpu.dma_semaphore, #tpu.memory_space<semaphore_mem>>
      %dma_start3A_96 = arith.constant 0 : i32
      %dma_start3A_97 = tpu.memref_slice %arg6[%add3A_44, %dma_start3A_96] : memref<10240x128xf32, #tpu.memory_space<vmem_shared>> -> memref<128x128xf32, #tpu.memory_space<vmem_shared>>
      %dma_start3A_98 = arith.constant 0 : i32
      %dma_start3A_99 = tpu.memref_slice %arg6[%add3A_44, %dma_start3A_98] : memref<10240x128xf32, #tpu.memory_space<vmem_shared>> -> memref<128x128xf32, #tpu.memory_space<vmem_shared>>
      tpu.enqueue_dma source(%dma_start3A_99 : memref<128x128xf32, #tpu.memory_space<vmem_shared>>) target(%arg8 : memref<128x128xf32, #tpu.memory_space<vmem>>) target_semaphore(%run_scoped3A : memref<!tpu.dma_semaphore, #tpu.memory_space<semaphore_mem>>)
      %dma_wait3A_100 = arith.constant 0 : i32
      %dma_wait3A_101 = tpu.memref_slice %arg6[%add3A_44, %dma_wait3A_100] : memref<10240x128xf32, #tpu.memory_space<vmem_shared>> -> memref<128x128xf32, #tpu.memory_space<vmem_shared>>
      %dma_wait3A_102 = arith.constant 0 : i32
      %dma_wait3A_103 = tpu.memref_slice %arg6[%add3A_44, %dma_wait3A_102] : memref<10240x128xf32, #tpu.memory_space<vmem_shared>> -> memref<128x128xf32, #tpu.memory_space<vmem_shared>>
      tpu.wait_dma2 semaphore(%run_scoped3A : memref<!tpu.dma_semaphore, #tpu.memory_space<semaphore_mem>>) src(%dma_wait3A_103 : memref<128x128xf32, #tpu.memory_space<vmem_shared>>) dst(%arg8 : memref<128x128xf32, #tpu.memory_space<vmem>>)
      tpu.yield
    }) : () -> ()
    %dma_start3A_50 = arith.constant 0 : i32
    %dma_start3A_51 = tpu.memref_slice %arg5[%arg0, %add3A_44, %dma_start3A_50] : memref<2x10240x128xf32, #tpu.memory_space<hbm>> -> memref<1x128x128xf32, #tpu.memory_space<hbm>>
    %dma_start3A_52 = tpu.memref_squeeze %dma_start3A_51 : memref<1x128x128xf32, #tpu.memory_space<hbm>> -> memref<128x128xf32, #tpu.memory_space<hbm>>
    %dma_start3A_53 = arith.constant 0 : i32
    %dma_start3A_54 = tpu.memref_slice %arg5[%arg0, %add3A_44, %dma_start3A_53] : memref<2x10240x128xf32, #tpu.memory_space<hbm>> -> memref<1x128x128xf32, #tpu.memory_space<hbm>>
    %dma_start3A_55 = tpu.memref_squeeze %dma_start3A_54 : memref<1x128x128xf32, #tpu.memory_space<hbm>> -> memref<128x128xf32, #tpu.memory_space<hbm>>
    tpu.enqueue_dma source(%arg8 : memref<128x128xf32, #tpu.memory_space<vmem>>) target(%dma_start3A_55 : memref<128x128xf32, #tpu.memory_space<hbm>>) target_semaphore(%arg12 : memref<!tpu.dma_semaphore, #tpu.memory_space<semaphore_mem>>)
    %add3A_56 = arith.constant 384 : i32
    %add3A_57 = arith.addi %mul3A_0, %add3A_56 : i32
    %dma_wait3A_58 = arith.constant 0 : i32
    %dma_wait3A_59 = tpu.memref_slice %arg5[%arg0, %add3A_36, %dma_wait3A_58] : memref<2x10240x128xf32, #tpu.memory_space<hbm>> -> memref<1x128x128xf32, #tpu.memory_space<hbm>>
    %dma_wait3A_60 = tpu.memref_squeeze %dma_wait3A_59 : memref<1x128x128xf32, #tpu.memory_space<hbm>> -> memref<128x128xf32, #tpu.memory_space<hbm>>
    %dma_wait3A_61 = arith.constant 0 : i32
    %dma_wait3A_62 = tpu.memref_slice %arg5[%arg0, %add3A_36, %dma_wait3A_61] : memref<2x10240x128xf32, #tpu.memory_space<hbm>> -> memref<1x128x128xf32, #tpu.memory_space<hbm>>
    %dma_wait3A_63 = tpu.memref_squeeze %dma_wait3A_62 : memref<1x128x128xf32, #tpu.memory_space<hbm>> -> memref<128x128xf32, #tpu.memory_space<hbm>>
    tpu.wait_dma2 semaphore(%arg12 : memref<!tpu.dma_semaphore, #tpu.memory_space<semaphore_mem>>) src(%arg9 : memref<128x128xf32, #tpu.memory_space<vmem>>) dst(%dma_wait3A_63 : memref<128x128xf32, #tpu.memory_space<hbm>>)
    "tpu.region"() ({
      %run_scoped3A = tpu.sem_alloc : memref<!tpu.dma_semaphore, #tpu.memory_space<semaphore_mem>>
      %dma_start3A_96 = arith.constant 0 : i32
      %dma_start3A_97 = tpu.memref_slice %arg6[%add3A_57, %dma_start3A_96] : memref<10240x128xf32, #tpu.memory_space<vmem_shared>> -> memref<128x128xf32, #tpu.memory_space<vmem_shared>>
      %dma_start3A_98 = arith.constant 0 : i32
      %dma_start3A_99 = tpu.memref_slice %arg6[%add3A_57, %dma_start3A_98] : memref<10240x128xf32, #tpu.memory_space<vmem_shared>> -> memref<128x128xf32, #tpu.memory_space<vmem_shared>>
      tpu.enqueue_dma source(%dma_start3A_99 : memref<128x128xf32, #tpu.memory_space<vmem_shared>>) target(%arg9 : memref<128x128xf32, #tpu.memory_space<vmem>>) target_semaphore(%run_scoped3A : memref<!tpu.dma_semaphore, #tpu.memory_space<semaphore_mem>>)
      %dma_wait3A_100 = arith.constant 0 : i32
      %dma_wait3A_101 = tpu.memref_slice %arg6[%add3A_57, %dma_wait3A_100] : memref<10240x128xf32, #tpu.memory_space<vmem_shared>> -> memref<128x128xf32, #tpu.memory_space<vmem_shared>>
      %dma_wait3A_102 = arith.constant 0 : i32
      %dma_wait3A_103 = tpu.memref_slice %arg6[%add3A_57, %dma_wait3A_102] : memref<10240x128xf32, #tpu.memory_space<vmem_shared>> -> memref<128x128xf32, #tpu.memory_space<vmem_shared>>
      tpu.wait_dma2 semaphore(%run_scoped3A : memref<!tpu.dma_semaphore, #tpu.memory_space<semaphore_mem>>) src(%dma_wait3A_103 : memref<128x128xf32, #tpu.memory_space<vmem_shared>>) dst(%arg9 : memref<128x128xf32, #tpu.memory_space<vmem>>)
      tpu.yield
    }) : () -> ()
    %dma_start3A_64 = arith.constant 0 : i32
    %dma_start3A_65 = tpu.memref_slice %arg5[%arg0, %add3A_57, %dma_start3A_64] : memref<2x10240x128xf32, #tpu.memory_space<hbm>> -> memref<1x128x128xf32, #tpu.memory_space<hbm>>
    %dma_start3A_66 = tpu.memref_squeeze %dma_start3A_65 : memref<1x128x128xf32, #tpu.memory_space<hbm>> -> memref<128x128xf32, #tpu.memory_space<hbm>>
    %dma_start3A_67 = arith.constant 0 : i32
    %dma_start3A_68 = tpu.memref_slice %arg5[%arg0, %add3A_57, %dma_start3A_67] : memref<2x10240x128xf32, #tpu.memory_space<hbm>> -> memref<1x128x128xf32, #tpu.memory_space<hbm>>
    %dma_start3A_69 = tpu.memref_squeeze %dma_start3A_68 : memref<1x128x128xf32, #tpu.memory_space<hbm>> -> memref<128x128xf32, #tpu.memory_space<hbm>>
    tpu.enqueue_dma source(%arg9 : memref<128x128xf32, #tpu.memory_space<vmem>>) target(%dma_start3A_69 : memref<128x128xf32, #tpu.memory_space<hbm>>) target_semaphore(%arg12 : memref<!tpu.dma_semaphore, #tpu.memory_space<semaphore_mem>>)
    %add3A_70 = arith.constant 512 : i32
    %add3A_71 = arith.addi %mul3A_0, %add3A_70 : i32
    %dma_wait3A_72 = arith.constant 0 : i32
    %dma_wait3A_73 = tpu.memref_slice %arg5[%arg0, %add3A_44, %dma_wait3A_72] : memref<2x10240x128xf32, #tpu.memory_space<hbm>> -> memref<1x128x128xf32, #tpu.memory_space<hbm>>
    %dma_wait3A_74 = tpu.memref_squeeze %dma_wait3A_73 : memref<1x128x128xf32, #tpu.memory_space<hbm>> -> memref<128x128xf32, #tpu.memory_space<hbm>>
    %dma_wait3A_75 = arith.constant 0 : i32
    %dma_wait3A_76 = tpu.memref_slice %arg5[%arg0, %add3A_44, %dma_wait3A_75] : memref<2x10240x128xf32, #tpu.memory_space<hbm>> -> memref<1x128x128xf32, #tpu.memory_space<hbm>>
    %dma_wait3A_77 = tpu.memref_squeeze %dma_wait3A_76 : memref<1x128x128xf32, #tpu.memory_space<hbm>> -> memref<128x128xf32, #tpu.memory_space<hbm>>
    tpu.wait_dma2 semaphore(%arg12 : memref<!tpu.dma_semaphore, #tpu.memory_space<semaphore_mem>>) src(%arg8 : memref<128x128xf32, #tpu.memory_space<vmem>>) dst(%dma_wait3A_77 : memref<128x128xf32, #tpu.memory_space<hbm>>)
    "tpu.region"() ({
      %run_scoped3A = tpu.sem_alloc : memref<!tpu.dma_semaphore, #tpu.memory_space<semaphore_mem>>
      %dma_start3A_96 = arith.constant 0 : i32
      %dma_start3A_97 = tpu.memref_slice %arg6[%add3A_71, %dma_start3A_96] : memref<10240x128xf32, #tpu.memory_space<vmem_shared>> -> memref<128x128xf32, #tpu.memory_space<vmem_shared>>
      %dma_start3A_98 = arith.constant 0 : i32
      %dma_start3A_99 = tpu.memref_slice %arg6[%add3A_71, %dma_start3A_98] : memref<10240x128xf32, #tpu.memory_space<vmem_shared>> -> memref<128x128xf32, #tpu.memory_space<vmem_shared>>
      tpu.enqueue_dma source(%dma_start3A_99 : memref<128x128xf32, #tpu.memory_space<vmem_shared>>) target(%arg8 : memref<128x128xf32, #tpu.memory_space<vmem>>) target_semaphore(%run_scoped3A : memref<!tpu.dma_semaphore, #tpu.memory_space<semaphore_mem>>)
      %dma_wait3A_100 = arith.constant 0 : i32
      %dma_wait3A_101 = tpu.memref_slice %arg6[%add3A_71, %dma_wait3A_100] : memref<10240x128xf32, #tpu.memory_space<vmem_shared>> -> memref<128x128xf32, #tpu.memory_space<vmem_shared>>
      %dma_wait3A_102 = arith.constant 0 : i32
      %dma_wait3A_103 = tpu.memref_slice %arg6[%add3A_71, %dma_wait3A_102] : memref<10240x128xf32, #tpu.memory_space<vmem_shared>> -> memref<128x128xf32, #tpu.memory_space<vmem_shared>>
      tpu.wait_dma2 semaphore(%run_scoped3A : memref<!tpu.dma_semaphore, #tpu.memory_space<semaphore_mem>>) src(%dma_wait3A_103 : memref<128x128xf32, #tpu.memory_space<vmem_shared>>) dst(%arg8 : memref<128x128xf32, #tpu.memory_space<vmem>>)
      tpu.yield
    }) : () -> ()
    %dma_start3A_78 = arith.constant 0 : i32
    %dma_start3A_79 = tpu.memref_slice %arg5[%arg0, %add3A_71, %dma_start3A_78] : memref<2x10240x128xf32, #tpu.memory_space<hbm>> -> memref<1x128x128xf32, #tpu.memory_space<hbm>>
    %dma_start3A_80 = tpu.memref_squeeze %dma_start3A_79 : memref<1x128x128xf32, #tpu.memory_space<hbm>> -> memref<128x128xf32, #tpu.memory_space<hbm>>
    %dma_start3A_81 = arith.constant 0 : i32
    %dma_start3A_82 = tpu.memref_slice %arg5[%arg0, %add3A_71, %dma_start3A_81] : memref<2x10240x128xf32, #tpu.memory_space<hbm>> -> memref<1x128x128xf32, #tpu.memory_space<hbm>>
    %dma_start3A_83 = tpu.memref_squeeze %dma_start3A_82 : memref<1x128x128xf32, #tpu.memory_space<hbm>> -> memref<128x128xf32, #tpu.memory_space<hbm>>
    tpu.enqueue_dma source(%arg8 : memref<128x128xf32, #tpu.memory_space<vmem>>) target(%dma_start3A_83 : memref<128x128xf32, #tpu.memory_space<hbm>>) target_semaphore(%arg12 : memref<!tpu.dma_semaphore, #tpu.memory_space<semaphore_mem>>)
    %dma_wait3A_84 = arith.constant 0 : i32
    %dma_wait3A_85 = tpu.memref_slice %arg5[%arg0, %add3A_57, %dma_wait3A_84] : memref<2x10240x128xf32, #tpu.memory_space<hbm>> -> memref<1x128x128xf32, #tpu.memory_space<hbm>>
    %dma_wait3A_86 = tpu.memref_squeeze %dma_wait3A_85 : memref<1x128x128xf32, #tpu.memory_space<hbm>> -> memref<128x128xf32, #tpu.memory_space<hbm>>
    %dma_wait3A_87 = arith.constant 0 : i32
    %dma_wait3A_88 = tpu.memref_slice %arg5[%arg0, %add3A_57, %dma_wait3A_87] : memref<2x10240x128xf32, #tpu.memory_space<hbm>> -> memref<1x128x128xf32, #tpu.memory_space<hbm>>
    %dma_wait3A_89 = tpu.memref_squeeze %dma_wait3A_88 : memref<1x128x128xf32, #tpu.memory_space<hbm>> -> memref<128x128xf32, #tpu.memory_space<hbm>>
    tpu.wait_dma2 semaphore(%arg12 : memref<!tpu.dma_semaphore, #tpu.memory_space<semaphore_mem>>) src(%arg9 : memref<128x128xf32, #tpu.memory_space<vmem>>) dst(%dma_wait3A_89 : memref<128x128xf32, #tpu.memory_space<hbm>>)
    %dma_wait3A_90 = arith.constant 0 : i32
    %dma_wait3A_91 = tpu.memref_slice %arg5[%arg0, %add3A_71, %dma_wait3A_90] : memref<2x10240x128xf32, #tpu.memory_space<hbm>> -> memref<1x128x128xf32, #tpu.memory_space<hbm>>
    %dma_wait3A_92 = tpu.memref_squeeze %dma_wait3A_91 : memref<1x128x128xf32, #tpu.memory_space<hbm>> -> memref<128x128xf32, #tpu.memory_space<hbm>>
    %dma_wait3A_93 = arith.constant 0 : i32
    %dma_wait3A_94 = tpu.memref_slice %arg5[%arg0, %add3A_71, %dma_wait3A_93] : memref<2x10240x128xf32, #tpu.memory_space<hbm>> -> memref<1x128x128xf32, #tpu.memory_space<hbm>>
    %dma_wait3A_95 = tpu.memref_squeeze %dma_wait3A_94 : memref<1x128x128xf32, #tpu.memory_space<hbm>> -> memref<128x128xf32, #tpu.memory_space<hbm>>
    tpu.wait_dma2 semaphore(%arg12 : memref<!tpu.dma_semaphore, #tpu.memory_space<semaphore_mem>>) src(%arg8 : memref<128x128xf32, #tpu.memory_space<vmem>>) dst(%dma_wait3A_95 : memref<128x128xf32, #tpu.memory_space<hbm>>)
    return
  }
}

#map = affine_map<(d0, d1) -> (0, 0, 0)>
module attributes {stable_mosaic.version = 14 : i64} {
  func.func @body(%arg0: i32, %arg1: i32, %arg2: memref<2x10240x128xf32, #tpu.memory_space<hbm>>, %arg3: memref<2x10240x128xf32, #tpu.memory_space<hbm>>, %arg4: memref<16x80x128xi32, #tpu.memory_space<hbm>>, %arg5: memref<16x80x128xi32, #tpu.memory_space<hbm>>, %arg6: memref<2x10240x128xf32, #tpu.memory_space<hbm>>, %arg7: memref<10240x128xf32, #tpu.memory_space<vmem_shared>>, %arg8: memref<40x128xi32, #tpu.memory_space<vmem>>, %arg9: memref<40x128xi32, #tpu.memory_space<vmem>>, %arg10: memref<128x128xf32, #tpu.memory_space<vmem>>, %arg11: memref<128x128xf32, #tpu.memory_space<vmem>>, %arg12: memref<!tpu.dma_semaphore, #tpu.memory_space<semaphore_mem>>, %arg13: memref<!tpu.dma_semaphore, #tpu.memory_space<semaphore_mem>>, %arg14: memref<!tpu.dma_semaphore, #tpu.memory_space<semaphore_mem>>) attributes {dimension_semantics = [#tpu.dimension_semantics<core_parallel>, #tpu.dimension_semantics<subcore_parallel>], iteration_bounds = array<i64: 2, 16>, scalar_prefetch = 0 : i64, scratch_operands = 8 : i64, tpu.core_type = #tpu.core_type<sc_vector_subcore>, window_params = [{transform_indices = #map}, {transform_indices = #map}, {transform_indices = #map}, {transform_indices = #map}, {transform_indices = #map}]} {
    %mul3A = arith.constant 640 : i32
    %mul3A_0 = arith.muli %arg1, %mul3A : i32
    %dma_start3A = arith.constant 0 : i32
    %dma_start3A_1 = tpu.memref_slice %arg3[%arg0, %mul3A_0, %dma_start3A] : memref<2x10240x128xf32, #tpu.memory_space<hbm>> -> memref<1x128x128xf32, #tpu.memory_space<hbm>>
    %dma_start3A_2 = tpu.memref_squeeze %dma_start3A_1 : memref<1x128x128xf32, #tpu.memory_space<hbm>> -> memref<128x128xf32, #tpu.memory_space<hbm>>
    %dma_start3A_3 = arith.constant 0 : i32
    %dma_start3A_4 = tpu.memref_slice %arg3[%arg0, %mul3A_0, %dma_start3A_3] : memref<2x10240x128xf32, #tpu.memory_space<hbm>> -> memref<1x128x128xf32, #tpu.memory_space<hbm>>
    %dma_start3A_5 = tpu.memref_squeeze %dma_start3A_4 : memref<1x128x128xf32, #tpu.memory_space<hbm>> -> memref<128x128xf32, #tpu.memory_space<hbm>>
    tpu.enqueue_dma source(%dma_start3A_5 : memref<128x128xf32, #tpu.memory_space<hbm>>) target(%arg10 : memref<128x128xf32, #tpu.memory_space<vmem>>) target_semaphore(%arg12 : memref<!tpu.dma_semaphore, #tpu.memory_space<semaphore_mem>>)
    %add3A = arith.constant 128 : i32
    %add3A_6 = arith.addi %mul3A_0, %add3A : i32
    %dma_start3A_7 = arith.constant 0 : i32
    %dma_start3A_8 = tpu.memref_slice %arg3[%arg0, %add3A_6, %dma_start3A_7] : memref<2x10240x128xf32, #tpu.memory_space<hbm>> -> memref<1x128x128xf32, #tpu.memory_space<hbm>>
    %dma_start3A_9 = tpu.memref_squeeze %dma_start3A_8 : memref<1x128x128xf32, #tpu.memory_space<hbm>> -> memref<128x128xf32, #tpu.memory_space<hbm>>
    %dma_start3A_10 = arith.constant 0 : i32
    %dma_start3A_11 = tpu.memref_slice %arg3[%arg0, %add3A_6, %dma_start3A_10] : memref<2x10240x128xf32, #tpu.memory_space<hbm>> -> memref<1x128x128xf32, #tpu.memory_space<hbm>>
    %dma_start3A_12 = tpu.memref_squeeze %dma_start3A_11 : memref<1x128x128xf32, #tpu.memory_space<hbm>> -> memref<128x128xf32, #tpu.memory_space<hbm>>
    tpu.enqueue_dma source(%dma_start3A_12 : memref<128x128xf32, #tpu.memory_space<hbm>>) target(%arg11 : memref<128x128xf32, #tpu.memory_space<vmem>>) target_semaphore(%arg13 : memref<!tpu.dma_semaphore, #tpu.memory_space<semaphore_mem>>)
    %add3A_13 = arith.constant 0 : i32
    %add3A_14 = arith.addi %mul3A_0, %add3A_13 : i32
    %dma_wait3A = arith.constant 0 : i32
    %dma_wait3A_15 = tpu.memref_slice %arg3[%arg0, %add3A_14, %dma_wait3A] : memref<2x10240x128xf32, #tpu.memory_space<hbm>> -> memref<1x128x128xf32, #tpu.memory_space<hbm>>
    %dma_wait3A_16 = tpu.memref_squeeze %dma_wait3A_15 : memref<1x128x128xf32, #tpu.memory_space<hbm>> -> memref<128x128xf32, #tpu.memory_space<hbm>>
    %dma_wait3A_17 = arith.constant 0 : i32
    %dma_wait3A_18 = tpu.memref_slice %arg3[%arg0, %add3A_14, %dma_wait3A_17] : memref<2x10240x128xf32, #tpu.memory_space<hbm>> -> memref<1x128x128xf32, #tpu.memory_space<hbm>>
    %dma_wait3A_19 = tpu.memref_squeeze %dma_wait3A_18 : memref<1x128x128xf32, #tpu.memory_space<hbm>> -> memref<128x128xf32, #tpu.memory_space<hbm>>
    tpu.wait_dma2 semaphore(%arg12 : memref<!tpu.dma_semaphore, #tpu.memory_space<semaphore_mem>>) src(%dma_wait3A_19 : memref<128x128xf32, #tpu.memory_space<hbm>>) dst(%arg10 : memref<128x128xf32, #tpu.memory_space<vmem>>)
    %add3A_20 = arith.constant 0 : i32
    %add3A_21 = arith.addi %mul3A_0, %add3A_20 : i32
    "tpu.region"() ({
      %run_scoped3A = tpu.sem_alloc : memref<!tpu.dma_semaphore, #tpu.memory_space<semaphore_mem>>
      %dma_start3A_212 = arith.constant 0 : i32
      %dma_start3A_213 = tpu.memref_slice %arg7[%add3A_21, %dma_start3A_212] : memref<10240x128xf32, #tpu.memory_space<vmem_shared>> -> memref<128x128xf32, #tpu.memory_space<vmem_shared>>
      %dma_start3A_214 = arith.constant 0 : i32
      %dma_start3A_215 = tpu.memref_slice %arg7[%add3A_21, %dma_start3A_214] : memref<10240x128xf32, #tpu.memory_space<vmem_shared>> -> memref<128x128xf32, #tpu.memory_space<vmem_shared>>
      tpu.enqueue_dma source(%arg10 : memref<128x128xf32, #tpu.memory_space<vmem>>) target(%dma_start3A_215 : memref<128x128xf32, #tpu.memory_space<vmem_shared>>) target_semaphore(%run_scoped3A : memref<!tpu.dma_semaphore, #tpu.memory_space<semaphore_mem>>)
      %dma_wait3A_216 = arith.constant 0 : i32
      %dma_wait3A_217 = tpu.memref_slice %arg7[%add3A_21, %dma_wait3A_216] : memref<10240x128xf32, #tpu.memory_space<vmem_shared>> -> memref<128x128xf32, #tpu.memory_space<vmem_shared>>
      %dma_wait3A_218 = arith.constant 0 : i32
      %dma_wait3A_219 = tpu.memref_slice %arg7[%add3A_21, %dma_wait3A_218] : memref<10240x128xf32, #tpu.memory_space<vmem_shared>> -> memref<128x128xf32, #tpu.memory_space<vmem_shared>>
      tpu.wait_dma2 semaphore(%run_scoped3A : memref<!tpu.dma_semaphore, #tpu.memory_space<semaphore_mem>>) src(%arg10 : memref<128x128xf32, #tpu.memory_space<vmem>>) dst(%dma_wait3A_219 : memref<128x128xf32, #tpu.memory_space<vmem_shared>>)
      tpu.yield
    }) : () -> ()
    %add3A_22 = arith.constant 256 : i32
    %add3A_23 = arith.addi %mul3A_0, %add3A_22 : i32
    %dma_start3A_24 = arith.constant 0 : i32
    %dma_start3A_25 = tpu.memref_slice %arg3[%arg0, %add3A_23, %dma_start3A_24] : memref<2x10240x128xf32, #tpu.memory_space<hbm>> -> memref<1x128x128xf32, #tpu.memory_space<hbm>>
    %dma_start3A_26 = tpu.memref_squeeze %dma_start3A_25 : memref<1x128x128xf32, #tpu.memory_space<hbm>> -> memref<128x128xf32, #tpu.memory_space<hbm>>
    %dma_start3A_27 = arith.constant 0 : i32
    %dma_start3A_28 = tpu.memref_slice %arg3[%arg0, %add3A_23, %dma_start3A_27] : memref<2x10240x128xf32, #tpu.memory_space<hbm>> -> memref<1x128x128xf32, #tpu.memory_space<hbm>>
    %dma_start3A_29 = tpu.memref_squeeze %dma_start3A_28 : memref<1x128x128xf32, #tpu.memory_space<hbm>> -> memref<128x128xf32, #tpu.memory_space<hbm>>
    tpu.enqueue_dma source(%dma_start3A_29 : memref<128x128xf32, #tpu.memory_space<hbm>>) target(%arg10 : memref<128x128xf32, #tpu.memory_space<vmem>>) target_semaphore(%arg12 : memref<!tpu.dma_semaphore, #tpu.memory_space<semaphore_mem>>)
    %add3A_30 = arith.constant 128 : i32
    %add3A_31 = arith.addi %mul3A_0, %add3A_30 : i32
    %dma_wait3A_32 = arith.constant 0 : i32
    %dma_wait3A_33 = tpu.memref_slice %arg3[%arg0, %add3A_31, %dma_wait3A_32] : memref<2x10240x128xf32, #tpu.memory_space<hbm>> -> memref<1x128x128xf32, #tpu.memory_space<hbm>>
    %dma_wait3A_34 = tpu.memref_squeeze %dma_wait3A_33 : memref<1x128x128xf32, #tpu.memory_space<hbm>> -> memref<128x128xf32, #tpu.memory_space<hbm>>
    %dma_wait3A_35 = arith.constant 0 : i32
    %dma_wait3A_36 = tpu.memref_slice %arg3[%arg0, %add3A_31, %dma_wait3A_35] : memref<2x10240x128xf32, #tpu.memory_space<hbm>> -> memref<1x128x128xf32, #tpu.memory_space<hbm>>
    %dma_wait3A_37 = tpu.memref_squeeze %dma_wait3A_36 : memref<1x128x128xf32, #tpu.memory_space<hbm>> -> memref<128x128xf32, #tpu.memory_space<hbm>>
    tpu.wait_dma2 semaphore(%arg13 : memref<!tpu.dma_semaphore, #tpu.memory_space<semaphore_mem>>) src(%dma_wait3A_37 : memref<128x128xf32, #tpu.memory_space<hbm>>) dst(%arg11 : memref<128x128xf32, #tpu.memory_space<vmem>>)
    %add3A_38 = arith.constant 128 : i32
    %add3A_39 = arith.addi %mul3A_0, %add3A_38 : i32
    "tpu.region"() ({
      %run_scoped3A = tpu.sem_alloc : memref<!tpu.dma_semaphore, #tpu.memory_space<semaphore_mem>>
      %dma_start3A_212 = arith.constant 0 : i32
      %dma_start3A_213 = tpu.memref_slice %arg7[%add3A_39, %dma_start3A_212] : memref<10240x128xf32, #tpu.memory_space<vmem_shared>> -> memref<128x128xf32, #tpu.memory_space<vmem_shared>>
      %dma_start3A_214 = arith.constant 0 : i32
      %dma_start3A_215 = tpu.memref_slice %arg7[%add3A_39, %dma_start3A_214] : memref<10240x128xf32, #tpu.memory_space<vmem_shared>> -> memref<128x128xf32, #tpu.memory_space<vmem_shared>>
      tpu.enqueue_dma source(%arg11 : memref<128x128xf32, #tpu.memory_space<vmem>>) target(%dma_start3A_215 : memref<128x128xf32, #tpu.memory_space<vmem_shared>>) target_semaphore(%run_scoped3A : memref<!tpu.dma_semaphore, #tpu.memory_space<semaphore_mem>>)
      %dma_wait3A_216 = arith.constant 0 : i32
      %dma_wait3A_217 = tpu.memref_slice %arg7[%add3A_39, %dma_wait3A_216] : memref<10240x128xf32, #tpu.memory_space<vmem_shared>> -> memref<128x128xf32, #tpu.memory_space<vmem_shared>>
      %dma_wait3A_218 = arith.constant 0 : i32
      %dma_wait3A_219 = tpu.memref_slice %arg7[%add3A_39, %dma_wait3A_218] : memref<10240x128xf32, #tpu.memory_space<vmem_shared>> -> memref<128x128xf32, #tpu.memory_space<vmem_shared>>
      tpu.wait_dma2 semaphore(%run_scoped3A : memref<!tpu.dma_semaphore, #tpu.memory_space<semaphore_mem>>) src(%arg11 : memref<128x128xf32, #tpu.memory_space<vmem>>) dst(%dma_wait3A_219 : memref<128x128xf32, #tpu.memory_space<vmem_shared>>)
      tpu.yield
    }) : () -> ()
    %add3A_40 = arith.constant 384 : i32
    %add3A_41 = arith.addi %mul3A_0, %add3A_40 : i32
    %dma_start3A_42 = arith.constant 0 : i32
    %dma_start3A_43 = tpu.memref_slice %arg3[%arg0, %add3A_41, %dma_start3A_42] : memref<2x10240x128xf32, #tpu.memory_space<hbm>> -> memref<1x128x128xf32, #tpu.memory_space<hbm>>
    %dma_start3A_44 = tpu.memref_squeeze %dma_start3A_43 : memref<1x128x128xf32, #tpu.memory_space<hbm>> -> memref<128x128xf32, #tpu.memory_space<hbm>>
    %dma_start3A_45 = arith.constant 0 : i32
    %dma_start3A_46 = tpu.memref_slice %arg3[%arg0, %add3A_41, %dma_start3A_45] : memref<2x10240x128xf32, #tpu.memory_space<hbm>> -> memref<1x128x128xf32, #tpu.memory_space<hbm>>
    %dma_start3A_47 = tpu.memref_squeeze %dma_start3A_46 : memref<1x128x128xf32, #tpu.memory_space<hbm>> -> memref<128x128xf32, #tpu.memory_space<hbm>>
    tpu.enqueue_dma source(%dma_start3A_47 : memref<128x128xf32, #tpu.memory_space<hbm>>) target(%arg11 : memref<128x128xf32, #tpu.memory_space<vmem>>) target_semaphore(%arg13 : memref<!tpu.dma_semaphore, #tpu.memory_space<semaphore_mem>>)
    %add3A_48 = arith.constant 256 : i32
    %add3A_49 = arith.addi %mul3A_0, %add3A_48 : i32
    %dma_wait3A_50 = arith.constant 0 : i32
    %dma_wait3A_51 = tpu.memref_slice %arg3[%arg0, %add3A_49, %dma_wait3A_50] : memref<2x10240x128xf32, #tpu.memory_space<hbm>> -> memref<1x128x128xf32, #tpu.memory_space<hbm>>
    %dma_wait3A_52 = tpu.memref_squeeze %dma_wait3A_51 : memref<1x128x128xf32, #tpu.memory_space<hbm>> -> memref<128x128xf32, #tpu.memory_space<hbm>>
    %dma_wait3A_53 = arith.constant 0 : i32
    %dma_wait3A_54 = tpu.memref_slice %arg3[%arg0, %add3A_49, %dma_wait3A_53] : memref<2x10240x128xf32, #tpu.memory_space<hbm>> -> memref<1x128x128xf32, #tpu.memory_space<hbm>>
    %dma_wait3A_55 = tpu.memref_squeeze %dma_wait3A_54 : memref<1x128x128xf32, #tpu.memory_space<hbm>> -> memref<128x128xf32, #tpu.memory_space<hbm>>
    tpu.wait_dma2 semaphore(%arg12 : memref<!tpu.dma_semaphore, #tpu.memory_space<semaphore_mem>>) src(%dma_wait3A_55 : memref<128x128xf32, #tpu.memory_space<hbm>>) dst(%arg10 : memref<128x128xf32, #tpu.memory_space<vmem>>)
    %add3A_56 = arith.constant 256 : i32
    %add3A_57 = arith.addi %mul3A_0, %add3A_56 : i32
    "tpu.region"() ({
      %run_scoped3A = tpu.sem_alloc : memref<!tpu.dma_semaphore, #tpu.memory_space<semaphore_mem>>
      %dma_start3A_212 = arith.constant 0 : i32
      %dma_start3A_213 = tpu.memref_slice %arg7[%add3A_57, %dma_start3A_212] : memref<10240x128xf32, #tpu.memory_space<vmem_shared>> -> memref<128x128xf32, #tpu.memory_space<vmem_shared>>
      %dma_start3A_214 = arith.constant 0 : i32
      %dma_start3A_215 = tpu.memref_slice %arg7[%add3A_57, %dma_start3A_214] : memref<10240x128xf32, #tpu.memory_space<vmem_shared>> -> memref<128x128xf32, #tpu.memory_space<vmem_shared>>
      tpu.enqueue_dma source(%arg10 : memref<128x128xf32, #tpu.memory_space<vmem>>) target(%dma_start3A_215 : memref<128x128xf32, #tpu.memory_space<vmem_shared>>) target_semaphore(%run_scoped3A : memref<!tpu.dma_semaphore, #tpu.memory_space<semaphore_mem>>)
      %dma_wait3A_216 = arith.constant 0 : i32
      %dma_wait3A_217 = tpu.memref_slice %arg7[%add3A_57, %dma_wait3A_216] : memref<10240x128xf32, #tpu.memory_space<vmem_shared>> -> memref<128x128xf32, #tpu.memory_space<vmem_shared>>
      %dma_wait3A_218 = arith.constant 0 : i32
      %dma_wait3A_219 = tpu.memref_slice %arg7[%add3A_57, %dma_wait3A_218] : memref<10240x128xf32, #tpu.memory_space<vmem_shared>> -> memref<128x128xf32, #tpu.memory_space<vmem_shared>>
      tpu.wait_dma2 semaphore(%run_scoped3A : memref<!tpu.dma_semaphore, #tpu.memory_space<semaphore_mem>>) src(%arg10 : memref<128x128xf32, #tpu.memory_space<vmem>>) dst(%dma_wait3A_219 : memref<128x128xf32, #tpu.memory_space<vmem_shared>>)
      tpu.yield
    }) : () -> ()
    %add3A_58 = arith.constant 512 : i32
    %add3A_59 = arith.addi %mul3A_0, %add3A_58 : i32
    %dma_start3A_60 = arith.constant 0 : i32
    %dma_start3A_61 = tpu.memref_slice %arg3[%arg0, %add3A_59, %dma_start3A_60] : memref<2x10240x128xf32, #tpu.memory_space<hbm>> -> memref<1x128x128xf32, #tpu.memory_space<hbm>>
    %dma_start3A_62 = tpu.memref_squeeze %dma_start3A_61 : memref<1x128x128xf32, #tpu.memory_space<hbm>> -> memref<128x128xf32, #tpu.memory_space<hbm>>
    %dma_start3A_63 = arith.constant 0 : i32
    %dma_start3A_64 = tpu.memref_slice %arg3[%arg0, %add3A_59, %dma_start3A_63] : memref<2x10240x128xf32, #tpu.memory_space<hbm>> -> memref<1x128x128xf32, #tpu.memory_space<hbm>>
    %dma_start3A_65 = tpu.memref_squeeze %dma_start3A_64 : memref<1x128x128xf32, #tpu.memory_space<hbm>> -> memref<128x128xf32, #tpu.memory_space<hbm>>
    tpu.enqueue_dma source(%dma_start3A_65 : memref<128x128xf32, #tpu.memory_space<hbm>>) target(%arg10 : memref<128x128xf32, #tpu.memory_space<vmem>>) target_semaphore(%arg12 : memref<!tpu.dma_semaphore, #tpu.memory_space<semaphore_mem>>)
    %add3A_66 = arith.constant 384 : i32
    %add3A_67 = arith.addi %mul3A_0, %add3A_66 : i32
    %dma_wait3A_68 = arith.constant 0 : i32
    %dma_wait3A_69 = tpu.memref_slice %arg3[%arg0, %add3A_67, %dma_wait3A_68] : memref<2x10240x128xf32, #tpu.memory_space<hbm>> -> memref<1x128x128xf32, #tpu.memory_space<hbm>>
    %dma_wait3A_70 = tpu.memref_squeeze %dma_wait3A_69 : memref<1x128x128xf32, #tpu.memory_space<hbm>> -> memref<128x128xf32, #tpu.memory_space<hbm>>
    %dma_wait3A_71 = arith.constant 0 : i32
    %dma_wait3A_72 = tpu.memref_slice %arg3[%arg0, %add3A_67, %dma_wait3A_71] : memref<2x10240x128xf32, #tpu.memory_space<hbm>> -> memref<1x128x128xf32, #tpu.memory_space<hbm>>
    %dma_wait3A_73 = tpu.memref_squeeze %dma_wait3A_72 : memref<1x128x128xf32, #tpu.memory_space<hbm>> -> memref<128x128xf32, #tpu.memory_space<hbm>>
    tpu.wait_dma2 semaphore(%arg13 : memref<!tpu.dma_semaphore, #tpu.memory_space<semaphore_mem>>) src(%dma_wait3A_73 : memref<128x128xf32, #tpu.memory_space<hbm>>) dst(%arg11 : memref<128x128xf32, #tpu.memory_space<vmem>>)
    %add3A_74 = arith.constant 384 : i32
    %add3A_75 = arith.addi %mul3A_0, %add3A_74 : i32
    "tpu.region"() ({
      %run_scoped3A = tpu.sem_alloc : memref<!tpu.dma_semaphore, #tpu.memory_space<semaphore_mem>>
      %dma_start3A_212 = arith.constant 0 : i32
      %dma_start3A_213 = tpu.memref_slice %arg7[%add3A_75, %dma_start3A_212] : memref<10240x128xf32, #tpu.memory_space<vmem_shared>> -> memref<128x128xf32, #tpu.memory_space<vmem_shared>>
      %dma_start3A_214 = arith.constant 0 : i32
      %dma_start3A_215 = tpu.memref_slice %arg7[%add3A_75, %dma_start3A_214] : memref<10240x128xf32, #tpu.memory_space<vmem_shared>> -> memref<128x128xf32, #tpu.memory_space<vmem_shared>>
      tpu.enqueue_dma source(%arg11 : memref<128x128xf32, #tpu.memory_space<vmem>>) target(%dma_start3A_215 : memref<128x128xf32, #tpu.memory_space<vmem_shared>>) target_semaphore(%run_scoped3A : memref<!tpu.dma_semaphore, #tpu.memory_space<semaphore_mem>>)
      %dma_wait3A_216 = arith.constant 0 : i32
      %dma_wait3A_217 = tpu.memref_slice %arg7[%add3A_75, %dma_wait3A_216] : memref<10240x128xf32, #tpu.memory_space<vmem_shared>> -> memref<128x128xf32, #tpu.memory_space<vmem_shared>>
      %dma_wait3A_218 = arith.constant 0 : i32
      %dma_wait3A_219 = tpu.memref_slice %arg7[%add3A_75, %dma_wait3A_218] : memref<10240x128xf32, #tpu.memory_space<vmem_shared>> -> memref<128x128xf32, #tpu.memory_space<vmem_shared>>
      tpu.wait_dma2 semaphore(%run_scoped3A : memref<!tpu.dma_semaphore, #tpu.memory_space<semaphore_mem>>) src(%arg11 : memref<128x128xf32, #tpu.memory_space<vmem>>) dst(%dma_wait3A_219 : memref<128x128xf32, #tpu.memory_space<vmem_shared>>)
      tpu.yield
    }) : () -> ()
    %add3A_76 = arith.constant 512 : i32
    %add3A_77 = arith.addi %mul3A_0, %add3A_76 : i32
    %dma_wait3A_78 = arith.constant 0 : i32
    %dma_wait3A_79 = tpu.memref_slice %arg3[%arg0, %add3A_77, %dma_wait3A_78] : memref<2x10240x128xf32, #tpu.memory_space<hbm>> -> memref<1x128x128xf32, #tpu.memory_space<hbm>>
    %dma_wait3A_80 = tpu.memref_squeeze %dma_wait3A_79 : memref<1x128x128xf32, #tpu.memory_space<hbm>> -> memref<128x128xf32, #tpu.memory_space<hbm>>
    %dma_wait3A_81 = arith.constant 0 : i32
    %dma_wait3A_82 = tpu.memref_slice %arg3[%arg0, %add3A_77, %dma_wait3A_81] : memref<2x10240x128xf32, #tpu.memory_space<hbm>> -> memref<1x128x128xf32, #tpu.memory_space<hbm>>
    %dma_wait3A_83 = tpu.memref_squeeze %dma_wait3A_82 : memref<1x128x128xf32, #tpu.memory_space<hbm>> -> memref<128x128xf32, #tpu.memory_space<hbm>>
    tpu.wait_dma2 semaphore(%arg12 : memref<!tpu.dma_semaphore, #tpu.memory_space<semaphore_mem>>) src(%dma_wait3A_83 : memref<128x128xf32, #tpu.memory_space<hbm>>) dst(%arg10 : memref<128x128xf32, #tpu.memory_space<vmem>>)
    %add3A_84 = arith.constant 512 : i32
    %add3A_85 = arith.addi %mul3A_0, %add3A_84 : i32
    "tpu.region"() ({
      %run_scoped3A = tpu.sem_alloc : memref<!tpu.dma_semaphore, #tpu.memory_space<semaphore_mem>>
      %dma_start3A_212 = arith.constant 0 : i32
      %dma_start3A_213 = tpu.memref_slice %arg7[%add3A_85, %dma_start3A_212] : memref<10240x128xf32, #tpu.memory_space<vmem_shared>> -> memref<128x128xf32, #tpu.memory_space<vmem_shared>>
      %dma_start3A_214 = arith.constant 0 : i32
      %dma_start3A_215 = tpu.memref_slice %arg7[%add3A_85, %dma_start3A_214] : memref<10240x128xf32, #tpu.memory_space<vmem_shared>> -> memref<128x128xf32, #tpu.memory_space<vmem_shared>>
      tpu.enqueue_dma source(%arg10 : memref<128x128xf32, #tpu.memory_space<vmem>>) target(%dma_start3A_215 : memref<128x128xf32, #tpu.memory_space<vmem_shared>>) target_semaphore(%run_scoped3A : memref<!tpu.dma_semaphore, #tpu.memory_space<semaphore_mem>>)
      %dma_wait3A_216 = arith.constant 0 : i32
      %dma_wait3A_217 = tpu.memref_slice %arg7[%add3A_85, %dma_wait3A_216] : memref<10240x128xf32, #tpu.memory_space<vmem_shared>> -> memref<128x128xf32, #tpu.memory_space<vmem_shared>>
      %dma_wait3A_218 = arith.constant 0 : i32
      %dma_wait3A_219 = tpu.memref_slice %arg7[%add3A_85, %dma_wait3A_218] : memref<10240x128xf32, #tpu.memory_space<vmem_shared>> -> memref<128x128xf32, #tpu.memory_space<vmem_shared>>
      tpu.wait_dma2 semaphore(%run_scoped3A : memref<!tpu.dma_semaphore, #tpu.memory_space<semaphore_mem>>) src(%arg10 : memref<128x128xf32, #tpu.memory_space<vmem>>) dst(%dma_wait3A_219 : memref<128x128xf32, #tpu.memory_space<vmem_shared>>)
      tpu.yield
    }) : () -> ()
    %barrier3A = arith.constant 0 : index
    tpu.barrier barrier_id(%barrier3A)
    "tpu.region"() ({
      %run_scoped3A = tpu.sem_alloc : memref<!tpu.dma_semaphore, #tpu.memory_space<semaphore_mem>>
      %dma_start3A_212 = arith.constant 0 : i32
      %dma_start3A_213 = arith.constant 0 : i32
      %dma_start3A_214 = tpu.memref_slice %arg4[%arg1, %dma_start3A_212, %dma_start3A_213] : memref<16x80x128xi32, #tpu.memory_space<hbm>> -> memref<1x40x128xi32, #tpu.memory_space<hbm>>
      %dma_start3A_215 = tpu.memref_squeeze %dma_start3A_214 : memref<1x40x128xi32, #tpu.memory_space<hbm>> -> memref<40x128xi32, #tpu.memory_space<hbm>>
      %dma_start3A_216 = arith.constant 0 : i32
      %dma_start3A_217 = arith.constant 0 : i32
      %dma_start3A_218 = tpu.memref_slice %arg4[%arg1, %dma_start3A_216, %dma_start3A_217] : memref<16x80x128xi32, #tpu.memory_space<hbm>> -> memref<1x40x128xi32, #tpu.memory_space<hbm>>
      %dma_start3A_219 = tpu.memref_squeeze %dma_start3A_218 : memref<1x40x128xi32, #tpu.memory_space<hbm>> -> memref<40x128xi32, #tpu.memory_space<hbm>>
      tpu.enqueue_dma source(%dma_start3A_219 : memref<40x128xi32, #tpu.memory_space<hbm>>) target(%arg8 : memref<40x128xi32, #tpu.memory_space<vmem>>) target_semaphore(%run_scoped3A : memref<!tpu.dma_semaphore, #tpu.memory_space<semaphore_mem>>)
      %dma_wait3A_220 = arith.constant 0 : i32
      %dma_wait3A_221 = arith.constant 0 : i32
      %dma_wait3A_222 = tpu.memref_slice %arg4[%arg1, %dma_wait3A_220, %dma_wait3A_221] : memref<16x80x128xi32, #tpu.memory_space<hbm>> -> memref<1x40x128xi32, #tpu.memory_space<hbm>>
      %dma_wait3A_223 = tpu.memref_squeeze %dma_wait3A_222 : memref<1x40x128xi32, #tpu.memory_space<hbm>> -> memref<40x128xi32, #tpu.memory_space<hbm>>
      %dma_wait3A_224 = arith.constant 0 : i32
      %dma_wait3A_225 = arith.constant 0 : i32
      %dma_wait3A_226 = tpu.memref_slice %arg4[%arg1, %dma_wait3A_224, %dma_wait3A_225] : memref<16x80x128xi32, #tpu.memory_space<hbm>> -> memref<1x40x128xi32, #tpu.memory_space<hbm>>
      %dma_wait3A_227 = tpu.memref_squeeze %dma_wait3A_226 : memref<1x40x128xi32, #tpu.memory_space<hbm>> -> memref<40x128xi32, #tpu.memory_space<hbm>>
      tpu.wait_dma2 semaphore(%run_scoped3A : memref<!tpu.dma_semaphore, #tpu.memory_space<semaphore_mem>>) src(%dma_wait3A_227 : memref<40x128xi32, #tpu.memory_space<hbm>>) dst(%arg8 : memref<40x128xi32, #tpu.memory_space<vmem>>)
      tpu.yield
    }) : () -> ()
    "tpu.region"() ({
      %run_scoped3A = tpu.sem_alloc : memref<!tpu.dma_semaphore, #tpu.memory_space<semaphore_mem>>
      %dma_start3A_212 = arith.constant 0 : i32
      %dma_start3A_213 = arith.constant 0 : i32
      %dma_start3A_214 = tpu.memref_slice %arg5[%arg1, %dma_start3A_212, %dma_start3A_213] : memref<16x80x128xi32, #tpu.memory_space<hbm>> -> memref<1x40x128xi32, #tpu.memory_space<hbm>>
      %dma_start3A_215 = tpu.memref_squeeze %dma_start3A_214 : memref<1x40x128xi32, #tpu.memory_space<hbm>> -> memref<40x128xi32, #tpu.memory_space<hbm>>
      %dma_start3A_216 = arith.constant 0 : i32
      %dma_start3A_217 = arith.constant 0 : i32
      %dma_start3A_218 = tpu.memref_slice %arg5[%arg1, %dma_start3A_216, %dma_start3A_217] : memref<16x80x128xi32, #tpu.memory_space<hbm>> -> memref<1x40x128xi32, #tpu.memory_space<hbm>>
      %dma_start3A_219 = tpu.memref_squeeze %dma_start3A_218 : memref<1x40x128xi32, #tpu.memory_space<hbm>> -> memref<40x128xi32, #tpu.memory_space<hbm>>
      tpu.enqueue_dma source(%dma_start3A_219 : memref<40x128xi32, #tpu.memory_space<hbm>>) target(%arg9 : memref<40x128xi32, #tpu.memory_space<vmem>>) target_semaphore(%run_scoped3A : memref<!tpu.dma_semaphore, #tpu.memory_space<semaphore_mem>>)
      %dma_wait3A_220 = arith.constant 0 : i32
      %dma_wait3A_221 = arith.constant 0 : i32
      %dma_wait3A_222 = tpu.memref_slice %arg5[%arg1, %dma_wait3A_220, %dma_wait3A_221] : memref<16x80x128xi32, #tpu.memory_space<hbm>> -> memref<1x40x128xi32, #tpu.memory_space<hbm>>
      %dma_wait3A_223 = tpu.memref_squeeze %dma_wait3A_222 : memref<1x40x128xi32, #tpu.memory_space<hbm>> -> memref<40x128xi32, #tpu.memory_space<hbm>>
      %dma_wait3A_224 = arith.constant 0 : i32
      %dma_wait3A_225 = arith.constant 0 : i32
      %dma_wait3A_226 = tpu.memref_slice %arg5[%arg1, %dma_wait3A_224, %dma_wait3A_225] : memref<16x80x128xi32, #tpu.memory_space<hbm>> -> memref<1x40x128xi32, #tpu.memory_space<hbm>>
      %dma_wait3A_227 = tpu.memref_squeeze %dma_wait3A_226 : memref<1x40x128xi32, #tpu.memory_space<hbm>> -> memref<40x128xi32, #tpu.memory_space<hbm>>
      tpu.wait_dma2 semaphore(%run_scoped3A : memref<!tpu.dma_semaphore, #tpu.memory_space<semaphore_mem>>) src(%dma_wait3A_227 : memref<40x128xi32, #tpu.memory_space<hbm>>) dst(%arg9 : memref<40x128xi32, #tpu.memory_space<vmem>>)
      tpu.yield
    }) : () -> ()
    %dma_start3A_86 = arith.constant 0 : i32
    %dma_start3A_87 = arith.constant 0 : i32
    %dma_start3A_88 = tpu.memref_slice %arg8[%dma_start3A_86, %dma_start3A_87] : memref<40x128xi32, #tpu.memory_space<vmem>> -> memref<1x128xi32, #tpu.memory_space<vmem>>
    %dma_start3A_89 = tpu.memref_squeeze %dma_start3A_88 : memref<1x128xi32, #tpu.memory_space<vmem>> -> memref<128xi32, #tpu.memory_space<vmem>>
    %dma_start3A_90 = arith.constant 0 : i32
    %dma_start3A_91 = arith.constant 0 : i32
    %dma_start3A_92 = tpu.memref_slice %arg2[%arg0, %dma_start3A_90, %dma_start3A_91] : memref<2x10240x128xf32, #tpu.memory_space<hbm>> -> memref<1x10240x128xf32, #tpu.memory_space<hbm>>
    %dma_start3A_93 = tpu.memref_squeeze %dma_start3A_92 : memref<1x10240x128xf32, #tpu.memory_space<hbm>> -> memref<10240x128xf32, #tpu.memory_space<hbm>>
    %dma_start3A_94 = arith.constant 0 : i32
    %dma_start3A_95 = arith.constant 0 : i32
    %dma_start3A_96 = tpu.memref_slice %dma_start3A_93[%dma_start3A_94, %dma_start3A_95] : memref<10240x128xf32, #tpu.memory_space<hbm>> -> memref<10240x128xf32, #tpu.memory_space<hbm>>
    tpu.enqueue_indirect_dma source(%dma_start3A_96 : memref<10240x128xf32, #tpu.memory_space<hbm>>) target(%arg10 : memref<128x128xf32, #tpu.memory_space<vmem>>) offsets(%dma_start3A_89 : memref<128xi32, #tpu.memory_space<vmem>>) semaphore(%arg12 : memref<!tpu.dma_semaphore, #tpu.memory_space<semaphore_mem>>)
    %dma_start3A_97 = arith.constant 1 : i32
    %dma_start3A_98 = arith.constant 0 : i32
    %dma_start3A_99 = tpu.memref_slice %arg8[%dma_start3A_97, %dma_start3A_98] : memref<40x128xi32, #tpu.memory_space<vmem>> -> memref<1x128xi32, #tpu.memory_space<vmem>>
    %dma_start3A_100 = tpu.memref_squeeze %dma_start3A_99 : memref<1x128xi32, #tpu.memory_space<vmem>> -> memref<128xi32, #tpu.memory_space<vmem>>
    %dma_start3A_101 = arith.constant 0 : i32
    %dma_start3A_102 = arith.constant 0 : i32
    %dma_start3A_103 = tpu.memref_slice %arg2[%arg0, %dma_start3A_101, %dma_start3A_102] : memref<2x10240x128xf32, #tpu.memory_space<hbm>> -> memref<1x10240x128xf32, #tpu.memory_space<hbm>>
    %dma_start3A_104 = tpu.memref_squeeze %dma_start3A_103 : memref<1x10240x128xf32, #tpu.memory_space<hbm>> -> memref<10240x128xf32, #tpu.memory_space<hbm>>
    %dma_start3A_105 = arith.constant 0 : i32
    %dma_start3A_106 = arith.constant 0 : i32
    %dma_start3A_107 = tpu.memref_slice %dma_start3A_104[%dma_start3A_105, %dma_start3A_106] : memref<10240x128xf32, #tpu.memory_space<hbm>> -> memref<10240x128xf32, #tpu.memory_space<hbm>>
    tpu.enqueue_indirect_dma source(%dma_start3A_107 : memref<10240x128xf32, #tpu.memory_space<hbm>>) target(%arg11 : memref<128x128xf32, #tpu.memory_space<vmem>>) offsets(%dma_start3A_100 : memref<128xi32, #tpu.memory_space<vmem>>) semaphore(%arg13 : memref<!tpu.dma_semaphore, #tpu.memory_space<semaphore_mem>>)
    %scan3A = arith.constant 0 : i32
    %scan3A_108 = arith.constant 0 : i32
    %scan3A_109 = arith.constant 20 : i32
    %scan3A_110 = arith.addi %scan3A_108, %scan3A_109 : i32
    %scan3A_111 = arith.constant 1 : i32
    scf.for %scan3A_212 = %scan3A_108 to %scan3A_110 step %scan3A_111  : i32 {
      %mul3A_213 = arith.constant 2 : i32
      %mul3A_214 = arith.muli %mul3A_213, %scan3A_212 : i32
      %mul3A_215 = arith.constant 2 : i32
      %mul3A_216 = arith.muli %mul3A_215, %scan3A_212 : i32
      %add3A_217 = arith.constant 1 : i32
      %add3A_218 = arith.addi %mul3A_216, %add3A_217 : i32
      %dma_wait3A_219 = arith.constant 0 : i32
      %dma_wait3A_220 = tpu.memref_slice %arg8[%mul3A_214, %dma_wait3A_219] : memref<40x128xi32, #tpu.memory_space<vmem>> -> memref<1x128xi32, #tpu.memory_space<vmem>>
      %dma_wait3A_221 = tpu.memref_squeeze %dma_wait3A_220 : memref<1x128xi32, #tpu.memory_space<vmem>> -> memref<128xi32, #tpu.memory_space<vmem>>
      %dma_wait3A_222 = arith.constant 0 : i32
      %dma_wait3A_223 = arith.constant 0 : i32
      %dma_wait3A_224 = tpu.memref_slice %arg2[%arg0, %dma_wait3A_222, %dma_wait3A_223] : memref<2x10240x128xf32, #tpu.memory_space<hbm>> -> memref<1x10240x128xf32, #tpu.memory_space<hbm>>
      %dma_wait3A_225 = tpu.memref_squeeze %dma_wait3A_224 : memref<1x10240x128xf32, #tpu.memory_space<hbm>> -> memref<10240x128xf32, #tpu.memory_space<hbm>>
      %dma_wait3A_226 = arith.constant 0 : i32
      %dma_wait3A_227 = arith.constant 0 : i32
      %dma_wait3A_228 = tpu.memref_slice %dma_wait3A_225[%dma_wait3A_226, %dma_wait3A_227] : memref<10240x128xf32, #tpu.memory_space<hbm>> -> memref<10240x128xf32, #tpu.memory_space<hbm>>
      tpu.wait_indirect_dma semaphore(%arg12 : memref<!tpu.dma_semaphore, #tpu.memory_space<semaphore_mem>>) src(%dma_wait3A_228 : memref<10240x128xf32, #tpu.memory_space<hbm>>) dst(%arg10 : memref<128x128xf32, #tpu.memory_space<vmem>>)
      %dma_start3A_229 = arith.constant 0 : i32
      %dma_start3A_230 = tpu.memref_slice %arg9[%mul3A_214, %dma_start3A_229] : memref<40x128xi32, #tpu.memory_space<vmem>> -> memref<1x128xi32, #tpu.memory_space<vmem>>
      %dma_start3A_231 = tpu.memref_squeeze %dma_start3A_230 : memref<1x128xi32, #tpu.memory_space<vmem>> -> memref<128xi32, #tpu.memory_space<vmem>>
      %dma_start3A_232 = arith.constant 0 : i32
      %dma_start3A_233 = arith.constant 0 : i32
      %dma_start3A_234 = tpu.memref_slice %arg7[%dma_start3A_232, %dma_start3A_233] : memref<10240x128xf32, #tpu.memory_space<vmem_shared>> -> memref<10240x128xf32, #tpu.memory_space<vmem_shared>>
      tpu.enqueue_indirect_dma source(%arg10 : memref<128x128xf32, #tpu.memory_space<vmem>>) target(%dma_start3A_234 : memref<10240x128xf32, #tpu.memory_space<vmem_shared>>) offsets(%dma_start3A_231 : memref<128xi32, #tpu.memory_space<vmem>>) semaphore(%arg14 : memref<!tpu.dma_semaphore, #tpu.memory_space<semaphore_mem>>) {add = true}
      %dma_wait3A_235 = arith.constant 0 : i32
      %dma_wait3A_236 = tpu.memref_slice %arg8[%add3A_218, %dma_wait3A_235] : memref<40x128xi32, #tpu.memory_space<vmem>> -> memref<1x128xi32, #tpu.memory_space<vmem>>
      %dma_wait3A_237 = tpu.memref_squeeze %dma_wait3A_236 : memref<1x128xi32, #tpu.memory_space<vmem>> -> memref<128xi32, #tpu.memory_space<vmem>>
      %dma_wait3A_238 = arith.constant 0 : i32
      %dma_wait3A_239 = arith.constant 0 : i32
      %dma_wait3A_240 = tpu.memref_slice %arg2[%arg0, %dma_wait3A_238, %dma_wait3A_239] : memref<2x10240x128xf32, #tpu.memory_space<hbm>> -> memref<1x10240x128xf32, #tpu.memory_space<hbm>>
      %dma_wait3A_241 = tpu.memref_squeeze %dma_wait3A_240 : memref<1x10240x128xf32, #tpu.memory_space<hbm>> -> memref<10240x128xf32, #tpu.memory_space<hbm>>
      %dma_wait3A_242 = arith.constant 0 : i32
      %dma_wait3A_243 = arith.constant 0 : i32
      %dma_wait3A_244 = tpu.memref_slice %dma_wait3A_241[%dma_wait3A_242, %dma_wait3A_243] : memref<10240x128xf32, #tpu.memory_space<hbm>> -> memref<10240x128xf32, #tpu.memory_space<hbm>>
      tpu.wait_indirect_dma semaphore(%arg13 : memref<!tpu.dma_semaphore, #tpu.memory_space<semaphore_mem>>) src(%dma_wait3A_244 : memref<10240x128xf32, #tpu.memory_space<hbm>>) dst(%arg11 : memref<128x128xf32, #tpu.memory_space<vmem>>)
      %dma_start3A_245 = arith.constant 0 : i32
      %dma_start3A_246 = tpu.memref_slice %arg9[%add3A_218, %dma_start3A_245] : memref<40x128xi32, #tpu.memory_space<vmem>> -> memref<1x128xi32, #tpu.memory_space<vmem>>
      %dma_start3A_247 = tpu.memref_squeeze %dma_start3A_246 : memref<1x128xi32, #tpu.memory_space<vmem>> -> memref<128xi32, #tpu.memory_space<vmem>>
      %dma_start3A_248 = arith.constant 0 : i32
      %dma_start3A_249 = arith.constant 0 : i32
      %dma_start3A_250 = tpu.memref_slice %arg7[%dma_start3A_248, %dma_start3A_249] : memref<10240x128xf32, #tpu.memory_space<vmem_shared>> -> memref<10240x128xf32, #tpu.memory_space<vmem_shared>>
      tpu.enqueue_indirect_dma source(%arg11 : memref<128x128xf32, #tpu.memory_space<vmem>>) target(%dma_start3A_250 : memref<10240x128xf32, #tpu.memory_space<vmem_shared>>) offsets(%dma_start3A_247 : memref<128xi32, #tpu.memory_space<vmem>>) semaphore(%arg14 : memref<!tpu.dma_semaphore, #tpu.memory_space<semaphore_mem>>) {add = true}
      %dma_wait3A_251 = arith.constant 0 : i32
      %dma_wait3A_252 = tpu.memref_slice %arg9[%mul3A_214, %dma_wait3A_251] : memref<40x128xi32, #tpu.memory_space<vmem>> -> memref<1x128xi32, #tpu.memory_space<vmem>>
      %dma_wait3A_253 = tpu.memref_squeeze %dma_wait3A_252 : memref<1x128xi32, #tpu.memory_space<vmem>> -> memref<128xi32, #tpu.memory_space<vmem>>
      %dma_wait3A_254 = arith.constant 0 : i32
      %dma_wait3A_255 = arith.constant 0 : i32
      %dma_wait3A_256 = tpu.memref_slice %arg7[%dma_wait3A_254, %dma_wait3A_255] : memref<10240x128xf32, #tpu.memory_space<vmem_shared>> -> memref<10240x128xf32, #tpu.memory_space<vmem_shared>>
      tpu.wait_indirect_dma semaphore(%arg14 : memref<!tpu.dma_semaphore, #tpu.memory_space<semaphore_mem>>) src(%arg10 : memref<128x128xf32, #tpu.memory_space<vmem>>) dst(%dma_wait3A_256 : memref<10240x128xf32, #tpu.memory_space<vmem_shared>>)
      %lt3A = arith.constant 19 : i32
      %lt3A_257 = arith.cmpi slt, %scan3A_212, %lt3A : i32
      %convert_element_type3A = arith.extui %lt3A_257 : i1 to i32
      %cond3A = arith.constant 0 : i32
      %cond3A_258 = arith.cmpi ne, %convert_element_type3A, %cond3A : i32
      scf.if %cond3A_258 {
        %add3A_270 = arith.constant 2 : i32
        %add3A_271 = arith.addi %mul3A_214, %add3A_270 : i32
        %dma_start3A_272 = arith.constant 0 : i32
        %dma_start3A_273 = tpu.memref_slice %arg8[%add3A_271, %dma_start3A_272] : memref<40x128xi32, #tpu.memory_space<vmem>> -> memref<1x128xi32, #tpu.memory_space<vmem>>
        %dma_start3A_274 = tpu.memref_squeeze %dma_start3A_273 : memref<1x128xi32, #tpu.memory_space<vmem>> -> memref<128xi32, #tpu.memory_space<vmem>>
        %dma_start3A_275 = arith.constant 0 : i32
        %dma_start3A_276 = arith.constant 0 : i32
        %dma_start3A_277 = tpu.memref_slice %arg2[%arg0, %dma_start3A_275, %dma_start3A_276] : memref<2x10240x128xf32, #tpu.memory_space<hbm>> -> memref<1x10240x128xf32, #tpu.memory_space<hbm>>
        %dma_start3A_278 = tpu.memref_squeeze %dma_start3A_277 : memref<1x10240x128xf32, #tpu.memory_space<hbm>> -> memref<10240x128xf32, #tpu.memory_space<hbm>>
        %dma_start3A_279 = arith.constant 0 : i32
        %dma_start3A_280 = arith.constant 0 : i32
        %dma_start3A_281 = tpu.memref_slice %dma_start3A_278[%dma_start3A_279, %dma_start3A_280] : memref<10240x128xf32, #tpu.memory_space<hbm>> -> memref<10240x128xf32, #tpu.memory_space<hbm>>
        tpu.enqueue_indirect_dma source(%dma_start3A_281 : memref<10240x128xf32, #tpu.memory_space<hbm>>) target(%arg10 : memref<128x128xf32, #tpu.memory_space<vmem>>) offsets(%dma_start3A_274 : memref<128xi32, #tpu.memory_space<vmem>>) semaphore(%arg12 : memref<!tpu.dma_semaphore, #tpu.memory_space<semaphore_mem>>)
      } else {
      }
      %dma_wait3A_259 = arith.constant 0 : i32
      %dma_wait3A_260 = tpu.memref_slice %arg9[%add3A_218, %dma_wait3A_259] : memref<40x128xi32, #tpu.memory_space<vmem>> -> memref<1x128xi32, #tpu.memory_space<vmem>>
      %dma_wait3A_261 = tpu.memref_squeeze %dma_wait3A_260 : memref<1x128xi32, #tpu.memory_space<vmem>> -> memref<128xi32, #tpu.memory_space<vmem>>
      %dma_wait3A_262 = arith.constant 0 : i32
      %dma_wait3A_263 = arith.constant 0 : i32
      %dma_wait3A_264 = tpu.memref_slice %arg7[%dma_wait3A_262, %dma_wait3A_263] : memref<10240x128xf32, #tpu.memory_space<vmem_shared>> -> memref<10240x128xf32, #tpu.memory_space<vmem_shared>>
      tpu.wait_indirect_dma semaphore(%arg14 : memref<!tpu.dma_semaphore, #tpu.memory_space<semaphore_mem>>) src(%arg11 : memref<128x128xf32, #tpu.memory_space<vmem>>) dst(%dma_wait3A_264 : memref<10240x128xf32, #tpu.memory_space<vmem_shared>>)
      %lt3A_265 = arith.constant 19 : i32
      %lt3A_266 = arith.cmpi slt, %scan3A_212, %lt3A_265 : i32
      %convert_element_type3A_267 = arith.extui %lt3A_266 : i1 to i32
      %cond3A_268 = arith.constant 0 : i32
      %cond3A_269 = arith.cmpi ne, %convert_element_type3A_267, %cond3A_268 : i32
      scf.if %cond3A_269 {
        %add3A_270 = arith.constant 2 : i32
        %add3A_271 = arith.addi %add3A_218, %add3A_270 : i32
        %dma_start3A_272 = arith.constant 0 : i32
        %dma_start3A_273 = tpu.memref_slice %arg8[%add3A_271, %dma_start3A_272] : memref<40x128xi32, #tpu.memory_space<vmem>> -> memref<1x128xi32, #tpu.memory_space<vmem>>
        %dma_start3A_274 = tpu.memref_squeeze %dma_start3A_273 : memref<1x128xi32, #tpu.memory_space<vmem>> -> memref<128xi32, #tpu.memory_space<vmem>>
        %dma_start3A_275 = arith.constant 0 : i32
        %dma_start3A_276 = arith.constant 0 : i32
        %dma_start3A_277 = tpu.memref_slice %arg2[%arg0, %dma_start3A_275, %dma_start3A_276] : memref<2x10240x128xf32, #tpu.memory_space<hbm>> -> memref<1x10240x128xf32, #tpu.memory_space<hbm>>
        %dma_start3A_278 = tpu.memref_squeeze %dma_start3A_277 : memref<1x10240x128xf32, #tpu.memory_space<hbm>> -> memref<10240x128xf32, #tpu.memory_space<hbm>>
        %dma_start3A_279 = arith.constant 0 : i32
        %dma_start3A_280 = arith.constant 0 : i32
        %dma_start3A_281 = tpu.memref_slice %dma_start3A_278[%dma_start3A_279, %dma_start3A_280] : memref<10240x128xf32, #tpu.memory_space<hbm>> -> memref<10240x128xf32, #tpu.memory_space<hbm>>
        tpu.enqueue_indirect_dma source(%dma_start3A_281 : memref<10240x128xf32, #tpu.memory_space<hbm>>) target(%arg11 : memref<128x128xf32, #tpu.memory_space<vmem>>) offsets(%dma_start3A_274 : memref<128xi32, #tpu.memory_space<vmem>>) semaphore(%arg13 : memref<!tpu.dma_semaphore, #tpu.memory_space<semaphore_mem>>)
      } else {
      }
    }
    %scan3A_112 = arith.constant 20 : i32
    "tpu.region"() ({
      %run_scoped3A = tpu.sem_alloc : memref<!tpu.dma_semaphore, #tpu.memory_space<semaphore_mem>>
      %dma_start3A_212 = arith.constant 40 : i32
      %dma_start3A_213 = arith.constant 0 : i32
      %dma_start3A_214 = tpu.memref_slice %arg4[%arg1, %dma_start3A_212, %dma_start3A_213] : memref<16x80x128xi32, #tpu.memory_space<hbm>> -> memref<1x40x128xi32, #tpu.memory_space<hbm>>
      %dma_start3A_215 = tpu.memref_squeeze %dma_start3A_214 : memref<1x40x128xi32, #tpu.memory_space<hbm>> -> memref<40x128xi32, #tpu.memory_space<hbm>>
      %dma_start3A_216 = arith.constant 40 : i32
      %dma_start3A_217 = arith.constant 0 : i32
      %dma_start3A_218 = tpu.memref_slice %arg4[%arg1, %dma_start3A_216, %dma_start3A_217] : memref<16x80x128xi32, #tpu.memory_space<hbm>> -> memref<1x40x128xi32, #tpu.memory_space<hbm>>
      %dma_start3A_219 = tpu.memref_squeeze %dma_start3A_218 : memref<1x40x128xi32, #tpu.memory_space<hbm>> -> memref<40x128xi32, #tpu.memory_space<hbm>>
      tpu.enqueue_dma source(%dma_start3A_219 : memref<40x128xi32, #tpu.memory_space<hbm>>) target(%arg8 : memref<40x128xi32, #tpu.memory_space<vmem>>) target_semaphore(%run_scoped3A : memref<!tpu.dma_semaphore, #tpu.memory_space<semaphore_mem>>)
      %dma_wait3A_220 = arith.constant 40 : i32
      %dma_wait3A_221 = arith.constant 0 : i32
      %dma_wait3A_222 = tpu.memref_slice %arg4[%arg1, %dma_wait3A_220, %dma_wait3A_221] : memref<16x80x128xi32, #tpu.memory_space<hbm>> -> memref<1x40x128xi32, #tpu.memory_space<hbm>>
      %dma_wait3A_223 = tpu.memref_squeeze %dma_wait3A_222 : memref<1x40x128xi32, #tpu.memory_space<hbm>> -> memref<40x128xi32, #tpu.memory_space<hbm>>
      %dma_wait3A_224 = arith.constant 40 : i32
      %dma_wait3A_225 = arith.constant 0 : i32
      %dma_wait3A_226 = tpu.memref_slice %arg4[%arg1, %dma_wait3A_224, %dma_wait3A_225] : memref<16x80x128xi32, #tpu.memory_space<hbm>> -> memref<1x40x128xi32, #tpu.memory_space<hbm>>
      %dma_wait3A_227 = tpu.memref_squeeze %dma_wait3A_226 : memref<1x40x128xi32, #tpu.memory_space<hbm>> -> memref<40x128xi32, #tpu.memory_space<hbm>>
      tpu.wait_dma2 semaphore(%run_scoped3A : memref<!tpu.dma_semaphore, #tpu.memory_space<semaphore_mem>>) src(%dma_wait3A_227 : memref<40x128xi32, #tpu.memory_space<hbm>>) dst(%arg8 : memref<40x128xi32, #tpu.memory_space<vmem>>)
      tpu.yield
    }) : () -> ()
    "tpu.region"() ({
      %run_scoped3A = tpu.sem_alloc : memref<!tpu.dma_semaphore, #tpu.memory_space<semaphore_mem>>
      %dma_start3A_212 = arith.constant 40 : i32
      %dma_start3A_213 = arith.constant 0 : i32
      %dma_start3A_214 = tpu.memref_slice %arg5[%arg1, %dma_start3A_212, %dma_start3A_213] : memref<16x80x128xi32, #tpu.memory_space<hbm>> -> memref<1x40x128xi32, #tpu.memory_space<hbm>>
      %dma_start3A_215 = tpu.memref_squeeze %dma_start3A_214 : memref<1x40x128xi32, #tpu.memory_space<hbm>> -> memref<40x128xi32, #tpu.memory_space<hbm>>
      %dma_start3A_216 = arith.constant 40 : i32
      %dma_start3A_217 = arith.constant 0 : i32
      %dma_start3A_218 = tpu.memref_slice %arg5[%arg1, %dma_start3A_216, %dma_start3A_217] : memref<16x80x128xi32, #tpu.memory_space<hbm>> -> memref<1x40x128xi32, #tpu.memory_space<hbm>>
      %dma_start3A_219 = tpu.memref_squeeze %dma_start3A_218 : memref<1x40x128xi32, #tpu.memory_space<hbm>> -> memref<40x128xi32, #tpu.memory_space<hbm>>
      tpu.enqueue_dma source(%dma_start3A_219 : memref<40x128xi32, #tpu.memory_space<hbm>>) target(%arg9 : memref<40x128xi32, #tpu.memory_space<vmem>>) target_semaphore(%run_scoped3A : memref<!tpu.dma_semaphore, #tpu.memory_space<semaphore_mem>>)
      %dma_wait3A_220 = arith.constant 40 : i32
      %dma_wait3A_221 = arith.constant 0 : i32
      %dma_wait3A_222 = tpu.memref_slice %arg5[%arg1, %dma_wait3A_220, %dma_wait3A_221] : memref<16x80x128xi32, #tpu.memory_space<hbm>> -> memref<1x40x128xi32, #tpu.memory_space<hbm>>
      %dma_wait3A_223 = tpu.memref_squeeze %dma_wait3A_222 : memref<1x40x128xi32, #tpu.memory_space<hbm>> -> memref<40x128xi32, #tpu.memory_space<hbm>>
      %dma_wait3A_224 = arith.constant 40 : i32
      %dma_wait3A_225 = arith.constant 0 : i32
      %dma_wait3A_226 = tpu.memref_slice %arg5[%arg1, %dma_wait3A_224, %dma_wait3A_225] : memref<16x80x128xi32, #tpu.memory_space<hbm>> -> memref<1x40x128xi32, #tpu.memory_space<hbm>>
      %dma_wait3A_227 = tpu.memref_squeeze %dma_wait3A_226 : memref<1x40x128xi32, #tpu.memory_space<hbm>> -> memref<40x128xi32, #tpu.memory_space<hbm>>
      tpu.wait_dma2 semaphore(%run_scoped3A : memref<!tpu.dma_semaphore, #tpu.memory_space<semaphore_mem>>) src(%dma_wait3A_227 : memref<40x128xi32, #tpu.memory_space<hbm>>) dst(%arg9 : memref<40x128xi32, #tpu.memory_space<vmem>>)
      tpu.yield
    }) : () -> ()
    %dma_start3A_113 = arith.constant 0 : i32
    %dma_start3A_114 = arith.constant 0 : i32
    %dma_start3A_115 = tpu.memref_slice %arg8[%dma_start3A_113, %dma_start3A_114] : memref<40x128xi32, #tpu.memory_space<vmem>> -> memref<1x128xi32, #tpu.memory_space<vmem>>
    %dma_start3A_116 = tpu.memref_squeeze %dma_start3A_115 : memref<1x128xi32, #tpu.memory_space<vmem>> -> memref<128xi32, #tpu.memory_space<vmem>>
    %dma_start3A_117 = arith.constant 0 : i32
    %dma_start3A_118 = arith.constant 0 : i32
    %dma_start3A_119 = tpu.memref_slice %arg2[%arg0, %dma_start3A_117, %dma_start3A_118] : memref<2x10240x128xf32, #tpu.memory_space<hbm>> -> memref<1x10240x128xf32, #tpu.memory_space<hbm>>
    %dma_start3A_120 = tpu.memref_squeeze %dma_start3A_119 : memref<1x10240x128xf32, #tpu.memory_space<hbm>> -> memref<10240x128xf32, #tpu.memory_space<hbm>>
    %dma_start3A_121 = arith.constant 0 : i32
    %dma_start3A_122 = arith.constant 0 : i32
    %dma_start3A_123 = tpu.memref_slice %dma_start3A_120[%dma_start3A_121, %dma_start3A_122] : memref<10240x128xf32, #tpu.memory_space<hbm>> -> memref<10240x128xf32, #tpu.memory_space<hbm>>
    tpu.enqueue_indirect_dma source(%dma_start3A_123 : memref<10240x128xf32, #tpu.memory_space<hbm>>) target(%arg10 : memref<128x128xf32, #tpu.memory_space<vmem>>) offsets(%dma_start3A_116 : memref<128xi32, #tpu.memory_space<vmem>>) semaphore(%arg12 : memref<!tpu.dma_semaphore, #tpu.memory_space<semaphore_mem>>)
    %dma_start3A_124 = arith.constant 1 : i32
    %dma_start3A_125 = arith.constant 0 : i32
    %dma_start3A_126 = tpu.memref_slice %arg8[%dma_start3A_124, %dma_start3A_125] : memref<40x128xi32, #tpu.memory_space<vmem>> -> memref<1x128xi32, #tpu.memory_space<vmem>>
    %dma_start3A_127 = tpu.memref_squeeze %dma_start3A_126 : memref<1x128xi32, #tpu.memory_space<vmem>> -> memref<128xi32, #tpu.memory_space<vmem>>
    %dma_start3A_128 = arith.constant 0 : i32
    %dma_start3A_129 = arith.constant 0 : i32
    %dma_start3A_130 = tpu.memref_slice %arg2[%arg0, %dma_start3A_128, %dma_start3A_129] : memref<2x10240x128xf32, #tpu.memory_space<hbm>> -> memref<1x10240x128xf32, #tpu.memory_space<hbm>>
    %dma_start3A_131 = tpu.memref_squeeze %dma_start3A_130 : memref<1x10240x128xf32, #tpu.memory_space<hbm>> -> memref<10240x128xf32, #tpu.memory_space<hbm>>
    %dma_start3A_132 = arith.constant 0 : i32
    %dma_start3A_133 = arith.constant 0 : i32
    %dma_start3A_134 = tpu.memref_slice %dma_start3A_131[%dma_start3A_132, %dma_start3A_133] : memref<10240x128xf32, #tpu.memory_space<hbm>> -> memref<10240x128xf32, #tpu.memory_space<hbm>>
    tpu.enqueue_indirect_dma source(%dma_start3A_134 : memref<10240x128xf32, #tpu.memory_space<hbm>>) target(%arg11 : memref<128x128xf32, #tpu.memory_space<vmem>>) offsets(%dma_start3A_127 : memref<128xi32, #tpu.memory_space<vmem>>) semaphore(%arg13 : memref<!tpu.dma_semaphore, #tpu.memory_space<semaphore_mem>>)
    %scan3A_135 = arith.constant 0 : i32
    %scan3A_136 = arith.constant 0 : i32
    %scan3A_137 = arith.constant 20 : i32
    %scan3A_138 = arith.addi %scan3A_136, %scan3A_137 : i32
    %scan3A_139 = arith.constant 1 : i32
    scf.for %scan3A_212 = %scan3A_136 to %scan3A_138 step %scan3A_139  : i32 {
      %mul3A_213 = arith.constant 2 : i32
      %mul3A_214 = arith.muli %mul3A_213, %scan3A_212 : i32
      %mul3A_215 = arith.constant 2 : i32
      %mul3A_216 = arith.muli %mul3A_215, %scan3A_212 : i32
      %add3A_217 = arith.constant 1 : i32
      %add3A_218 = arith.addi %mul3A_216, %add3A_217 : i32
      %dma_wait3A_219 = arith.constant 0 : i32
      %dma_wait3A_220 = tpu.memref_slice %arg8[%mul3A_214, %dma_wait3A_219] : memref<40x128xi32, #tpu.memory_space<vmem>> -> memref<1x128xi32, #tpu.memory_space<vmem>>
      %dma_wait3A_221 = tpu.memref_squeeze %dma_wait3A_220 : memref<1x128xi32, #tpu.memory_space<vmem>> -> memref<128xi32, #tpu.memory_space<vmem>>
      %dma_wait3A_222 = arith.constant 0 : i32
      %dma_wait3A_223 = arith.constant 0 : i32
      %dma_wait3A_224 = tpu.memref_slice %arg2[%arg0, %dma_wait3A_222, %dma_wait3A_223] : memref<2x10240x128xf32, #tpu.memory_space<hbm>> -> memref<1x10240x128xf32, #tpu.memory_space<hbm>>
      %dma_wait3A_225 = tpu.memref_squeeze %dma_wait3A_224 : memref<1x10240x128xf32, #tpu.memory_space<hbm>> -> memref<10240x128xf32, #tpu.memory_space<hbm>>
      %dma_wait3A_226 = arith.constant 0 : i32
      %dma_wait3A_227 = arith.constant 0 : i32
      %dma_wait3A_228 = tpu.memref_slice %dma_wait3A_225[%dma_wait3A_226, %dma_wait3A_227] : memref<10240x128xf32, #tpu.memory_space<hbm>> -> memref<10240x128xf32, #tpu.memory_space<hbm>>
      tpu.wait_indirect_dma semaphore(%arg12 : memref<!tpu.dma_semaphore, #tpu.memory_space<semaphore_mem>>) src(%dma_wait3A_228 : memref<10240x128xf32, #tpu.memory_space<hbm>>) dst(%arg10 : memref<128x128xf32, #tpu.memory_space<vmem>>)
      %dma_start3A_229 = arith.constant 0 : i32
      %dma_start3A_230 = tpu.memref_slice %arg9[%mul3A_214, %dma_start3A_229] : memref<40x128xi32, #tpu.memory_space<vmem>> -> memref<1x128xi32, #tpu.memory_space<vmem>>
      %dma_start3A_231 = tpu.memref_squeeze %dma_start3A_230 : memref<1x128xi32, #tpu.memory_space<vmem>> -> memref<128xi32, #tpu.memory_space<vmem>>
      %dma_start3A_232 = arith.constant 0 : i32
      %dma_start3A_233 = arith.constant 0 : i32
      %dma_start3A_234 = tpu.memref_slice %arg7[%dma_start3A_232, %dma_start3A_233] : memref<10240x128xf32, #tpu.memory_space<vmem_shared>> -> memref<10240x128xf32, #tpu.memory_space<vmem_shared>>
      tpu.enqueue_indirect_dma source(%arg10 : memref<128x128xf32, #tpu.memory_space<vmem>>) target(%dma_start3A_234 : memref<10240x128xf32, #tpu.memory_space<vmem_shared>>) offsets(%dma_start3A_231 : memref<128xi32, #tpu.memory_space<vmem>>) semaphore(%arg14 : memref<!tpu.dma_semaphore, #tpu.memory_space<semaphore_mem>>) {add = true}
      %dma_wait3A_235 = arith.constant 0 : i32
      %dma_wait3A_236 = tpu.memref_slice %arg8[%add3A_218, %dma_wait3A_235] : memref<40x128xi32, #tpu.memory_space<vmem>> -> memref<1x128xi32, #tpu.memory_space<vmem>>
      %dma_wait3A_237 = tpu.memref_squeeze %dma_wait3A_236 : memref<1x128xi32, #tpu.memory_space<vmem>> -> memref<128xi32, #tpu.memory_space<vmem>>
      %dma_wait3A_238 = arith.constant 0 : i32
      %dma_wait3A_239 = arith.constant 0 : i32
      %dma_wait3A_240 = tpu.memref_slice %arg2[%arg0, %dma_wait3A_238, %dma_wait3A_239] : memref<2x10240x128xf32, #tpu.memory_space<hbm>> -> memref<1x10240x128xf32, #tpu.memory_space<hbm>>
      %dma_wait3A_241 = tpu.memref_squeeze %dma_wait3A_240 : memref<1x10240x128xf32, #tpu.memory_space<hbm>> -> memref<10240x128xf32, #tpu.memory_space<hbm>>
      %dma_wait3A_242 = arith.constant 0 : i32
      %dma_wait3A_243 = arith.constant 0 : i32
      %dma_wait3A_244 = tpu.memref_slice %dma_wait3A_241[%dma_wait3A_242, %dma_wait3A_243] : memref<10240x128xf32, #tpu.memory_space<hbm>> -> memref<10240x128xf32, #tpu.memory_space<hbm>>
      tpu.wait_indirect_dma semaphore(%arg13 : memref<!tpu.dma_semaphore, #tpu.memory_space<semaphore_mem>>) src(%dma_wait3A_244 : memref<10240x128xf32, #tpu.memory_space<hbm>>) dst(%arg11 : memref<128x128xf32, #tpu.memory_space<vmem>>)
      %dma_start3A_245 = arith.constant 0 : i32
      %dma_start3A_246 = tpu.memref_slice %arg9[%add3A_218, %dma_start3A_245] : memref<40x128xi32, #tpu.memory_space<vmem>> -> memref<1x128xi32, #tpu.memory_space<vmem>>
      %dma_start3A_247 = tpu.memref_squeeze %dma_start3A_246 : memref<1x128xi32, #tpu.memory_space<vmem>> -> memref<128xi32, #tpu.memory_space<vmem>>
      %dma_start3A_248 = arith.constant 0 : i32
      %dma_start3A_249 = arith.constant 0 : i32
      %dma_start3A_250 = tpu.memref_slice %arg7[%dma_start3A_248, %dma_start3A_249] : memref<10240x128xf32, #tpu.memory_space<vmem_shared>> -> memref<10240x128xf32, #tpu.memory_space<vmem_shared>>
      tpu.enqueue_indirect_dma source(%arg11 : memref<128x128xf32, #tpu.memory_space<vmem>>) target(%dma_start3A_250 : memref<10240x128xf32, #tpu.memory_space<vmem_shared>>) offsets(%dma_start3A_247 : memref<128xi32, #tpu.memory_space<vmem>>) semaphore(%arg14 : memref<!tpu.dma_semaphore, #tpu.memory_space<semaphore_mem>>) {add = true}
      %dma_wait3A_251 = arith.constant 0 : i32
      %dma_wait3A_252 = tpu.memref_slice %arg9[%mul3A_214, %dma_wait3A_251] : memref<40x128xi32, #tpu.memory_space<vmem>> -> memref<1x128xi32, #tpu.memory_space<vmem>>
      %dma_wait3A_253 = tpu.memref_squeeze %dma_wait3A_252 : memref<1x128xi32, #tpu.memory_space<vmem>> -> memref<128xi32, #tpu.memory_space<vmem>>
      %dma_wait3A_254 = arith.constant 0 : i32
      %dma_wait3A_255 = arith.constant 0 : i32
      %dma_wait3A_256 = tpu.memref_slice %arg7[%dma_wait3A_254, %dma_wait3A_255] : memref<10240x128xf32, #tpu.memory_space<vmem_shared>> -> memref<10240x128xf32, #tpu.memory_space<vmem_shared>>
      tpu.wait_indirect_dma semaphore(%arg14 : memref<!tpu.dma_semaphore, #tpu.memory_space<semaphore_mem>>) src(%arg10 : memref<128x128xf32, #tpu.memory_space<vmem>>) dst(%dma_wait3A_256 : memref<10240x128xf32, #tpu.memory_space<vmem_shared>>)
      %lt3A = arith.constant 19 : i32
      %lt3A_257 = arith.cmpi slt, %scan3A_212, %lt3A : i32
      %convert_element_type3A = arith.extui %lt3A_257 : i1 to i32
      %cond3A = arith.constant 0 : i32
      %cond3A_258 = arith.cmpi ne, %convert_element_type3A, %cond3A : i32
      scf.if %cond3A_258 {
        %add3A_270 = arith.constant 2 : i32
        %add3A_271 = arith.addi %mul3A_214, %add3A_270 : i32
        %dma_start3A_272 = arith.constant 0 : i32
        %dma_start3A_273 = tpu.memref_slice %arg8[%add3A_271, %dma_start3A_272] : memref<40x128xi32, #tpu.memory_space<vmem>> -> memref<1x128xi32, #tpu.memory_space<vmem>>
        %dma_start3A_274 = tpu.memref_squeeze %dma_start3A_273 : memref<1x128xi32, #tpu.memory_space<vmem>> -> memref<128xi32, #tpu.memory_space<vmem>>
        %dma_start3A_275 = arith.constant 0 : i32
        %dma_start3A_276 = arith.constant 0 : i32
        %dma_start3A_277 = tpu.memref_slice %arg2[%arg0, %dma_start3A_275, %dma_start3A_276] : memref<2x10240x128xf32, #tpu.memory_space<hbm>> -> memref<1x10240x128xf32, #tpu.memory_space<hbm>>
        %dma_start3A_278 = tpu.memref_squeeze %dma_start3A_277 : memref<1x10240x128xf32, #tpu.memory_space<hbm>> -> memref<10240x128xf32, #tpu.memory_space<hbm>>
        %dma_start3A_279 = arith.constant 0 : i32
        %dma_start3A_280 = arith.constant 0 : i32
        %dma_start3A_281 = tpu.memref_slice %dma_start3A_278[%dma_start3A_279, %dma_start3A_280] : memref<10240x128xf32, #tpu.memory_space<hbm>> -> memref<10240x128xf32, #tpu.memory_space<hbm>>
        tpu.enqueue_indirect_dma source(%dma_start3A_281 : memref<10240x128xf32, #tpu.memory_space<hbm>>) target(%arg10 : memref<128x128xf32, #tpu.memory_space<vmem>>) offsets(%dma_start3A_274 : memref<128xi32, #tpu.memory_space<vmem>>) semaphore(%arg12 : memref<!tpu.dma_semaphore, #tpu.memory_space<semaphore_mem>>)
      } else {
      }
      %dma_wait3A_259 = arith.constant 0 : i32
      %dma_wait3A_260 = tpu.memref_slice %arg9[%add3A_218, %dma_wait3A_259] : memref<40x128xi32, #tpu.memory_space<vmem>> -> memref<1x128xi32, #tpu.memory_space<vmem>>
      %dma_wait3A_261 = tpu.memref_squeeze %dma_wait3A_260 : memref<1x128xi32, #tpu.memory_space<vmem>> -> memref<128xi32, #tpu.memory_space<vmem>>
      %dma_wait3A_262 = arith.constant 0 : i32
      %dma_wait3A_263 = arith.constant 0 : i32
      %dma_wait3A_264 = tpu.memref_slice %arg7[%dma_wait3A_262, %dma_wait3A_263] : memref<10240x128xf32, #tpu.memory_space<vmem_shared>> -> memref<10240x128xf32, #tpu.memory_space<vmem_shared>>
      tpu.wait_indirect_dma semaphore(%arg14 : memref<!tpu.dma_semaphore, #tpu.memory_space<semaphore_mem>>) src(%arg11 : memref<128x128xf32, #tpu.memory_space<vmem>>) dst(%dma_wait3A_264 : memref<10240x128xf32, #tpu.memory_space<vmem_shared>>)
      %lt3A_265 = arith.constant 19 : i32
      %lt3A_266 = arith.cmpi slt, %scan3A_212, %lt3A_265 : i32
      %convert_element_type3A_267 = arith.extui %lt3A_266 : i1 to i32
      %cond3A_268 = arith.constant 0 : i32
      %cond3A_269 = arith.cmpi ne, %convert_element_type3A_267, %cond3A_268 : i32
      scf.if %cond3A_269 {
        %add3A_270 = arith.constant 2 : i32
        %add3A_271 = arith.addi %add3A_218, %add3A_270 : i32
        %dma_start3A_272 = arith.constant 0 : i32
        %dma_start3A_273 = tpu.memref_slice %arg8[%add3A_271, %dma_start3A_272] : memref<40x128xi32, #tpu.memory_space<vmem>> -> memref<1x128xi32, #tpu.memory_space<vmem>>
        %dma_start3A_274 = tpu.memref_squeeze %dma_start3A_273 : memref<1x128xi32, #tpu.memory_space<vmem>> -> memref<128xi32, #tpu.memory_space<vmem>>
        %dma_start3A_275 = arith.constant 0 : i32
        %dma_start3A_276 = arith.constant 0 : i32
        %dma_start3A_277 = tpu.memref_slice %arg2[%arg0, %dma_start3A_275, %dma_start3A_276] : memref<2x10240x128xf32, #tpu.memory_space<hbm>> -> memref<1x10240x128xf32, #tpu.memory_space<hbm>>
        %dma_start3A_278 = tpu.memref_squeeze %dma_start3A_277 : memref<1x10240x128xf32, #tpu.memory_space<hbm>> -> memref<10240x128xf32, #tpu.memory_space<hbm>>
        %dma_start3A_279 = arith.constant 0 : i32
        %dma_start3A_280 = arith.constant 0 : i32
        %dma_start3A_281 = tpu.memref_slice %dma_start3A_278[%dma_start3A_279, %dma_start3A_280] : memref<10240x128xf32, #tpu.memory_space<hbm>> -> memref<10240x128xf32, #tpu.memory_space<hbm>>
        tpu.enqueue_indirect_dma source(%dma_start3A_281 : memref<10240x128xf32, #tpu.memory_space<hbm>>) target(%arg11 : memref<128x128xf32, #tpu.memory_space<vmem>>) offsets(%dma_start3A_274 : memref<128xi32, #tpu.memory_space<vmem>>) semaphore(%arg13 : memref<!tpu.dma_semaphore, #tpu.memory_space<semaphore_mem>>)
      } else {
      }
    }
    %scan3A_140 = arith.constant 20 : i32
    %barrier3A_141 = arith.constant 0 : index
    tpu.barrier barrier_id(%barrier3A_141)
    %add3A_142 = arith.constant 0 : i32
    %add3A_143 = arith.addi %mul3A_0, %add3A_142 : i32
    "tpu.region"() ({
      %run_scoped3A = tpu.sem_alloc : memref<!tpu.dma_semaphore, #tpu.memory_space<semaphore_mem>>
      %dma_start3A_212 = arith.constant 0 : i32
      %dma_start3A_213 = tpu.memref_slice %arg7[%add3A_143, %dma_start3A_212] : memref<10240x128xf32, #tpu.memory_space<vmem_shared>> -> memref<128x128xf32, #tpu.memory_space<vmem_shared>>
      %dma_start3A_214 = arith.constant 0 : i32
      %dma_start3A_215 = tpu.memref_slice %arg7[%add3A_143, %dma_start3A_214] : memref<10240x128xf32, #tpu.memory_space<vmem_shared>> -> memref<128x128xf32, #tpu.memory_space<vmem_shared>>
      tpu.enqueue_dma source(%dma_start3A_215 : memref<128x128xf32, #tpu.memory_space<vmem_shared>>) target(%arg10 : memref<128x128xf32, #tpu.memory_space<vmem>>) target_semaphore(%run_scoped3A : memref<!tpu.dma_semaphore, #tpu.memory_space<semaphore_mem>>)
      %dma_wait3A_216 = arith.constant 0 : i32
      %dma_wait3A_217 = tpu.memref_slice %arg7[%add3A_143, %dma_wait3A_216] : memref<10240x128xf32, #tpu.memory_space<vmem_shared>> -> memref<128x128xf32, #tpu.memory_space<vmem_shared>>
      %dma_wait3A_218 = arith.constant 0 : i32
      %dma_wait3A_219 = tpu.memref_slice %arg7[%add3A_143, %dma_wait3A_218] : memref<10240x128xf32, #tpu.memory_space<vmem_shared>> -> memref<128x128xf32, #tpu.memory_space<vmem_shared>>
      tpu.wait_dma2 semaphore(%run_scoped3A : memref<!tpu.dma_semaphore, #tpu.memory_space<semaphore_mem>>) src(%dma_wait3A_219 : memref<128x128xf32, #tpu.memory_space<vmem_shared>>) dst(%arg10 : memref<128x128xf32, #tpu.memory_space<vmem>>)
      tpu.yield
    }) : () -> ()
    %dma_start3A_144 = arith.constant 0 : i32
    %dma_start3A_145 = tpu.memref_slice %arg6[%arg0, %add3A_143, %dma_start3A_144] : memref<2x10240x128xf32, #tpu.memory_space<hbm>> -> memref<1x128x128xf32, #tpu.memory_space<hbm>>
    %dma_start3A_146 = tpu.memref_squeeze %dma_start3A_145 : memref<1x128x128xf32, #tpu.memory_space<hbm>> -> memref<128x128xf32, #tpu.memory_space<hbm>>
    %dma_start3A_147 = arith.constant 0 : i32
    %dma_start3A_148 = tpu.memref_slice %arg6[%arg0, %add3A_143, %dma_start3A_147] : memref<2x10240x128xf32, #tpu.memory_space<hbm>> -> memref<1x128x128xf32, #tpu.memory_space<hbm>>
    %dma_start3A_149 = tpu.memref_squeeze %dma_start3A_148 : memref<1x128x128xf32, #tpu.memory_space<hbm>> -> memref<128x128xf32, #tpu.memory_space<hbm>>
    tpu.enqueue_dma source(%arg10 : memref<128x128xf32, #tpu.memory_space<vmem>>) target(%dma_start3A_149 : memref<128x128xf32, #tpu.memory_space<hbm>>) target_semaphore(%arg14 : memref<!tpu.dma_semaphore, #tpu.memory_space<semaphore_mem>>)
    %add3A_150 = arith.constant 128 : i32
    %add3A_151 = arith.addi %mul3A_0, %add3A_150 : i32
    "tpu.region"() ({
      %run_scoped3A = tpu.sem_alloc : memref<!tpu.dma_semaphore, #tpu.memory_space<semaphore_mem>>
      %dma_start3A_212 = arith.constant 0 : i32
      %dma_start3A_213 = tpu.memref_slice %arg7[%add3A_151, %dma_start3A_212] : memref<10240x128xf32, #tpu.memory_space<vmem_shared>> -> memref<128x128xf32, #tpu.memory_space<vmem_shared>>
      %dma_start3A_214 = arith.constant 0 : i32
      %dma_start3A_215 = tpu.memref_slice %arg7[%add3A_151, %dma_start3A_214] : memref<10240x128xf32, #tpu.memory_space<vmem_shared>> -> memref<128x128xf32, #tpu.memory_space<vmem_shared>>
      tpu.enqueue_dma source(%dma_start3A_215 : memref<128x128xf32, #tpu.memory_space<vmem_shared>>) target(%arg11 : memref<128x128xf32, #tpu.memory_space<vmem>>) target_semaphore(%run_scoped3A : memref<!tpu.dma_semaphore, #tpu.memory_space<semaphore_mem>>)
      %dma_wait3A_216 = arith.constant 0 : i32
      %dma_wait3A_217 = tpu.memref_slice %arg7[%add3A_151, %dma_wait3A_216] : memref<10240x128xf32, #tpu.memory_space<vmem_shared>> -> memref<128x128xf32, #tpu.memory_space<vmem_shared>>
      %dma_wait3A_218 = arith.constant 0 : i32
      %dma_wait3A_219 = tpu.memref_slice %arg7[%add3A_151, %dma_wait3A_218] : memref<10240x128xf32, #tpu.memory_space<vmem_shared>> -> memref<128x128xf32, #tpu.memory_space<vmem_shared>>
      tpu.wait_dma2 semaphore(%run_scoped3A : memref<!tpu.dma_semaphore, #tpu.memory_space<semaphore_mem>>) src(%dma_wait3A_219 : memref<128x128xf32, #tpu.memory_space<vmem_shared>>) dst(%arg11 : memref<128x128xf32, #tpu.memory_space<vmem>>)
      tpu.yield
    }) : () -> ()
    %dma_start3A_152 = arith.constant 0 : i32
    %dma_start3A_153 = tpu.memref_slice %arg6[%arg0, %add3A_151, %dma_start3A_152] : memref<2x10240x128xf32, #tpu.memory_space<hbm>> -> memref<1x128x128xf32, #tpu.memory_space<hbm>>
    %dma_start3A_154 = tpu.memref_squeeze %dma_start3A_153 : memref<1x128x128xf32, #tpu.memory_space<hbm>> -> memref<128x128xf32, #tpu.memory_space<hbm>>
    %dma_start3A_155 = arith.constant 0 : i32
    %dma_start3A_156 = tpu.memref_slice %arg6[%arg0, %add3A_151, %dma_start3A_155] : memref<2x10240x128xf32, #tpu.memory_space<hbm>> -> memref<1x128x128xf32, #tpu.memory_space<hbm>>
    %dma_start3A_157 = tpu.memref_squeeze %dma_start3A_156 : memref<1x128x128xf32, #tpu.memory_space<hbm>> -> memref<128x128xf32, #tpu.memory_space<hbm>>
    tpu.enqueue_dma source(%arg11 : memref<128x128xf32, #tpu.memory_space<vmem>>) target(%dma_start3A_157 : memref<128x128xf32, #tpu.memory_space<hbm>>) target_semaphore(%arg14 : memref<!tpu.dma_semaphore, #tpu.memory_space<semaphore_mem>>)
    %add3A_158 = arith.constant 256 : i32
    %add3A_159 = arith.addi %mul3A_0, %add3A_158 : i32
    %dma_wait3A_160 = arith.constant 0 : i32
    %dma_wait3A_161 = tpu.memref_slice %arg6[%arg0, %add3A_143, %dma_wait3A_160] : memref<2x10240x128xf32, #tpu.memory_space<hbm>> -> memref<1x128x128xf32, #tpu.memory_space<hbm>>
    %dma_wait3A_162 = tpu.memref_squeeze %dma_wait3A_161 : memref<1x128x128xf32, #tpu.memory_space<hbm>> -> memref<128x128xf32, #tpu.memory_space<hbm>>
    %dma_wait3A_163 = arith.constant 0 : i32
    %dma_wait3A_164 = tpu.memref_slice %arg6[%arg0, %add3A_143, %dma_wait3A_163] : memref<2x10240x128xf32, #tpu.memory_space<hbm>> -> memref<1x128x128xf32, #tpu.memory_space<hbm>>
    %dma_wait3A_165 = tpu.memref_squeeze %dma_wait3A_164 : memref<1x128x128xf32, #tpu.memory_space<hbm>> -> memref<128x128xf32, #tpu.memory_space<hbm>>
    tpu.wait_dma2 semaphore(%arg14 : memref<!tpu.dma_semaphore, #tpu.memory_space<semaphore_mem>>) src(%arg10 : memref<128x128xf32, #tpu.memory_space<vmem>>) dst(%dma_wait3A_165 : memref<128x128xf32, #tpu.memory_space<hbm>>)
    "tpu.region"() ({
      %run_scoped3A = tpu.sem_alloc : memref<!tpu.dma_semaphore, #tpu.memory_space<semaphore_mem>>
      %dma_start3A_212 = arith.constant 0 : i32
      %dma_start3A_213 = tpu.memref_slice %arg7[%add3A_159, %dma_start3A_212] : memref<10240x128xf32, #tpu.memory_space<vmem_shared>> -> memref<128x128xf32, #tpu.memory_space<vmem_shared>>
      %dma_start3A_214 = arith.constant 0 : i32
      %dma_start3A_215 = tpu.memref_slice %arg7[%add3A_159, %dma_start3A_214] : memref<10240x128xf32, #tpu.memory_space<vmem_shared>> -> memref<128x128xf32, #tpu.memory_space<vmem_shared>>
      tpu.enqueue_dma source(%dma_start3A_215 : memref<128x128xf32, #tpu.memory_space<vmem_shared>>) target(%arg10 : memref<128x128xf32, #tpu.memory_space<vmem>>) target_semaphore(%run_scoped3A : memref<!tpu.dma_semaphore, #tpu.memory_space<semaphore_mem>>)
      %dma_wait3A_216 = arith.constant 0 : i32
      %dma_wait3A_217 = tpu.memref_slice %arg7[%add3A_159, %dma_wait3A_216] : memref<10240x128xf32, #tpu.memory_space<vmem_shared>> -> memref<128x128xf32, #tpu.memory_space<vmem_shared>>
      %dma_wait3A_218 = arith.constant 0 : i32
      %dma_wait3A_219 = tpu.memref_slice %arg7[%add3A_159, %dma_wait3A_218] : memref<10240x128xf32, #tpu.memory_space<vmem_shared>> -> memref<128x128xf32, #tpu.memory_space<vmem_shared>>
      tpu.wait_dma2 semaphore(%run_scoped3A : memref<!tpu.dma_semaphore, #tpu.memory_space<semaphore_mem>>) src(%dma_wait3A_219 : memref<128x128xf32, #tpu.memory_space<vmem_shared>>) dst(%arg10 : memref<128x128xf32, #tpu.memory_space<vmem>>)
      tpu.yield
    }) : () -> ()
    %dma_start3A_166 = arith.constant 0 : i32
    %dma_start3A_167 = tpu.memref_slice %arg6[%arg0, %add3A_159, %dma_start3A_166] : memref<2x10240x128xf32, #tpu.memory_space<hbm>> -> memref<1x128x128xf32, #tpu.memory_space<hbm>>
    %dma_start3A_168 = tpu.memref_squeeze %dma_start3A_167 : memref<1x128x128xf32, #tpu.memory_space<hbm>> -> memref<128x128xf32, #tpu.memory_space<hbm>>
    %dma_start3A_169 = arith.constant 0 : i32
    %dma_start3A_170 = tpu.memref_slice %arg6[%arg0, %add3A_159, %dma_start3A_169] : memref<2x10240x128xf32, #tpu.memory_space<hbm>> -> memref<1x128x128xf32, #tpu.memory_space<hbm>>
    %dma_start3A_171 = tpu.memref_squeeze %dma_start3A_170 : memref<1x128x128xf32, #tpu.memory_space<hbm>> -> memref<128x128xf32, #tpu.memory_space<hbm>>
    tpu.enqueue_dma source(%arg10 : memref<128x128xf32, #tpu.memory_space<vmem>>) target(%dma_start3A_171 : memref<128x128xf32, #tpu.memory_space<hbm>>) target_semaphore(%arg14 : memref<!tpu.dma_semaphore, #tpu.memory_space<semaphore_mem>>)
    %add3A_172 = arith.constant 384 : i32
    %add3A_173 = arith.addi %mul3A_0, %add3A_172 : i32
    %dma_wait3A_174 = arith.constant 0 : i32
    %dma_wait3A_175 = tpu.memref_slice %arg6[%arg0, %add3A_151, %dma_wait3A_174] : memref<2x10240x128xf32, #tpu.memory_space<hbm>> -> memref<1x128x128xf32, #tpu.memory_space<hbm>>
    %dma_wait3A_176 = tpu.memref_squeeze %dma_wait3A_175 : memref<1x128x128xf32, #tpu.memory_space<hbm>> -> memref<128x128xf32, #tpu.memory_space<hbm>>
    %dma_wait3A_177 = arith.constant 0 : i32
    %dma_wait3A_178 = tpu.memref_slice %arg6[%arg0, %add3A_151, %dma_wait3A_177] : memref<2x10240x128xf32, #tpu.memory_space<hbm>> -> memref<1x128x128xf32, #tpu.memory_space<hbm>>
    %dma_wait3A_179 = tpu.memref_squeeze %dma_wait3A_178 : memref<1x128x128xf32, #tpu.memory_space<hbm>> -> memref<128x128xf32, #tpu.memory_space<hbm>>
    tpu.wait_dma2 semaphore(%arg14 : memref<!tpu.dma_semaphore, #tpu.memory_space<semaphore_mem>>) src(%arg11 : memref<128x128xf32, #tpu.memory_space<vmem>>) dst(%dma_wait3A_179 : memref<128x128xf32, #tpu.memory_space<hbm>>)
    "tpu.region"() ({
      %run_scoped3A = tpu.sem_alloc : memref<!tpu.dma_semaphore, #tpu.memory_space<semaphore_mem>>
      %dma_start3A_212 = arith.constant 0 : i32
      %dma_start3A_213 = tpu.memref_slice %arg7[%add3A_173, %dma_start3A_212] : memref<10240x128xf32, #tpu.memory_space<vmem_shared>> -> memref<128x128xf32, #tpu.memory_space<vmem_shared>>
      %dma_start3A_214 = arith.constant 0 : i32
      %dma_start3A_215 = tpu.memref_slice %arg7[%add3A_173, %dma_start3A_214] : memref<10240x128xf32, #tpu.memory_space<vmem_shared>> -> memref<128x128xf32, #tpu.memory_space<vmem_shared>>
      tpu.enqueue_dma source(%dma_start3A_215 : memref<128x128xf32, #tpu.memory_space<vmem_shared>>) target(%arg11 : memref<128x128xf32, #tpu.memory_space<vmem>>) target_semaphore(%run_scoped3A : memref<!tpu.dma_semaphore, #tpu.memory_space<semaphore_mem>>)
      %dma_wait3A_216 = arith.constant 0 : i32
      %dma_wait3A_217 = tpu.memref_slice %arg7[%add3A_173, %dma_wait3A_216] : memref<10240x128xf32, #tpu.memory_space<vmem_shared>> -> memref<128x128xf32, #tpu.memory_space<vmem_shared>>
      %dma_wait3A_218 = arith.constant 0 : i32
      %dma_wait3A_219 = tpu.memref_slice %arg7[%add3A_173, %dma_wait3A_218] : memref<10240x128xf32, #tpu.memory_space<vmem_shared>> -> memref<128x128xf32, #tpu.memory_space<vmem_shared>>
      tpu.wait_dma2 semaphore(%run_scoped3A : memref<!tpu.dma_semaphore, #tpu.memory_space<semaphore_mem>>) src(%dma_wait3A_219 : memref<128x128xf32, #tpu.memory_space<vmem_shared>>) dst(%arg11 : memref<128x128xf32, #tpu.memory_space<vmem>>)
      tpu.yield
    }) : () -> ()
    %dma_start3A_180 = arith.constant 0 : i32
    %dma_start3A_181 = tpu.memref_slice %arg6[%arg0, %add3A_173, %dma_start3A_180] : memref<2x10240x128xf32, #tpu.memory_space<hbm>> -> memref<1x128x128xf32, #tpu.memory_space<hbm>>
    %dma_start3A_182 = tpu.memref_squeeze %dma_start3A_181 : memref<1x128x128xf32, #tpu.memory_space<hbm>> -> memref<128x128xf32, #tpu.memory_space<hbm>>
    %dma_start3A_183 = arith.constant 0 : i32
    %dma_start3A_184 = tpu.memref_slice %arg6[%arg0, %add3A_173, %dma_start3A_183] : memref<2x10240x128xf32, #tpu.memory_space<hbm>> -> memref<1x128x128xf32, #tpu.memory_space<hbm>>
    %dma_start3A_185 = tpu.memref_squeeze %dma_start3A_184 : memref<1x128x128xf32, #tpu.memory_space<hbm>> -> memref<128x128xf32, #tpu.memory_space<hbm>>
    tpu.enqueue_dma source(%arg11 : memref<128x128xf32, #tpu.memory_space<vmem>>) target(%dma_start3A_185 : memref<128x128xf32, #tpu.memory_space<hbm>>) target_semaphore(%arg14 : memref<!tpu.dma_semaphore, #tpu.memory_space<semaphore_mem>>)
    %add3A_186 = arith.constant 512 : i32
    %add3A_187 = arith.addi %mul3A_0, %add3A_186 : i32
    %dma_wait3A_188 = arith.constant 0 : i32
    %dma_wait3A_189 = tpu.memref_slice %arg6[%arg0, %add3A_159, %dma_wait3A_188] : memref<2x10240x128xf32, #tpu.memory_space<hbm>> -> memref<1x128x128xf32, #tpu.memory_space<hbm>>
    %dma_wait3A_190 = tpu.memref_squeeze %dma_wait3A_189 : memref<1x128x128xf32, #tpu.memory_space<hbm>> -> memref<128x128xf32, #tpu.memory_space<hbm>>
    %dma_wait3A_191 = arith.constant 0 : i32
    %dma_wait3A_192 = tpu.memref_slice %arg6[%arg0, %add3A_159, %dma_wait3A_191] : memref<2x10240x128xf32, #tpu.memory_space<hbm>> -> memref<1x128x128xf32, #tpu.memory_space<hbm>>
    %dma_wait3A_193 = tpu.memref_squeeze %dma_wait3A_192 : memref<1x128x128xf32, #tpu.memory_space<hbm>> -> memref<128x128xf32, #tpu.memory_space<hbm>>
    tpu.wait_dma2 semaphore(%arg14 : memref<!tpu.dma_semaphore, #tpu.memory_space<semaphore_mem>>) src(%arg10 : memref<128x128xf32, #tpu.memory_space<vmem>>) dst(%dma_wait3A_193 : memref<128x128xf32, #tpu.memory_space<hbm>>)
    "tpu.region"() ({
      %run_scoped3A = tpu.sem_alloc : memref<!tpu.dma_semaphore, #tpu.memory_space<semaphore_mem>>
      %dma_start3A_212 = arith.constant 0 : i32
      %dma_start3A_213 = tpu.memref_slice %arg7[%add3A_187, %dma_start3A_212] : memref<10240x128xf32, #tpu.memory_space<vmem_shared>> -> memref<128x128xf32, #tpu.memory_space<vmem_shared>>
      %dma_start3A_214 = arith.constant 0 : i32
      %dma_start3A_215 = tpu.memref_slice %arg7[%add3A_187, %dma_start3A_214] : memref<10240x128xf32, #tpu.memory_space<vmem_shared>> -> memref<128x128xf32, #tpu.memory_space<vmem_shared>>
      tpu.enqueue_dma source(%dma_start3A_215 : memref<128x128xf32, #tpu.memory_space<vmem_shared>>) target(%arg10 : memref<128x128xf32, #tpu.memory_space<vmem>>) target_semaphore(%run_scoped3A : memref<!tpu.dma_semaphore, #tpu.memory_space<semaphore_mem>>)
      %dma_wait3A_216 = arith.constant 0 : i32
      %dma_wait3A_217 = tpu.memref_slice %arg7[%add3A_187, %dma_wait3A_216] : memref<10240x128xf32, #tpu.memory_space<vmem_shared>> -> memref<128x128xf32, #tpu.memory_space<vmem_shared>>
      %dma_wait3A_218 = arith.constant 0 : i32
      %dma_wait3A_219 = tpu.memref_slice %arg7[%add3A_187, %dma_wait3A_218] : memref<10240x128xf32, #tpu.memory_space<vmem_shared>> -> memref<128x128xf32, #tpu.memory_space<vmem_shared>>
      tpu.wait_dma2 semaphore(%run_scoped3A : memref<!tpu.dma_semaphore, #tpu.memory_space<semaphore_mem>>) src(%dma_wait3A_219 : memref<128x128xf32, #tpu.memory_space<vmem_shared>>) dst(%arg10 : memref<128x128xf32, #tpu.memory_space<vmem>>)
      tpu.yield
    }) : () -> ()
    %dma_start3A_194 = arith.constant 0 : i32
    %dma_start3A_195 = tpu.memref_slice %arg6[%arg0, %add3A_187, %dma_start3A_194] : memref<2x10240x128xf32, #tpu.memory_space<hbm>> -> memref<1x128x128xf32, #tpu.memory_space<hbm>>
    %dma_start3A_196 = tpu.memref_squeeze %dma_start3A_195 : memref<1x128x128xf32, #tpu.memory_space<hbm>> -> memref<128x128xf32, #tpu.memory_space<hbm>>
    %dma_start3A_197 = arith.constant 0 : i32
    %dma_start3A_198 = tpu.memref_slice %arg6[%arg0, %add3A_187, %dma_start3A_197] : memref<2x10240x128xf32, #tpu.memory_space<hbm>> -> memref<1x128x128xf32, #tpu.memory_space<hbm>>
    %dma_start3A_199 = tpu.memref_squeeze %dma_start3A_198 : memref<1x128x128xf32, #tpu.memory_space<hbm>> -> memref<128x128xf32, #tpu.memory_space<hbm>>
    tpu.enqueue_dma source(%arg10 : memref<128x128xf32, #tpu.memory_space<vmem>>) target(%dma_start3A_199 : memref<128x128xf32, #tpu.memory_space<hbm>>) target_semaphore(%arg14 : memref<!tpu.dma_semaphore, #tpu.memory_space<semaphore_mem>>)
    %dma_wait3A_200 = arith.constant 0 : i32
    %dma_wait3A_201 = tpu.memref_slice %arg6[%arg0, %add3A_173, %dma_wait3A_200] : memref<2x10240x128xf32, #tpu.memory_space<hbm>> -> memref<1x128x128xf32, #tpu.memory_space<hbm>>
    %dma_wait3A_202 = tpu.memref_squeeze %dma_wait3A_201 : memref<1x128x128xf32, #tpu.memory_space<hbm>> -> memref<128x128xf32, #tpu.memory_space<hbm>>
    %dma_wait3A_203 = arith.constant 0 : i32
    %dma_wait3A_204 = tpu.memref_slice %arg6[%arg0, %add3A_173, %dma_wait3A_203] : memref<2x10240x128xf32, #tpu.memory_space<hbm>> -> memref<1x128x128xf32, #tpu.memory_space<hbm>>
    %dma_wait3A_205 = tpu.memref_squeeze %dma_wait3A_204 : memref<1x128x128xf32, #tpu.memory_space<hbm>> -> memref<128x128xf32, #tpu.memory_space<hbm>>
    tpu.wait_dma2 semaphore(%arg14 : memref<!tpu.dma_semaphore, #tpu.memory_space<semaphore_mem>>) src(%arg11 : memref<128x128xf32, #tpu.memory_space<vmem>>) dst(%dma_wait3A_205 : memref<128x128xf32, #tpu.memory_space<hbm>>)
    %dma_wait3A_206 = arith.constant 0 : i32
    %dma_wait3A_207 = tpu.memref_slice %arg6[%arg0, %add3A_187, %dma_wait3A_206] : memref<2x10240x128xf32, #tpu.memory_space<hbm>> -> memref<1x128x128xf32, #tpu.memory_space<hbm>>
    %dma_wait3A_208 = tpu.memref_squeeze %dma_wait3A_207 : memref<1x128x128xf32, #tpu.memory_space<hbm>> -> memref<128x128xf32, #tpu.memory_space<hbm>>
    %dma_wait3A_209 = arith.constant 0 : i32
    %dma_wait3A_210 = tpu.memref_slice %arg6[%arg0, %add3A_187, %dma_wait3A_209] : memref<2x10240x128xf32, #tpu.memory_space<hbm>> -> memref<1x128x128xf32, #tpu.memory_space<hbm>>
    %dma_wait3A_211 = tpu.memref_squeeze %dma_wait3A_210 : memref<1x128x128xf32, #tpu.memory_space<hbm>> -> memref<128x128xf32, #tpu.memory_space<hbm>>
    tpu.wait_dma2 semaphore(%arg14 : memref<!tpu.dma_semaphore, #tpu.memory_space<semaphore_mem>>) src(%arg10 : memref<128x128xf32, #tpu.memory_space<vmem>>) dst(%dma_wait3A_211 : memref<128x128xf32, #tpu.memory_space<hbm>>)
    return
  }
}

#map = affine_map<(d0, d1) -> (0, 0, 0)>
module attributes {stable_mosaic.version = 14 : i64} {
  func.func @body(%arg0: i32, %arg1: i32, %arg2: memref<2x10240x128xf32, #tpu.memory_space<hbm>>, %arg3: memref<2x10240x128xf32, #tpu.memory_space<hbm>>, %arg4: memref<16x80x128xi32, #tpu.memory_space<hbm>>, %arg5: memref<16x80x128xi32, #tpu.memory_space<hbm>>, %arg6: memref<2x10240x128xf32, #tpu.memory_space<hbm>>, %arg7: memref<10240x128xf32, #tpu.memory_space<vmem_shared>>, %arg8: memref<40x128xi32, #tpu.memory_space<vmem>>, %arg9: memref<40x128xi32, #tpu.memory_space<vmem>>, %arg10: memref<128x128xf32, #tpu.memory_space<vmem>>, %arg11: memref<128x128xf32, #tpu.memory_space<vmem>>, %arg12: memref<!tpu.dma_semaphore, #tpu.memory_space<semaphore_mem>>, %arg13: memref<!tpu.dma_semaphore, #tpu.memory_space<semaphore_mem>>, %arg14: memref<!tpu.dma_semaphore, #tpu.memory_space<semaphore_mem>>) attributes {dimension_semantics = [#tpu.dimension_semantics<core_parallel>, #tpu.dimension_semantics<subcore_parallel>], iteration_bounds = array<i64: 2, 16>, scalar_prefetch = 0 : i64, scratch_operands = 8 : i64, tpu.core_type = #tpu.core_type<sc_vector_subcore>, window_params = [{transform_indices = #map}, {transform_indices = #map}, {transform_indices = #map}, {transform_indices = #map}, {transform_indices = #map}]} {
    %mul3A = arith.constant 640 : i32
    %mul3A_0 = arith.muli %arg1, %mul3A : i32
    %dma_start3A = arith.constant 0 : i32
    %dma_start3A_1 = tpu.memref_slice %arg3[%arg0, %mul3A_0, %dma_start3A] : memref<2x10240x128xf32, #tpu.memory_space<hbm>> -> memref<1x128x128xf32, #tpu.memory_space<hbm>>
    %dma_start3A_2 = tpu.memref_squeeze %dma_start3A_1 : memref<1x128x128xf32, #tpu.memory_space<hbm>> -> memref<128x128xf32, #tpu.memory_space<hbm>>
    %dma_start3A_3 = arith.constant 0 : i32
    %dma_start3A_4 = tpu.memref_slice %arg3[%arg0, %mul3A_0, %dma_start3A_3] : memref<2x10240x128xf32, #tpu.memory_space<hbm>> -> memref<1x128x128xf32, #tpu.memory_space<hbm>>
    %dma_start3A_5 = tpu.memref_squeeze %dma_start3A_4 : memref<1x128x128xf32, #tpu.memory_space<hbm>> -> memref<128x128xf32, #tpu.memory_space<hbm>>
    tpu.enqueue_dma source(%dma_start3A_5 : memref<128x128xf32, #tpu.memory_space<hbm>>) target(%arg10 : memref<128x128xf32, #tpu.memory_space<vmem>>) target_semaphore(%arg12 : memref<!tpu.dma_semaphore, #tpu.memory_space<semaphore_mem>>)
    %add3A = arith.constant 128 : i32
    %add3A_6 = arith.addi %mul3A_0, %add3A : i32
    %dma_start3A_7 = arith.constant 0 : i32
    %dma_start3A_8 = tpu.memref_slice %arg3[%arg0, %add3A_6, %dma_start3A_7] : memref<2x10240x128xf32, #tpu.memory_space<hbm>> -> memref<1x128x128xf32, #tpu.memory_space<hbm>>
    %dma_start3A_9 = tpu.memref_squeeze %dma_start3A_8 : memref<1x128x128xf32, #tpu.memory_space<hbm>> -> memref<128x128xf32, #tpu.memory_space<hbm>>
    %dma_start3A_10 = arith.constant 0 : i32
    %dma_start3A_11 = tpu.memref_slice %arg3[%arg0, %add3A_6, %dma_start3A_10] : memref<2x10240x128xf32, #tpu.memory_space<hbm>> -> memref<1x128x128xf32, #tpu.memory_space<hbm>>
    %dma_start3A_12 = tpu.memref_squeeze %dma_start3A_11 : memref<1x128x128xf32, #tpu.memory_space<hbm>> -> memref<128x128xf32, #tpu.memory_space<hbm>>
    tpu.enqueue_dma source(%dma_start3A_12 : memref<128x128xf32, #tpu.memory_space<hbm>>) target(%arg11 : memref<128x128xf32, #tpu.memory_space<vmem>>) target_semaphore(%arg13 : memref<!tpu.dma_semaphore, #tpu.memory_space<semaphore_mem>>)
    %add3A_13 = arith.constant 0 : i32
    %add3A_14 = arith.addi %mul3A_0, %add3A_13 : i32
    %dma_wait3A = arith.constant 0 : i32
    %dma_wait3A_15 = tpu.memref_slice %arg3[%arg0, %add3A_14, %dma_wait3A] : memref<2x10240x128xf32, #tpu.memory_space<hbm>> -> memref<1x128x128xf32, #tpu.memory_space<hbm>>
    %dma_wait3A_16 = tpu.memref_squeeze %dma_wait3A_15 : memref<1x128x128xf32, #tpu.memory_space<hbm>> -> memref<128x128xf32, #tpu.memory_space<hbm>>
    %dma_wait3A_17 = arith.constant 0 : i32
    %dma_wait3A_18 = tpu.memref_slice %arg3[%arg0, %add3A_14, %dma_wait3A_17] : memref<2x10240x128xf32, #tpu.memory_space<hbm>> -> memref<1x128x128xf32, #tpu.memory_space<hbm>>
    %dma_wait3A_19 = tpu.memref_squeeze %dma_wait3A_18 : memref<1x128x128xf32, #tpu.memory_space<hbm>> -> memref<128x128xf32, #tpu.memory_space<hbm>>
    tpu.wait_dma2 semaphore(%arg12 : memref<!tpu.dma_semaphore, #tpu.memory_space<semaphore_mem>>) src(%dma_wait3A_19 : memref<128x128xf32, #tpu.memory_space<hbm>>) dst(%arg10 : memref<128x128xf32, #tpu.memory_space<vmem>>)
    %add3A_20 = arith.constant 0 : i32
    %add3A_21 = arith.addi %mul3A_0, %add3A_20 : i32
    "tpu.region"() ({
      %run_scoped3A = tpu.sem_alloc : memref<!tpu.dma_semaphore, #tpu.memory_space<semaphore_mem>>
      %dma_start3A_212 = arith.constant 0 : i32
      %dma_start3A_213 = tpu.memref_slice %arg7[%add3A_21, %dma_start3A_212] : memref<10240x128xf32, #tpu.memory_space<vmem_shared>> -> memref<128x128xf32, #tpu.memory_space<vmem_shared>>
      %dma_start3A_214 = arith.constant 0 : i32
      %dma_start3A_215 = tpu.memref_slice %arg7[%add3A_21, %dma_start3A_214] : memref<10240x128xf32, #tpu.memory_space<vmem_shared>> -> memref<128x128xf32, #tpu.memory_space<vmem_shared>>
      tpu.enqueue_dma source(%arg10 : memref<128x128xf32, #tpu.memory_space<vmem>>) target(%dma_start3A_215 : memref<128x128xf32, #tpu.memory_space<vmem_shared>>) target_semaphore(%run_scoped3A : memref<!tpu.dma_semaphore, #tpu.memory_space<semaphore_mem>>)
      %dma_wait3A_216 = arith.constant 0 : i32
      %dma_wait3A_217 = tpu.memref_slice %arg7[%add3A_21, %dma_wait3A_216] : memref<10240x128xf32, #tpu.memory_space<vmem_shared>> -> memref<128x128xf32, #tpu.memory_space<vmem_shared>>
      %dma_wait3A_218 = arith.constant 0 : i32
      %dma_wait3A_219 = tpu.memref_slice %arg7[%add3A_21, %dma_wait3A_218] : memref<10240x128xf32, #tpu.memory_space<vmem_shared>> -> memref<128x128xf32, #tpu.memory_space<vmem_shared>>
      tpu.wait_dma2 semaphore(%run_scoped3A : memref<!tpu.dma_semaphore, #tpu.memory_space<semaphore_mem>>) src(%arg10 : memref<128x128xf32, #tpu.memory_space<vmem>>) dst(%dma_wait3A_219 : memref<128x128xf32, #tpu.memory_space<vmem_shared>>)
      tpu.yield
    }) : () -> ()
    %add3A_22 = arith.constant 256 : i32
    %add3A_23 = arith.addi %mul3A_0, %add3A_22 : i32
    %dma_start3A_24 = arith.constant 0 : i32
    %dma_start3A_25 = tpu.memref_slice %arg3[%arg0, %add3A_23, %dma_start3A_24] : memref<2x10240x128xf32, #tpu.memory_space<hbm>> -> memref<1x128x128xf32, #tpu.memory_space<hbm>>
    %dma_start3A_26 = tpu.memref_squeeze %dma_start3A_25 : memref<1x128x128xf32, #tpu.memory_space<hbm>> -> memref<128x128xf32, #tpu.memory_space<hbm>>
    %dma_start3A_27 = arith.constant 0 : i32
    %dma_start3A_28 = tpu.memref_slice %arg3[%arg0, %add3A_23, %dma_start3A_27] : memref<2x10240x128xf32, #tpu.memory_space<hbm>> -> memref<1x128x128xf32, #tpu.memory_space<hbm>>
    %dma_start3A_29 = tpu.memref_squeeze %dma_start3A_28 : memref<1x128x128xf32, #tpu.memory_space<hbm>> -> memref<128x128xf32, #tpu.memory_space<hbm>>
    tpu.enqueue_dma source(%dma_start3A_29 : memref<128x128xf32, #tpu.memory_space<hbm>>) target(%arg10 : memref<128x128xf32, #tpu.memory_space<vmem>>) target_semaphore(%arg12 : memref<!tpu.dma_semaphore, #tpu.memory_space<semaphore_mem>>)
    %add3A_30 = arith.constant 128 : i32
    %add3A_31 = arith.addi %mul3A_0, %add3A_30 : i32
    %dma_wait3A_32 = arith.constant 0 : i32
    %dma_wait3A_33 = tpu.memref_slice %arg3[%arg0, %add3A_31, %dma_wait3A_32] : memref<2x10240x128xf32, #tpu.memory_space<hbm>> -> memref<1x128x128xf32, #tpu.memory_space<hbm>>
    %dma_wait3A_34 = tpu.memref_squeeze %dma_wait3A_33 : memref<1x128x128xf32, #tpu.memory_space<hbm>> -> memref<128x128xf32, #tpu.memory_space<hbm>>
    %dma_wait3A_35 = arith.constant 0 : i32
    %dma_wait3A_36 = tpu.memref_slice %arg3[%arg0, %add3A_31, %dma_wait3A_35] : memref<2x10240x128xf32, #tpu.memory_space<hbm>> -> memref<1x128x128xf32, #tpu.memory_space<hbm>>
    %dma_wait3A_37 = tpu.memref_squeeze %dma_wait3A_36 : memref<1x128x128xf32, #tpu.memory_space<hbm>> -> memref<128x128xf32, #tpu.memory_space<hbm>>
    tpu.wait_dma2 semaphore(%arg13 : memref<!tpu.dma_semaphore, #tpu.memory_space<semaphore_mem>>) src(%dma_wait3A_37 : memref<128x128xf32, #tpu.memory_space<hbm>>) dst(%arg11 : memref<128x128xf32, #tpu.memory_space<vmem>>)
    %add3A_38 = arith.constant 128 : i32
    %add3A_39 = arith.addi %mul3A_0, %add3A_38 : i32
    "tpu.region"() ({
      %run_scoped3A = tpu.sem_alloc : memref<!tpu.dma_semaphore, #tpu.memory_space<semaphore_mem>>
      %dma_start3A_212 = arith.constant 0 : i32
      %dma_start3A_213 = tpu.memref_slice %arg7[%add3A_39, %dma_start3A_212] : memref<10240x128xf32, #tpu.memory_space<vmem_shared>> -> memref<128x128xf32, #tpu.memory_space<vmem_shared>>
      %dma_start3A_214 = arith.constant 0 : i32
      %dma_start3A_215 = tpu.memref_slice %arg7[%add3A_39, %dma_start3A_214] : memref<10240x128xf32, #tpu.memory_space<vmem_shared>> -> memref<128x128xf32, #tpu.memory_space<vmem_shared>>
      tpu.enqueue_dma source(%arg11 : memref<128x128xf32, #tpu.memory_space<vmem>>) target(%dma_start3A_215 : memref<128x128xf32, #tpu.memory_space<vmem_shared>>) target_semaphore(%run_scoped3A : memref<!tpu.dma_semaphore, #tpu.memory_space<semaphore_mem>>)
      %dma_wait3A_216 = arith.constant 0 : i32
      %dma_wait3A_217 = tpu.memref_slice %arg7[%add3A_39, %dma_wait3A_216] : memref<10240x128xf32, #tpu.memory_space<vmem_shared>> -> memref<128x128xf32, #tpu.memory_space<vmem_shared>>
      %dma_wait3A_218 = arith.constant 0 : i32
      %dma_wait3A_219 = tpu.memref_slice %arg7[%add3A_39, %dma_wait3A_218] : memref<10240x128xf32, #tpu.memory_space<vmem_shared>> -> memref<128x128xf32, #tpu.memory_space<vmem_shared>>
      tpu.wait_dma2 semaphore(%run_scoped3A : memref<!tpu.dma_semaphore, #tpu.memory_space<semaphore_mem>>) src(%arg11 : memref<128x128xf32, #tpu.memory_space<vmem>>) dst(%dma_wait3A_219 : memref<128x128xf32, #tpu.memory_space<vmem_shared>>)
      tpu.yield
    }) : () -> ()
    %add3A_40 = arith.constant 384 : i32
    %add3A_41 = arith.addi %mul3A_0, %add3A_40 : i32
    %dma_start3A_42 = arith.constant 0 : i32
    %dma_start3A_43 = tpu.memref_slice %arg3[%arg0, %add3A_41, %dma_start3A_42] : memref<2x10240x128xf32, #tpu.memory_space<hbm>> -> memref<1x128x128xf32, #tpu.memory_space<hbm>>
    %dma_start3A_44 = tpu.memref_squeeze %dma_start3A_43 : memref<1x128x128xf32, #tpu.memory_space<hbm>> -> memref<128x128xf32, #tpu.memory_space<hbm>>
    %dma_start3A_45 = arith.constant 0 : i32
    %dma_start3A_46 = tpu.memref_slice %arg3[%arg0, %add3A_41, %dma_start3A_45] : memref<2x10240x128xf32, #tpu.memory_space<hbm>> -> memref<1x128x128xf32, #tpu.memory_space<hbm>>
    %dma_start3A_47 = tpu.memref_squeeze %dma_start3A_46 : memref<1x128x128xf32, #tpu.memory_space<hbm>> -> memref<128x128xf32, #tpu.memory_space<hbm>>
    tpu.enqueue_dma source(%dma_start3A_47 : memref<128x128xf32, #tpu.memory_space<hbm>>) target(%arg11 : memref<128x128xf32, #tpu.memory_space<vmem>>) target_semaphore(%arg13 : memref<!tpu.dma_semaphore, #tpu.memory_space<semaphore_mem>>)
    %add3A_48 = arith.constant 256 : i32
    %add3A_49 = arith.addi %mul3A_0, %add3A_48 : i32
    %dma_wait3A_50 = arith.constant 0 : i32
    %dma_wait3A_51 = tpu.memref_slice %arg3[%arg0, %add3A_49, %dma_wait3A_50] : memref<2x10240x128xf32, #tpu.memory_space<hbm>> -> memref<1x128x128xf32, #tpu.memory_space<hbm>>
    %dma_wait3A_52 = tpu.memref_squeeze %dma_wait3A_51 : memref<1x128x128xf32, #tpu.memory_space<hbm>> -> memref<128x128xf32, #tpu.memory_space<hbm>>
    %dma_wait3A_53 = arith.constant 0 : i32
    %dma_wait3A_54 = tpu.memref_slice %arg3[%arg0, %add3A_49, %dma_wait3A_53] : memref<2x10240x128xf32, #tpu.memory_space<hbm>> -> memref<1x128x128xf32, #tpu.memory_space<hbm>>
    %dma_wait3A_55 = tpu.memref_squeeze %dma_wait3A_54 : memref<1x128x128xf32, #tpu.memory_space<hbm>> -> memref<128x128xf32, #tpu.memory_space<hbm>>
    tpu.wait_dma2 semaphore(%arg12 : memref<!tpu.dma_semaphore, #tpu.memory_space<semaphore_mem>>) src(%dma_wait3A_55 : memref<128x128xf32, #tpu.memory_space<hbm>>) dst(%arg10 : memref<128x128xf32, #tpu.memory_space<vmem>>)
    %add3A_56 = arith.constant 256 : i32
    %add3A_57 = arith.addi %mul3A_0, %add3A_56 : i32
    "tpu.region"() ({
      %run_scoped3A = tpu.sem_alloc : memref<!tpu.dma_semaphore, #tpu.memory_space<semaphore_mem>>
      %dma_start3A_212 = arith.constant 0 : i32
      %dma_start3A_213 = tpu.memref_slice %arg7[%add3A_57, %dma_start3A_212] : memref<10240x128xf32, #tpu.memory_space<vmem_shared>> -> memref<128x128xf32, #tpu.memory_space<vmem_shared>>
      %dma_start3A_214 = arith.constant 0 : i32
      %dma_start3A_215 = tpu.memref_slice %arg7[%add3A_57, %dma_start3A_214] : memref<10240x128xf32, #tpu.memory_space<vmem_shared>> -> memref<128x128xf32, #tpu.memory_space<vmem_shared>>
      tpu.enqueue_dma source(%arg10 : memref<128x128xf32, #tpu.memory_space<vmem>>) target(%dma_start3A_215 : memref<128x128xf32, #tpu.memory_space<vmem_shared>>) target_semaphore(%run_scoped3A : memref<!tpu.dma_semaphore, #tpu.memory_space<semaphore_mem>>)
      %dma_wait3A_216 = arith.constant 0 : i32
      %dma_wait3A_217 = tpu.memref_slice %arg7[%add3A_57, %dma_wait3A_216] : memref<10240x128xf32, #tpu.memory_space<vmem_shared>> -> memref<128x128xf32, #tpu.memory_space<vmem_shared>>
      %dma_wait3A_218 = arith.constant 0 : i32
      %dma_wait3A_219 = tpu.memref_slice %arg7[%add3A_57, %dma_wait3A_218] : memref<10240x128xf32, #tpu.memory_space<vmem_shared>> -> memref<128x128xf32, #tpu.memory_space<vmem_shared>>
      tpu.wait_dma2 semaphore(%run_scoped3A : memref<!tpu.dma_semaphore, #tpu.memory_space<semaphore_mem>>) src(%arg10 : memref<128x128xf32, #tpu.memory_space<vmem>>) dst(%dma_wait3A_219 : memref<128x128xf32, #tpu.memory_space<vmem_shared>>)
      tpu.yield
    }) : () -> ()
    %add3A_58 = arith.constant 512 : i32
    %add3A_59 = arith.addi %mul3A_0, %add3A_58 : i32
    %dma_start3A_60 = arith.constant 0 : i32
    %dma_start3A_61 = tpu.memref_slice %arg3[%arg0, %add3A_59, %dma_start3A_60] : memref<2x10240x128xf32, #tpu.memory_space<hbm>> -> memref<1x128x128xf32, #tpu.memory_space<hbm>>
    %dma_start3A_62 = tpu.memref_squeeze %dma_start3A_61 : memref<1x128x128xf32, #tpu.memory_space<hbm>> -> memref<128x128xf32, #tpu.memory_space<hbm>>
    %dma_start3A_63 = arith.constant 0 : i32
    %dma_start3A_64 = tpu.memref_slice %arg3[%arg0, %add3A_59, %dma_start3A_63] : memref<2x10240x128xf32, #tpu.memory_space<hbm>> -> memref<1x128x128xf32, #tpu.memory_space<hbm>>
    %dma_start3A_65 = tpu.memref_squeeze %dma_start3A_64 : memref<1x128x128xf32, #tpu.memory_space<hbm>> -> memref<128x128xf32, #tpu.memory_space<hbm>>
    tpu.enqueue_dma source(%dma_start3A_65 : memref<128x128xf32, #tpu.memory_space<hbm>>) target(%arg10 : memref<128x128xf32, #tpu.memory_space<vmem>>) target_semaphore(%arg12 : memref<!tpu.dma_semaphore, #tpu.memory_space<semaphore_mem>>)
    %add3A_66 = arith.constant 384 : i32
    %add3A_67 = arith.addi %mul3A_0, %add3A_66 : i32
    %dma_wait3A_68 = arith.constant 0 : i32
    %dma_wait3A_69 = tpu.memref_slice %arg3[%arg0, %add3A_67, %dma_wait3A_68] : memref<2x10240x128xf32, #tpu.memory_space<hbm>> -> memref<1x128x128xf32, #tpu.memory_space<hbm>>
    %dma_wait3A_70 = tpu.memref_squeeze %dma_wait3A_69 : memref<1x128x128xf32, #tpu.memory_space<hbm>> -> memref<128x128xf32, #tpu.memory_space<hbm>>
    %dma_wait3A_71 = arith.constant 0 : i32
    %dma_wait3A_72 = tpu.memref_slice %arg3[%arg0, %add3A_67, %dma_wait3A_71] : memref<2x10240x128xf32, #tpu.memory_space<hbm>> -> memref<1x128x128xf32, #tpu.memory_space<hbm>>
    %dma_wait3A_73 = tpu.memref_squeeze %dma_wait3A_72 : memref<1x128x128xf32, #tpu.memory_space<hbm>> -> memref<128x128xf32, #tpu.memory_space<hbm>>
    tpu.wait_dma2 semaphore(%arg13 : memref<!tpu.dma_semaphore, #tpu.memory_space<semaphore_mem>>) src(%dma_wait3A_73 : memref<128x128xf32, #tpu.memory_space<hbm>>) dst(%arg11 : memref<128x128xf32, #tpu.memory_space<vmem>>)
    %add3A_74 = arith.constant 384 : i32
    %add3A_75 = arith.addi %mul3A_0, %add3A_74 : i32
    "tpu.region"() ({
      %run_scoped3A = tpu.sem_alloc : memref<!tpu.dma_semaphore, #tpu.memory_space<semaphore_mem>>
      %dma_start3A_212 = arith.constant 0 : i32
      %dma_start3A_213 = tpu.memref_slice %arg7[%add3A_75, %dma_start3A_212] : memref<10240x128xf32, #tpu.memory_space<vmem_shared>> -> memref<128x128xf32, #tpu.memory_space<vmem_shared>>
      %dma_start3A_214 = arith.constant 0 : i32
      %dma_start3A_215 = tpu.memref_slice %arg7[%add3A_75, %dma_start3A_214] : memref<10240x128xf32, #tpu.memory_space<vmem_shared>> -> memref<128x128xf32, #tpu.memory_space<vmem_shared>>
      tpu.enqueue_dma source(%arg11 : memref<128x128xf32, #tpu.memory_space<vmem>>) target(%dma_start3A_215 : memref<128x128xf32, #tpu.memory_space<vmem_shared>>) target_semaphore(%run_scoped3A : memref<!tpu.dma_semaphore, #tpu.memory_space<semaphore_mem>>)
      %dma_wait3A_216 = arith.constant 0 : i32
      %dma_wait3A_217 = tpu.memref_slice %arg7[%add3A_75, %dma_wait3A_216] : memref<10240x128xf32, #tpu.memory_space<vmem_shared>> -> memref<128x128xf32, #tpu.memory_space<vmem_shared>>
      %dma_wait3A_218 = arith.constant 0 : i32
      %dma_wait3A_219 = tpu.memref_slice %arg7[%add3A_75, %dma_wait3A_218] : memref<10240x128xf32, #tpu.memory_space<vmem_shared>> -> memref<128x128xf32, #tpu.memory_space<vmem_shared>>
      tpu.wait_dma2 semaphore(%run_scoped3A : memref<!tpu.dma_semaphore, #tpu.memory_space<semaphore_mem>>) src(%arg11 : memref<128x128xf32, #tpu.memory_space<vmem>>) dst(%dma_wait3A_219 : memref<128x128xf32, #tpu.memory_space<vmem_shared>>)
      tpu.yield
    }) : () -> ()
    %add3A_76 = arith.constant 512 : i32
    %add3A_77 = arith.addi %mul3A_0, %add3A_76 : i32
    %dma_wait3A_78 = arith.constant 0 : i32
    %dma_wait3A_79 = tpu.memref_slice %arg3[%arg0, %add3A_77, %dma_wait3A_78] : memref<2x10240x128xf32, #tpu.memory_space<hbm>> -> memref<1x128x128xf32, #tpu.memory_space<hbm>>
    %dma_wait3A_80 = tpu.memref_squeeze %dma_wait3A_79 : memref<1x128x128xf32, #tpu.memory_space<hbm>> -> memref<128x128xf32, #tpu.memory_space<hbm>>
    %dma_wait3A_81 = arith.constant 0 : i32
    %dma_wait3A_82 = tpu.memref_slice %arg3[%arg0, %add3A_77, %dma_wait3A_81] : memref<2x10240x128xf32, #tpu.memory_space<hbm>> -> memref<1x128x128xf32, #tpu.memory_space<hbm>>
    %dma_wait3A_83 = tpu.memref_squeeze %dma_wait3A_82 : memref<1x128x128xf32, #tpu.memory_space<hbm>> -> memref<128x128xf32, #tpu.memory_space<hbm>>
    tpu.wait_dma2 semaphore(%arg12 : memref<!tpu.dma_semaphore, #tpu.memory_space<semaphore_mem>>) src(%dma_wait3A_83 : memref<128x128xf32, #tpu.memory_space<hbm>>) dst(%arg10 : memref<128x128xf32, #tpu.memory_space<vmem>>)
    %add3A_84 = arith.constant 512 : i32
    %add3A_85 = arith.addi %mul3A_0, %add3A_84 : i32
    "tpu.region"() ({
      %run_scoped3A = tpu.sem_alloc : memref<!tpu.dma_semaphore, #tpu.memory_space<semaphore_mem>>
      %dma_start3A_212 = arith.constant 0 : i32
      %dma_start3A_213 = tpu.memref_slice %arg7[%add3A_85, %dma_start3A_212] : memref<10240x128xf32, #tpu.memory_space<vmem_shared>> -> memref<128x128xf32, #tpu.memory_space<vmem_shared>>
      %dma_start3A_214 = arith.constant 0 : i32
      %dma_start3A_215 = tpu.memref_slice %arg7[%add3A_85, %dma_start3A_214] : memref<10240x128xf32, #tpu.memory_space<vmem_shared>> -> memref<128x128xf32, #tpu.memory_space<vmem_shared>>
      tpu.enqueue_dma source(%arg10 : memref<128x128xf32, #tpu.memory_space<vmem>>) target(%dma_start3A_215 : memref<128x128xf32, #tpu.memory_space<vmem_shared>>) target_semaphore(%run_scoped3A : memref<!tpu.dma_semaphore, #tpu.memory_space<semaphore_mem>>)
      %dma_wait3A_216 = arith.constant 0 : i32
      %dma_wait3A_217 = tpu.memref_slice %arg7[%add3A_85, %dma_wait3A_216] : memref<10240x128xf32, #tpu.memory_space<vmem_shared>> -> memref<128x128xf32, #tpu.memory_space<vmem_shared>>
      %dma_wait3A_218 = arith.constant 0 : i32
      %dma_wait3A_219 = tpu.memref_slice %arg7[%add3A_85, %dma_wait3A_218] : memref<10240x128xf32, #tpu.memory_space<vmem_shared>> -> memref<128x128xf32, #tpu.memory_space<vmem_shared>>
      tpu.wait_dma2 semaphore(%run_scoped3A : memref<!tpu.dma_semaphore, #tpu.memory_space<semaphore_mem>>) src(%arg10 : memref<128x128xf32, #tpu.memory_space<vmem>>) dst(%dma_wait3A_219 : memref<128x128xf32, #tpu.memory_space<vmem_shared>>)
      tpu.yield
    }) : () -> ()
    %barrier3A = arith.constant 0 : index
    tpu.barrier barrier_id(%barrier3A)
    "tpu.region"() ({
      %run_scoped3A = tpu.sem_alloc : memref<!tpu.dma_semaphore, #tpu.memory_space<semaphore_mem>>
      %dma_start3A_212 = arith.constant 0 : i32
      %dma_start3A_213 = arith.constant 0 : i32
      %dma_start3A_214 = tpu.memref_slice %arg4[%arg1, %dma_start3A_212, %dma_start3A_213] : memref<16x80x128xi32, #tpu.memory_space<hbm>> -> memref<1x40x128xi32, #tpu.memory_space<hbm>>
      %dma_start3A_215 = tpu.memref_squeeze %dma_start3A_214 : memref<1x40x128xi32, #tpu.memory_space<hbm>> -> memref<40x128xi32, #tpu.memory_space<hbm>>
      %dma_start3A_216 = arith.constant 0 : i32
      %dma_start3A_217 = arith.constant 0 : i32
      %dma_start3A_218 = tpu.memref_slice %arg4[%arg1, %dma_start3A_216, %dma_start3A_217] : memref<16x80x128xi32, #tpu.memory_space<hbm>> -> memref<1x40x128xi32, #tpu.memory_space<hbm>>
      %dma_start3A_219 = tpu.memref_squeeze %dma_start3A_218 : memref<1x40x128xi32, #tpu.memory_space<hbm>> -> memref<40x128xi32, #tpu.memory_space<hbm>>
      tpu.enqueue_dma source(%dma_start3A_219 : memref<40x128xi32, #tpu.memory_space<hbm>>) target(%arg8 : memref<40x128xi32, #tpu.memory_space<vmem>>) target_semaphore(%run_scoped3A : memref<!tpu.dma_semaphore, #tpu.memory_space<semaphore_mem>>)
      %dma_wait3A_220 = arith.constant 0 : i32
      %dma_wait3A_221 = arith.constant 0 : i32
      %dma_wait3A_222 = tpu.memref_slice %arg4[%arg1, %dma_wait3A_220, %dma_wait3A_221] : memref<16x80x128xi32, #tpu.memory_space<hbm>> -> memref<1x40x128xi32, #tpu.memory_space<hbm>>
      %dma_wait3A_223 = tpu.memref_squeeze %dma_wait3A_222 : memref<1x40x128xi32, #tpu.memory_space<hbm>> -> memref<40x128xi32, #tpu.memory_space<hbm>>
      %dma_wait3A_224 = arith.constant 0 : i32
      %dma_wait3A_225 = arith.constant 0 : i32
      %dma_wait3A_226 = tpu.memref_slice %arg4[%arg1, %dma_wait3A_224, %dma_wait3A_225] : memref<16x80x128xi32, #tpu.memory_space<hbm>> -> memref<1x40x128xi32, #tpu.memory_space<hbm>>
      %dma_wait3A_227 = tpu.memref_squeeze %dma_wait3A_226 : memref<1x40x128xi32, #tpu.memory_space<hbm>> -> memref<40x128xi32, #tpu.memory_space<hbm>>
      tpu.wait_dma2 semaphore(%run_scoped3A : memref<!tpu.dma_semaphore, #tpu.memory_space<semaphore_mem>>) src(%dma_wait3A_227 : memref<40x128xi32, #tpu.memory_space<hbm>>) dst(%arg8 : memref<40x128xi32, #tpu.memory_space<vmem>>)
      tpu.yield
    }) : () -> ()
    "tpu.region"() ({
      %run_scoped3A = tpu.sem_alloc : memref<!tpu.dma_semaphore, #tpu.memory_space<semaphore_mem>>
      %dma_start3A_212 = arith.constant 0 : i32
      %dma_start3A_213 = arith.constant 0 : i32
      %dma_start3A_214 = tpu.memref_slice %arg5[%arg1, %dma_start3A_212, %dma_start3A_213] : memref<16x80x128xi32, #tpu.memory_space<hbm>> -> memref<1x40x128xi32, #tpu.memory_space<hbm>>
      %dma_start3A_215 = tpu.memref_squeeze %dma_start3A_214 : memref<1x40x128xi32, #tpu.memory_space<hbm>> -> memref<40x128xi32, #tpu.memory_space<hbm>>
      %dma_start3A_216 = arith.constant 0 : i32
      %dma_start3A_217 = arith.constant 0 : i32
      %dma_start3A_218 = tpu.memref_slice %arg5[%arg1, %dma_start3A_216, %dma_start3A_217] : memref<16x80x128xi32, #tpu.memory_space<hbm>> -> memref<1x40x128xi32, #tpu.memory_space<hbm>>
      %dma_start3A_219 = tpu.memref_squeeze %dma_start3A_218 : memref<1x40x128xi32, #tpu.memory_space<hbm>> -> memref<40x128xi32, #tpu.memory_space<hbm>>
      tpu.enqueue_dma source(%dma_start3A_219 : memref<40x128xi32, #tpu.memory_space<hbm>>) target(%arg9 : memref<40x128xi32, #tpu.memory_space<vmem>>) target_semaphore(%run_scoped3A : memref<!tpu.dma_semaphore, #tpu.memory_space<semaphore_mem>>)
      %dma_wait3A_220 = arith.constant 0 : i32
      %dma_wait3A_221 = arith.constant 0 : i32
      %dma_wait3A_222 = tpu.memref_slice %arg5[%arg1, %dma_wait3A_220, %dma_wait3A_221] : memref<16x80x128xi32, #tpu.memory_space<hbm>> -> memref<1x40x128xi32, #tpu.memory_space<hbm>>
      %dma_wait3A_223 = tpu.memref_squeeze %dma_wait3A_222 : memref<1x40x128xi32, #tpu.memory_space<hbm>> -> memref<40x128xi32, #tpu.memory_space<hbm>>
      %dma_wait3A_224 = arith.constant 0 : i32
      %dma_wait3A_225 = arith.constant 0 : i32
      %dma_wait3A_226 = tpu.memref_slice %arg5[%arg1, %dma_wait3A_224, %dma_wait3A_225] : memref<16x80x128xi32, #tpu.memory_space<hbm>> -> memref<1x40x128xi32, #tpu.memory_space<hbm>>
      %dma_wait3A_227 = tpu.memref_squeeze %dma_wait3A_226 : memref<1x40x128xi32, #tpu.memory_space<hbm>> -> memref<40x128xi32, #tpu.memory_space<hbm>>
      tpu.wait_dma2 semaphore(%run_scoped3A : memref<!tpu.dma_semaphore, #tpu.memory_space<semaphore_mem>>) src(%dma_wait3A_227 : memref<40x128xi32, #tpu.memory_space<hbm>>) dst(%arg9 : memref<40x128xi32, #tpu.memory_space<vmem>>)
      tpu.yield
    }) : () -> ()
    %dma_start3A_86 = arith.constant 0 : i32
    %dma_start3A_87 = arith.constant 0 : i32
    %dma_start3A_88 = tpu.memref_slice %arg8[%dma_start3A_86, %dma_start3A_87] : memref<40x128xi32, #tpu.memory_space<vmem>> -> memref<1x128xi32, #tpu.memory_space<vmem>>
    %dma_start3A_89 = tpu.memref_squeeze %dma_start3A_88 : memref<1x128xi32, #tpu.memory_space<vmem>> -> memref<128xi32, #tpu.memory_space<vmem>>
    %dma_start3A_90 = arith.constant 0 : i32
    %dma_start3A_91 = arith.constant 0 : i32
    %dma_start3A_92 = tpu.memref_slice %arg2[%arg0, %dma_start3A_90, %dma_start3A_91] : memref<2x10240x128xf32, #tpu.memory_space<hbm>> -> memref<1x10240x128xf32, #tpu.memory_space<hbm>>
    %dma_start3A_93 = tpu.memref_squeeze %dma_start3A_92 : memref<1x10240x128xf32, #tpu.memory_space<hbm>> -> memref<10240x128xf32, #tpu.memory_space<hbm>>
    %dma_start3A_94 = arith.constant 0 : i32
    %dma_start3A_95 = arith.constant 0 : i32
    %dma_start3A_96 = tpu.memref_slice %dma_start3A_93[%dma_start3A_94, %dma_start3A_95] : memref<10240x128xf32, #tpu.memory_space<hbm>> -> memref<10240x128xf32, #tpu.memory_space<hbm>>
    tpu.enqueue_indirect_dma source(%dma_start3A_96 : memref<10240x128xf32, #tpu.memory_space<hbm>>) target(%arg10 : memref<128x128xf32, #tpu.memory_space<vmem>>) offsets(%dma_start3A_89 : memref<128xi32, #tpu.memory_space<vmem>>) semaphore(%arg12 : memref<!tpu.dma_semaphore, #tpu.memory_space<semaphore_mem>>)
    %dma_start3A_97 = arith.constant 1 : i32
    %dma_start3A_98 = arith.constant 0 : i32
    %dma_start3A_99 = tpu.memref_slice %arg8[%dma_start3A_97, %dma_start3A_98] : memref<40x128xi32, #tpu.memory_space<vmem>> -> memref<1x128xi32, #tpu.memory_space<vmem>>
    %dma_start3A_100 = tpu.memref_squeeze %dma_start3A_99 : memref<1x128xi32, #tpu.memory_space<vmem>> -> memref<128xi32, #tpu.memory_space<vmem>>
    %dma_start3A_101 = arith.constant 0 : i32
    %dma_start3A_102 = arith.constant 0 : i32
    %dma_start3A_103 = tpu.memref_slice %arg2[%arg0, %dma_start3A_101, %dma_start3A_102] : memref<2x10240x128xf32, #tpu.memory_space<hbm>> -> memref<1x10240x128xf32, #tpu.memory_space<hbm>>
    %dma_start3A_104 = tpu.memref_squeeze %dma_start3A_103 : memref<1x10240x128xf32, #tpu.memory_space<hbm>> -> memref<10240x128xf32, #tpu.memory_space<hbm>>
    %dma_start3A_105 = arith.constant 0 : i32
    %dma_start3A_106 = arith.constant 0 : i32
    %dma_start3A_107 = tpu.memref_slice %dma_start3A_104[%dma_start3A_105, %dma_start3A_106] : memref<10240x128xf32, #tpu.memory_space<hbm>> -> memref<10240x128xf32, #tpu.memory_space<hbm>>
    tpu.enqueue_indirect_dma source(%dma_start3A_107 : memref<10240x128xf32, #tpu.memory_space<hbm>>) target(%arg11 : memref<128x128xf32, #tpu.memory_space<vmem>>) offsets(%dma_start3A_100 : memref<128xi32, #tpu.memory_space<vmem>>) semaphore(%arg13 : memref<!tpu.dma_semaphore, #tpu.memory_space<semaphore_mem>>)
    %scan3A = arith.constant 0 : i32
    %scan3A_108 = arith.constant 0 : i32
    %scan3A_109 = arith.constant 20 : i32
    %scan3A_110 = arith.addi %scan3A_108, %scan3A_109 : i32
    %scan3A_111 = arith.constant 1 : i32
    scf.for %scan3A_212 = %scan3A_108 to %scan3A_110 step %scan3A_111  : i32 {
      %mul3A_213 = arith.constant 2 : i32
      %mul3A_214 = arith.muli %mul3A_213, %scan3A_212 : i32
      %mul3A_215 = arith.constant 2 : i32
      %mul3A_216 = arith.muli %mul3A_215, %scan3A_212 : i32
      %add3A_217 = arith.constant 1 : i32
      %add3A_218 = arith.addi %mul3A_216, %add3A_217 : i32
      %dma_wait3A_219 = arith.constant 0 : i32
      %dma_wait3A_220 = tpu.memref_slice %arg8[%mul3A_214, %dma_wait3A_219] : memref<40x128xi32, #tpu.memory_space<vmem>> -> memref<1x128xi32, #tpu.memory_space<vmem>>
      %dma_wait3A_221 = tpu.memref_squeeze %dma_wait3A_220 : memref<1x128xi32, #tpu.memory_space<vmem>> -> memref<128xi32, #tpu.memory_space<vmem>>
      %dma_wait3A_222 = arith.constant 0 : i32
      %dma_wait3A_223 = arith.constant 0 : i32
      %dma_wait3A_224 = tpu.memref_slice %arg2[%arg0, %dma_wait3A_222, %dma_wait3A_223] : memref<2x10240x128xf32, #tpu.memory_space<hbm>> -> memref<1x10240x128xf32, #tpu.memory_space<hbm>>
      %dma_wait3A_225 = tpu.memref_squeeze %dma_wait3A_224 : memref<1x10240x128xf32, #tpu.memory_space<hbm>> -> memref<10240x128xf32, #tpu.memory_space<hbm>>
      %dma_wait3A_226 = arith.constant 0 : i32
      %dma_wait3A_227 = arith.constant 0 : i32
      %dma_wait3A_228 = tpu.memref_slice %dma_wait3A_225[%dma_wait3A_226, %dma_wait3A_227] : memref<10240x128xf32, #tpu.memory_space<hbm>> -> memref<10240x128xf32, #tpu.memory_space<hbm>>
      tpu.wait_indirect_dma semaphore(%arg12 : memref<!tpu.dma_semaphore, #tpu.memory_space<semaphore_mem>>) src(%dma_wait3A_228 : memref<10240x128xf32, #tpu.memory_space<hbm>>) dst(%arg10 : memref<128x128xf32, #tpu.memory_space<vmem>>)
      %dma_start3A_229 = arith.constant 0 : i32
      %dma_start3A_230 = tpu.memref_slice %arg9[%mul3A_214, %dma_start3A_229] : memref<40x128xi32, #tpu.memory_space<vmem>> -> memref<1x128xi32, #tpu.memory_space<vmem>>
      %dma_start3A_231 = tpu.memref_squeeze %dma_start3A_230 : memref<1x128xi32, #tpu.memory_space<vmem>> -> memref<128xi32, #tpu.memory_space<vmem>>
      %dma_start3A_232 = arith.constant 0 : i32
      %dma_start3A_233 = arith.constant 0 : i32
      %dma_start3A_234 = tpu.memref_slice %arg7[%dma_start3A_232, %dma_start3A_233] : memref<10240x128xf32, #tpu.memory_space<vmem_shared>> -> memref<10240x128xf32, #tpu.memory_space<vmem_shared>>
      tpu.enqueue_indirect_dma source(%arg10 : memref<128x128xf32, #tpu.memory_space<vmem>>) target(%dma_start3A_234 : memref<10240x128xf32, #tpu.memory_space<vmem_shared>>) offsets(%dma_start3A_231 : memref<128xi32, #tpu.memory_space<vmem>>) semaphore(%arg14 : memref<!tpu.dma_semaphore, #tpu.memory_space<semaphore_mem>>) {add = true}
      %dma_wait3A_235 = arith.constant 0 : i32
      %dma_wait3A_236 = tpu.memref_slice %arg8[%add3A_218, %dma_wait3A_235] : memref<40x128xi32, #tpu.memory_space<vmem>> -> memref<1x128xi32, #tpu.memory_space<vmem>>
      %dma_wait3A_237 = tpu.memref_squeeze %dma_wait3A_236 : memref<1x128xi32, #tpu.memory_space<vmem>> -> memref<128xi32, #tpu.memory_space<vmem>>
      %dma_wait3A_238 = arith.constant 0 : i32
      %dma_wait3A_239 = arith.constant 0 : i32
      %dma_wait3A_240 = tpu.memref_slice %arg2[%arg0, %dma_wait3A_238, %dma_wait3A_239] : memref<2x10240x128xf32, #tpu.memory_space<hbm>> -> memref<1x10240x128xf32, #tpu.memory_space<hbm>>
      %dma_wait3A_241 = tpu.memref_squeeze %dma_wait3A_240 : memref<1x10240x128xf32, #tpu.memory_space<hbm>> -> memref<10240x128xf32, #tpu.memory_space<hbm>>
      %dma_wait3A_242 = arith.constant 0 : i32
      %dma_wait3A_243 = arith.constant 0 : i32
      %dma_wait3A_244 = tpu.memref_slice %dma_wait3A_241[%dma_wait3A_242, %dma_wait3A_243] : memref<10240x128xf32, #tpu.memory_space<hbm>> -> memref<10240x128xf32, #tpu.memory_space<hbm>>
      tpu.wait_indirect_dma semaphore(%arg13 : memref<!tpu.dma_semaphore, #tpu.memory_space<semaphore_mem>>) src(%dma_wait3A_244 : memref<10240x128xf32, #tpu.memory_space<hbm>>) dst(%arg11 : memref<128x128xf32, #tpu.memory_space<vmem>>)
      %dma_start3A_245 = arith.constant 0 : i32
      %dma_start3A_246 = tpu.memref_slice %arg9[%add3A_218, %dma_start3A_245] : memref<40x128xi32, #tpu.memory_space<vmem>> -> memref<1x128xi32, #tpu.memory_space<vmem>>
      %dma_start3A_247 = tpu.memref_squeeze %dma_start3A_246 : memref<1x128xi32, #tpu.memory_space<vmem>> -> memref<128xi32, #tpu.memory_space<vmem>>
      %dma_start3A_248 = arith.constant 0 : i32
      %dma_start3A_249 = arith.constant 0 : i32
      %dma_start3A_250 = tpu.memref_slice %arg7[%dma_start3A_248, %dma_start3A_249] : memref<10240x128xf32, #tpu.memory_space<vmem_shared>> -> memref<10240x128xf32, #tpu.memory_space<vmem_shared>>
      tpu.enqueue_indirect_dma source(%arg11 : memref<128x128xf32, #tpu.memory_space<vmem>>) target(%dma_start3A_250 : memref<10240x128xf32, #tpu.memory_space<vmem_shared>>) offsets(%dma_start3A_247 : memref<128xi32, #tpu.memory_space<vmem>>) semaphore(%arg14 : memref<!tpu.dma_semaphore, #tpu.memory_space<semaphore_mem>>) {add = true}
      %dma_wait3A_251 = arith.constant 0 : i32
      %dma_wait3A_252 = tpu.memref_slice %arg9[%mul3A_214, %dma_wait3A_251] : memref<40x128xi32, #tpu.memory_space<vmem>> -> memref<1x128xi32, #tpu.memory_space<vmem>>
      %dma_wait3A_253 = tpu.memref_squeeze %dma_wait3A_252 : memref<1x128xi32, #tpu.memory_space<vmem>> -> memref<128xi32, #tpu.memory_space<vmem>>
      %dma_wait3A_254 = arith.constant 0 : i32
      %dma_wait3A_255 = arith.constant 0 : i32
      %dma_wait3A_256 = tpu.memref_slice %arg7[%dma_wait3A_254, %dma_wait3A_255] : memref<10240x128xf32, #tpu.memory_space<vmem_shared>> -> memref<10240x128xf32, #tpu.memory_space<vmem_shared>>
      tpu.wait_indirect_dma semaphore(%arg14 : memref<!tpu.dma_semaphore, #tpu.memory_space<semaphore_mem>>) src(%arg10 : memref<128x128xf32, #tpu.memory_space<vmem>>) dst(%dma_wait3A_256 : memref<10240x128xf32, #tpu.memory_space<vmem_shared>>)
      %lt3A = arith.constant 19 : i32
      %lt3A_257 = arith.cmpi slt, %scan3A_212, %lt3A : i32
      %convert_element_type3A = arith.extui %lt3A_257 : i1 to i32
      %cond3A = arith.constant 0 : i32
      %cond3A_258 = arith.cmpi ne, %convert_element_type3A, %cond3A : i32
      scf.if %cond3A_258 {
        %add3A_270 = arith.constant 2 : i32
        %add3A_271 = arith.addi %mul3A_214, %add3A_270 : i32
        %dma_start3A_272 = arith.constant 0 : i32
        %dma_start3A_273 = tpu.memref_slice %arg8[%add3A_271, %dma_start3A_272] : memref<40x128xi32, #tpu.memory_space<vmem>> -> memref<1x128xi32, #tpu.memory_space<vmem>>
        %dma_start3A_274 = tpu.memref_squeeze %dma_start3A_273 : memref<1x128xi32, #tpu.memory_space<vmem>> -> memref<128xi32, #tpu.memory_space<vmem>>
        %dma_start3A_275 = arith.constant 0 : i32
        %dma_start3A_276 = arith.constant 0 : i32
        %dma_start3A_277 = tpu.memref_slice %arg2[%arg0, %dma_start3A_275, %dma_start3A_276] : memref<2x10240x128xf32, #tpu.memory_space<hbm>> -> memref<1x10240x128xf32, #tpu.memory_space<hbm>>
        %dma_start3A_278 = tpu.memref_squeeze %dma_start3A_277 : memref<1x10240x128xf32, #tpu.memory_space<hbm>> -> memref<10240x128xf32, #tpu.memory_space<hbm>>
        %dma_start3A_279 = arith.constant 0 : i32
        %dma_start3A_280 = arith.constant 0 : i32
        %dma_start3A_281 = tpu.memref_slice %dma_start3A_278[%dma_start3A_279, %dma_start3A_280] : memref<10240x128xf32, #tpu.memory_space<hbm>> -> memref<10240x128xf32, #tpu.memory_space<hbm>>
        tpu.enqueue_indirect_dma source(%dma_start3A_281 : memref<10240x128xf32, #tpu.memory_space<hbm>>) target(%arg10 : memref<128x128xf32, #tpu.memory_space<vmem>>) offsets(%dma_start3A_274 : memref<128xi32, #tpu.memory_space<vmem>>) semaphore(%arg12 : memref<!tpu.dma_semaphore, #tpu.memory_space<semaphore_mem>>)
      } else {
      }
      %dma_wait3A_259 = arith.constant 0 : i32
      %dma_wait3A_260 = tpu.memref_slice %arg9[%add3A_218, %dma_wait3A_259] : memref<40x128xi32, #tpu.memory_space<vmem>> -> memref<1x128xi32, #tpu.memory_space<vmem>>
      %dma_wait3A_261 = tpu.memref_squeeze %dma_wait3A_260 : memref<1x128xi32, #tpu.memory_space<vmem>> -> memref<128xi32, #tpu.memory_space<vmem>>
      %dma_wait3A_262 = arith.constant 0 : i32
      %dma_wait3A_263 = arith.constant 0 : i32
      %dma_wait3A_264 = tpu.memref_slice %arg7[%dma_wait3A_262, %dma_wait3A_263] : memref<10240x128xf32, #tpu.memory_space<vmem_shared>> -> memref<10240x128xf32, #tpu.memory_space<vmem_shared>>
      tpu.wait_indirect_dma semaphore(%arg14 : memref<!tpu.dma_semaphore, #tpu.memory_space<semaphore_mem>>) src(%arg11 : memref<128x128xf32, #tpu.memory_space<vmem>>) dst(%dma_wait3A_264 : memref<10240x128xf32, #tpu.memory_space<vmem_shared>>)
      %lt3A_265 = arith.constant 19 : i32
      %lt3A_266 = arith.cmpi slt, %scan3A_212, %lt3A_265 : i32
      %convert_element_type3A_267 = arith.extui %lt3A_266 : i1 to i32
      %cond3A_268 = arith.constant 0 : i32
      %cond3A_269 = arith.cmpi ne, %convert_element_type3A_267, %cond3A_268 : i32
      scf.if %cond3A_269 {
        %add3A_270 = arith.constant 2 : i32
        %add3A_271 = arith.addi %add3A_218, %add3A_270 : i32
        %dma_start3A_272 = arith.constant 0 : i32
        %dma_start3A_273 = tpu.memref_slice %arg8[%add3A_271, %dma_start3A_272] : memref<40x128xi32, #tpu.memory_space<vmem>> -> memref<1x128xi32, #tpu.memory_space<vmem>>
        %dma_start3A_274 = tpu.memref_squeeze %dma_start3A_273 : memref<1x128xi32, #tpu.memory_space<vmem>> -> memref<128xi32, #tpu.memory_space<vmem>>
        %dma_start3A_275 = arith.constant 0 : i32
        %dma_start3A_276 = arith.constant 0 : i32
        %dma_start3A_277 = tpu.memref_slice %arg2[%arg0, %dma_start3A_275, %dma_start3A_276] : memref<2x10240x128xf32, #tpu.memory_space<hbm>> -> memref<1x10240x128xf32, #tpu.memory_space<hbm>>
        %dma_start3A_278 = tpu.memref_squeeze %dma_start3A_277 : memref<1x10240x128xf32, #tpu.memory_space<hbm>> -> memref<10240x128xf32, #tpu.memory_space<hbm>>
        %dma_start3A_279 = arith.constant 0 : i32
        %dma_start3A_280 = arith.constant 0 : i32
        %dma_start3A_281 = tpu.memref_slice %dma_start3A_278[%dma_start3A_279, %dma_start3A_280] : memref<10240x128xf32, #tpu.memory_space<hbm>> -> memref<10240x128xf32, #tpu.memory_space<hbm>>
        tpu.enqueue_indirect_dma source(%dma_start3A_281 : memref<10240x128xf32, #tpu.memory_space<hbm>>) target(%arg11 : memref<128x128xf32, #tpu.memory_space<vmem>>) offsets(%dma_start3A_274 : memref<128xi32, #tpu.memory_space<vmem>>) semaphore(%arg13 : memref<!tpu.dma_semaphore, #tpu.memory_space<semaphore_mem>>)
      } else {
      }
    }
    %scan3A_112 = arith.constant 20 : i32
    "tpu.region"() ({
      %run_scoped3A = tpu.sem_alloc : memref<!tpu.dma_semaphore, #tpu.memory_space<semaphore_mem>>
      %dma_start3A_212 = arith.constant 40 : i32
      %dma_start3A_213 = arith.constant 0 : i32
      %dma_start3A_214 = tpu.memref_slice %arg4[%arg1, %dma_start3A_212, %dma_start3A_213] : memref<16x80x128xi32, #tpu.memory_space<hbm>> -> memref<1x40x128xi32, #tpu.memory_space<hbm>>
      %dma_start3A_215 = tpu.memref_squeeze %dma_start3A_214 : memref<1x40x128xi32, #tpu.memory_space<hbm>> -> memref<40x128xi32, #tpu.memory_space<hbm>>
      %dma_start3A_216 = arith.constant 40 : i32
      %dma_start3A_217 = arith.constant 0 : i32
      %dma_start3A_218 = tpu.memref_slice %arg4[%arg1, %dma_start3A_216, %dma_start3A_217] : memref<16x80x128xi32, #tpu.memory_space<hbm>> -> memref<1x40x128xi32, #tpu.memory_space<hbm>>
      %dma_start3A_219 = tpu.memref_squeeze %dma_start3A_218 : memref<1x40x128xi32, #tpu.memory_space<hbm>> -> memref<40x128xi32, #tpu.memory_space<hbm>>
      tpu.enqueue_dma source(%dma_start3A_219 : memref<40x128xi32, #tpu.memory_space<hbm>>) target(%arg8 : memref<40x128xi32, #tpu.memory_space<vmem>>) target_semaphore(%run_scoped3A : memref<!tpu.dma_semaphore, #tpu.memory_space<semaphore_mem>>)
      %dma_wait3A_220 = arith.constant 40 : i32
      %dma_wait3A_221 = arith.constant 0 : i32
      %dma_wait3A_222 = tpu.memref_slice %arg4[%arg1, %dma_wait3A_220, %dma_wait3A_221] : memref<16x80x128xi32, #tpu.memory_space<hbm>> -> memref<1x40x128xi32, #tpu.memory_space<hbm>>
      %dma_wait3A_223 = tpu.memref_squeeze %dma_wait3A_222 : memref<1x40x128xi32, #tpu.memory_space<hbm>> -> memref<40x128xi32, #tpu.memory_space<hbm>>
      %dma_wait3A_224 = arith.constant 40 : i32
      %dma_wait3A_225 = arith.constant 0 : i32
      %dma_wait3A_226 = tpu.memref_slice %arg4[%arg1, %dma_wait3A_224, %dma_wait3A_225] : memref<16x80x128xi32, #tpu.memory_space<hbm>> -> memref<1x40x128xi32, #tpu.memory_space<hbm>>
      %dma_wait3A_227 = tpu.memref_squeeze %dma_wait3A_226 : memref<1x40x128xi32, #tpu.memory_space<hbm>> -> memref<40x128xi32, #tpu.memory_space<hbm>>
      tpu.wait_dma2 semaphore(%run_scoped3A : memref<!tpu.dma_semaphore, #tpu.memory_space<semaphore_mem>>) src(%dma_wait3A_227 : memref<40x128xi32, #tpu.memory_space<hbm>>) dst(%arg8 : memref<40x128xi32, #tpu.memory_space<vmem>>)
      tpu.yield
    }) : () -> ()
    "tpu.region"() ({
      %run_scoped3A = tpu.sem_alloc : memref<!tpu.dma_semaphore, #tpu.memory_space<semaphore_mem>>
      %dma_start3A_212 = arith.constant 40 : i32
      %dma_start3A_213 = arith.constant 0 : i32
      %dma_start3A_214 = tpu.memref_slice %arg5[%arg1, %dma_start3A_212, %dma_start3A_213] : memref<16x80x128xi32, #tpu.memory_space<hbm>> -> memref<1x40x128xi32, #tpu.memory_space<hbm>>
      %dma_start3A_215 = tpu.memref_squeeze %dma_start3A_214 : memref<1x40x128xi32, #tpu.memory_space<hbm>> -> memref<40x128xi32, #tpu.memory_space<hbm>>
      %dma_start3A_216 = arith.constant 40 : i32
      %dma_start3A_217 = arith.constant 0 : i32
      %dma_start3A_218 = tpu.memref_slice %arg5[%arg1, %dma_start3A_216, %dma_start3A_217] : memref<16x80x128xi32, #tpu.memory_space<hbm>> -> memref<1x40x128xi32, #tpu.memory_space<hbm>>
      %dma_start3A_219 = tpu.memref_squeeze %dma_start3A_218 : memref<1x40x128xi32, #tpu.memory_space<hbm>> -> memref<40x128xi32, #tpu.memory_space<hbm>>
      tpu.enqueue_dma source(%dma_start3A_219 : memref<40x128xi32, #tpu.memory_space<hbm>>) target(%arg9 : memref<40x128xi32, #tpu.memory_space<vmem>>) target_semaphore(%run_scoped3A : memref<!tpu.dma_semaphore, #tpu.memory_space<semaphore_mem>>)
      %dma_wait3A_220 = arith.constant 40 : i32
      %dma_wait3A_221 = arith.constant 0 : i32
      %dma_wait3A_222 = tpu.memref_slice %arg5[%arg1, %dma_wait3A_220, %dma_wait3A_221] : memref<16x80x128xi32, #tpu.memory_space<hbm>> -> memref<1x40x128xi32, #tpu.memory_space<hbm>>
      %dma_wait3A_223 = tpu.memref_squeeze %dma_wait3A_222 : memref<1x40x128xi32, #tpu.memory_space<hbm>> -> memref<40x128xi32, #tpu.memory_space<hbm>>
      %dma_wait3A_224 = arith.constant 40 : i32
      %dma_wait3A_225 = arith.constant 0 : i32
      %dma_wait3A_226 = tpu.memref_slice %arg5[%arg1, %dma_wait3A_224, %dma_wait3A_225] : memref<16x80x128xi32, #tpu.memory_space<hbm>> -> memref<1x40x128xi32, #tpu.memory_space<hbm>>
      %dma_wait3A_227 = tpu.memref_squeeze %dma_wait3A_226 : memref<1x40x128xi32, #tpu.memory_space<hbm>> -> memref<40x128xi32, #tpu.memory_space<hbm>>
      tpu.wait_dma2 semaphore(%run_scoped3A : memref<!tpu.dma_semaphore, #tpu.memory_space<semaphore_mem>>) src(%dma_wait3A_227 : memref<40x128xi32, #tpu.memory_space<hbm>>) dst(%arg9 : memref<40x128xi32, #tpu.memory_space<vmem>>)
      tpu.yield
    }) : () -> ()
    %dma_start3A_113 = arith.constant 0 : i32
    %dma_start3A_114 = arith.constant 0 : i32
    %dma_start3A_115 = tpu.memref_slice %arg8[%dma_start3A_113, %dma_start3A_114] : memref<40x128xi32, #tpu.memory_space<vmem>> -> memref<1x128xi32, #tpu.memory_space<vmem>>
    %dma_start3A_116 = tpu.memref_squeeze %dma_start3A_115 : memref<1x128xi32, #tpu.memory_space<vmem>> -> memref<128xi32, #tpu.memory_space<vmem>>
    %dma_start3A_117 = arith.constant 0 : i32
    %dma_start3A_118 = arith.constant 0 : i32
    %dma_start3A_119 = tpu.memref_slice %arg2[%arg0, %dma_start3A_117, %dma_start3A_118] : memref<2x10240x128xf32, #tpu.memory_space<hbm>> -> memref<1x10240x128xf32, #tpu.memory_space<hbm>>
    %dma_start3A_120 = tpu.memref_squeeze %dma_start3A_119 : memref<1x10240x128xf32, #tpu.memory_space<hbm>> -> memref<10240x128xf32, #tpu.memory_space<hbm>>
    %dma_start3A_121 = arith.constant 0 : i32
    %dma_start3A_122 = arith.constant 0 : i32
    %dma_start3A_123 = tpu.memref_slice %dma_start3A_120[%dma_start3A_121, %dma_start3A_122] : memref<10240x128xf32, #tpu.memory_space<hbm>> -> memref<10240x128xf32, #tpu.memory_space<hbm>>
    tpu.enqueue_indirect_dma source(%dma_start3A_123 : memref<10240x128xf32, #tpu.memory_space<hbm>>) target(%arg10 : memref<128x128xf32, #tpu.memory_space<vmem>>) offsets(%dma_start3A_116 : memref<128xi32, #tpu.memory_space<vmem>>) semaphore(%arg12 : memref<!tpu.dma_semaphore, #tpu.memory_space<semaphore_mem>>)
    %dma_start3A_124 = arith.constant 1 : i32
    %dma_start3A_125 = arith.constant 0 : i32
    %dma_start3A_126 = tpu.memref_slice %arg8[%dma_start3A_124, %dma_start3A_125] : memref<40x128xi32, #tpu.memory_space<vmem>> -> memref<1x128xi32, #tpu.memory_space<vmem>>
    %dma_start3A_127 = tpu.memref_squeeze %dma_start3A_126 : memref<1x128xi32, #tpu.memory_space<vmem>> -> memref<128xi32, #tpu.memory_space<vmem>>
    %dma_start3A_128 = arith.constant 0 : i32
    %dma_start3A_129 = arith.constant 0 : i32
    %dma_start3A_130 = tpu.memref_slice %arg2[%arg0, %dma_start3A_128, %dma_start3A_129] : memref<2x10240x128xf32, #tpu.memory_space<hbm>> -> memref<1x10240x128xf32, #tpu.memory_space<hbm>>
    %dma_start3A_131 = tpu.memref_squeeze %dma_start3A_130 : memref<1x10240x128xf32, #tpu.memory_space<hbm>> -> memref<10240x128xf32, #tpu.memory_space<hbm>>
    %dma_start3A_132 = arith.constant 0 : i32
    %dma_start3A_133 = arith.constant 0 : i32
    %dma_start3A_134 = tpu.memref_slice %dma_start3A_131[%dma_start3A_132, %dma_start3A_133] : memref<10240x128xf32, #tpu.memory_space<hbm>> -> memref<10240x128xf32, #tpu.memory_space<hbm>>
    tpu.enqueue_indirect_dma source(%dma_start3A_134 : memref<10240x128xf32, #tpu.memory_space<hbm>>) target(%arg11 : memref<128x128xf32, #tpu.memory_space<vmem>>) offsets(%dma_start3A_127 : memref<128xi32, #tpu.memory_space<vmem>>) semaphore(%arg13 : memref<!tpu.dma_semaphore, #tpu.memory_space<semaphore_mem>>)
    %scan3A_135 = arith.constant 0 : i32
    %scan3A_136 = arith.constant 0 : i32
    %scan3A_137 = arith.constant 20 : i32
    %scan3A_138 = arith.addi %scan3A_136, %scan3A_137 : i32
    %scan3A_139 = arith.constant 1 : i32
    scf.for %scan3A_212 = %scan3A_136 to %scan3A_138 step %scan3A_139  : i32 {
      %mul3A_213 = arith.constant 2 : i32
      %mul3A_214 = arith.muli %mul3A_213, %scan3A_212 : i32
      %mul3A_215 = arith.constant 2 : i32
      %mul3A_216 = arith.muli %mul3A_215, %scan3A_212 : i32
      %add3A_217 = arith.constant 1 : i32
      %add3A_218 = arith.addi %mul3A_216, %add3A_217 : i32
      %dma_wait3A_219 = arith.constant 0 : i32
      %dma_wait3A_220 = tpu.memref_slice %arg8[%mul3A_214, %dma_wait3A_219] : memref<40x128xi32, #tpu.memory_space<vmem>> -> memref<1x128xi32, #tpu.memory_space<vmem>>
      %dma_wait3A_221 = tpu.memref_squeeze %dma_wait3A_220 : memref<1x128xi32, #tpu.memory_space<vmem>> -> memref<128xi32, #tpu.memory_space<vmem>>
      %dma_wait3A_222 = arith.constant 0 : i32
      %dma_wait3A_223 = arith.constant 0 : i32
      %dma_wait3A_224 = tpu.memref_slice %arg2[%arg0, %dma_wait3A_222, %dma_wait3A_223] : memref<2x10240x128xf32, #tpu.memory_space<hbm>> -> memref<1x10240x128xf32, #tpu.memory_space<hbm>>
      %dma_wait3A_225 = tpu.memref_squeeze %dma_wait3A_224 : memref<1x10240x128xf32, #tpu.memory_space<hbm>> -> memref<10240x128xf32, #tpu.memory_space<hbm>>
      %dma_wait3A_226 = arith.constant 0 : i32
      %dma_wait3A_227 = arith.constant 0 : i32
      %dma_wait3A_228 = tpu.memref_slice %dma_wait3A_225[%dma_wait3A_226, %dma_wait3A_227] : memref<10240x128xf32, #tpu.memory_space<hbm>> -> memref<10240x128xf32, #tpu.memory_space<hbm>>
      tpu.wait_indirect_dma semaphore(%arg12 : memref<!tpu.dma_semaphore, #tpu.memory_space<semaphore_mem>>) src(%dma_wait3A_228 : memref<10240x128xf32, #tpu.memory_space<hbm>>) dst(%arg10 : memref<128x128xf32, #tpu.memory_space<vmem>>)
      %dma_start3A_229 = arith.constant 0 : i32
      %dma_start3A_230 = tpu.memref_slice %arg9[%mul3A_214, %dma_start3A_229] : memref<40x128xi32, #tpu.memory_space<vmem>> -> memref<1x128xi32, #tpu.memory_space<vmem>>
      %dma_start3A_231 = tpu.memref_squeeze %dma_start3A_230 : memref<1x128xi32, #tpu.memory_space<vmem>> -> memref<128xi32, #tpu.memory_space<vmem>>
      %dma_start3A_232 = arith.constant 0 : i32
      %dma_start3A_233 = arith.constant 0 : i32
      %dma_start3A_234 = tpu.memref_slice %arg7[%dma_start3A_232, %dma_start3A_233] : memref<10240x128xf32, #tpu.memory_space<vmem_shared>> -> memref<10240x128xf32, #tpu.memory_space<vmem_shared>>
      tpu.enqueue_indirect_dma source(%arg10 : memref<128x128xf32, #tpu.memory_space<vmem>>) target(%dma_start3A_234 : memref<10240x128xf32, #tpu.memory_space<vmem_shared>>) offsets(%dma_start3A_231 : memref<128xi32, #tpu.memory_space<vmem>>) semaphore(%arg14 : memref<!tpu.dma_semaphore, #tpu.memory_space<semaphore_mem>>) {add = true}
      %dma_wait3A_235 = arith.constant 0 : i32
      %dma_wait3A_236 = tpu.memref_slice %arg8[%add3A_218, %dma_wait3A_235] : memref<40x128xi32, #tpu.memory_space<vmem>> -> memref<1x128xi32, #tpu.memory_space<vmem>>
      %dma_wait3A_237 = tpu.memref_squeeze %dma_wait3A_236 : memref<1x128xi32, #tpu.memory_space<vmem>> -> memref<128xi32, #tpu.memory_space<vmem>>
      %dma_wait3A_238 = arith.constant 0 : i32
      %dma_wait3A_239 = arith.constant 0 : i32
      %dma_wait3A_240 = tpu.memref_slice %arg2[%arg0, %dma_wait3A_238, %dma_wait3A_239] : memref<2x10240x128xf32, #tpu.memory_space<hbm>> -> memref<1x10240x128xf32, #tpu.memory_space<hbm>>
      %dma_wait3A_241 = tpu.memref_squeeze %dma_wait3A_240 : memref<1x10240x128xf32, #tpu.memory_space<hbm>> -> memref<10240x128xf32, #tpu.memory_space<hbm>>
      %dma_wait3A_242 = arith.constant 0 : i32
      %dma_wait3A_243 = arith.constant 0 : i32
      %dma_wait3A_244 = tpu.memref_slice %dma_wait3A_241[%dma_wait3A_242, %dma_wait3A_243] : memref<10240x128xf32, #tpu.memory_space<hbm>> -> memref<10240x128xf32, #tpu.memory_space<hbm>>
      tpu.wait_indirect_dma semaphore(%arg13 : memref<!tpu.dma_semaphore, #tpu.memory_space<semaphore_mem>>) src(%dma_wait3A_244 : memref<10240x128xf32, #tpu.memory_space<hbm>>) dst(%arg11 : memref<128x128xf32, #tpu.memory_space<vmem>>)
      %dma_start3A_245 = arith.constant 0 : i32
      %dma_start3A_246 = tpu.memref_slice %arg9[%add3A_218, %dma_start3A_245] : memref<40x128xi32, #tpu.memory_space<vmem>> -> memref<1x128xi32, #tpu.memory_space<vmem>>
      %dma_start3A_247 = tpu.memref_squeeze %dma_start3A_246 : memref<1x128xi32, #tpu.memory_space<vmem>> -> memref<128xi32, #tpu.memory_space<vmem>>
      %dma_start3A_248 = arith.constant 0 : i32
      %dma_start3A_249 = arith.constant 0 : i32
      %dma_start3A_250 = tpu.memref_slice %arg7[%dma_start3A_248, %dma_start3A_249] : memref<10240x128xf32, #tpu.memory_space<vmem_shared>> -> memref<10240x128xf32, #tpu.memory_space<vmem_shared>>
      tpu.enqueue_indirect_dma source(%arg11 : memref<128x128xf32, #tpu.memory_space<vmem>>) target(%dma_start3A_250 : memref<10240x128xf32, #tpu.memory_space<vmem_shared>>) offsets(%dma_start3A_247 : memref<128xi32, #tpu.memory_space<vmem>>) semaphore(%arg14 : memref<!tpu.dma_semaphore, #tpu.memory_space<semaphore_mem>>) {add = true}
      %dma_wait3A_251 = arith.constant 0 : i32
      %dma_wait3A_252 = tpu.memref_slice %arg9[%mul3A_214, %dma_wait3A_251] : memref<40x128xi32, #tpu.memory_space<vmem>> -> memref<1x128xi32, #tpu.memory_space<vmem>>
      %dma_wait3A_253 = tpu.memref_squeeze %dma_wait3A_252 : memref<1x128xi32, #tpu.memory_space<vmem>> -> memref<128xi32, #tpu.memory_space<vmem>>
      %dma_wait3A_254 = arith.constant 0 : i32
      %dma_wait3A_255 = arith.constant 0 : i32
      %dma_wait3A_256 = tpu.memref_slice %arg7[%dma_wait3A_254, %dma_wait3A_255] : memref<10240x128xf32, #tpu.memory_space<vmem_shared>> -> memref<10240x128xf32, #tpu.memory_space<vmem_shared>>
      tpu.wait_indirect_dma semaphore(%arg14 : memref<!tpu.dma_semaphore, #tpu.memory_space<semaphore_mem>>) src(%arg10 : memref<128x128xf32, #tpu.memory_space<vmem>>) dst(%dma_wait3A_256 : memref<10240x128xf32, #tpu.memory_space<vmem_shared>>)
      %lt3A = arith.constant 19 : i32
      %lt3A_257 = arith.cmpi slt, %scan3A_212, %lt3A : i32
      %convert_element_type3A = arith.extui %lt3A_257 : i1 to i32
      %cond3A = arith.constant 0 : i32
      %cond3A_258 = arith.cmpi ne, %convert_element_type3A, %cond3A : i32
      scf.if %cond3A_258 {
        %add3A_270 = arith.constant 2 : i32
        %add3A_271 = arith.addi %mul3A_214, %add3A_270 : i32
        %dma_start3A_272 = arith.constant 0 : i32
        %dma_start3A_273 = tpu.memref_slice %arg8[%add3A_271, %dma_start3A_272] : memref<40x128xi32, #tpu.memory_space<vmem>> -> memref<1x128xi32, #tpu.memory_space<vmem>>
        %dma_start3A_274 = tpu.memref_squeeze %dma_start3A_273 : memref<1x128xi32, #tpu.memory_space<vmem>> -> memref<128xi32, #tpu.memory_space<vmem>>
        %dma_start3A_275 = arith.constant 0 : i32
        %dma_start3A_276 = arith.constant 0 : i32
        %dma_start3A_277 = tpu.memref_slice %arg2[%arg0, %dma_start3A_275, %dma_start3A_276] : memref<2x10240x128xf32, #tpu.memory_space<hbm>> -> memref<1x10240x128xf32, #tpu.memory_space<hbm>>
        %dma_start3A_278 = tpu.memref_squeeze %dma_start3A_277 : memref<1x10240x128xf32, #tpu.memory_space<hbm>> -> memref<10240x128xf32, #tpu.memory_space<hbm>>
        %dma_start3A_279 = arith.constant 0 : i32
        %dma_start3A_280 = arith.constant 0 : i32
        %dma_start3A_281 = tpu.memref_slice %dma_start3A_278[%dma_start3A_279, %dma_start3A_280] : memref<10240x128xf32, #tpu.memory_space<hbm>> -> memref<10240x128xf32, #tpu.memory_space<hbm>>
        tpu.enqueue_indirect_dma source(%dma_start3A_281 : memref<10240x128xf32, #tpu.memory_space<hbm>>) target(%arg10 : memref<128x128xf32, #tpu.memory_space<vmem>>) offsets(%dma_start3A_274 : memref<128xi32, #tpu.memory_space<vmem>>) semaphore(%arg12 : memref<!tpu.dma_semaphore, #tpu.memory_space<semaphore_mem>>)
      } else {
      }
      %dma_wait3A_259 = arith.constant 0 : i32
      %dma_wait3A_260 = tpu.memref_slice %arg9[%add3A_218, %dma_wait3A_259] : memref<40x128xi32, #tpu.memory_space<vmem>> -> memref<1x128xi32, #tpu.memory_space<vmem>>
      %dma_wait3A_261 = tpu.memref_squeeze %dma_wait3A_260 : memref<1x128xi32, #tpu.memory_space<vmem>> -> memref<128xi32, #tpu.memory_space<vmem>>
      %dma_wait3A_262 = arith.constant 0 : i32
      %dma_wait3A_263 = arith.constant 0 : i32
      %dma_wait3A_264 = tpu.memref_slice %arg7[%dma_wait3A_262, %dma_wait3A_263] : memref<10240x128xf32, #tpu.memory_space<vmem_shared>> -> memref<10240x128xf32, #tpu.memory_space<vmem_shared>>
      tpu.wait_indirect_dma semaphore(%arg14 : memref<!tpu.dma_semaphore, #tpu.memory_space<semaphore_mem>>) src(%arg11 : memref<128x128xf32, #tpu.memory_space<vmem>>) dst(%dma_wait3A_264 : memref<10240x128xf32, #tpu.memory_space<vmem_shared>>)
      %lt3A_265 = arith.constant 19 : i32
      %lt3A_266 = arith.cmpi slt, %scan3A_212, %lt3A_265 : i32
      %convert_element_type3A_267 = arith.extui %lt3A_266 : i1 to i32
      %cond3A_268 = arith.constant 0 : i32
      %cond3A_269 = arith.cmpi ne, %convert_element_type3A_267, %cond3A_268 : i32
      scf.if %cond3A_269 {
        %add3A_270 = arith.constant 2 : i32
        %add3A_271 = arith.addi %add3A_218, %add3A_270 : i32
        %dma_start3A_272 = arith.constant 0 : i32
        %dma_start3A_273 = tpu.memref_slice %arg8[%add3A_271, %dma_start3A_272] : memref<40x128xi32, #tpu.memory_space<vmem>> -> memref<1x128xi32, #tpu.memory_space<vmem>>
        %dma_start3A_274 = tpu.memref_squeeze %dma_start3A_273 : memref<1x128xi32, #tpu.memory_space<vmem>> -> memref<128xi32, #tpu.memory_space<vmem>>
        %dma_start3A_275 = arith.constant 0 : i32
        %dma_start3A_276 = arith.constant 0 : i32
        %dma_start3A_277 = tpu.memref_slice %arg2[%arg0, %dma_start3A_275, %dma_start3A_276] : memref<2x10240x128xf32, #tpu.memory_space<hbm>> -> memref<1x10240x128xf32, #tpu.memory_space<hbm>>
        %dma_start3A_278 = tpu.memref_squeeze %dma_start3A_277 : memref<1x10240x128xf32, #tpu.memory_space<hbm>> -> memref<10240x128xf32, #tpu.memory_space<hbm>>
        %dma_start3A_279 = arith.constant 0 : i32
        %dma_start3A_280 = arith.constant 0 : i32
        %dma_start3A_281 = tpu.memref_slice %dma_start3A_278[%dma_start3A_279, %dma_start3A_280] : memref<10240x128xf32, #tpu.memory_space<hbm>> -> memref<10240x128xf32, #tpu.memory_space<hbm>>
        tpu.enqueue_indirect_dma source(%dma_start3A_281 : memref<10240x128xf32, #tpu.memory_space<hbm>>) target(%arg11 : memref<128x128xf32, #tpu.memory_space<vmem>>) offsets(%dma_start3A_274 : memref<128xi32, #tpu.memory_space<vmem>>) semaphore(%arg13 : memref<!tpu.dma_semaphore, #tpu.memory_space<semaphore_mem>>)
      } else {
      }
    }
    %scan3A_140 = arith.constant 20 : i32
    %barrier3A_141 = arith.constant 0 : index
    tpu.barrier barrier_id(%barrier3A_141)
    %add3A_142 = arith.constant 0 : i32
    %add3A_143 = arith.addi %mul3A_0, %add3A_142 : i32
    "tpu.region"() ({
      %run_scoped3A = tpu.sem_alloc : memref<!tpu.dma_semaphore, #tpu.memory_space<semaphore_mem>>
      %dma_start3A_212 = arith.constant 0 : i32
      %dma_start3A_213 = tpu.memref_slice %arg7[%add3A_143, %dma_start3A_212] : memref<10240x128xf32, #tpu.memory_space<vmem_shared>> -> memref<128x128xf32, #tpu.memory_space<vmem_shared>>
      %dma_start3A_214 = arith.constant 0 : i32
      %dma_start3A_215 = tpu.memref_slice %arg7[%add3A_143, %dma_start3A_214] : memref<10240x128xf32, #tpu.memory_space<vmem_shared>> -> memref<128x128xf32, #tpu.memory_space<vmem_shared>>
      tpu.enqueue_dma source(%dma_start3A_215 : memref<128x128xf32, #tpu.memory_space<vmem_shared>>) target(%arg10 : memref<128x128xf32, #tpu.memory_space<vmem>>) target_semaphore(%run_scoped3A : memref<!tpu.dma_semaphore, #tpu.memory_space<semaphore_mem>>)
      %dma_wait3A_216 = arith.constant 0 : i32
      %dma_wait3A_217 = tpu.memref_slice %arg7[%add3A_143, %dma_wait3A_216] : memref<10240x128xf32, #tpu.memory_space<vmem_shared>> -> memref<128x128xf32, #tpu.memory_space<vmem_shared>>
      %dma_wait3A_218 = arith.constant 0 : i32
      %dma_wait3A_219 = tpu.memref_slice %arg7[%add3A_143, %dma_wait3A_218] : memref<10240x128xf32, #tpu.memory_space<vmem_shared>> -> memref<128x128xf32, #tpu.memory_space<vmem_shared>>
      tpu.wait_dma2 semaphore(%run_scoped3A : memref<!tpu.dma_semaphore, #tpu.memory_space<semaphore_mem>>) src(%dma_wait3A_219 : memref<128x128xf32, #tpu.memory_space<vmem_shared>>) dst(%arg10 : memref<128x128xf32, #tpu.memory_space<vmem>>)
      tpu.yield
    }) : () -> ()
    %dma_start3A_144 = arith.constant 0 : i32
    %dma_start3A_145 = tpu.memref_slice %arg6[%arg0, %add3A_143, %dma_start3A_144] : memref<2x10240x128xf32, #tpu.memory_space<hbm>> -> memref<1x128x128xf32, #tpu.memory_space<hbm>>
    %dma_start3A_146 = tpu.memref_squeeze %dma_start3A_145 : memref<1x128x128xf32, #tpu.memory_space<hbm>> -> memref<128x128xf32, #tpu.memory_space<hbm>>
    %dma_start3A_147 = arith.constant 0 : i32
    %dma_start3A_148 = tpu.memref_slice %arg6[%arg0, %add3A_143, %dma_start3A_147] : memref<2x10240x128xf32, #tpu.memory_space<hbm>> -> memref<1x128x128xf32, #tpu.memory_space<hbm>>
    %dma_start3A_149 = tpu.memref_squeeze %dma_start3A_148 : memref<1x128x128xf32, #tpu.memory_space<hbm>> -> memref<128x128xf32, #tpu.memory_space<hbm>>
    tpu.enqueue_dma source(%arg10 : memref<128x128xf32, #tpu.memory_space<vmem>>) target(%dma_start3A_149 : memref<128x128xf32, #tpu.memory_space<hbm>>) target_semaphore(%arg14 : memref<!tpu.dma_semaphore, #tpu.memory_space<semaphore_mem>>)
    %add3A_150 = arith.constant 128 : i32
    %add3A_151 = arith.addi %mul3A_0, %add3A_150 : i32
    "tpu.region"() ({
      %run_scoped3A = tpu.sem_alloc : memref<!tpu.dma_semaphore, #tpu.memory_space<semaphore_mem>>
      %dma_start3A_212 = arith.constant 0 : i32
      %dma_start3A_213 = tpu.memref_slice %arg7[%add3A_151, %dma_start3A_212] : memref<10240x128xf32, #tpu.memory_space<vmem_shared>> -> memref<128x128xf32, #tpu.memory_space<vmem_shared>>
      %dma_start3A_214 = arith.constant 0 : i32
      %dma_start3A_215 = tpu.memref_slice %arg7[%add3A_151, %dma_start3A_214] : memref<10240x128xf32, #tpu.memory_space<vmem_shared>> -> memref<128x128xf32, #tpu.memory_space<vmem_shared>>
      tpu.enqueue_dma source(%dma_start3A_215 : memref<128x128xf32, #tpu.memory_space<vmem_shared>>) target(%arg11 : memref<128x128xf32, #tpu.memory_space<vmem>>) target_semaphore(%run_scoped3A : memref<!tpu.dma_semaphore, #tpu.memory_space<semaphore_mem>>)
      %dma_wait3A_216 = arith.constant 0 : i32
      %dma_wait3A_217 = tpu.memref_slice %arg7[%add3A_151, %dma_wait3A_216] : memref<10240x128xf32, #tpu.memory_space<vmem_shared>> -> memref<128x128xf32, #tpu.memory_space<vmem_shared>>
      %dma_wait3A_218 = arith.constant 0 : i32
      %dma_wait3A_219 = tpu.memref_slice %arg7[%add3A_151, %dma_wait3A_218] : memref<10240x128xf32, #tpu.memory_space<vmem_shared>> -> memref<128x128xf32, #tpu.memory_space<vmem_shared>>
      tpu.wait_dma2 semaphore(%run_scoped3A : memref<!tpu.dma_semaphore, #tpu.memory_space<semaphore_mem>>) src(%dma_wait3A_219 : memref<128x128xf32, #tpu.memory_space<vmem_shared>>) dst(%arg11 : memref<128x128xf32, #tpu.memory_space<vmem>>)
      tpu.yield
    }) : () -> ()
    %dma_start3A_152 = arith.constant 0 : i32
    %dma_start3A_153 = tpu.memref_slice %arg6[%arg0, %add3A_151, %dma_start3A_152] : memref<2x10240x128xf32, #tpu.memory_space<hbm>> -> memref<1x128x128xf32, #tpu.memory_space<hbm>>
    %dma_start3A_154 = tpu.memref_squeeze %dma_start3A_153 : memref<1x128x128xf32, #tpu.memory_space<hbm>> -> memref<128x128xf32, #tpu.memory_space<hbm>>
    %dma_start3A_155 = arith.constant 0 : i32
    %dma_start3A_156 = tpu.memref_slice %arg6[%arg0, %add3A_151, %dma_start3A_155] : memref<2x10240x128xf32, #tpu.memory_space<hbm>> -> memref<1x128x128xf32, #tpu.memory_space<hbm>>
    %dma_start3A_157 = tpu.memref_squeeze %dma_start3A_156 : memref<1x128x128xf32, #tpu.memory_space<hbm>> -> memref<128x128xf32, #tpu.memory_space<hbm>>
    tpu.enqueue_dma source(%arg11 : memref<128x128xf32, #tpu.memory_space<vmem>>) target(%dma_start3A_157 : memref<128x128xf32, #tpu.memory_space<hbm>>) target_semaphore(%arg14 : memref<!tpu.dma_semaphore, #tpu.memory_space<semaphore_mem>>)
    %add3A_158 = arith.constant 256 : i32
    %add3A_159 = arith.addi %mul3A_0, %add3A_158 : i32
    %dma_wait3A_160 = arith.constant 0 : i32
    %dma_wait3A_161 = tpu.memref_slice %arg6[%arg0, %add3A_143, %dma_wait3A_160] : memref<2x10240x128xf32, #tpu.memory_space<hbm>> -> memref<1x128x128xf32, #tpu.memory_space<hbm>>
    %dma_wait3A_162 = tpu.memref_squeeze %dma_wait3A_161 : memref<1x128x128xf32, #tpu.memory_space<hbm>> -> memref<128x128xf32, #tpu.memory_space<hbm>>
    %dma_wait3A_163 = arith.constant 0 : i32
    %dma_wait3A_164 = tpu.memref_slice %arg6[%arg0, %add3A_143, %dma_wait3A_163] : memref<2x10240x128xf32, #tpu.memory_space<hbm>> -> memref<1x128x128xf32, #tpu.memory_space<hbm>>
    %dma_wait3A_165 = tpu.memref_squeeze %dma_wait3A_164 : memref<1x128x128xf32, #tpu.memory_space<hbm>> -> memref<128x128xf32, #tpu.memory_space<hbm>>
    tpu.wait_dma2 semaphore(%arg14 : memref<!tpu.dma_semaphore, #tpu.memory_space<semaphore_mem>>) src(%arg10 : memref<128x128xf32, #tpu.memory_space<vmem>>) dst(%dma_wait3A_165 : memref<128x128xf32, #tpu.memory_space<hbm>>)
    "tpu.region"() ({
      %run_scoped3A = tpu.sem_alloc : memref<!tpu.dma_semaphore, #tpu.memory_space<semaphore_mem>>
      %dma_start3A_212 = arith.constant 0 : i32
      %dma_start3A_213 = tpu.memref_slice %arg7[%add3A_159, %dma_start3A_212] : memref<10240x128xf32, #tpu.memory_space<vmem_shared>> -> memref<128x128xf32, #tpu.memory_space<vmem_shared>>
      %dma_start3A_214 = arith.constant 0 : i32
      %dma_start3A_215 = tpu.memref_slice %arg7[%add3A_159, %dma_start3A_214] : memref<10240x128xf32, #tpu.memory_space<vmem_shared>> -> memref<128x128xf32, #tpu.memory_space<vmem_shared>>
      tpu.enqueue_dma source(%dma_start3A_215 : memref<128x128xf32, #tpu.memory_space<vmem_shared>>) target(%arg10 : memref<128x128xf32, #tpu.memory_space<vmem>>) target_semaphore(%run_scoped3A : memref<!tpu.dma_semaphore, #tpu.memory_space<semaphore_mem>>)
      %dma_wait3A_216 = arith.constant 0 : i32
      %dma_wait3A_217 = tpu.memref_slice %arg7[%add3A_159, %dma_wait3A_216] : memref<10240x128xf32, #tpu.memory_space<vmem_shared>> -> memref<128x128xf32, #tpu.memory_space<vmem_shared>>
      %dma_wait3A_218 = arith.constant 0 : i32
      %dma_wait3A_219 = tpu.memref_slice %arg7[%add3A_159, %dma_wait3A_218] : memref<10240x128xf32, #tpu.memory_space<vmem_shared>> -> memref<128x128xf32, #tpu.memory_space<vmem_shared>>
      tpu.wait_dma2 semaphore(%run_scoped3A : memref<!tpu.dma_semaphore, #tpu.memory_space<semaphore_mem>>) src(%dma_wait3A_219 : memref<128x128xf32, #tpu.memory_space<vmem_shared>>) dst(%arg10 : memref<128x128xf32, #tpu.memory_space<vmem>>)
      tpu.yield
    }) : () -> ()
    %dma_start3A_166 = arith.constant 0 : i32
    %dma_start3A_167 = tpu.memref_slice %arg6[%arg0, %add3A_159, %dma_start3A_166] : memref<2x10240x128xf32, #tpu.memory_space<hbm>> -> memref<1x128x128xf32, #tpu.memory_space<hbm>>
    %dma_start3A_168 = tpu.memref_squeeze %dma_start3A_167 : memref<1x128x128xf32, #tpu.memory_space<hbm>> -> memref<128x128xf32, #tpu.memory_space<hbm>>
    %dma_start3A_169 = arith.constant 0 : i32
    %dma_start3A_170 = tpu.memref_slice %arg6[%arg0, %add3A_159, %dma_start3A_169] : memref<2x10240x128xf32, #tpu.memory_space<hbm>> -> memref<1x128x128xf32, #tpu.memory_space<hbm>>
    %dma_start3A_171 = tpu.memref_squeeze %dma_start3A_170 : memref<1x128x128xf32, #tpu.memory_space<hbm>> -> memref<128x128xf32, #tpu.memory_space<hbm>>
    tpu.enqueue_dma source(%arg10 : memref<128x128xf32, #tpu.memory_space<vmem>>) target(%dma_start3A_171 : memref<128x128xf32, #tpu.memory_space<hbm>>) target_semaphore(%arg14 : memref<!tpu.dma_semaphore, #tpu.memory_space<semaphore_mem>>)
    %add3A_172 = arith.constant 384 : i32
    %add3A_173 = arith.addi %mul3A_0, %add3A_172 : i32
    %dma_wait3A_174 = arith.constant 0 : i32
    %dma_wait3A_175 = tpu.memref_slice %arg6[%arg0, %add3A_151, %dma_wait3A_174] : memref<2x10240x128xf32, #tpu.memory_space<hbm>> -> memref<1x128x128xf32, #tpu.memory_space<hbm>>
    %dma_wait3A_176 = tpu.memref_squeeze %dma_wait3A_175 : memref<1x128x128xf32, #tpu.memory_space<hbm>> -> memref<128x128xf32, #tpu.memory_space<hbm>>
    %dma_wait3A_177 = arith.constant 0 : i32
    %dma_wait3A_178 = tpu.memref_slice %arg6[%arg0, %add3A_151, %dma_wait3A_177] : memref<2x10240x128xf32, #tpu.memory_space<hbm>> -> memref<1x128x128xf32, #tpu.memory_space<hbm>>
    %dma_wait3A_179 = tpu.memref_squeeze %dma_wait3A_178 : memref<1x128x128xf32, #tpu.memory_space<hbm>> -> memref<128x128xf32, #tpu.memory_space<hbm>>
    tpu.wait_dma2 semaphore(%arg14 : memref<!tpu.dma_semaphore, #tpu.memory_space<semaphore_mem>>) src(%arg11 : memref<128x128xf32, #tpu.memory_space<vmem>>) dst(%dma_wait3A_179 : memref<128x128xf32, #tpu.memory_space<hbm>>)
    "tpu.region"() ({
      %run_scoped3A = tpu.sem_alloc : memref<!tpu.dma_semaphore, #tpu.memory_space<semaphore_mem>>
      %dma_start3A_212 = arith.constant 0 : i32
      %dma_start3A_213 = tpu.memref_slice %arg7[%add3A_173, %dma_start3A_212] : memref<10240x128xf32, #tpu.memory_space<vmem_shared>> -> memref<128x128xf32, #tpu.memory_space<vmem_shared>>
      %dma_start3A_214 = arith.constant 0 : i32
      %dma_start3A_215 = tpu.memref_slice %arg7[%add3A_173, %dma_start3A_214] : memref<10240x128xf32, #tpu.memory_space<vmem_shared>> -> memref<128x128xf32, #tpu.memory_space<vmem_shared>>
      tpu.enqueue_dma source(%dma_start3A_215 : memref<128x128xf32, #tpu.memory_space<vmem_shared>>) target(%arg11 : memref<128x128xf32, #tpu.memory_space<vmem>>) target_semaphore(%run_scoped3A : memref<!tpu.dma_semaphore, #tpu.memory_space<semaphore_mem>>)
      %dma_wait3A_216 = arith.constant 0 : i32
      %dma_wait3A_217 = tpu.memref_slice %arg7[%add3A_173, %dma_wait3A_216] : memref<10240x128xf32, #tpu.memory_space<vmem_shared>> -> memref<128x128xf32, #tpu.memory_space<vmem_shared>>
      %dma_wait3A_218 = arith.constant 0 : i32
      %dma_wait3A_219 = tpu.memref_slice %arg7[%add3A_173, %dma_wait3A_218] : memref<10240x128xf32, #tpu.memory_space<vmem_shared>> -> memref<128x128xf32, #tpu.memory_space<vmem_shared>>
      tpu.wait_dma2 semaphore(%run_scoped3A : memref<!tpu.dma_semaphore, #tpu.memory_space<semaphore_mem>>) src(%dma_wait3A_219 : memref<128x128xf32, #tpu.memory_space<vmem_shared>>) dst(%arg11 : memref<128x128xf32, #tpu.memory_space<vmem>>)
      tpu.yield
    }) : () -> ()
    %dma_start3A_180 = arith.constant 0 : i32
    %dma_start3A_181 = tpu.memref_slice %arg6[%arg0, %add3A_173, %dma_start3A_180] : memref<2x10240x128xf32, #tpu.memory_space<hbm>> -> memref<1x128x128xf32, #tpu.memory_space<hbm>>
    %dma_start3A_182 = tpu.memref_squeeze %dma_start3A_181 : memref<1x128x128xf32, #tpu.memory_space<hbm>> -> memref<128x128xf32, #tpu.memory_space<hbm>>
    %dma_start3A_183 = arith.constant 0 : i32
    %dma_start3A_184 = tpu.memref_slice %arg6[%arg0, %add3A_173, %dma_start3A_183] : memref<2x10240x128xf32, #tpu.memory_space<hbm>> -> memref<1x128x128xf32, #tpu.memory_space<hbm>>
    %dma_start3A_185 = tpu.memref_squeeze %dma_start3A_184 : memref<1x128x128xf32, #tpu.memory_space<hbm>> -> memref<128x128xf32, #tpu.memory_space<hbm>>
    tpu.enqueue_dma source(%arg11 : memref<128x128xf32, #tpu.memory_space<vmem>>) target(%dma_start3A_185 : memref<128x128xf32, #tpu.memory_space<hbm>>) target_semaphore(%arg14 : memref<!tpu.dma_semaphore, #tpu.memory_space<semaphore_mem>>)
    %add3A_186 = arith.constant 512 : i32
    %add3A_187 = arith.addi %mul3A_0, %add3A_186 : i32
    %dma_wait3A_188 = arith.constant 0 : i32
    %dma_wait3A_189 = tpu.memref_slice %arg6[%arg0, %add3A_159, %dma_wait3A_188] : memref<2x10240x128xf32, #tpu.memory_space<hbm>> -> memref<1x128x128xf32, #tpu.memory_space<hbm>>
    %dma_wait3A_190 = tpu.memref_squeeze %dma_wait3A_189 : memref<1x128x128xf32, #tpu.memory_space<hbm>> -> memref<128x128xf32, #tpu.memory_space<hbm>>
    %dma_wait3A_191 = arith.constant 0 : i32
    %dma_wait3A_192 = tpu.memref_slice %arg6[%arg0, %add3A_159, %dma_wait3A_191] : memref<2x10240x128xf32, #tpu.memory_space<hbm>> -> memref<1x128x128xf32, #tpu.memory_space<hbm>>
    %dma_wait3A_193 = tpu.memref_squeeze %dma_wait3A_192 : memref<1x128x128xf32, #tpu.memory_space<hbm>> -> memref<128x128xf32, #tpu.memory_space<hbm>>
    tpu.wait_dma2 semaphore(%arg14 : memref<!tpu.dma_semaphore, #tpu.memory_space<semaphore_mem>>) src(%arg10 : memref<128x128xf32, #tpu.memory_space<vmem>>) dst(%dma_wait3A_193 : memref<128x128xf32, #tpu.memory_space<hbm>>)
    "tpu.region"() ({
      %run_scoped3A = tpu.sem_alloc : memref<!tpu.dma_semaphore, #tpu.memory_space<semaphore_mem>>
      %dma_start3A_212 = arith.constant 0 : i32
      %dma_start3A_213 = tpu.memref_slice %arg7[%add3A_187, %dma_start3A_212] : memref<10240x128xf32, #tpu.memory_space<vmem_shared>> -> memref<128x128xf32, #tpu.memory_space<vmem_shared>>
      %dma_start3A_214 = arith.constant 0 : i32
      %dma_start3A_215 = tpu.memref_slice %arg7[%add3A_187, %dma_start3A_214] : memref<10240x128xf32, #tpu.memory_space<vmem_shared>> -> memref<128x128xf32, #tpu.memory_space<vmem_shared>>
      tpu.enqueue_dma source(%dma_start3A_215 : memref<128x128xf32, #tpu.memory_space<vmem_shared>>) target(%arg10 : memref<128x128xf32, #tpu.memory_space<vmem>>) target_semaphore(%run_scoped3A : memref<!tpu.dma_semaphore, #tpu.memory_space<semaphore_mem>>)
      %dma_wait3A_216 = arith.constant 0 : i32
      %dma_wait3A_217 = tpu.memref_slice %arg7[%add3A_187, %dma_wait3A_216] : memref<10240x128xf32, #tpu.memory_space<vmem_shared>> -> memref<128x128xf32, #tpu.memory_space<vmem_shared>>
      %dma_wait3A_218 = arith.constant 0 : i32
      %dma_wait3A_219 = tpu.memref_slice %arg7[%add3A_187, %dma_wait3A_218] : memref<10240x128xf32, #tpu.memory_space<vmem_shared>> -> memref<128x128xf32, #tpu.memory_space<vmem_shared>>
      tpu.wait_dma2 semaphore(%run_scoped3A : memref<!tpu.dma_semaphore, #tpu.memory_space<semaphore_mem>>) src(%dma_wait3A_219 : memref<128x128xf32, #tpu.memory_space<vmem_shared>>) dst(%arg10 : memref<128x128xf32, #tpu.memory_space<vmem>>)
      tpu.yield
    }) : () -> ()
    %dma_start3A_194 = arith.constant 0 : i32
    %dma_start3A_195 = tpu.memref_slice %arg6[%arg0, %add3A_187, %dma_start3A_194] : memref<2x10240x128xf32, #tpu.memory_space<hbm>> -> memref<1x128x128xf32, #tpu.memory_space<hbm>>
    %dma_start3A_196 = tpu.memref_squeeze %dma_start3A_195 : memref<1x128x128xf32, #tpu.memory_space<hbm>> -> memref<128x128xf32, #tpu.memory_space<hbm>>
    %dma_start3A_197 = arith.constant 0 : i32
    %dma_start3A_198 = tpu.memref_slice %arg6[%arg0, %add3A_187, %dma_start3A_197] : memref<2x10240x128xf32, #tpu.memory_space<hbm>> -> memref<1x128x128xf32, #tpu.memory_space<hbm>>
    %dma_start3A_199 = tpu.memref_squeeze %dma_start3A_198 : memref<1x128x128xf32, #tpu.memory_space<hbm>> -> memref<128x128xf32, #tpu.memory_space<hbm>>
    tpu.enqueue_dma source(%arg10 : memref<128x128xf32, #tpu.memory_space<vmem>>) target(%dma_start3A_199 : memref<128x128xf32, #tpu.memory_space<hbm>>) target_semaphore(%arg14 : memref<!tpu.dma_semaphore, #tpu.memory_space<semaphore_mem>>)
    %dma_wait3A_200 = arith.constant 0 : i32
    %dma_wait3A_201 = tpu.memref_slice %arg6[%arg0, %add3A_173, %dma_wait3A_200] : memref<2x10240x128xf32, #tpu.memory_space<hbm>> -> memref<1x128x128xf32, #tpu.memory_space<hbm>>
    %dma_wait3A_202 = tpu.memref_squeeze %dma_wait3A_201 : memref<1x128x128xf32, #tpu.memory_space<hbm>> -> memref<128x128xf32, #tpu.memory_space<hbm>>
    %dma_wait3A_203 = arith.constant 0 : i32
    %dma_wait3A_204 = tpu.memref_slice %arg6[%arg0, %add3A_173, %dma_wait3A_203] : memref<2x10240x128xf32, #tpu.memory_space<hbm>> -> memref<1x128x128xf32, #tpu.memory_space<hbm>>
    %dma_wait3A_205 = tpu.memref_squeeze %dma_wait3A_204 : memref<1x128x128xf32, #tpu.memory_space<hbm>> -> memref<128x128xf32, #tpu.memory_space<hbm>>
    tpu.wait_dma2 semaphore(%arg14 : memref<!tpu.dma_semaphore, #tpu.memory_space<semaphore_mem>>) src(%arg11 : memref<128x128xf32, #tpu.memory_space<vmem>>) dst(%dma_wait3A_205 : memref<128x128xf32, #tpu.memory_space<hbm>>)
    %dma_wait3A_206 = arith.constant 0 : i32
    %dma_wait3A_207 = tpu.memref_slice %arg6[%arg0, %add3A_187, %dma_wait3A_206] : memref<2x10240x128xf32, #tpu.memory_space<hbm>> -> memref<1x128x128xf32, #tpu.memory_space<hbm>>
    %dma_wait3A_208 = tpu.memref_squeeze %dma_wait3A_207 : memref<1x128x128xf32, #tpu.memory_space<hbm>> -> memref<128x128xf32, #tpu.memory_space<hbm>>
    %dma_wait3A_209 = arith.constant 0 : i32
    %dma_wait3A_210 = tpu.memref_slice %arg6[%arg0, %add3A_187, %dma_wait3A_209] : memref<2x10240x128xf32, #tpu.memory_space<hbm>> -> memref<1x128x128xf32, #tpu.memory_space<hbm>>
    %dma_wait3A_211 = tpu.memref_squeeze %dma_wait3A_210 : memref<1x128x128xf32, #tpu.memory_space<hbm>> -> memref<128x128xf32, #tpu.memory_space<hbm>>
    tpu.wait_dma2 semaphore(%arg14 : memref<!tpu.dma_semaphore, #tpu.memory_space<semaphore_mem>>) src(%arg10 : memref<128x128xf32, #tpu.memory_space<vmem>>) dst(%dma_wait3A_211 : memref<128x128xf32, #tpu.memory_space<hbm>>)
    return
  }
}

module attributes {stable_mosaic.version = 14 : i64} {
  func.func @_tc_pre_body(%arg0: i32, %arg1: memref<2048x256xf32, #tpu.memory_space<vmem>>, %arg2: memref<2x2048x16xf32, #tpu.memory_space<vmem>>, %arg3: memref<256x256xf32, #tpu.memory_space<vmem>>, %arg4: memref<16x256xf32, #tpu.memory_space<vmem>>, %arg5: memref<1x256xf32, #tpu.memory_space<vmem>>, %arg6: memref<2x2048x128xf32, #tpu.memory_space<vmem>>, %arg7: memref<2x2048x128xf32, #tpu.memory_space<vmem>>, %arg8: memref<2x2048x128xf32, #tpu.memory_space<vmem>>) attributes {dimension_semantics = [#tpu.dimension_semantics<arbitrary>], iteration_bounds = array<i64: 5>, scalar_prefetch = 0 : i64, scratch_operands = 0 : i64, tpu.core_type = #tpu.core_type<tc>, window_params = [{transform_indices = @transform_0, window_bounds = array<i64: 2048, 256>}, {transform_indices = @transform_1, window_bounds = array<i64: 2, 2048, 16>}, {pipeline_mode = #tpu.pipeline_mode<synchronous>, transform_indices = @transform_2, window_bounds = array<i64: 256, 256>}, {pipeline_mode = #tpu.pipeline_mode<synchronous>, transform_indices = @transform_3, window_bounds = array<i64: 16, 256>}, {pipeline_mode = #tpu.pipeline_mode<synchronous>, transform_indices = @transform_4, window_bounds = array<i64: 1, 256>}, {transform_indices = @transform_5, window_bounds = array<i64: 2, 2048, 128>}, {transform_indices = @transform_6, window_bounds = array<i64: 2, 2048, 128>}, {transform_indices = @transform_7, window_bounds = array<i64: 2, 2048, 128>}]} {
    %get3A = arith.constant 0 : index
    %get3A_0 = arith.constant 0 : index
    %get3A_1 = arith.constant 0 : index
    %get3A_2 = vector.load %arg2[%get3A, %get3A_0, %get3A_1] : memref<2x2048x16xf32, #tpu.memory_space<vmem>>, vector<1x2048x16xf32>
    %get3A_3 = vector.shape_cast %get3A_2 : vector<1x2048x16xf32> to vector<2048x16xf32>
    %get3A_4 = arith.constant 1 : index
    %get3A_5 = arith.constant 0 : index
    %get3A_6 = arith.constant 0 : index
    %get3A_7 = vector.load %arg2[%get3A_4, %get3A_5, %get3A_6] : memref<2x2048x16xf32, #tpu.memory_space<vmem>>, vector<1x2048x16xf32>
    %get3A_8 = vector.shape_cast %get3A_7 : vector<1x2048x16xf32> to vector<2048x16xf32>
    %add3A = arith.addf %get3A_3, %get3A_8 : vector<2048x16xf32>
    %get3A_9 = arith.constant 0 : index
    %get3A_10 = arith.constant 0 : index
    %get3A_11 = vector.load %arg4[%get3A_9, %get3A_10] : memref<16x256xf32, #tpu.memory_space<vmem>>, vector<16x256xf32>
    %dot_general3A = arith.constant dense<0.000000e+00> : vector<2048x256xf32>
    %dot_general3A_12 = tpu.matmul %add3A, %get3A_11, %dot_general3A {dimension_numbers = #tpu.dot_dimension_numbers<[1], [0], [0], [1], [0, 0, 1, 1], [], []>, precision = #tpu.contract_precision<fp32>, transpose_lhs_hint = false} : vector<2048x16xf32>, vector<16x256xf32>, vector<2048x256xf32> -> vector<2048x256xf32>
    %get3A_13 = arith.constant 0 : index
    %get3A_14 = arith.constant 0 : index
    %get3A_15 = vector.load %arg5[%get3A_13, %get3A_14] : memref<1x256xf32, #tpu.memory_space<vmem>>, vector<1x256xf32>
    %add3A_16 = vector.broadcast %get3A_15 : vector<1x256xf32> to vector<2048x256xf32>
    %add3A_17 = arith.addf %dot_general3A_12, %add3A_16 : vector<2048x256xf32>
    %get3A_18 = arith.constant 0 : index
    %get3A_19 = arith.constant 0 : index
    %get3A_20 = vector.load %arg1[%get3A_18, %get3A_19] : memref<2048x256xf32, #tpu.memory_space<vmem>>, vector<2048x256xf32>
    %get3A_21 = arith.constant 0 : index
    %get3A_22 = arith.constant 0 : index
    %get3A_23 = vector.load %arg3[%get3A_21, %get3A_22] : memref<256x256xf32, #tpu.memory_space<vmem>>, vector<256x256xf32>
    %dot_general3A_24 = arith.constant dense<0.000000e+00> : vector<2048x256xf32>
    %dot_general3A_25 = tpu.matmul %get3A_20, %get3A_23, %dot_general3A_24 {dimension_numbers = #tpu.dot_dimension_numbers<[1], [0], [0], [1], [0, 0, 1, 1], [], []>, precision = #tpu.contract_precision<fp32>, transpose_lhs_hint = false} : vector<2048x256xf32>, vector<256x256xf32>, vector<2048x256xf32> -> vector<2048x256xf32>
    %add3A_26 = arith.addf %dot_general3A_25, %add3A_17 : vector<2048x256xf32>
    %slice3A = vector.extract_strided_slice %dot_general3A_25 {offsets = [0, 0], sizes = [2048, 128], strides = [1, 1]} : vector<2048x256xf32> to vector<2048x128xf32>
    %swap3A = arith.constant 0 : index
    %swap3A_27 = arith.constant 0 : index
    %swap3A_28 = arith.constant 0 : index
    %swap3A_29 = vector.load %arg6[%swap3A, %swap3A_27, %swap3A_28] : memref<2x2048x128xf32, #tpu.memory_space<vmem>>, vector<1x2048x128xf32>
    %swap3A_30 = vector.shape_cast %swap3A_29 : vector<1x2048x128xf32> to vector<2048x128xf32>
    %swap3A_31 = vector.shape_cast %slice3A : vector<2048x128xf32> to vector<1x2048x128xf32>
    tpu.vector_store %arg6[%swap3A, %swap3A_27, %swap3A_28], %swap3A_31 {strides = array<i32>} : memref<2x2048x128xf32, #tpu.memory_space<vmem>>, vector<1x2048x128xf32>,
    %slice3A_32 = vector.extract_strided_slice %dot_general3A_25 {offsets = [0, 128], sizes = [2048, 128], strides = [1, 1]} : vector<2048x256xf32> to vector<2048x128xf32>
    %swap3A_33 = arith.constant 1 : index
    %swap3A_34 = arith.constant 0 : index
    %swap3A_35 = arith.constant 0 : index
    %swap3A_36 = vector.load %arg6[%swap3A_33, %swap3A_34, %swap3A_35] : memref<2x2048x128xf32, #tpu.memory_space<vmem>>, vector<1x2048x128xf32>
    %swap3A_37 = vector.shape_cast %swap3A_36 : vector<1x2048x128xf32> to vector<2048x128xf32>
    %swap3A_38 = vector.shape_cast %slice3A_32 : vector<2048x128xf32> to vector<1x2048x128xf32>
    tpu.vector_store %arg6[%swap3A_33, %swap3A_34, %swap3A_35], %swap3A_38 {strides = array<i32>} : memref<2x2048x128xf32, #tpu.memory_space<vmem>>, vector<1x2048x128xf32>,
    %slice3A_39 = vector.extract_strided_slice %add3A_26 {offsets = [0, 0], sizes = [2048, 128], strides = [1, 1]} : vector<2048x256xf32> to vector<2048x128xf32>
    %swap3A_40 = arith.constant 0 : index
    %swap3A_41 = arith.constant 0 : index
    %swap3A_42 = arith.constant 0 : index
    %swap3A_43 = vector.load %arg7[%swap3A_40, %swap3A_41, %swap3A_42] : memref<2x2048x128xf32, #tpu.memory_space<vmem>>, vector<1x2048x128xf32>
    %swap3A_44 = vector.shape_cast %swap3A_43 : vector<1x2048x128xf32> to vector<2048x128xf32>
    %swap3A_45 = vector.shape_cast %slice3A_39 : vector<2048x128xf32> to vector<1x2048x128xf32>
    tpu.vector_store %arg7[%swap3A_40, %swap3A_41, %swap3A_42], %swap3A_45 {strides = array<i32>} : memref<2x2048x128xf32, #tpu.memory_space<vmem>>, vector<1x2048x128xf32>,
    %slice3A_46 = vector.extract_strided_slice %add3A_26 {offsets = [0, 128], sizes = [2048, 128], strides = [1, 1]} : vector<2048x256xf32> to vector<2048x128xf32>
    %swap3A_47 = arith.constant 1 : index
    %swap3A_48 = arith.constant 0 : index
    %swap3A_49 = arith.constant 0 : index
    %swap3A_50 = vector.load %arg7[%swap3A_47, %swap3A_48, %swap3A_49] : memref<2x2048x128xf32, #tpu.memory_space<vmem>>, vector<1x2048x128xf32>
    %swap3A_51 = vector.shape_cast %swap3A_50 : vector<1x2048x128xf32> to vector<2048x128xf32>
    %swap3A_52 = vector.shape_cast %slice3A_46 : vector<2048x128xf32> to vector<1x2048x128xf32>
    tpu.vector_store %arg7[%swap3A_47, %swap3A_48, %swap3A_49], %swap3A_52 {strides = array<i32>} : memref<2x2048x128xf32, #tpu.memory_space<vmem>>, vector<1x2048x128xf32>,
    %slice3A_53 = vector.extract_strided_slice %add3A_17 {offsets = [0, 0], sizes = [2048, 128], strides = [1, 1]} : vector<2048x256xf32> to vector<2048x128xf32>
    %swap3A_54 = arith.constant 0 : index
    %swap3A_55 = arith.constant 0 : index
    %swap3A_56 = arith.constant 0 : index
    %swap3A_57 = vector.load %arg8[%swap3A_54, %swap3A_55, %swap3A_56] : memref<2x2048x128xf32, #tpu.memory_space<vmem>>, vector<1x2048x128xf32>
    %swap3A_58 = vector.shape_cast %swap3A_57 : vector<1x2048x128xf32> to vector<2048x128xf32>
    %swap3A_59 = vector.shape_cast %slice3A_53 : vector<2048x128xf32> to vector<1x2048x128xf32>
    tpu.vector_store %arg8[%swap3A_54, %swap3A_55, %swap3A_56], %swap3A_59 {strides = array<i32>} : memref<2x2048x128xf32, #tpu.memory_space<vmem>>, vector<1x2048x128xf32>,
    %slice3A_60 = vector.extract_strided_slice %add3A_17 {offsets = [0, 128], sizes = [2048, 128], strides = [1, 1]} : vector<2048x256xf32> to vector<2048x128xf32>
    %swap3A_61 = arith.constant 1 : index
    %swap3A_62 = arith.constant 0 : index
    %swap3A_63 = arith.constant 0 : index
    %swap3A_64 = vector.load %arg8[%swap3A_61, %swap3A_62, %swap3A_63] : memref<2x2048x128xf32, #tpu.memory_space<vmem>>, vector<1x2048x128xf32>
    %swap3A_65 = vector.shape_cast %swap3A_64 : vector<1x2048x128xf32> to vector<2048x128xf32>
    %swap3A_66 = vector.shape_cast %slice3A_60 : vector<2048x128xf32> to vector<1x2048x128xf32>
    tpu.vector_store %arg8[%swap3A_61, %swap3A_62, %swap3A_63], %swap3A_66 {strides = array<i32>} : memref<2x2048x128xf32, #tpu.memory_space<vmem>>, vector<1x2048x128xf32>,
    return
  }
  func.func @transform_0(%arg0: i32) -> (i32, i32) {
    %c0_i32 = arith.constant 0 : i32
    %c0_i32_0 = arith.constant 0 : i32
    return %arg0, %c0_i32 : i32, i32
  }
  func.func @transform_1(%arg0: i32) -> (i32, i32, i32) {
    %c0_i32 = arith.constant 0 : i32
    %c0_i32_0 = arith.constant 0 : i32
    %c0_i32_1 = arith.constant 0 : i32
    return %c0_i32, %arg0, %c0_i32_0 : i32, i32, i32
  }
  func.func @transform_2(%arg0: i32) -> (i32, i32) {
    %c0_i32 = arith.constant 0 : i32
    %c0_i32_0 = arith.constant 0 : i32
    %c0_i32_1 = arith.constant 0 : i32
    return %c0_i32, %c0_i32_0 : i32, i32
  }
  func.func @transform_3(%arg0: i32) -> (i32, i32) {
    %c0_i32 = arith.constant 0 : i32
    %c0_i32_0 = arith.constant 0 : i32
    %c0_i32_1 = arith.constant 0 : i32
    return %c0_i32, %c0_i32_0 : i32, i32
  }
  func.func @transform_4(%arg0: i32) -> (i32, i32) {
    %c0_i32 = arith.constant 0 : i32
    %c0_i32_0 = arith.constant 0 : i32
    %c0_i32_1 = arith.constant 0 : i32
    return %c0_i32, %c0_i32_0 : i32, i32
  }
  func.func @transform_5(%arg0: i32) -> (i32, i32, i32) {
    %c0_i32 = arith.constant 0 : i32
    %c0_i32_0 = arith.constant 0 : i32
    %c0_i32_1 = arith.constant 0 : i32
    return %c0_i32, %arg0, %c0_i32_0 : i32, i32, i32
  }
  func.func @transform_6(%arg0: i32) -> (i32, i32, i32) {
    %c0_i32 = arith.constant 0 : i32
    %c0_i32_0 = arith.constant 0 : i32
    %c0_i32_1 = arith.constant 0 : i32
    return %c0_i32, %arg0, %c0_i32_0 : i32, i32, i32
  }
  func.func @transform_7(%arg0: i32) -> (i32, i32, i32) {
    %c0_i32 = arith.constant 0 : i32
    %c0_i32_0 = arith.constant 0 : i32
    %c0_i32_1 = arith.constant 0 : i32
    return %c0_i32, %arg0, %c0_i32_0 : i32, i32, i32
  }
}

module attributes {stable_mosaic.version = 14 : i64} {
  func.func @_tc_conv_body(%arg0: i32, %arg1: memref<2x2048x128xf32, #tpu.memory_space<vmem>>, %arg2: memref<2x2048x128xf32, #tpu.memory_space<vmem>>, %arg3: memref<256x256xf32, #tpu.memory_space<vmem>>, %arg4: memref<2x2048x128xf32, #tpu.memory_space<vmem>>, %arg5: memref<2x2048x128xf32, #tpu.memory_space<vmem>>) attributes {dimension_semantics = [#tpu.dimension_semantics<arbitrary>], iteration_bounds = array<i64: 5>, scalar_prefetch = 0 : i64, scratch_operands = 0 : i64, tpu.core_type = #tpu.core_type<tc>, window_params = [{transform_indices = @transform_0, window_bounds = array<i64: 2, 2048, 128>}, {transform_indices = @transform_1, window_bounds = array<i64: 2, 2048, 128>}, {pipeline_mode = #tpu.pipeline_mode<synchronous>, transform_indices = @transform_2, window_bounds = array<i64: 256, 256>}, {transform_indices = @transform_3, window_bounds = array<i64: 2, 2048, 128>}, {transform_indices = @transform_4, window_bounds = array<i64: 2, 2048, 128>}]} {
    %get3A = arith.constant 0 : index
    %get3A_0 = arith.constant 0 : index
    %get3A_1 = arith.constant 0 : index
    %get3A_2 = vector.load %arg1[%get3A, %get3A_0, %get3A_1] : memref<2x2048x128xf32, #tpu.memory_space<vmem>>, vector<1x2048x128xf32>
    %get3A_3 = vector.shape_cast %get3A_2 : vector<1x2048x128xf32> to vector<2048x128xf32>
    %get3A_4 = arith.constant 1 : index
    %get3A_5 = arith.constant 0 : index
    %get3A_6 = arith.constant 0 : index
    %get3A_7 = vector.load %arg1[%get3A_4, %get3A_5, %get3A_6] : memref<2x2048x128xf32, #tpu.memory_space<vmem>>, vector<1x2048x128xf32>
    %get3A_8 = vector.shape_cast %get3A_7 : vector<1x2048x128xf32> to vector<2048x128xf32>
    %concatenate3A = tpu.concatenate %get3A_3, %get3A_8 in 1 : vector<2048x128xf32>, vector<2048x128xf32> -> vector<2048x256xf32>
    %get3A_9 = arith.constant 0 : index
    %get3A_10 = arith.constant 0 : index
    %get3A_11 = vector.load %arg3[%get3A_9, %get3A_10] : memref<256x256xf32, #tpu.memory_space<vmem>>, vector<256x256xf32>
    %dot_general3A = arith.constant dense<0.000000e+00> : vector<2048x256xf32>
    %dot_general3A_12 = tpu.matmul %concatenate3A, %get3A_11, %dot_general3A {dimension_numbers = #tpu.dot_dimension_numbers<[1], [0], [0], [1], [0, 0, 1, 1], [], []>, precision = #tpu.contract_precision<fp32>, transpose_lhs_hint = false} : vector<2048x256xf32>, vector<256x256xf32>, vector<2048x256xf32> -> vector<2048x256xf32>
    %slice3A = vector.extract_strided_slice %dot_general3A_12 {offsets = [0, 0], sizes = [2048, 128], strides = [1, 1]} : vector<2048x256xf32> to vector<2048x128xf32>
    %swap3A = arith.constant 0 : index
    %swap3A_13 = arith.constant 0 : index
    %swap3A_14 = arith.constant 0 : index
    %swap3A_15 = vector.load %arg4[%swap3A, %swap3A_13, %swap3A_14] : memref<2x2048x128xf32, #tpu.memory_space<vmem>>, vector<1x2048x128xf32>
    %swap3A_16 = vector.shape_cast %swap3A_15 : vector<1x2048x128xf32> to vector<2048x128xf32>
    %swap3A_17 = vector.shape_cast %slice3A : vector<2048x128xf32> to vector<1x2048x128xf32>
    tpu.vector_store %arg4[%swap3A, %swap3A_13, %swap3A_14], %swap3A_17 {strides = array<i32>} : memref<2x2048x128xf32, #tpu.memory_space<vmem>>, vector<1x2048x128xf32>,
    %slice3A_18 = vector.extract_strided_slice %dot_general3A_12 {offsets = [0, 128], sizes = [2048, 128], strides = [1, 1]} : vector<2048x256xf32> to vector<2048x128xf32>
    %swap3A_19 = arith.constant 1 : index
    %swap3A_20 = arith.constant 0 : index
    %swap3A_21 = arith.constant 0 : index
    %swap3A_22 = vector.load %arg4[%swap3A_19, %swap3A_20, %swap3A_21] : memref<2x2048x128xf32, #tpu.memory_space<vmem>>, vector<1x2048x128xf32>
    %swap3A_23 = vector.shape_cast %swap3A_22 : vector<1x2048x128xf32> to vector<2048x128xf32>
    %swap3A_24 = vector.shape_cast %slice3A_18 : vector<2048x128xf32> to vector<1x2048x128xf32>
    tpu.vector_store %arg4[%swap3A_19, %swap3A_20, %swap3A_21], %swap3A_24 {strides = array<i32>} : memref<2x2048x128xf32, #tpu.memory_space<vmem>>, vector<1x2048x128xf32>,
    %slice3A_25 = vector.extract_strided_slice %dot_general3A_12 {offsets = [0, 0], sizes = [2048, 128], strides = [1, 1]} : vector<2048x256xf32> to vector<2048x128xf32>
    %get3A_26 = arith.constant 0 : index
    %get3A_27 = arith.constant 0 : index
    %get3A_28 = arith.constant 0 : index
    %get3A_29 = vector.load %arg2[%get3A_26, %get3A_27, %get3A_28] : memref<2x2048x128xf32, #tpu.memory_space<vmem>>, vector<1x2048x128xf32>
    %get3A_30 = vector.shape_cast %get3A_29 : vector<1x2048x128xf32> to vector<2048x128xf32>
    %add3A = arith.addf %slice3A_25, %get3A_30 : vector<2048x128xf32>
    %swap3A_31 = arith.constant 0 : index
    %swap3A_32 = arith.constant 0 : index
    %swap3A_33 = arith.constant 0 : index
    %swap3A_34 = vector.load %arg5[%swap3A_31, %swap3A_32, %swap3A_33] : memref<2x2048x128xf32, #tpu.memory_space<vmem>>, vector<1x2048x128xf32>
    %swap3A_35 = vector.shape_cast %swap3A_34 : vector<1x2048x128xf32> to vector<2048x128xf32>
    %swap3A_36 = vector.shape_cast %add3A : vector<2048x128xf32> to vector<1x2048x128xf32>
    tpu.vector_store %arg5[%swap3A_31, %swap3A_32, %swap3A_33], %swap3A_36 {strides = array<i32>} : memref<2x2048x128xf32, #tpu.memory_space<vmem>>, vector<1x2048x128xf32>,
    %slice3A_37 = vector.extract_strided_slice %dot_general3A_12 {offsets = [0, 128], sizes = [2048, 128], strides = [1, 1]} : vector<2048x256xf32> to vector<2048x128xf32>
    %get3A_38 = arith.constant 1 : index
    %get3A_39 = arith.constant 0 : index
    %get3A_40 = arith.constant 0 : index
    %get3A_41 = vector.load %arg2[%get3A_38, %get3A_39, %get3A_40] : memref<2x2048x128xf32, #tpu.memory_space<vmem>>, vector<1x2048x128xf32>
    %get3A_42 = vector.shape_cast %get3A_41 : vector<1x2048x128xf32> to vector<2048x128xf32>
    %add3A_43 = arith.addf %slice3A_37, %get3A_42 : vector<2048x128xf32>
    %swap3A_44 = arith.constant 1 : index
    %swap3A_45 = arith.constant 0 : index
    %swap3A_46 = arith.constant 0 : index
    %swap3A_47 = vector.load %arg5[%swap3A_44, %swap3A_45, %swap3A_46] : memref<2x2048x128xf32, #tpu.memory_space<vmem>>, vector<1x2048x128xf32>
    %swap3A_48 = vector.shape_cast %swap3A_47 : vector<1x2048x128xf32> to vector<2048x128xf32>
    %swap3A_49 = vector.shape_cast %add3A_43 : vector<2048x128xf32> to vector<1x2048x128xf32>
    tpu.vector_store %arg5[%swap3A_44, %swap3A_45, %swap3A_46], %swap3A_49 {strides = array<i32>} : memref<2x2048x128xf32, #tpu.memory_space<vmem>>, vector<1x2048x128xf32>,
    return
  }
  func.func @transform_0(%arg0: i32) -> (i32, i32, i32) {
    %c0_i32 = arith.constant 0 : i32
    %c0_i32_0 = arith.constant 0 : i32
    %c0_i32_1 = arith.constant 0 : i32
    return %c0_i32, %arg0, %c0_i32_0 : i32, i32, i32
  }
  func.func @transform_1(%arg0: i32) -> (i32, i32, i32) {
    %c0_i32 = arith.constant 0 : i32
    %c0_i32_0 = arith.constant 0 : i32
    %c0_i32_1 = arith.constant 0 : i32
    return %c0_i32, %arg0, %c0_i32_0 : i32, i32, i32
  }
  func.func @transform_2(%arg0: i32) -> (i32, i32) {
    %c0_i32 = arith.constant 0 : i32
    %c0_i32_0 = arith.constant 0 : i32
    %c0_i32_1 = arith.constant 0 : i32
    return %c0_i32, %c0_i32_0 : i32, i32
  }
  func.func @transform_3(%arg0: i32) -> (i32, i32, i32) {
    %c0_i32 = arith.constant 0 : i32
    %c0_i32_0 = arith.constant 0 : i32
    %c0_i32_1 = arith.constant 0 : i32
    return %c0_i32, %arg0, %c0_i32_0 : i32, i32, i32
  }
  func.func @transform_4(%arg0: i32) -> (i32, i32, i32) {
    %c0_i32 = arith.constant 0 : i32
    %c0_i32_0 = arith.constant 0 : i32
    %c0_i32_1 = arith.constant 0 : i32
    return %c0_i32, %arg0, %c0_i32_0 : i32, i32, i32
  }
}

module attributes {stable_mosaic.version = 14 : i64} {
  func.func @_tc_pool_body(%arg0: i32, %arg1: memref<2x2048x128xf32, #tpu.memory_space<vmem>>, %arg2: memref<2048x1xi32, #tpu.memory_space<vmem>>, %arg3: memref<256x512xf32, #tpu.memory_space<vmem>>, %arg4: memref<1x512xf32, #tpu.memory_space<vmem>>, %arg5: memref<512x128xf32, #tpu.memory_space<vmem>>, %arg6: memref<1x128xf32, #tpu.memory_space<vmem>>, %arg7: memref<128x1xf32, #tpu.memory_space<vmem>>, %arg8: memref<1x1xf32, #tpu.memory_space<vmem>>, %arg9: memref<512x50xf32, #tpu.memory_space<vmem>>, %arg10: memref<1x50xf32, #tpu.memory_space<vmem>>, %arg11: memref<50x1xf32, #tpu.memory_space<vmem>>, %arg12: memref<1x1xf32, #tpu.memory_space<vmem>>, %arg13: memref<512x512xf32, #tpu.memory_space<vmem>>, %arg14: memref<512x1xf32, #tpu.memory_space<vmem>>, %arg15: memref<512x1xf32, #tpu.memory_space<vmem>>) attributes {dimension_semantics = [#tpu.dimension_semantics<arbitrary>], iteration_bounds = array<i64: 5>, scalar_prefetch = 0 : i64, scratch_operands = 0 : i64, tpu.core_type = #tpu.core_type<tc>, window_params = [{transform_indices = @transform_0, window_bounds = array<i64: 2, 2048, 128>}, {transform_indices = @transform_1, window_bounds = array<i64: 2048, 1>}, {pipeline_mode = #tpu.pipeline_mode<synchronous>, transform_indices = @transform_2, window_bounds = array<i64: 256, 512>}, {pipeline_mode = #tpu.pipeline_mode<synchronous>, transform_indices = @transform_3, window_bounds = array<i64: 1, 512>}, {pipeline_mode = #tpu.pipeline_mode<synchronous>, transform_indices = @transform_4, window_bounds = array<i64: 512, 128>}, {pipeline_mode = #tpu.pipeline_mode<synchronous>, transform_indices = @transform_5, window_bounds = array<i64: 1, 128>}, {pipeline_mode = #tpu.pipeline_mode<synchronous>, transform_indices = @transform_6, window_bounds = array<i64: 128, 1>}, {pipeline_mode = #tpu.pipeline_mode<synchronous>, transform_indices = @transform_7, window_bounds = array<i64: 1, 1>}, {pipeline_mode = #tpu.pipeline_mode<synchronous>, transform_indices = @transform_8, window_bounds = array<i64: 512, 50>}, {pipeline_mode = #tpu.pipeline_mode<synchronous>, transform_indices = @transform_9, window_bounds = array<i64: 1, 50>}, {pipeline_mode = #tpu.pipeline_mode<synchronous>, transform_indices = @transform_10, window_bounds = array<i64: 50, 1>}, {pipeline_mode = #tpu.pipeline_mode<synchronous>, transform_indices = @transform_11, window_bounds = array<i64: 1, 1>}, {pipeline_mode = #tpu.pipeline_mode<synchronous>, transform_indices = @transform_12, window_bounds = array<i64: 512, 512>}, {pipeline_mode = #tpu.pipeline_mode<synchronous>, transform_indices = @transform_13, window_bounds = array<i64: 512, 1>}, {pipeline_mode = #tpu.pipeline_mode<synchronous>, transform_indices = @transform_14, window_bounds = array<i64: 512, 1>}]} {
    %get3A = arith.constant 0 : index
    %get3A_0 = arith.constant 0 : index
    %get3A_1 = arith.constant 0 : index
    %get3A_2 = vector.load %arg1[%get3A, %get3A_0, %get3A_1] : memref<2x2048x128xf32, #tpu.memory_space<vmem>>, vector<1x2048x128xf32>
    %get3A_3 = vector.shape_cast %get3A_2 : vector<1x2048x128xf32> to vector<2048x128xf32>
    %get3A_4 = arith.constant 1 : index
    %get3A_5 = arith.constant 0 : index
    %get3A_6 = arith.constant 0 : index
    %get3A_7 = vector.load %arg1[%get3A_4, %get3A_5, %get3A_6] : memref<2x2048x128xf32, #tpu.memory_space<vmem>>, vector<1x2048x128xf32>
    %get3A_8 = vector.shape_cast %get3A_7 : vector<1x2048x128xf32> to vector<2048x128xf32>
    %concatenate3A = tpu.concatenate %get3A_3, %get3A_8 in 1 : vector<2048x128xf32>, vector<2048x128xf32> -> vector<2048x256xf32>
    %get3A_9 = arith.constant 0 : index
    %get3A_10 = arith.constant 0 : index
    %get3A_11 = vector.load %arg3[%get3A_9, %get3A_10] : memref<256x512xf32, #tpu.memory_space<vmem>>, vector<256x512xf32>
    %dot_general3A = arith.constant dense<0.000000e+00> : vector<2048x512xf32>
    %dot_general3A_12 = tpu.matmul %concatenate3A, %get3A_11, %dot_general3A {dimension_numbers = #tpu.dot_dimension_numbers<[1], [0], [0], [1], [0, 0, 1, 1], [], []>, precision = #tpu.contract_precision<fp32>, transpose_lhs_hint = false} : vector<2048x256xf32>, vector<256x512xf32>, vector<2048x512xf32> -> vector<2048x512xf32>
    %get3A_13 = arith.constant 0 : index
    %get3A_14 = arith.constant 0 : index
    %get3A_15 = vector.load %arg4[%get3A_13, %get3A_14] : memref<1x512xf32, #tpu.memory_space<vmem>>, vector<1x512xf32>
    %add3A = vector.broadcast %get3A_15 : vector<1x512xf32> to vector<2048x512xf32>
    %add3A_16 = arith.addf %dot_general3A_12, %add3A : vector<2048x512xf32>
    %reduce_max3A = arith.constant dense<0xFF800000> : vector<2048xf32>
    %reduce_max3A_17 = vector.multi_reduction <maximumf>, %add3A_16, %reduce_max3A [1] : vector<2048x512xf32> to vector<2048xf32>
    %broadcast_in_dim3A = vector.shape_cast %reduce_max3A_17 : vector<2048xf32> to vector<2048x1xf32>
    %sub3A = vector.broadcast %broadcast_in_dim3A : vector<2048x1xf32> to vector<2048x512xf32>
    %sub3A_18 = arith.subf %add3A_16, %sub3A : vector<2048x512xf32>
    %exp3A = math.exp %sub3A_18 : vector<2048x512xf32>
    %reduce_sum3A = arith.constant dense<0.000000e+00> : vector<2048xf32>
    %reduce_sum3A_19 = vector.multi_reduction <add>, %exp3A, %reduce_sum3A [1] : vector<2048x512xf32> to vector<2048xf32>
    %broadcast_in_dim3A_20 = vector.shape_cast %reduce_sum3A_19 : vector<2048xf32> to vector<2048x1xf32>
    %div3A = vector.broadcast %broadcast_in_dim3A_20 : vector<2048x1xf32> to vector<2048x512xf32>
    %div3A_21 = arith.divf %exp3A, %div3A : vector<2048x512xf32>
    %get3A_22 = arith.constant 0 : index
    %get3A_23 = arith.constant 0 : index
    %get3A_24 = vector.load %arg2[%get3A_22, %get3A_23] : memref<2048x1xi32, #tpu.memory_space<vmem>>, vector<2048x1xi32>
    %iota3A = tpu.iota {dimensions = array<i32: 1>} : vector<1x512xi32>
    %eq3A = vector.broadcast %get3A_24 : vector<2048x1xi32> to vector<2048x512xi32>
    %eq3A_25 = vector.broadcast %iota3A : vector<1x512xi32> to vector<2048x512xi32>
    %eq3A_26 = arith.cmpi eq, %eq3A, %eq3A_25 : vector<2048x512xi32>
    %convert_element_type3A = arith.extui %eq3A_26 : vector<2048x512xi1> to vector<2048x512xi32>
    %convert_element_type3A_27 = arith.sitofp %convert_element_type3A : vector<2048x512xi32> to vector<2048x512xf32>
    %dot_general3A_28 = arith.constant dense<0.000000e+00> : vector<512x512xf32>
    %dot_general3A_29 = tpu.matmul %convert_element_type3A_27, %div3A_21, %dot_general3A_28 {dimension_numbers = #tpu.dot_dimension_numbers<[0], [0], [1], [1], [0, 1, 1, 1], [], []>, precision = #tpu.contract_precision<fp32>, transpose_lhs_hint = false} : vector<2048x512xf32>, vector<2048x512xf32>, vector<512x512xf32> -> vector<512x512xf32>
    %eq3A_30 = arith.constant 0 : i32
    %eq3A_31 = arith.cmpi eq, %arg0, %eq3A_30 : i32
    %convert_element_type3A_32 = arith.extui %eq3A_31 : i1 to i32
    %cond3A = arith.constant 0 : i32
    %cond3A_33 = arith.cmpi ne, %convert_element_type3A_32, %cond3A : i32
    scf.if %cond3A_33 {
      %swap3A = arith.constant 0 : index
      %swap3A_43 = arith.constant 0 : index
      %swap3A_44 = vector.load %arg13[%swap3A, %swap3A_43] : memref<512x512xf32, #tpu.memory_space<vmem>>, vector<512x512xf32>
      tpu.vector_store %arg13[%swap3A, %swap3A_43], %dot_general3A_29 {strides = array<i32>} : memref<512x512xf32, #tpu.memory_space<vmem>>, vector<512x512xf32>,
    } else {
    }
    %gt3A = arith.constant 0 : i32
    %gt3A_34 = arith.cmpi sgt, %arg0, %gt3A : i32
    %convert_element_type3A_35 = arith.extui %gt3A_34 : i1 to i32
    %cond3A_36 = arith.constant 0 : i32
    %cond3A_37 = arith.cmpi ne, %convert_element_type3A_35, %cond3A_36 : i32
    scf.if %cond3A_37 {
      %get3A_43 = arith.constant 0 : index
      %get3A_44 = arith.constant 0 : index
      %get3A_45 = vector.load %arg13[%get3A_43, %get3A_44] : memref<512x512xf32, #tpu.memory_space<vmem>>, vector<512x512xf32>
      %add3A_46 = arith.addf %get3A_45, %dot_general3A_29 : vector<512x512xf32>
      %swap3A = arith.constant 0 : index
      %swap3A_47 = arith.constant 0 : index
      %swap3A_48 = vector.load %arg13[%swap3A, %swap3A_47] : memref<512x512xf32, #tpu.memory_space<vmem>>, vector<512x512xf32>
      tpu.vector_store %arg13[%swap3A, %swap3A_47], %add3A_46 {strides = array<i32>} : memref<512x512xf32, #tpu.memory_space<vmem>>, vector<512x512xf32>,
    } else {
    }
    %eq3A_38 = arith.constant 4 : i32
    %eq3A_39 = arith.cmpi eq, %arg0, %eq3A_38 : i32
    %convert_element_type3A_40 = arith.extui %eq3A_39 : i1 to i32
    %cond3A_41 = arith.constant 0 : i32
    %cond3A_42 = arith.cmpi ne, %convert_element_type3A_40, %cond3A_41 : i32
    scf.if %cond3A_42 {
      %get3A_43 = arith.constant 0 : index
      %get3A_44 = arith.constant 0 : index
      %get3A_45 = vector.load %arg13[%get3A_43, %get3A_44] : memref<512x512xf32, #tpu.memory_space<vmem>>, vector<512x512xf32>
      %get3A_46 = arith.constant 0 : index
      %get3A_47 = arith.constant 0 : index
      %get3A_48 = vector.load %arg5[%get3A_46, %get3A_47] : memref<512x128xf32, #tpu.memory_space<vmem>>, vector<512x128xf32>
      %dot_general3A_49 = arith.constant dense<0.000000e+00> : vector<512x128xf32>
      %dot_general3A_50 = tpu.matmul %get3A_45, %get3A_48, %dot_general3A_49 {dimension_numbers = #tpu.dot_dimension_numbers<[1], [0], [0], [1], [0, 0, 1, 1], [], []>, precision = #tpu.contract_precision<fp32>, transpose_lhs_hint = false} : vector<512x512xf32>, vector<512x128xf32>, vector<512x128xf32> -> vector<512x128xf32>
      %get3A_51 = arith.constant 0 : index
      %get3A_52 = arith.constant 0 : index
      %get3A_53 = vector.load %arg6[%get3A_51, %get3A_52] : memref<1x128xf32, #tpu.memory_space<vmem>>, vector<1x128xf32>
      %add3A_54 = vector.broadcast %get3A_53 : vector<1x128xf32> to vector<512x128xf32>
      %add3A_55 = arith.addf %dot_general3A_50, %add3A_54 : vector<512x128xf32>
      %max3A = arith.constant 0.000000e+00 : f32
      %max3A_56 = vector.broadcast %max3A : f32 to vector<512x128xf32>
      %max3A_57 = arith.maximumf %add3A_55, %max3A_56 : vector<512x128xf32>
      %get3A_58 = arith.constant 0 : index
      %get3A_59 = arith.constant 0 : index
      %get3A_60 = vector.load %arg7[%get3A_58, %get3A_59] : memref<128x1xf32, #tpu.memory_space<vmem>>, vector<128x1xf32>
      %dot_general3A_61 = arith.constant dense<0.000000e+00> : vector<512x1xf32>
      %dot_general3A_62 = tpu.matmul %max3A_57, %get3A_60, %dot_general3A_61 {dimension_numbers = #tpu.dot_dimension_numbers<[1], [0], [0], [1], [0, 0, 1, 1], [], []>, precision = #tpu.contract_precision<fp32>, transpose_lhs_hint = false} : vector<512x128xf32>, vector<128x1xf32>, vector<512x1xf32> -> vector<512x1xf32>
      %get3A_63 = arith.constant 0 : index
      %get3A_64 = arith.constant 0 : index
      %get3A_65 = vector.load %arg8[%get3A_63, %get3A_64] : memref<1x1xf32, #tpu.memory_space<vmem>>, vector<1x1xf32>
      %add3A_66 = vector.broadcast %get3A_65 : vector<1x1xf32> to vector<512x1xf32>
      %add3A_67 = arith.addf %dot_general3A_62, %add3A_66 : vector<512x1xf32>
      %swap3A = arith.constant 0 : index
      %swap3A_68 = arith.constant 0 : index
      %swap3A_69 = vector.load %arg15[%swap3A, %swap3A_68] : memref<512x1xf32, #tpu.memory_space<vmem>>, vector<512x1xf32>
      tpu.vector_store %arg15[%swap3A, %swap3A_68], %add3A_67 {strides = array<i32>} : memref<512x1xf32, #tpu.memory_space<vmem>>, vector<512x1xf32>,
      %get3A_70 = arith.constant 0 : index
      %get3A_71 = arith.constant 0 : index
      %get3A_72 = vector.load %arg9[%get3A_70, %get3A_71] : memref<512x50xf32, #tpu.memory_space<vmem>>, vector<512x50xf32>
      %dot_general3A_73 = arith.constant dense<0.000000e+00> : vector<512x50xf32>
      %dot_general3A_74 = tpu.matmul %get3A_45, %get3A_72, %dot_general3A_73 {dimension_numbers = #tpu.dot_dimension_numbers<[1], [0], [0], [1], [0, 0, 1, 1], [], []>, precision = #tpu.contract_precision<fp32>, transpose_lhs_hint = false} : vector<512x512xf32>, vector<512x50xf32>, vector<512x50xf32> -> vector<512x50xf32>
      %get3A_75 = arith.constant 0 : index
      %get3A_76 = arith.constant 0 : index
      %get3A_77 = vector.load %arg10[%get3A_75, %get3A_76] : memref<1x50xf32, #tpu.memory_space<vmem>>, vector<1x50xf32>
      %add3A_78 = vector.broadcast %get3A_77 : vector<1x50xf32> to vector<512x50xf32>
      %add3A_79 = arith.addf %dot_general3A_74, %add3A_78 : vector<512x50xf32>
      %get3A_80 = arith.constant 0 : index
      %get3A_81 = arith.constant 0 : index
      %get3A_82 = vector.load %arg11[%get3A_80, %get3A_81] : memref<50x1xf32, #tpu.memory_space<vmem>>, vector<50x1xf32>
      %dot_general3A_83 = arith.constant dense<0.000000e+00> : vector<512x1xf32>
      %dot_general3A_84 = tpu.matmul %add3A_79, %get3A_82, %dot_general3A_83 {dimension_numbers = #tpu.dot_dimension_numbers<[1], [0], [0], [1], [0, 0, 1, 1], [], []>, precision = #tpu.contract_precision<fp32>, transpose_lhs_hint = false} : vector<512x50xf32>, vector<50x1xf32>, vector<512x1xf32> -> vector<512x1xf32>
      %get3A_85 = arith.constant 0 : index
      %get3A_86 = arith.constant 0 : index
      %get3A_87 = vector.load %arg12[%get3A_85, %get3A_86] : memref<1x1xf32, #tpu.memory_space<vmem>>, vector<1x1xf32>
      %add3A_88 = vector.broadcast %get3A_87 : vector<1x1xf32> to vector<512x1xf32>
      %add3A_89 = arith.addf %dot_general3A_84, %add3A_88 : vector<512x1xf32>
      %logistic3A = arith.negf %add3A_89 : vector<512x1xf32>
      %logistic3A_90 = math.exp %logistic3A : vector<512x1xf32>
      %logistic3A_91 = arith.constant 1.000000e+00 : f32
      %logistic3A_92 = vector.broadcast %logistic3A_91 : f32 to vector<512x1xf32>
      %logistic3A_93 = arith.addf %logistic3A_92, %logistic3A_90 : vector<512x1xf32>
      %logistic3A_94 = arith.divf %logistic3A_92, %logistic3A_93 : vector<512x1xf32>
      %swap3A_95 = arith.constant 0 : index
      %swap3A_96 = arith.constant 0 : index
      %swap3A_97 = vector.load %arg14[%swap3A_95, %swap3A_96] : memref<512x1xf32, #tpu.memory_space<vmem>>, vector<512x1xf32>
      tpu.vector_store %arg14[%swap3A_95, %swap3A_96], %logistic3A_94 {strides = array<i32>} : memref<512x1xf32, #tpu.memory_space<vmem>>, vector<512x1xf32>,
    } else {
    }
    return
  }
  func.func @transform_0(%arg0: i32) -> (i32, i32, i32) {
    %c0_i32 = arith.constant 0 : i32
    %c0_i32_0 = arith.constant 0 : i32
    %c0_i32_1 = arith.constant 0 : i32
    return %c0_i32, %arg0, %c0_i32_0 : i32, i32, i32
  }
  func.func @transform_1(%arg0: i32) -> (i32, i32) {
    %c0_i32 = arith.constant 0 : i32
    %c0_i32_0 = arith.constant 0 : i32
    return %arg0, %c0_i32 : i32, i32
  }
  func.func @transform_2(%arg0: i32) -> (i32, i32) {
    %c0_i32 = arith.constant 0 : i32
    %c0_i32_0 = arith.constant 0 : i32
    %c0_i32_1 = arith.constant 0 : i32
    return %c0_i32, %c0_i32_0 : i32, i32
  }
  func.func @transform_3(%arg0: i32) -> (i32, i32) {
    %c0_i32 = arith.constant 0 : i32
    %c0_i32_0 = arith.constant 0 : i32
    %c0_i32_1 = arith.constant 0 : i32
    return %c0_i32, %c0_i32_0 : i32, i32
  }
  func.func @transform_4(%arg0: i32) -> (i32, i32) {
    %c0_i32 = arith.constant 0 : i32
    %c0_i32_0 = arith.constant 0 : i32
    %c0_i32_1 = arith.constant 0 : i32
    return %c0_i32, %c0_i32_0 : i32, i32
  }
  func.func @transform_5(%arg0: i32) -> (i32, i32) {
    %c0_i32 = arith.constant 0 : i32
    %c0_i32_0 = arith.constant 0 : i32
    %c0_i32_1 = arith.constant 0 : i32
    return %c0_i32, %c0_i32_0 : i32, i32
  }
  func.func @transform_6(%arg0: i32) -> (i32, i32) {
    %c0_i32 = arith.constant 0 : i32
    %c0_i32_0 = arith.constant 0 : i32
    %c0_i32_1 = arith.constant 0 : i32
    return %c0_i32, %c0_i32_0 : i32, i32
  }
  func.func @transform_7(%arg0: i32) -> (i32, i32) {
    %c0_i32 = arith.constant 0 : i32
    %c0_i32_0 = arith.constant 0 : i32
    %c0_i32_1 = arith.constant 0 : i32
    return %c0_i32, %c0_i32_0 : i32, i32
  }
  func.func @transform_8(%arg0: i32) -> (i32, i32) {
    %c0_i32 = arith.constant 0 : i32
    %c0_i32_0 = arith.constant 0 : i32
    %c0_i32_1 = arith.constant 0 : i32
    return %c0_i32, %c0_i32_0 : i32, i32
  }
  func.func @transform_9(%arg0: i32) -> (i32, i32) {
    %c0_i32 = arith.constant 0 : i32
    %c0_i32_0 = arith.constant 0 : i32
    %c0_i32_1 = arith.constant 0 : i32
    return %c0_i32, %c0_i32_0 : i32, i32
  }
  func.func @transform_10(%arg0: i32) -> (i32, i32) {
    %c0_i32 = arith.constant 0 : i32
    %c0_i32_0 = arith.constant 0 : i32
    %c0_i32_1 = arith.constant 0 : i32
    return %c0_i32, %c0_i32_0 : i32, i32
  }
  func.func @transform_11(%arg0: i32) -> (i32, i32) {
    %c0_i32 = arith.constant 0 : i32
    %c0_i32_0 = arith.constant 0 : i32
    %c0_i32_1 = arith.constant 0 : i32
    return %c0_i32, %c0_i32_0 : i32, i32
  }
  func.func @transform_12(%arg0: i32) -> (i32, i32) {
    %c0_i32 = arith.constant 0 : i32
    %c0_i32_0 = arith.constant 0 : i32
    %c0_i32_1 = arith.constant 0 : i32
    return %c0_i32, %c0_i32_0 : i32, i32
  }
  func.func @transform_13(%arg0: i32) -> (i32, i32) {
    %c0_i32 = arith.constant 0 : i32
    %c0_i32_0 = arith.constant 0 : i32
    %c0_i32_1 = arith.constant 0 : i32
    return %c0_i32, %c0_i32_0 : i32, i32
  }
  func.func @transform_14(%arg0: i32) -> (i32, i32) {
    %c0_i32 = arith.constant 0 : i32
    %c0_i32_0 = arith.constant 0 : i32
    %c0_i32_1 = arith.constant 0 : i32
    return %c0_i32, %c0_i32_0 : i32, i32
  }
}

</mosaic_0001>

<sc_bundles>
// kernel: kernel.11.cloned.1.call-start
scs
__scs_entry_jumppad:
0x0: {  	(pc) =	sbr.rel $0x88, $3  }
0x1: {  	(tag) =	ssettag $0x0;
	lr =	simm.s32 $0x1  }
0x2: {  	[smem:$0x3F91] =	sst lr;
	_ =	strace $0xD0000000  }
0x3: {  	_ = 	snop  }
0x4: {  	_ = 	snop  }
0x5: {  	_ = 	snop  }
0x6: {  	_ = 	snop  }
0x7: {  	_ = 	snop  }
__scs_overlays_trampoline_lowered:
0x8: {  	[smem:$0x3FA0] =	sst s0  }
0x9: {  	[smem:$0x3FA1] =	sst s1  }
0xa: {  	[smem:$0x3FA2] =	sst s2  }
0xb: {  	[smem:$0x3FA3] =	sst s3  }
0xc: {  	[smem:$0x3FA4] =	sst s4  }
0xd: {  	[smem:$0x3FA5] =	sst s5  }
0xe: {  	[smem:$0x3FA6] =	sst s6  }
0xf: {  	[smem:$0x3FA7] =	sst s7  }
0x10: {  	[smem:$0x3FA8] =	sst s8  }
0x11: {  	[smem:$0x3FA9] =	sst s9;
	s0 =	simm.s32 @!p0 $0x0  }
0x12: {  	s1 =	sld [smem:$0x3F8F];
	s0 =	simm.s32 @p0 $0x1  }
0x13: {  	[smem:$0x3FAA] =	sst s0;
	s0 =	simm.s32 @!p1 $0x0  }
0x14: {  	s2 =	sld [smem:$0x3F8E];
	s0 =	simm.s32 @p1 $0x1  }
0x15: {  	[smem:$0x3FAB] =	sst s0;
	s0 =	simm.s32 @!p2 $0x0  }
0x16: {  	s3 =	sld [smem:$0x3FDB];
	s0 =	simm.s32 @p2 $0x1  }
0x17: {  	s4 =	simm.s32 $0x1BF5;
	[smem:$0x3FAD] =	sst s0  }
0x18: {  	s0 =	sld [smem:$0x3F90];
	_ =	swait.ge [sflag:s4], $0x0  }
0x19: {  	s7 =	sld [smem:$0x3F91]  }
0x1a: {  	s8 =	sadd.s32 $0xFFFFE003, lr  }
0x1b: {  	s9 =	sadd.s32 $0xFFFFFEF7, lr;
	s5 =	simm.s32 $0xFFFFFFFF;
	p2 =	slt.u32 s8, $0xFFFFF086  }
0x1c: {  	p1 =	slt.u32 s9, $0xF7A;
	s5 =	simm.s32 @!p2 $0x0  }
0x1d: {  	s5 =	simm.s32 @p1 $0x1;
	p0 =	seq.s32 s7, s2  }
0x1e: {  	s7 =	smul.u32 @!p0 $0xF7A, s2;
	p2 =	seq.s32 @!p0 s5, $0x0  }
0x1f: {  	s9 =	smul.u32 $0xF7A, s1;
	s8 =	simm.s32 @!p0 $0x1BF5;
	p2 =	por !p2, p0  }
0x20: {  	[sflag:s8] =	ssyncset.s32 @!p0 $0xFFFFF086;
	s6 =	sadd.s32 @!p0 s3, s7;
	s7 =	simm.s32 @!p0 $0x108  }
0x21: {  	s3 =	sadd.s32 s3, s9;
	s6 =	sadd.s32 @!p0 $0x88, s6;
	s7 =	simm.s32 @p2 $0x1082  }
0x22: {  	[simem:s7], [sflag:s8] =	dma.local @!p0 [hbm:s6], $0xF7A  }
0x23: {  	s9 =	sor.u32 $0xD0000000, s2;
	s6 =	simm.s32 $0x108;
	_ =	swait.ge @!p0 [sflag:s8], $0x0  }
0x24: {  	s3 =	sadd.s32 $0x88, s3;
	s6 =	simm.s32 @!p1 $0x1082;
	[sflag:s4] =	ssyncset.s32 $0xFFFFF086  }
0x25: {  	[simem:s6], [sflag:s4] =	dma.local [hbm:s3], $0xF7A  }
0x26: {  	[smem:$0x3F91] =	sst s1;
	(tag) =	ssettag s2;
	_ =	strace s9  }
0x27: {  	s1 =	sld [smem:$0x3FA1]  }
0x28: {  	s2 =	sld [smem:$0x3FA2]  }
0x29: {  	s4 =	sld [smem:$0x3FA4]  }
0x2a: {  	p0 =	seq.s32 s5, $0x0;
	s5 =	sld [smem:$0x3FA5]  }
0x2b: {  	s6 =	sld [smem:$0x3FA6]  }
0x2c: {  	s7 =	sld [smem:$0x3FA7]  }
0x2d: {  	s3 =	simm.s32 $0x108;
	s8 =	sld [smem:$0x3FA8]  }
0x2e: {  	s3 =	simm.s32 @!p0 $0x1082;
	s9 =	sld [smem:$0x3FA9]  }
0x2f: {  	lr =	sadd.s32 s0, s3;
	s0 =	sld [smem:$0x3FA0]  }
0x30: {  	s3 =	sld [smem:$0x3FA3]  }
0x31: {  	[smem:$0x3FAC] =	sst s10  }
0x32: {  	s10 =	sld [smem:$0x3FAA];
	_ =	sdelay $0x3  }
0x33: {  	p0 =	seq.s32 s10, $0x1;
	s10 =	sld [smem:$0x3FAC];
	_ =	sdelay $0x3  }
0x34: {  	[smem:$0x3FAC] =	sst s10  }
0x35: {  	s10 =	sld [smem:$0x3FAB];
	_ =	sdelay $0x3  }
0x36: {  	p1 =	seq.s32 s10, $0x1;
	s10 =	sld [smem:$0x3FAC];
	_ =	sdelay $0x3  }
0x37: {  	[smem:$0x3FAC] =	sst s10  }
0x38: {  	s10 =	sld [smem:$0x3FAD]  }
0x39: {  	_ = 	snop;
	(pc) =	sbr.ind lr, $3  }
0x3a: {  	_ = 	snop  }
0x3b: {  	_ = 	snop  }
0x3c: {  	p2 =	seq.s32 s10, $0x1;
	s10 =	sld [smem:$0x3FAC]  }
0x3d: {  	_ =	shalt  }
0x3e: {  	_ =	shalt  }
0x3f: {  	_ =	shalt  }
0x40: {  	_ =	shalt  }
0x41: {  	_ =	shalt  }
0x42: {  	_ =	shalt  }
0x43: {  	_ =	shalt  }
0x44: {  	_ =	shalt  }
0x45: {  	_ =	shalt  }
0x46: {  	_ =	shalt  }
0x47: {  	_ =	shalt  }
0x48: {  	_ =	shalt  }
0x49: {  	_ =	shalt  }
0x4a: {  	_ =	shalt  }
0x4b: {  	_ =	shalt  }
0x4c: {  	_ =	shalt  }
0x4d: {  	_ =	shalt  }
0x4e: {  	_ =	shalt  }
0x4f: {  	_ =	shalt  }
0x50: {  	_ =	shalt  }
0x51: {  	_ =	shalt  }
0x52: {  	_ =	shalt  }
0x53: {  	_ =	shalt  }
0x54: {  	_ =	shalt  }
0x55: {  	_ =	shalt  }
0x56: {  	_ =	shalt  }
0x57: {  	_ =	shalt  }
0x58: {  	_ =	shalt  }
0x59: {  	_ =	shalt  }
0x5a: {  	_ =	shalt  }
0x5b: {  	_ =	shalt  }
0x5c: {  	_ =	shalt  }
0x5d: {  	_ =	shalt  }
0x5e: {  	_ =	shalt  }
0x5f: {  	_ =	shalt  }
0x60: {  	_ =	shalt  }
0x61: {  	_ =	shalt  }
0x62: {  	_ =	shalt  }
0x63: {  	_ =	shalt  }
0x64: {  	_ =	shalt  }
0x65: {  	_ =	shalt  }
0x66: {  	_ =	shalt  }
0x67: {  	_ =	shalt  }
0x68: {  	_ =	shalt  }
0x69: {  	_ =	shalt  }
0x6a: {  	_ =	shalt  }
0x6b: {  	_ =	shalt  }
0x6c: {  	_ =	shalt  }
0x6d: {  	_ =	shalt  }
0x6e: {  	_ =	shalt  }
0x6f: {  	_ =	shalt  }
0x70: {  	_ =	shalt  }
0x71: {  	_ =	shalt  }
0x72: {  	_ =	shalt  }
0x73: {  	_ =	shalt  }
0x74: {  	_ =	shalt  }
0x75: {  	_ =	shalt  }
0x76: {  	_ =	shalt  }
0x77: {  	_ =	shalt  }
0x78: {  	_ =	shalt  }
0x79: {  	_ =	shalt  }
0x7a: {  	_ =	shalt  }
0x7b: {  	_ =	shalt  }
0x7c: {  	_ =	shalt  }
0x7d: {  	_ =	shalt  }
0x7e: {  	_ =	shalt  }
0x7f: {  	_ =	shalt  }
0x80: {  	_ =	shalt  }
0x81: {  	_ =	shalt  }
0x82: {  	_ =	shalt  }
0x83: {  	_ =	shalt  }
0x84: {  	_ =	shalt  }
0x85: {  	_ =	shalt  }
0x86: {  	_ =	shalt  }
0x87: {  	_ =	shalt  }
.Lfunc_end0:
.L_simem_size_0:
called_computation.1_lowered:
.L_overlay_start_0:
0x88: {  	s2 =	sld [smem:$0x3FD9]  }
0x89: {  	s3 =	sld [smem:$0x3FFE];
	_ =	sdelay $0x1  }
0x8a: {  	s1 =	srdreg.scid  }
0x8b: {  	s0 =	sand.u32 $0x1, s1  }
0x8c: {  	s16 =	sshll.u32 s0, $0xA;
	s2 =	sadd.s32 s3, s2  }
0x8d: {  	s2 =	sadd.s32 s2, s16  }
0x8e: {  	[smem:$0x3FB8] =	sst s2  }
0x8f: {  	_ = 	snop  }
0x90: {  	(tm) =	ssettm $0x1  }
0x91: {  	s17 =	sld [smem:$0x3FFB];
	_ =	sdelay $0x3  }
0x92: {  	_ =	strace s17  }
0x93: {  	s2 =	sld [smem:$0x3FFC];
	_ =	sdelay $0x3  }
0x94: {  	_ =	strace s2  }
0x95: {  	s2 =	sld [smem:$0x3FFD];
	_ =	sdelay $0x3  }
0x96: {  	_ =	strace s2  }
0x97: {  	_ =	strace $0x8FFFFFFF  }
0x98: {  	s18 =	sld [smem:$0x3FDB];
	_ =	sdelay $0x1  }
0x99: {  	s19 =	simm.s32 $_scs_section_size  }
0x9a: {  	s4 =	simm.s32 $_size__tile_overlayer_lowered;
	s5 =	simm.s32 $_tile_overlayer_lowered  }
0x9b: {  	s22 =	simm.s32 $0x1BFF;
	s21 =	sshll.u32 s5, $0x1;
	s2 =	sadd.s32 s19, s18  }
0x9c: {  	s6 =	simm.s32 $0x0;
	s20 =	sshll.u32 s4, $0x1;
	s4 =	sadd.s32 s21, s2  }
0x9d: {  	[timem:s6], [sflag:s22] =	dma.local [hbm:s4], s20  }
0x9e: {  	_ =	swait.ge [sflag:s22], s20  }
0x9f: {  	s3 =	ssub.s32 $0x0, s20;
	[sflag:s22] =	ssyncset.done $0x0  }
0xa0: {  	[sflag:s22] =	ssyncadd.s32 s3;
	_ =	sdelay $0x1  }
0xa1: {  	s23 =	simm.s32 $0x1B8B  }
0xa2: {  	_ =	swait.ge [sflag:s23], $0x1  }
0xa3: {  	[sflag:s23] =	ssyncset.done $0x0  }
0xa4: {  	s25 =	simm.s32 $0x1B8E;
	s24 =	sld [smem:$0x3FFE];
	[sflag:s23] =	ssyncadd.s32 $0xFFFFFFFF  }
0xa5: {  	s26 =	simm.s32 $execute0_lowered;
	[smem:$0x3FD2] =	sst s25  }
0xa6: {  	s4 =	sshll.u32 s26, $0x1;
	_ =	strace $0x80000049;
	[dreg:$0x1] =	wrdreg $0xFFFFFFFF  }
0xa7: {  	s28 =	simm.s32 $_size_execute0_lowered;
	s2 =	sadd.s32 s2, s4;
	[dreg:$0x0] =	wrdreg $0x0  }
0xa8: {  	s4 =	sshll.u32 s28, $0x1;
	[dreg:$0x2] =	wrdreg s2  }
0xa9: {  	[dreg:$0x3] =	wrdreg s4  }
0xaa: {  	[dreg:$0x4] =	wrdreg $0xC0  }
0xab: {  	_ =	task [dreg:s6], $0x5FFFF  }
0xac: {  	[dreg:$0x1] =	wrdreg $0xFFFFFFFF  }
0xad: {  	[dreg:$0x0] =	wrdreg $0x60  }
0xae: {  	[dreg:$0x2] =	wrdreg s24  }
0xaf: {  	[dreg:$0x3] =	wrdreg $0x0  }
0xb0: {  	[dreg:$0x4] =	wrdreg $0x9  }
0xb1: {  	_ =	task.clear_ibuf [dreg:s6], $0x5FFFF;
	_ =	strace $0x90000049  }
0xb2: {  	s29 =	simm.s32 $0x9;
	_ =	strace $0x8000004B  }
0xb3: {  	_ =	swait.ge [sflag:s29], $0x1  }
0xb4: {  	[sflag:s29] =	ssyncadd.s32 $0xFFFFFFFF  }
0xb5: {  	_ =	strace $0x9000004B  }
0xb6: {  	_ =	sfence  }
0xb7: {  	s30 =	sld [smem:$0x0];
	_ =	sdelay $0x2  }
0xb8: {  	s31 =	sshll.u32 s1, $0xD;
	s1 =	sshrl.u32 s1, $0x2  }
0xb9: {  	s3 =	sand.u32 $0x4000, s31;
	s1 =	sadd.s32 s1, s30  }
0xba: {  	s0 =	sor.u32 s3, s0;
	s1 =	sshll.u32 s1, $0x11  }
0xbb: {  	s0 =	sor.u32 s1, s0  }
0xbc: {  	s0 =	sadd.s32 $0x8F2B, s0  }
0xbd: {  	[sflag:s0] =	ssyncadd.remote.s32 $0x1  }
0xbe: {  	_ =	sfence.sel $0xFFFF  }
0xbf: {  	[dreg:$0x0] =	wrdreg $0xFFFFFFFF;
	(pc) =	sbr.abs _section_cstart, $3  }
0xc0: {  	[dreg:$0x1] =	wrdreg $0xFFFFFFFF  }
0xc1: {  	_ =	task.clear_ibuf [dreg:s6], $0x2FFFF;
	_ =	strace $0x9FFFFFFF  }
0xc2: {  	(tm) =	ssettm $0x7FFFFFFF  }
0xc3: {  	_ =	shalt  }
tec
execute0_lowered:
.L_overlay_start_1:
0x0: {  	(tag) =	ssettag $0x1  }
0x1: {  	s0 =	rddreg [dreg:$0x0];
	s2 =	srdreg.scid  }
0x2: {  	s1 =	rddreg [dreg:$0x1];
	s15 =	stileid.u32;
	s28 =	simm.s32 $0x1  }
0x3: {  	s29 =	simm.s32 $0x4;
	s30 =	simm.s32 $0x2;
	s31 =	simm.s32 $0x14000  }
0x4: {  	s3 =	sand.u32 $0x1, s2;
	s2 =	simm.s32 $0x0;
	s10 =	smul.u32 $0x14000, s15  }
0x5: {  	s7 =	sadd.s32 $0x62A00, s0;
	s9 =	sadd.s32 $0xB3200, s0;
	s13 =	smul.u32 $0x50000, s15  }
0x6: {  	s11 =	sadd.s32 $0xDA00, s0;
	s19 =	smul.u32 $0x2800, s15;
	[smem:$0x7FF] =	sst s2  }
0x7: {  	s4 =	smul.u32 $0x140000, s3;
	s3 =	ssub.s32 $0x2, s3;
	_ =	strace $0x8000004A  }
0x8: {  	s6 =	sshrl.u32 s3, $0x1;
	s8 =	sadd.s32 $0x4000, s10;
	s17 =	sshrl.u32 s13, $0x2  }
0x9: {  	s13 =	sshrl.u32 s19, $0x3;
	s5 =	sshrl.u32 s4, $0x3;
	s3 =	ssub.s32 s3, s6  }
0xa: {  	s14 =	sadd.s32 s10, s4;
	s16 =	sadd.s32 s4, s8;
	s8 =	sadd.s32 s8, s1  }
0xb: {  	s24 =	sadd.s32 $0x280, s13;
	s5 =	sadd.s32 s5, s0;
	s0 =	sadd.s32 $0x108200, s0  }
0xc: {  	s12 =	sshrl.u32 s14, $0x3;
	s20 =	sshrl.u32 s16, $0x3;
	s16 =	sadd.s32 $0xC000, s10  }
0xd: {  	s25 =	sadd.s32 s11, s24;
	s14 =	sadd.s32 s7, s12;
	s6 =	sadd.s32 s7, s20  }
0xe: {  	s23 =	sadd.s32 s4, s16;
	[dreg:$0x9] =	wrdreg s25;
	s16 =	sadd.s32 s16, s1  }
0xf: {  	s19 =	sadd.s32 s0, s12;
	s20 =	sadd.s32 s0, s20;
	[dreg:$0x3] =	wrdreg s14  }
0x10: {  	s25 =	simm.s32 $0x16800;
	s14 =	sadd.s32 $0x8000, s10;
	[dreg:$0x4] =	wrdreg s6  }
0x11: {  	s6 =	sadd.s32 s17, s1;
	s10 =	sadd.s32 $0x10000, s10;
	s17 =	sadd.s32 s9, s13  }
0x12: {  	s13 =	sadd.s32 s11, s13;
	s9 =	sadd.s32 s9, s24;
	[dreg:$0x6] =	wrdreg s17  }
0x13: {  	s24 =	smax.u32 s3, $0x1;
	s3 =	simm.s32 $0x80;
	[dreg:$0x7] =	wrdreg s13  }
0x14: {  	s18 =	sadd.s32 s4, s14;
	s4 =	sadd.s32 s4, s10;
	[dreg:$0x8] =	wrdreg s9  }
0x15: {  	s14 =	sadd.s32 s14, s1;
	s17 =	sadd.s32 s10, s1;
	s9 =	simm.s32 $0x16780  }
0x16: {  	s10 =	simm.s32 $0x0;
	s21 =	sshrl.u32 s18, $0x3;
	s4 =	sshrl.u32 s4, $0x3  }
0x17: {  	s18 =	sadd.s32 $0x12A00, s5;
	s5 =	simm.s32 $0x3;
	s22 =	sadd.s32 s7, s21  }
0x18: {  	s15 =	sadd.s32 s7, s4;
	s21 =	sadd.s32 s0, s21;
	[dreg:$0x5] =	wrdreg s22  }
0x19: {  	s22 =	sshrl.u32 s23, $0x3;
	s23 =	sadd.s32 s0, s4;
	s4 =	simm.s32 $0x14080  }
0x1a: {  	s26 =	sadd.s32 s7, s22;
	s22 =	sadd.s32 s0, s22;
	s0 =	simm.s32 $0x15400  }
0x1b: {  	s7 =	simm.s32 $0x16700;
	[dreg:$0xa] =	wrdreg s26;
	s26 =	simm.s32 $0x1A800  }
.LBB2_1:
0x1c: {  	s11 =	rddreg [dreg:$0x3]  }
0x1d: {  	[tilespmem:s25], [sflag:$0x1] =	stream.linear.gather [hbm4b:s11+s2], $0x4000, $0x38;
	[tilespmem:$0x1E800] =	vst v63  }
0x1e: {  	s12 =	rddreg [dreg:$0x4]  }
0x1f: {  	[tilespmem:s26], [sflag:$0x2] =	stream.linear.gather [hbm4b:s12+s2], $0x4000, $0x38;
	[tilespmem:$0x1E800] =	vst v63  }
0x20: {  	_ =	swait.ge [sflag:s28], $0x4000  }
0x21: {  	[sflag:s28] =	ssyncset.done $0x0  }
0x22: {  	[sflag:s28] =	ssyncadd.s32 $0xFFFFC000  }
0x23: {  	[spmem:s6] =	stream.linear.scatter [tilespmem:s25], [sflag:$0x4], $0x4000, $0x38;
	[tilespmem:$0x1E800] =	vst v63  }
0x24: {  	_ =	swait.ge [sflag:s29], $0x4000  }
0x25: {  	[sflag:s29] =	ssyncset.done $0x0  }
0x26: {  	s13 =	rddreg [dreg:$0x5];
	[sflag:s29] =	ssyncadd.s32 $0xFFFFC000  }
0x27: {  	[tilespmem:s25], [sflag:$0x1] =	stream.linear.gather [hbm4b:s13+s2], $0x4000, $0x38;
	[tilespmem:$0x1E800] =	vst v63  }
0x28: {  	_ =	swait.ge [sflag:s30], $0x4000  }
0x29: {  	[sflag:s30] =	ssyncset.done $0x0  }
0x2a: {  	[sflag:s30] =	ssyncadd.s32 $0xFFFFC000  }
0x2b: {  	[spmem:s8] =	stream.linear.scatter [tilespmem:s26], [sflag:$0x4], $0x4000, $0x38;
	[tilespmem:$0x1E800] =	vst v63  }
0x2c: {  	_ =	swait.ge [sflag:s29], $0x4000  }
0x2d: {  	[sflag:s29] =	ssyncset.done $0x0  }
0x2e: {  	s12 =	rddreg [dreg:$0xa];
	[sflag:s29] =	ssyncadd.s32 $0xFFFFC000  }
0x2f: {  	[tilespmem:s26], [sflag:$0x2] =	stream.linear.gather [hbm4b:s12+s2], $0x4000, $0x38;
	[tilespmem:$0x1E800] =	vst v63  }
0x30: {  	_ =	swait.ge [sflag:s28], $0x4000  }
0x31: {  	[sflag:s28] =	ssyncset.done $0x0  }
0x32: {  	[sflag:s28] =	ssyncadd.s32 $0xFFFFC000  }
0x33: {  	[spmem:s14] =	stream.linear.scatter [tilespmem:s25], [sflag:$0x4], $0x4000, $0x38;
	[tilespmem:$0x1E800] =	vst v63  }
0x34: {  	_ =	swait.ge [sflag:s29], $0x4000  }
0x35: {  	[sflag:s29] =	ssyncset.done $0x0  }
0x36: {  	[sflag:s29] =	ssyncadd.s32 $0xFFFFC000  }
0x37: {  	[tilespmem:s25], [sflag:$0x1] =	stream.linear.gather [hbm4b:s15+s2], $0x4000, $0x38;
	[tilespmem:$0x1E800] =	vst v63  }
0x38: {  	_ =	swait.ge [sflag:s30], $0x4000  }
0x39: {  	[sflag:s30] =	ssyncset.done $0x0  }
0x3a: {  	[sflag:s30] =	ssyncadd.s32 $0xFFFFC000  }
0x3b: {  	[spmem:s16] =	stream.linear.scatter [tilespmem:s26], [sflag:$0x4], $0x4000, $0x38;
	[tilespmem:$0x1E800] =	vst v63  }
0x3c: {  	_ =	swait.ge [sflag:s29], $0x4000  }
0x3d: {  	[sflag:s29] =	ssyncset.done $0x0  }
0x3e: {  	[sflag:s29] =	ssyncadd.s32 $0xFFFFC000  }
0x3f: {  	_ =	swait.ge [sflag:s28], $0x4000  }
0x40: {  	[sflag:s28] =	ssyncset.done $0x0  }
0x41: {  	[sflag:s28] =	ssyncadd.s32 $0xFFFFC000  }
0x42: {  	[spmem:s17] =	stream.linear.scatter [tilespmem:s25], [sflag:$0x4], $0x4000, $0x38;
	[tilespmem:$0x1E800] =	vst v63  }
0x43: {  	_ =	swait.ge [sflag:s29], $0x4000  }
0x44: {  	[sflag:s29] =	ssyncset.done $0x0  }
0x45: {  	[sflag:s29] =	ssyncadd.s32 $0xFFFFC000  }
0x46: {  	[bflag:$0x0] =	sbarrier.arrive $0xFFFF  }
0x47: {  	s13 =	rddreg [dreg:$0x6]  }
0x48: {  	[tilespmem:s31], [sflag:$0x4] =	stream.linear.gather [hbm4b:s13+s2], $0x1400, $0x38;
	[tilespmem:$0x1E800] =	vst v63  }
0x49: {  	_ =	swait.ge [sflag:s29], $0x1400  }
0x4a: {  	[sflag:s29] =	ssyncset.done $0x0  }
0x4b: {  	s12 =	rddreg [dreg:$0x7];
	[sflag:s29] =	ssyncadd.s32 $0xFFFFEC00  }
0x4c: {  	[tilespmem:s0], [sflag:$0x4] =	stream.linear.gather [hbm4b:s12+s2], $0x1400, $0x38;
	[tilespmem:$0x1E800] =	vst v63  }
0x4d: {  	_ =	swait.ge [sflag:s29], $0x1400  }
0x4e: {  	[sflag:s29] =	ssyncset.done $0x0  }
0x4f: {  	[sflag:s29] =	ssyncadd.s32 $0xFFFFEC00  }
0x50: {  	[tilespmem:s25], [sflag:$0x1] =	stream.indirect.gather [hbm4b:s18+s3], $0x80, s31, s3, $0xb8;
	[tilespmem:$0x1E800] =	vst v63  }
0x51: {  	_ = 	snop  }
0x52: {  	[tilespmem:s26], [sflag:$0x2] =	stream.indirect.gather [hbm4b:s18+s3], $0x80, s4, s3, $0xb8;
	[tilespmem:$0x1E800] =	vst v63  }
0x53: {  	_ =	swait.ge [sflag:s28], $0x4000  }
0x54: {  	[sflag:s28] =	ssyncset.done $0x0  }
0x55: {  	s13 =	simm.s32 $0x15400;
	[sflag:s28] =	ssyncadd.s32 $0xFFFFC000  }
0x56: {  	[spmem:s1] =	stream.indirect.scatter.add.f32 [tilespmem:s25], [sflag:$0x3], $0x80, s13, s3, $0xb8;
	[tilespmem:$0x1E800] =	vst v63  }
0x57: {  	_ =	swait.ge [sflag:s30], $0x4000  }
0x58: {  	[sflag:s30] =	ssyncset.done $0x0  }
0x59: {  	s12 =	simm.s32 $0x15480;
	[sflag:s30] =	ssyncadd.s32 $0xFFFFC000  }
0x5a: {  	[spmem:s1] =	stream.indirect.scatter.add.f32 [tilespmem:s26], [sflag:$0x3], $0x80, s12, s3, $0xb8;
	[tilespmem:$0x1E800] =	vst v63  }
0x5b: {  	_ =	swait.ge [sflag:s5], $0x4000  }
0x5c: {  	[sflag:s5] =	ssyncset.done $0x0  }
0x5d: {  	s13 =	simm.s32 $0x14100;
	[sflag:s5] =	ssyncadd.s32 $0xFFFFC000  }
0x5e: {  	[tilespmem:s25], [sflag:$0x1] =	stream.indirect.gather [hbm4b:s18+s3], $0x80, s13, s3, $0xb8;
	[tilespmem:$0x1E800] =	vst v63  }
0x5f: {  	_ =	swait.ge [sflag:s5], $0x4000  }
0x60: {  	[sflag:s5] =	ssyncset.done $0x0  }
0x61: {  	s11 =	simm.s32 $0x400;
	s12 =	simm.s32 $0x14180;
	[sflag:s5] =	ssyncadd.s32 $0xFFFFC000  }
.LBB2_2:
0x62: {  	[tilespmem:s26], [sflag:$0x2] =	stream.indirect.gather [hbm4b:s18+s3], $0x80, s12, s3, $0xb8;
	[tilespmem:$0x1E800] =	vst v63  }
0x63: {  	s12 =	smov.u32 s11  }
0x64: {  	p0 =	sne.s32 s11, $0x4800;
	s11 =	sadd.s32 $0x400, s11;
	_ =	swait.ge [sflag:s28], $0x4000  }
0x65: {  	s12 =	sshra.s32 s12, $0x2;
	[sflag:s28] =	ssyncset.done $0x0  }
0x66: {  	s13 =	sadd.s32 $0x15400, s12;
	[sflag:s28] =	ssyncadd.s32 $0xFFFFC000  }
0x67: {  	[spmem:s1] =	stream.indirect.scatter.add.f32 [tilespmem:s25], [sflag:$0x3], $0x80, s13, s3, $0xb8;
	[tilespmem:$0x1E800] =	vst v63  }
0x68: {  	_ =	swait.ge [sflag:s30], $0x4000  }
0x69: {  	[sflag:s30] =	ssyncset.done $0x0  }
0x6a: {  	s13 =	sadd.s32 $0x15480, s12;
	[sflag:s30] =	ssyncadd.s32 $0xFFFFC000  }
0x6b: {  	[spmem:s1] =	stream.indirect.scatter.add.f32 [tilespmem:s26], [sflag:$0x3], $0x80, s13, s3, $0xb8;
	[tilespmem:$0x1E800] =	vst v63  }
0x6c: {  	_ =	swait.ge [sflag:s5], $0x4000  }
0x6d: {  	[sflag:s5] =	ssyncset.done $0x0  }
.Ltmp0:
0x6e: {  	s13 =	sadd.s32 $0x14100, s12;
	[sflag:s5] =	ssyncadd.s32 $0xFFFFC000;
	(pc) =	sbr.rel @p0 .LBB2_2-.Ltmp0, $4  }
0x6f: {  	[tilespmem:s25], [sflag:$0x1] =	stream.indirect.gather [hbm4b:s18+s3], $0x80, s13, s3, $0xb8;
	[tilespmem:$0x1E800] =	vst v63  }
0x70: {  	_ =	swait.ge [sflag:s5], $0x4000  }
0x71: {  	[sflag:s5] =	ssyncset.done $0x0  }
0x72: {  	s12 =	sadd.s32 $0x14180, s12;
	[sflag:s5] =	ssyncadd.s32 $0xFFFFC000  }
0x73: {  	[tilespmem:s26], [sflag:$0x2] =	stream.indirect.gather [hbm4b:s18+s3], $0x80, s12, s3, $0xb8;
	[tilespmem:$0x1E800] =	vst v63  }
0x74: {  	_ =	swait.ge [sflag:s28], $0x4000  }
0x75: {  	[sflag:s28] =	ssyncset.done $0x0  }
0x76: {  	[sflag:s28] =	ssyncadd.s32 $0xFFFFC000  }
0x77: {  	[spmem:s1] =	stream.indirect.scatter.add.f32 [tilespmem:s25], [sflag:$0x3], $0x80, s7, s3, $0xb8;
	[tilespmem:$0x1E800] =	vst v63  }
0x78: {  	_ =	swait.ge [sflag:s30], $0x4000  }
0x79: {  	[sflag:s30] =	ssyncset.done $0x0  }
0x7a: {  	[sflag:s30] =	ssyncadd.s32 $0xFFFFC000  }
0x7b: {  	[spmem:s1] =	stream.indirect.scatter.add.f32 [tilespmem:s26], [sflag:$0x3], $0x80, s9, s3, $0xb8;
	[tilespmem:$0x1E800] =	vst v63  }
0x7c: {  	_ =	swait.ge [sflag:s5], $0x4000  }
0x7d: {  	[sflag:s5] =	ssyncset.done $0x0  }
0x7e: {  	[sflag:s5] =	ssyncadd.s32 $0xFFFFC000  }
0x7f: {  	_ =	swait.ge [sflag:s5], $0x4000  }
0x80: {  	[sflag:s5] =	ssyncset.done $0x0  }
0x81: {  	s11 =	simm.s32 $0x0;
	s13 =	rddreg [dreg:$0x8];
	[sflag:s5] =	ssyncadd.s32 $0xFFFFC000  }
0x82: {  	[tilespmem:s31], [sflag:$0x4] =	stream.linear.gather [hbm4b:s13+s11], $0x1400, $0x38;
	[tilespmem:$0x1E800] =	vst v63  }
0x83: {  	_ =	swait.ge [sflag:s29], $0x1400  }
0x84: {  	[sflag:s29] =	ssyncset.done $0x0  }
0x85: {  	s13 =	rddreg [dreg:$0x9];
	[sflag:s29] =	ssyncadd.s32 $0xFFFFEC00  }
0x86: {  	[tilespmem:s0], [sflag:$0x4] =	stream.linear.gather [hbm4b:s13+s11], $0x1400, $0x38;
	[tilespmem:$0x1E800] =	vst v63  }
0x87: {  	_ =	swait.ge [sflag:s29], $0x1400  }
0x88: {  	[sflag:s29] =	ssyncset.done $0x0  }
0x89: {  	[sflag:s29] =	ssyncadd.s32 $0xFFFFEC00  }
0x8a: {  	[tilespmem:s25], [sflag:$0x1] =	stream.indirect.gather [hbm4b:s18+s3], $0x80, s31, s3, $0xb8;
	[tilespmem:$0x1E800] =	vst v63  }
0x8b: {  	_ = 	snop  }
0x8c: {  	[tilespmem:s26], [sflag:$0x2] =	stream.indirect.gather [hbm4b:s18+s3], $0x80, s4, s3, $0xb8;
	[tilespmem:$0x1E800] =	vst v63  }
0x8d: {  	_ =	swait.ge [sflag:s28], $0x4000  }
0x8e: {  	[sflag:s28] =	ssyncset.done $0x0  }
0x8f: {  	s13 =	simm.s32 $0x15400;
	[sflag:s28] =	ssyncadd.s32 $0xFFFFC000  }
0x90: {  	[spmem:s1] =	stream.indirect.scatter.add.f32 [tilespmem:s25], [sflag:$0x3], $0x80, s13, s3, $0xb8;
	[tilespmem:$0x1E800] =	vst v63  }
0x91: {  	_ =	swait.ge [sflag:s30], $0x4000  }
0x92: {  	[sflag:s30] =	ssyncset.done $0x0  }
0x93: {  	s12 =	simm.s32 $0x15480;
	[sflag:s30] =	ssyncadd.s32 $0xFFFFC000  }
0x94: {  	[spmem:s1] =	stream.indirect.scatter.add.f32 [tilespmem:s26], [sflag:$0x3], $0x80, s12, s3, $0xb8;
	[tilespmem:$0x1E800] =	vst v63  }
0x95: {  	_ =	swait.ge [sflag:s5], $0x4000  }
0x96: {  	[sflag:s5] =	ssyncset.done $0x0  }
0x97: {  	s13 =	simm.s32 $0x14100;
	[sflag:s5] =	ssyncadd.s32 $0xFFFFC000  }
0x98: {  	[tilespmem:s25], [sflag:$0x1] =	stream.indirect.gather [hbm4b:s18+s3], $0x80, s13, s3, $0xb8;
	[tilespmem:$0x1E800] =	vst v63  }
0x99: {  	_ =	swait.ge [sflag:s5], $0x4000  }
0x9a: {  	[sflag:s5] =	ssyncset.done $0x0  }
0x9b: {  	s11 =	simm.s32 $0x400;
	s12 =	simm.s32 $0x14180;
	[sflag:s5] =	ssyncadd.s32 $0xFFFFC000  }
.LBB2_4:
0x9c: {  	[tilespmem:s26], [sflag:$0x2] =	stream.indirect.gather [hbm4b:s18+s3], $0x80, s12, s3, $0xb8;
	[tilespmem:$0x1E800] =	vst v63  }
0x9d: {  	s12 =	smov.u32 s11  }
0x9e: {  	p0 =	sne.s32 s11, $0x4800;
	s11 =	sadd.s32 $0x400, s11;
	_ =	swait.ge [sflag:s28], $0x4000  }
0x9f: {  	s12 =	sshra.s32 s12, $0x2;
	[sflag:s28] =	ssyncset.done $0x0  }
0xa0: {  	s13 =	sadd.s32 $0x15400, s12;
	[sflag:s28] =	ssyncadd.s32 $0xFFFFC000  }
0xa1: {  	[spmem:s1] =	stream.indirect.scatter.add.f32 [tilespmem:s25], [sflag:$0x3], $0x80, s13, s3, $0xb8;
	[tilespmem:$0x1E800] =	vst v63  }
0xa2: {  	_ =	swait.ge [sflag:s30], $0x4000  }
0xa3: {  	[sflag:s30] =	ssyncset.done $0x0  }
0xa4: {  	s13 =	sadd.s32 $0x15480, s12;
	[sflag:s30] =	ssyncadd.s32 $0xFFFFC000  }
0xa5: {  	[spmem:s1] =	stream.indirect.scatter.add.f32 [tilespmem:s26], [sflag:$0x3], $0x80, s13, s3, $0xb8;
	[tilespmem:$0x1E800] =	vst v63  }
0xa6: {  	_ =	swait.ge [sflag:s5], $0x4000  }
0xa7: {  	[sflag:s5] =	ssyncset.done $0x0  }
.Ltmp1:
0xa8: {  	s13 =	sadd.s32 $0x14100, s12;
	[sflag:s5] =	ssyncadd.s32 $0xFFFFC000;
	(pc) =	sbr.rel @p0 .LBB2_4-.Ltmp1, $4  }
0xa9: {  	[tilespmem:s25], [sflag:$0x1] =	stream.indirect.gather [hbm4b:s18+s3], $0x80, s13, s3, $0xb8;
	[tilespmem:$0x1E800] =	vst v63  }
0xaa: {  	_ =	swait.ge [sflag:s5], $0x4000  }
0xab: {  	[sflag:s5] =	ssyncset.done $0x0  }
0xac: {  	s12 =	sadd.s32 $0x14180, s12;
	[sflag:s5] =	ssyncadd.s32 $0xFFFFC000  }
0xad: {  	[tilespmem:s26], [sflag:$0x2] =	stream.indirect.gather [hbm4b:s18+s3], $0x80, s12, s3, $0xb8;
	[tilespmem:$0x1E800] =	vst v63  }
0xae: {  	_ =	swait.ge [sflag:s28], $0x4000  }
0xaf: {  	[sflag:s28] =	ssyncset.done $0x0  }
0xb0: {  	[sflag:s28] =	ssyncadd.s32 $0xFFFFC000  }
0xb1: {  	[spmem:s1] =	stream.indirect.scatter.add.f32 [tilespmem:s25], [sflag:$0x3], $0x80, s7, s3, $0xb8;
	[tilespmem:$0x1E800] =	vst v63  }
0xb2: {  	_ =	swait.ge [sflag:s30], $0x4000  }
0xb3: {  	[sflag:s30] =	ssyncset.done $0x0  }
0xb4: {  	[sflag:s30] =	ssyncadd.s32 $0xFFFFC000  }
0xb5: {  	[spmem:s1] =	stream.indirect.scatter.add.f32 [tilespmem:s26], [sflag:$0x3], $0x80, s9, s3, $0xb8;
	[tilespmem:$0x1E800] =	vst v63  }
0xb6: {  	_ =	swait.ge [sflag:s5], $0x4000  }
0xb7: {  	[sflag:s5] =	ssyncset.done $0x0  }
0xb8: {  	[sflag:s5] =	ssyncadd.s32 $0xFFFFC000  }
0xb9: {  	_ =	swait.ge [sflag:s5], $0x4000  }
0xba: {  	[sflag:s5] =	ssyncset.done $0x0  }
0xbb: {  	[sflag:s5] =	ssyncadd.s32 $0xFFFFC000  }
0xbc: {  	[bflag:$0x0] =	sbarrier.arrive $0xFFFF  }
0xbd: {  	[tilespmem:s25], [sflag:$0x4] =	stream.linear.gather [spmem:s6], $0x4000, $0x38;
	[tilespmem:$0x1E800] =	vst v63  }
0xbe: {  	_ =	swait.ge [sflag:s29], $0x4000  }
0xbf: {  	[sflag:s29] =	ssyncset.done $0x0  }
0xc0: {  	[sflag:s29] =	ssyncadd.s32 $0xFFFFC000  }
0xc1: {  	[hbm4b:s19+s2] =	stream.linear.scatter [tilespmem:s25], [sflag:$0x3], $0x4000, $0x38;
	[tilespmem:$0x1E800] =	vst v63  }
0xc2: {  	_ = 	snop  }
0xc3: {  	[tilespmem:s26], [sflag:$0x4] =	stream.linear.gather [spmem:s8], $0x4000, $0x38;
	[tilespmem:$0x1E800] =	vst v63  }
0xc4: {  	_ =	swait.ge [sflag:s29], $0x4000  }
0xc5: {  	[sflag:s29] =	ssyncset.done $0x0  }
0xc6: {  	[sflag:s29] =	ssyncadd.s32 $0xFFFFC000  }
0xc7: {  	[hbm4b:s20+s2] =	stream.linear.scatter [tilespmem:s26], [sflag:$0x3], $0x4000, $0x38;
	[tilespmem:$0x1E800] =	vst v63  }
0xc8: {  	_ =	swait.ge [sflag:s5], $0x4000  }
0xc9: {  	[sflag:s5] =	ssyncset.done $0x0  }
0xca: {  	[sflag:s5] =	ssyncadd.s32 $0xFFFFC000  }
0xcb: {  	[tilespmem:s25], [sflag:$0x4] =	stream.linear.gather [spmem:s14], $0x4000, $0x38;
	[tilespmem:$0x1E800] =	vst v63  }
0xcc: {  	_ =	swait.ge [sflag:s29], $0x4000  }
0xcd: {  	[sflag:s29] =	ssyncset.done $0x0  }
0xce: {  	[sflag:s29] =	ssyncadd.s32 $0xFFFFC000  }
0xcf: {  	[hbm4b:s21+s2] =	stream.linear.scatter [tilespmem:s25], [sflag:$0x3], $0x4000, $0x38;
	[tilespmem:$0x1E800] =	vst v63  }
0xd0: {  	_ =	swait.ge [sflag:s5], $0x4000  }
0xd1: {  	[sflag:s5] =	ssyncset.done $0x0  }
0xd2: {  	[sflag:s5] =	ssyncadd.s32 $0xFFFFC000  }
0xd3: {  	[tilespmem:s26], [sflag:$0x4] =	stream.linear.gather [spmem:s16], $0x4000, $0x38;
	[tilespmem:$0x1E800] =	vst v63  }
0xd4: {  	_ =	swait.ge [sflag:s29], $0x4000  }
0xd5: {  	[sflag:s29] =	ssyncset.done $0x0  }
0xd6: {  	[sflag:s29] =	ssyncadd.s32 $0xFFFFC000  }
0xd7: {  	[hbm4b:s22+s2] =	stream.linear.scatter [tilespmem:s26], [sflag:$0x3], $0x4000, $0x38;
	[tilespmem:$0x1E800] =	vst v63  }
0xd8: {  	_ =	swait.ge [sflag:s5], $0x4000  }
0xd9: {  	[sflag:s5] =	ssyncset.done $0x0  }
0xda: {  	[sflag:s5] =	ssyncadd.s32 $0xFFFFC000  }
0xdb: {  	[tilespmem:s25], [sflag:$0x4] =	stream.linear.gather [spmem:s17], $0x4000, $0x38;
	[tilespmem:$0x1E800] =	vst v63  }
0xdc: {  	_ =	swait.ge [sflag:s29], $0x4000  }
0xdd: {  	[sflag:s29] =	ssyncset.done $0x0  }
0xde: {  	s10 =	sadd.s32 $0x1, s10;
	[sflag:s29] =	ssyncadd.s32 $0xFFFFC000  }
0xdf: {  	[hbm4b:s23+s2] =	stream.linear.scatter [tilespmem:s25], [sflag:$0x3], $0x4000, $0x38;
	[tilespmem:$0x1E800] =	vst v63  }
0xe0: {  	p0 =	sne.s32 s10, s24;
	_ =	swait.ge [sflag:s5], $0x4000  }
.Ltmp2:
0xe1: {  	[sflag:s5] =	ssyncset.done $0x0;
	(pc) =	sbr.rel @p0 .LBB2_1-.Ltmp2, $4  }
0xe2: {  	[sflag:s5] =	ssyncadd.s32 $0xFFFFC000  }
0xe3: {  	_ =	swait.ge [sflag:s5], $0x4000  }
0xe4: {  	[sflag:s5] =	ssyncset.done $0x0  }
0xe5: {  	[sflag:s5] =	ssyncadd.s32 $0xFFFFC000  }
0xe6: {  	_ =	sfence.sel $0x180000  }
0xe7: {  	[bflag:$0x0] =	sbarrier.arrive $0xFFFF  }
0xe8: {  	_ =	strace $0x9000004A  }
0xe9: {  	s0 =	stileid.u32;
	[bflag:$0x2] =	sbarrier.arrive $0xFFFF  }
0xea: {  	p0 =	sne.s32 s0, $0x0;
	s0 =	rddreg [dreg:$0x2]  }
0xeb: {  	s0 =	sadd.s32 @!p0 $0x100000, s0  }
0xec: {  	[sflag:s0] =	ssyncadd.tile.s32 @!p0 $0x1;
	_ =	shalt  }
.Lfunc_end2:
_tile_overlayer_lowered:
.L_overlay_start_2:
0xed: {  	(tag) =	ssettag $0x2  }
0xee: {  	s0 =	rddreg [dreg:$0x0];
	s2 =	stileid.u32  }
0xef: {  	s1 =	rddreg [dreg:$0x1];
	p0 =	sne.s32 s2, $0x0  }
0xf0: {  	s3 =	rddreg [dreg:$0x2];
	[bflag:$0x3] =	sbarrier.arrive $0xFFFF;
	s2 =	simm.s32 @!p0 $0x1C04  }
0xf1: {  	[timem:s3], [sflag:s2] =	dma.local @!p0 [hbm:s0], s1  }
0xf2: {  	s0 =	simm.s32 @!p0 $0x4  }
0xf3: {  	_ =	swait.ge @!p0 [sflag:s0], s1  }
0xf4: {  	s1 =	ssub.s32 @!p0 $0x0, s1;
	[sflag:s0] =	ssyncset.done @!p0 $0x0  }
0xf5: {  	[sflag:s0] =	ssyncadd.s32 @!p0 s1  }
0xf6: {  	[bflag:$0x3] =	sbarrier.arrive $0xFFFF  }
0xf7: {  	_ =	shalt  }

// kernel: kernel.14.cloned.1.call-start
scs
__scs_entry_jumppad:
0x0: {  	(pc) =	sbr.rel $0x88, $3  }
0x1: {  	(tag) =	ssettag $0x0;
	lr =	simm.s32 $0x1  }
0x2: {  	[smem:$0x3F91] =	sst lr;
	_ =	strace $0xD0000000  }
0x3: {  	_ = 	snop  }
0x4: {  	_ = 	snop  }
0x5: {  	_ = 	snop  }
0x6: {  	_ = 	snop  }
0x7: {  	_ = 	snop  }
__scs_overlays_trampoline_lowered:
0x8: {  	[smem:$0x3FA0] =	sst s0  }
0x9: {  	[smem:$0x3FA1] =	sst s1  }
0xa: {  	[smem:$0x3FA2] =	sst s2  }
0xb: {  	[smem:$0x3FA3] =	sst s3  }
0xc: {  	[smem:$0x3FA4] =	sst s4  }
0xd: {  	[smem:$0x3FA5] =	sst s5  }
0xe: {  	[smem:$0x3FA6] =	sst s6  }
0xf: {  	[smem:$0x3FA7] =	sst s7  }
0x10: {  	[smem:$0x3FA8] =	sst s8  }
0x11: {  	[smem:$0x3FA9] =	sst s9;
	s0 =	simm.s32 @!p0 $0x0  }
0x12: {  	s1 =	sld [smem:$0x3F8F];
	s0 =	simm.s32 @p0 $0x1  }
0x13: {  	[smem:$0x3FAA] =	sst s0;
	s0 =	simm.s32 @!p1 $0x0  }
0x14: {  	s2 =	sld [smem:$0x3F8E];
	s0 =	simm.s32 @p1 $0x1  }
0x15: {  	[smem:$0x3FAB] =	sst s0;
	s0 =	simm.s32 @!p2 $0x0  }
0x16: {  	s3 =	sld [smem:$0x3FDB];
	s0 =	simm.s32 @p2 $0x1  }
0x17: {  	s4 =	simm.s32 $0x1BF5;
	[smem:$0x3FAD] =	sst s0  }
0x18: {  	s0 =	sld [smem:$0x3F90];
	_ =	swait.ge [sflag:s4], $0x0  }
0x19: {  	s7 =	sld [smem:$0x3F91]  }
0x1a: {  	s8 =	sadd.s32 $0xFFFFE003, lr  }
0x1b: {  	s9 =	sadd.s32 $0xFFFFFEF7, lr;
	s5 =	simm.s32 $0xFFFFFFFF;
	p2 =	slt.u32 s8, $0xFFFFF086  }
0x1c: {  	p1 =	slt.u32 s9, $0xF7A;
	s5 =	simm.s32 @!p2 $0x0  }
0x1d: {  	s5 =	simm.s32 @p1 $0x1;
	p0 =	seq.s32 s7, s2  }
0x1e: {  	s7 =	smul.u32 @!p0 $0xF7A, s2;
	p2 =	seq.s32 @!p0 s5, $0x0  }
0x1f: {  	s9 =	smul.u32 $0xF7A, s1;
	s8 =	simm.s32 @!p0 $0x1BF5;
	p2 =	por !p2, p0  }
0x20: {  	[sflag:s8] =	ssyncset.s32 @!p0 $0xFFFFF086;
	s6 =	sadd.s32 @!p0 s3, s7;
	s7 =	simm.s32 @!p0 $0x108  }
0x21: {  	s3 =	sadd.s32 s3, s9;
	s6 =	sadd.s32 @!p0 $0x88, s6;
	s7 =	simm.s32 @p2 $0x1082  }
0x22: {  	[simem:s7], [sflag:s8] =	dma.local @!p0 [hbm:s6], $0xF7A  }
0x23: {  	s9 =	sor.u32 $0xD0000000, s2;
	s6 =	simm.s32 $0x108;
	_ =	swait.ge @!p0 [sflag:s8], $0x0  }
0x24: {  	s3 =	sadd.s32 $0x88, s3;
	s6 =	simm.s32 @!p1 $0x1082;
	[sflag:s4] =	ssyncset.s32 $0xFFFFF086  }
0x25: {  	[simem:s6], [sflag:s4] =	dma.local [hbm:s3], $0xF7A  }
0x26: {  	[smem:$0x3F91] =	sst s1;
	(tag) =	ssettag s2;
	_ =	strace s9  }
0x27: {  	s1 =	sld [smem:$0x3FA1]  }
0x28: {  	s2 =	sld [smem:$0x3FA2]  }
0x29: {  	s4 =	sld [smem:$0x3FA4]  }
0x2a: {  	p0 =	seq.s32 s5, $0x0;
	s5 =	sld [smem:$0x3FA5]  }
0x2b: {  	s6 =	sld [smem:$0x3FA6]  }
0x2c: {  	s7 =	sld [smem:$0x3FA7]  }
0x2d: {  	s3 =	simm.s32 $0x108;
	s8 =	sld [smem:$0x3FA8]  }
0x2e: {  	s3 =	simm.s32 @!p0 $0x1082;
	s9 =	sld [smem:$0x3FA9]  }
0x2f: {  	lr =	sadd.s32 s0, s3;
	s0 =	sld [smem:$0x3FA0]  }
0x30: {  	s3 =	sld [smem:$0x3FA3]  }
0x31: {  	[smem:$0x3FAC] =	sst s10  }
0x32: {  	s10 =	sld [smem:$0x3FAA];
	_ =	sdelay $0x3  }
0x33: {  	p0 =	seq.s32 s10, $0x1;
	s10 =	sld [smem:$0x3FAC];
	_ =	sdelay $0x3  }
0x34: {  	[smem:$0x3FAC] =	sst s10  }
0x35: {  	s10 =	sld [smem:$0x3FAB];
	_ =	sdelay $0x3  }
0x36: {  	p1 =	seq.s32 s10, $0x1;
	s10 =	sld [smem:$0x3FAC];
	_ =	sdelay $0x3  }
0x37: {  	[smem:$0x3FAC] =	sst s10  }
0x38: {  	s10 =	sld [smem:$0x3FAD]  }
0x39: {  	_ = 	snop;
	(pc) =	sbr.ind lr, $3  }
0x3a: {  	_ = 	snop  }
0x3b: {  	_ = 	snop  }
0x3c: {  	p2 =	seq.s32 s10, $0x1;
	s10 =	sld [smem:$0x3FAC]  }
0x3d: {  	_ =	shalt  }
0x3e: {  	_ =	shalt  }
0x3f: {  	_ =	shalt  }
0x40: {  	_ =	shalt  }
0x41: {  	_ =	shalt  }
0x42: {  	_ =	shalt  }
0x43: {  	_ =	shalt  }
0x44: {  	_ =	shalt  }
0x45: {  	_ =	shalt  }
0x46: {  	_ =	shalt  }
0x47: {  	_ =	shalt  }
0x48: {  	_ =	shalt  }
0x49: {  	_ =	shalt  }
0x4a: {  	_ =	shalt  }
0x4b: {  	_ =	shalt  }
0x4c: {  	_ =	shalt  }
0x4d: {  	_ =	shalt  }
0x4e: {  	_ =	shalt  }
0x4f: {  	_ =	shalt  }
0x50: {  	_ =	shalt  }
0x51: {  	_ =	shalt  }
0x52: {  	_ =	shalt  }
0x53: {  	_ =	shalt  }
0x54: {  	_ =	shalt  }
0x55: {  	_ =	shalt  }
0x56: {  	_ =	shalt  }
0x57: {  	_ =	shalt  }
0x58: {  	_ =	shalt  }
0x59: {  	_ =	shalt  }
0x5a: {  	_ =	shalt  }
0x5b: {  	_ =	shalt  }
0x5c: {  	_ =	shalt  }
0x5d: {  	_ =	shalt  }
0x5e: {  	_ =	shalt  }
0x5f: {  	_ =	shalt  }
0x60: {  	_ =	shalt  }
0x61: {  	_ =	shalt  }
0x62: {  	_ =	shalt  }
0x63: {  	_ =	shalt  }
0x64: {  	_ =	shalt  }
0x65: {  	_ =	shalt  }
0x66: {  	_ =	shalt  }
0x67: {  	_ =	shalt  }
0x68: {  	_ =	shalt  }
0x69: {  	_ =	shalt  }
0x6a: {  	_ =	shalt  }
0x6b: {  	_ =	shalt  }
0x6c: {  	_ =	shalt  }
0x6d: {  	_ =	shalt  }
0x6e: {  	_ =	shalt  }
0x6f: {  	_ =	shalt  }
0x70: {  	_ =	shalt  }
0x71: {  	_ =	shalt  }
0x72: {  	_ =	shalt  }
0x73: {  	_ =	shalt  }
0x74: {  	_ =	shalt  }
0x75: {  	_ =	shalt  }
0x76: {  	_ =	shalt  }
0x77: {  	_ =	shalt  }
0x78: {  	_ =	shalt  }
0x79: {  	_ =	shalt  }
0x7a: {  	_ =	shalt  }
0x7b: {  	_ =	shalt  }
0x7c: {  	_ =	shalt  }
0x7d: {  	_ =	shalt  }
0x7e: {  	_ =	shalt  }
0x7f: {  	_ =	shalt  }
0x80: {  	_ =	shalt  }
0x81: {  	_ =	shalt  }
0x82: {  	_ =	shalt  }
0x83: {  	_ =	shalt  }
0x84: {  	_ =	shalt  }
0x85: {  	_ =	shalt  }
0x86: {  	_ =	shalt  }
0x87: {  	_ =	shalt  }
.Lfunc_end0:
.L_simem_size_0:
called_computation.2_lowered:
.L_overlay_start_0:
0x88: {  	s2 =	sld [smem:$0x3FD9]  }
0x89: {  	s3 =	sld [smem:$0x3FFE];
	_ =	sdelay $0x1  }
0x8a: {  	s1 =	srdreg.scid  }
0x8b: {  	s0 =	sand.u32 $0x1, s1  }
0x8c: {  	s16 =	sshll.u32 s0, $0xA;
	s2 =	sadd.s32 s3, s2  }
0x8d: {  	s2 =	sadd.s32 s2, s16  }
0x8e: {  	[smem:$0x3FB8] =	sst s2  }
0x8f: {  	_ = 	snop  }
0x90: {  	(tm) =	ssettm $0x1  }
0x91: {  	s17 =	sld [smem:$0x3FFB];
	_ =	sdelay $0x3  }
0x92: {  	_ =	strace s17  }
0x93: {  	s2 =	sld [smem:$0x3FFC];
	_ =	sdelay $0x3  }
0x94: {  	_ =	strace s2  }
0x95: {  	s2 =	sld [smem:$0x3FFD];
	_ =	sdelay $0x3  }
0x96: {  	_ =	strace s2  }
0x97: {  	_ =	strace $0x8FFFFFFF  }
0x98: {  	s18 =	sld [smem:$0x3FDB];
	_ =	sdelay $0x1  }
0x99: {  	s19 =	simm.s32 $_scs_section_size  }
0x9a: {  	s4 =	simm.s32 $_size__tile_overlayer_lowered;
	s5 =	simm.s32 $_tile_overlayer_lowered  }
0x9b: {  	s22 =	simm.s32 $0x1BFF;
	s21 =	sshll.u32 s5, $0x1;
	s2 =	sadd.s32 s19, s18  }
0x9c: {  	s6 =	simm.s32 $0x0;
	s20 =	sshll.u32 s4, $0x1;
	s4 =	sadd.s32 s21, s2  }
0x9d: {  	[timem:s6], [sflag:s22] =	dma.local [hbm:s4], s20  }
0x9e: {  	_ =	swait.ge [sflag:s22], s20  }
0x9f: {  	s3 =	ssub.s32 $0x0, s20;
	[sflag:s22] =	ssyncset.done $0x0  }
0xa0: {  	[sflag:s22] =	ssyncadd.s32 s3;
	_ =	sdelay $0x1  }
0xa1: {  	s23 =	simm.s32 $0x1B8B  }
0xa2: {  	_ =	swait.ge [sflag:s23], $0x1  }
0xa3: {  	[sflag:s23] =	ssyncset.done $0x0  }
0xa4: {  	s25 =	simm.s32 $0x1B8E;
	s24 =	sld [smem:$0x3FFE];
	[sflag:s23] =	ssyncadd.s32 $0xFFFFFFFF  }
0xa5: {  	s26 =	simm.s32 $execute0_lowered;
	[smem:$0x3FD2] =	sst s25  }
0xa6: {  	s4 =	sshll.u32 s26, $0x1;
	_ =	strace $0x8000004C;
	[dreg:$0x1] =	wrdreg $0xFFFFFFFF  }
0xa7: {  	s28 =	simm.s32 $_size_execute0_lowered;
	s2 =	sadd.s32 s2, s4;
	[dreg:$0x0] =	wrdreg $0x0  }
0xa8: {  	s4 =	sshll.u32 s28, $0x1;
	[dreg:$0x2] =	wrdreg s2  }
0xa9: {  	[dreg:$0x3] =	wrdreg s4  }
0xaa: {  	[dreg:$0x4] =	wrdreg $0xC0  }
0xab: {  	_ =	task [dreg:s6], $0x5FFFF  }
0xac: {  	[dreg:$0x1] =	wrdreg $0xFFFFFFFF  }
0xad: {  	[dreg:$0x0] =	wrdreg $0x60  }
0xae: {  	[dreg:$0x2] =	wrdreg s24  }
0xaf: {  	[dreg:$0x3] =	wrdreg $0x0  }
0xb0: {  	[dreg:$0x4] =	wrdreg $0x9  }
0xb1: {  	_ =	task.clear_ibuf [dreg:s6], $0x5FFFF;
	_ =	strace $0x9000004C  }
0xb2: {  	s29 =	simm.s32 $0x9;
	_ =	strace $0x8000004E  }
0xb3: {  	_ =	swait.ge [sflag:s29], $0x1  }
0xb4: {  	[sflag:s29] =	ssyncadd.s32 $0xFFFFFFFF  }
0xb5: {  	_ =	strace $0x9000004E  }
0xb6: {  	_ =	sfence  }
0xb7: {  	s30 =	sld [smem:$0x0];
	_ =	sdelay $0x2  }
0xb8: {  	s31 =	sshll.u32 s1, $0xD;
	s1 =	sshrl.u32 s1, $0x2  }
0xb9: {  	s3 =	sand.u32 $0x4000, s31;
	s1 =	sadd.s32 s1, s30  }
0xba: {  	s0 =	sor.u32 s3, s0;
	s1 =	sshll.u32 s1, $0x11  }
0xbb: {  	s0 =	sor.u32 s1, s0  }
0xbc: {  	s0 =	sadd.s32 $0x8F2B, s0  }
0xbd: {  	[sflag:s0] =	ssyncadd.remote.s32 $0x1  }
0xbe: {  	_ =	sfence.sel $0xFFFF  }
0xbf: {  	[dreg:$0x0] =	wrdreg $0xFFFFFFFF;
	(pc) =	sbr.abs _section_cstart, $3  }
0xc0: {  	[dreg:$0x1] =	wrdreg $0xFFFFFFFF  }
0xc1: {  	_ =	task.clear_ibuf [dreg:s6], $0x2FFFF;
	_ =	strace $0x9FFFFFFF  }
0xc2: {  	(tm) =	ssettm $0x7FFFFFFF  }
0xc3: {  	_ =	shalt  }
tec
execute0_lowered:
.L_overlay_start_1:
0x0: {  	(tag) =	ssettag $0x1  }
0x1: {  	s0 =	rddreg [dreg:$0x0];
	s2 =	srdreg.scid  }
0x2: {  	s1 =	rddreg [dreg:$0x1];
	s15 =	stileid.u32;
	s28 =	simm.s32 $0x1  }
0x3: {  	s29 =	simm.s32 $0x4;
	s30 =	simm.s32 $0x2;
	s31 =	simm.s32 $0x14000  }
0x4: {  	s3 =	sand.u32 $0x1, s2;
	s2 =	simm.s32 $0x0;
	s10 =	smul.u32 $0x14000, s15  }
0x5: {  	s7 =	sadd.s32 $0x62A00, s0;
	s9 =	sadd.s32 $0xB3200, s0;
	s13 =	smul.u32 $0x50000, s15  }
0x6: {  	s11 =	sadd.s32 $0xDA00, s0;
	s19 =	smul.u32 $0x2800, s15;
	[smem:$0x7FF] =	sst s2  }
0x7: {  	s4 =	smul.u32 $0x140000, s3;
	s3 =	ssub.s32 $0x2, s3;
	_ =	strace $0x8000004D  }
0x8: {  	s6 =	sshrl.u32 s3, $0x1;
	s8 =	sadd.s32 $0x4000, s10;
	s17 =	sshrl.u32 s13, $0x2  }
0x9: {  	s13 =	sshrl.u32 s19, $0x3;
	s5 =	sshrl.u32 s4, $0x3;
	s3 =	ssub.s32 s3, s6  }
0xa: {  	s14 =	sadd.s32 s10, s4;
	s16 =	sadd.s32 s4, s8;
	s8 =	sadd.s32 s8, s1  }
0xb: {  	s24 =	sadd.s32 $0x280, s13;
	s5 =	sadd.s32 s5, s0;
	s0 =	sadd.s32 $0xB8200, s0  }
0xc: {  	s12 =	sshrl.u32 s14, $0x3;
	s20 =	sshrl.u32 s16, $0x3;
	s16 =	sadd.s32 $0xC000, s10  }
0xd: {  	s25 =	sadd.s32 s11, s24;
	s14 =	sadd.s32 s7, s12;
	s6 =	sadd.s32 s7, s20  }
0xe: {  	s23 =	sadd.s32 s4, s16;
	[dreg:$0x9] =	wrdreg s25;
	s16 =	sadd.s32 s16, s1  }
0xf: {  	s19 =	sadd.s32 s0, s12;
	s20 =	sadd.s32 s0, s20;
	[dreg:$0x3] =	wrdreg s14  }
0x10: {  	s25 =	simm.s32 $0x16800;
	s14 =	sadd.s32 $0x8000, s10;
	[dreg:$0x4] =	wrdreg s6  }
0x11: {  	s6 =	sadd.s32 s17, s1;
	s10 =	sadd.s32 $0x10000, s10;
	s17 =	sadd.s32 s9, s13  }
0x12: {  	s13 =	sadd.s32 s11, s13;
	s9 =	sadd.s32 s9, s24;
	[dreg:$0x6] =	wrdreg s17  }
0x13: {  	s24 =	smax.u32 s3, $0x1;
	s3 =	simm.s32 $0x80;
	[dreg:$0x7] =	wrdreg s13  }
0x14: {  	s18 =	sadd.s32 s4, s14;
	s4 =	sadd.s32 s4, s10;
	[dreg:$0x8] =	wrdreg s9  }
0x15: {  	s14 =	sadd.s32 s14, s1;
	s17 =	sadd.s32 s10, s1;
	s9 =	simm.s32 $0x16780  }
0x16: {  	s10 =	simm.s32 $0x0;
	s21 =	sshrl.u32 s18, $0x3;
	s4 =	sshrl.u32 s4, $0x3  }
0x17: {  	s18 =	sadd.s32 $0x12A00, s5;
	s5 =	simm.s32 $0x3;
	s22 =	sadd.s32 s7, s21  }
0x18: {  	s15 =	sadd.s32 s7, s4;
	s21 =	sadd.s32 s0, s21;
	[dreg:$0x5] =	wrdreg s22  }
0x19: {  	s22 =	sshrl.u32 s23, $0x3;
	s23 =	sadd.s32 s0, s4;
	s4 =	simm.s32 $0x14080  }
0x1a: {  	s26 =	sadd.s32 s7, s22;
	s22 =	sadd.s32 s0, s22;
	s0 =	simm.s32 $0x15400  }
0x1b: {  	s7 =	simm.s32 $0x16700;
	[dreg:$0xa] =	wrdreg s26;
	s26 =	simm.s32 $0x1A800  }
.LBB2_1:
0x1c: {  	s11 =	rddreg [dreg:$0x3]  }
0x1d: {  	[tilespmem:s25], [sflag:$0x1] =	stream.linear.gather [hbm4b:s11+s2], $0x4000, $0x38;
	[tilespmem:$0x1E800] =	vst v63  }
0x1e: {  	s12 =	rddreg [dreg:$0x4]  }
0x1f: {  	[tilespmem:s26], [sflag:$0x2] =	stream.linear.gather [hbm4b:s12+s2], $0x4000, $0x38;
	[tilespmem:$0x1E800] =	vst v63  }
0x20: {  	_ =	swait.ge [sflag:s28], $0x4000  }
0x21: {  	[sflag:s28] =	ssyncset.done $0x0  }
0x22: {  	[sflag:s28] =	ssyncadd.s32 $0xFFFFC000  }
0x23: {  	[spmem:s6] =	stream.linear.scatter [tilespmem:s25], [sflag:$0x4], $0x4000, $0x38;
	[tilespmem:$0x1E800] =	vst v63  }
0x24: {  	_ =	swait.ge [sflag:s29], $0x4000  }
0x25: {  	[sflag:s29] =	ssyncset.done $0x0  }
0x26: {  	s13 =	rddreg [dreg:$0x5];
	[sflag:s29] =	ssyncadd.s32 $0xFFFFC000  }
0x27: {  	[tilespmem:s25], [sflag:$0x1] =	stream.linear.gather [hbm4b:s13+s2], $0x4000, $0x38;
	[tilespmem:$0x1E800] =	vst v63  }
0x28: {  	_ =	swait.ge [sflag:s30], $0x4000  }
0x29: {  	[sflag:s30] =	ssyncset.done $0x0  }
0x2a: {  	[sflag:s30] =	ssyncadd.s32 $0xFFFFC000  }
0x2b: {  	[spmem:s8] =	stream.linear.scatter [tilespmem:s26], [sflag:$0x4], $0x4000, $0x38;
	[tilespmem:$0x1E800] =	vst v63  }
0x2c: {  	_ =	swait.ge [sflag:s29], $0x4000  }
0x2d: {  	[sflag:s29] =	ssyncset.done $0x0  }
0x2e: {  	s12 =	rddreg [dreg:$0xa];
	[sflag:s29] =	ssyncadd.s32 $0xFFFFC000  }
0x2f: {  	[tilespmem:s26], [sflag:$0x2] =	stream.linear.gather [hbm4b:s12+s2], $0x4000, $0x38;
	[tilespmem:$0x1E800] =	vst v63  }
0x30: {  	_ =	swait.ge [sflag:s28], $0x4000  }
0x31: {  	[sflag:s28] =	ssyncset.done $0x0  }
0x32: {  	[sflag:s28] =	ssyncadd.s32 $0xFFFFC000  }
0x33: {  	[spmem:s14] =	stream.linear.scatter [tilespmem:s25], [sflag:$0x4], $0x4000, $0x38;
	[tilespmem:$0x1E800] =	vst v63  }
0x34: {  	_ =	swait.ge [sflag:s29], $0x4000  }
0x35: {  	[sflag:s29] =	ssyncset.done $0x0  }
0x36: {  	[sflag:s29] =	ssyncadd.s32 $0xFFFFC000  }
0x37: {  	[tilespmem:s25], [sflag:$0x1] =	stream.linear.gather [hbm4b:s15+s2], $0x4000, $0x38;
	[tilespmem:$0x1E800] =	vst v63  }
0x38: {  	_ =	swait.ge [sflag:s30], $0x4000  }
0x39: {  	[sflag:s30] =	ssyncset.done $0x0  }
0x3a: {  	[sflag:s30] =	ssyncadd.s32 $0xFFFFC000  }
0x3b: {  	[spmem:s16] =	stream.linear.scatter [tilespmem:s26], [sflag:$0x4], $0x4000, $0x38;
	[tilespmem:$0x1E800] =	vst v63  }
0x3c: {  	_ =	swait.ge [sflag:s29], $0x4000  }
0x3d: {  	[sflag:s29] =	ssyncset.done $0x0  }
0x3e: {  	[sflag:s29] =	ssyncadd.s32 $0xFFFFC000  }
0x3f: {  	_ =	swait.ge [sflag:s28], $0x4000  }
0x40: {  	[sflag:s28] =	ssyncset.done $0x0  }
0x41: {  	[sflag:s28] =	ssyncadd.s32 $0xFFFFC000  }
0x42: {  	[spmem:s17] =	stream.linear.scatter [tilespmem:s25], [sflag:$0x4], $0x4000, $0x38;
	[tilespmem:$0x1E800] =	vst v63  }
0x43: {  	_ =	swait.ge [sflag:s29], $0x4000  }
0x44: {  	[sflag:s29] =	ssyncset.done $0x0  }
0x45: {  	[sflag:s29] =	ssyncadd.s32 $0xFFFFC000  }
0x46: {  	[bflag:$0x0] =	sbarrier.arrive $0xFFFF  }
0x47: {  	s13 =	rddreg [dreg:$0x6]  }
0x48: {  	[tilespmem:s31], [sflag:$0x4] =	stream.linear.gather [hbm4b:s13+s2], $0x1400, $0x38;
	[tilespmem:$0x1E800] =	vst v63  }
0x49: {  	_ =	swait.ge [sflag:s29], $0x1400  }
0x4a: {  	[sflag:s29] =	ssyncset.done $0x0  }
0x4b: {  	s12 =	rddreg [dreg:$0x7];
	[sflag:s29] =	ssyncadd.s32 $0xFFFFEC00  }
0x4c: {  	[tilespmem:s0], [sflag:$0x4] =	stream.linear.gather [hbm4b:s12+s2], $0x1400, $0x38;
	[tilespmem:$0x1E800] =	vst v63  }
0x4d: {  	_ =	swait.ge [sflag:s29], $0x1400  }
0x4e: {  	[sflag:s29] =	ssyncset.done $0x0  }
0x4f: {  	[sflag:s29] =	ssyncadd.s32 $0xFFFFEC00  }
0x50: {  	[tilespmem:s25], [sflag:$0x1] =	stream.indirect.gather [hbm4b:s18+s3], $0x80, s31, s3, $0xb8;
	[tilespmem:$0x1E800] =	vst v63  }
0x51: {  	_ = 	snop  }
0x52: {  	[tilespmem:s26], [sflag:$0x2] =	stream.indirect.gather [hbm4b:s18+s3], $0x80, s4, s3, $0xb8;
	[tilespmem:$0x1E800] =	vst v63  }
0x53: {  	_ =	swait.ge [sflag:s28], $0x4000  }
0x54: {  	[sflag:s28] =	ssyncset.done $0x0  }
0x55: {  	s13 =	simm.s32 $0x15400;
	[sflag:s28] =	ssyncadd.s32 $0xFFFFC000  }
0x56: {  	[spmem:s1] =	stream.indirect.scatter.add.f32 [tilespmem:s25], [sflag:$0x3], $0x80, s13, s3, $0xb8;
	[tilespmem:$0x1E800] =	vst v63  }
0x57: {  	_ =	swait.ge [sflag:s30], $0x4000  }
0x58: {  	[sflag:s30] =	ssyncset.done $0x0  }
0x59: {  	s12 =	simm.s32 $0x15480;
	[sflag:s30] =	ssyncadd.s32 $0xFFFFC000  }
0x5a: {  	[spmem:s1] =	stream.indirect.scatter.add.f32 [tilespmem:s26], [sflag:$0x3], $0x80, s12, s3, $0xb8;
	[tilespmem:$0x1E800] =	vst v63  }
0x5b: {  	_ =	swait.ge [sflag:s5], $0x4000  }
0x5c: {  	[sflag:s5] =	ssyncset.done $0x0  }
0x5d: {  	s13 =	simm.s32 $0x14100;
	[sflag:s5] =	ssyncadd.s32 $0xFFFFC000  }
0x5e: {  	[tilespmem:s25], [sflag:$0x1] =	stream.indirect.gather [hbm4b:s18+s3], $0x80, s13, s3, $0xb8;
	[tilespmem:$0x1E800] =	vst v63  }
0x5f: {  	_ =	swait.ge [sflag:s5], $0x4000  }
0x60: {  	[sflag:s5] =	ssyncset.done $0x0  }
0x61: {  	s11 =	simm.s32 $0x400;
	s12 =	simm.s32 $0x14180;
	[sflag:s5] =	ssyncadd.s32 $0xFFFFC000  }
.LBB2_2:
0x62: {  	[tilespmem:s26], [sflag:$0x2] =	stream.indirect.gather [hbm4b:s18+s3], $0x80, s12, s3, $0xb8;
	[tilespmem:$0x1E800] =	vst v63  }
0x63: {  	s12 =	smov.u32 s11  }
0x64: {  	p0 =	sne.s32 s11, $0x4800;
	s11 =	sadd.s32 $0x400, s11;
	_ =	swait.ge [sflag:s28], $0x4000  }
0x65: {  	s12 =	sshra.s32 s12, $0x2;
	[sflag:s28] =	ssyncset.done $0x0  }
0x66: {  	s13 =	sadd.s32 $0x15400, s12;
	[sflag:s28] =	ssyncadd.s32 $0xFFFFC000  }
0x67: {  	[spmem:s1] =	stream.indirect.scatter.add.f32 [tilespmem:s25], [sflag:$0x3], $0x80, s13, s3, $0xb8;
	[tilespmem:$0x1E800] =	vst v63  }
0x68: {  	_ =	swait.ge [sflag:s30], $0x4000  }
0x69: {  	[sflag:s30] =	ssyncset.done $0x0  }
0x6a: {  	s13 =	sadd.s32 $0x15480, s12;
	[sflag:s30] =	ssyncadd.s32 $0xFFFFC000  }
0x6b: {  	[spmem:s1] =	stream.indirect.scatter.add.f32 [tilespmem:s26], [sflag:$0x3], $0x80, s13, s3, $0xb8;
	[tilespmem:$0x1E800] =	vst v63  }
0x6c: {  	_ =	swait.ge [sflag:s5], $0x4000  }
0x6d: {  	[sflag:s5] =	ssyncset.done $0x0  }
.Ltmp0:
0x6e: {  	s13 =	sadd.s32 $0x14100, s12;
	[sflag:s5] =	ssyncadd.s32 $0xFFFFC000;
	(pc) =	sbr.rel @p0 .LBB2_2-.Ltmp0, $4  }
0x6f: {  	[tilespmem:s25], [sflag:$0x1] =	stream.indirect.gather [hbm4b:s18+s3], $0x80, s13, s3, $0xb8;
	[tilespmem:$0x1E800] =	vst v63  }
0x70: {  	_ =	swait.ge [sflag:s5], $0x4000  }
0x71: {  	[sflag:s5] =	ssyncset.done $0x0  }
0x72: {  	s12 =	sadd.s32 $0x14180, s12;
	[sflag:s5] =	ssyncadd.s32 $0xFFFFC000  }
0x73: {  	[tilespmem:s26], [sflag:$0x2] =	stream.indirect.gather [hbm4b:s18+s3], $0x80, s12, s3, $0xb8;
	[tilespmem:$0x1E800] =	vst v63  }
0x74: {  	_ =	swait.ge [sflag:s28], $0x4000  }
0x75: {  	[sflag:s28] =	ssyncset.done $0x0  }
0x76: {  	[sflag:s28] =	ssyncadd.s32 $0xFFFFC000  }
0x77: {  	[spmem:s1] =	stream.indirect.scatter.add.f32 [tilespmem:s25], [sflag:$0x3], $0x80, s7, s3, $0xb8;
	[tilespmem:$0x1E800] =	vst v63  }
0x78: {  	_ =	swait.ge [sflag:s30], $0x4000  }
0x79: {  	[sflag:s30] =	ssyncset.done $0x0  }
0x7a: {  	[sflag:s30] =	ssyncadd.s32 $0xFFFFC000  }
0x7b: {  	[spmem:s1] =	stream.indirect.scatter.add.f32 [tilespmem:s26], [sflag:$0x3], $0x80, s9, s3, $0xb8;
	[tilespmem:$0x1E800] =	vst v63  }
0x7c: {  	_ =	swait.ge [sflag:s5], $0x4000  }
0x7d: {  	[sflag:s5] =	ssyncset.done $0x0  }
0x7e: {  	[sflag:s5] =	ssyncadd.s32 $0xFFFFC000  }
0x7f: {  	_ =	swait.ge [sflag:s5], $0x4000  }
0x80: {  	[sflag:s5] =	ssyncset.done $0x0  }
0x81: {  	s11 =	simm.s32 $0x0;
	s13 =	rddreg [dreg:$0x8];
	[sflag:s5] =	ssyncadd.s32 $0xFFFFC000  }
0x82: {  	[tilespmem:s31], [sflag:$0x4] =	stream.linear.gather [hbm4b:s13+s11], $0x1400, $0x38;
	[tilespmem:$0x1E800] =	vst v63  }
0x83: {  	_ =	swait.ge [sflag:s29], $0x1400  }
0x84: {  	[sflag:s29] =	ssyncset.done $0x0  }
0x85: {  	s13 =	rddreg [dreg:$0x9];
	[sflag:s29] =	ssyncadd.s32 $0xFFFFEC00  }
0x86: {  	[tilespmem:s0], [sflag:$0x4] =	stream.linear.gather [hbm4b:s13+s11], $0x1400, $0x38;
	[tilespmem:$0x1E800] =	vst v63  }
0x87: {  	_ =	swait.ge [sflag:s29], $0x1400  }
0x88: {  	[sflag:s29] =	ssyncset.done $0x0  }
0x89: {  	[sflag:s29] =	ssyncadd.s32 $0xFFFFEC00  }
0x8a: {  	[tilespmem:s25], [sflag:$0x1] =	stream.indirect.gather [hbm4b:s18+s3], $0x80, s31, s3, $0xb8;
	[tilespmem:$0x1E800] =	vst v63  }
0x8b: {  	_ = 	snop  }
0x8c: {  	[tilespmem:s26], [sflag:$0x2] =	stream.indirect.gather [hbm4b:s18+s3], $0x80, s4, s3, $0xb8;
	[tilespmem:$0x1E800] =	vst v63  }
0x8d: {  	_ =	swait.ge [sflag:s28], $0x4000  }
0x8e: {  	[sflag:s28] =	ssyncset.done $0x0  }
0x8f: {  	s13 =	simm.s32 $0x15400;
	[sflag:s28] =	ssyncadd.s32 $0xFFFFC000  }
0x90: {  	[spmem:s1] =	stream.indirect.scatter.add.f32 [tilespmem:s25], [sflag:$0x3], $0x80, s13, s3, $0xb8;
	[tilespmem:$0x1E800] =	vst v63  }
0x91: {  	_ =	swait.ge [sflag:s30], $0x4000  }
0x92: {  	[sflag:s30] =	ssyncset.done $0x0  }
0x93: {  	s12 =	simm.s32 $0x15480;
	[sflag:s30] =	ssyncadd.s32 $0xFFFFC000  }
0x94: {  	[spmem:s1] =	stream.indirect.scatter.add.f32 [tilespmem:s26], [sflag:$0x3], $0x80, s12, s3, $0xb8;
	[tilespmem:$0x1E800] =	vst v63  }
0x95: {  	_ =	swait.ge [sflag:s5], $0x4000  }
0x96: {  	[sflag:s5] =	ssyncset.done $0x0  }
0x97: {  	s13 =	simm.s32 $0x14100;
	[sflag:s5] =	ssyncadd.s32 $0xFFFFC000  }
0x98: {  	[tilespmem:s25], [sflag:$0x1] =	stream.indirect.gather [hbm4b:s18+s3], $0x80, s13, s3, $0xb8;
	[tilespmem:$0x1E800] =	vst v63  }
0x99: {  	_ =	swait.ge [sflag:s5], $0x4000  }
0x9a: {  	[sflag:s5] =	ssyncset.done $0x0  }
0x9b: {  	s11 =	simm.s32 $0x400;
	s12 =	simm.s32 $0x14180;
	[sflag:s5] =	ssyncadd.s32 $0xFFFFC000  }
.LBB2_4:
0x9c: {  	[tilespmem:s26], [sflag:$0x2] =	stream.indirect.gather [hbm4b:s18+s3], $0x80, s12, s3, $0xb8;
	[tilespmem:$0x1E800] =	vst v63  }
0x9d: {  	s12 =	smov.u32 s11  }
0x9e: {  	p0 =	sne.s32 s11, $0x4800;
	s11 =	sadd.s32 $0x400, s11;
	_ =	swait.ge [sflag:s28], $0x4000  }
0x9f: {  	s12 =	sshra.s32 s12, $0x2;
	[sflag:s28] =	ssyncset.done $0x0  }
0xa0: {  	s13 =	sadd.s32 $0x15400, s12;
	[sflag:s28] =	ssyncadd.s32 $0xFFFFC000  }
0xa1: {  	[spmem:s1] =	stream.indirect.scatter.add.f32 [tilespmem:s25], [sflag:$0x3], $0x80, s13, s3, $0xb8;
	[tilespmem:$0x1E800] =	vst v63  }
0xa2: {  	_ =	swait.ge [sflag:s30], $0x4000  }
0xa3: {  	[sflag:s30] =	ssyncset.done $0x0  }
0xa4: {  	s13 =	sadd.s32 $0x15480, s12;
	[sflag:s30] =	ssyncadd.s32 $0xFFFFC000  }
0xa5: {  	[spmem:s1] =	stream.indirect.scatter.add.f32 [tilespmem:s26], [sflag:$0x3], $0x80, s13, s3, $0xb8;
	[tilespmem:$0x1E800] =	vst v63  }
0xa6: {  	_ =	swait.ge [sflag:s5], $0x4000  }
0xa7: {  	[sflag:s5] =	ssyncset.done $0x0  }
.Ltmp1:
0xa8: {  	s13 =	sadd.s32 $0x14100, s12;
	[sflag:s5] =	ssyncadd.s32 $0xFFFFC000;
	(pc) =	sbr.rel @p0 .LBB2_4-.Ltmp1, $4  }
0xa9: {  	[tilespmem:s25], [sflag:$0x1] =	stream.indirect.gather [hbm4b:s18+s3], $0x80, s13, s3, $0xb8;
	[tilespmem:$0x1E800] =	vst v63  }
0xaa: {  	_ =	swait.ge [sflag:s5], $0x4000  }
0xab: {  	[sflag:s5] =	ssyncset.done $0x0  }
0xac: {  	s12 =	sadd.s32 $0x14180, s12;
	[sflag:s5] =	ssyncadd.s32 $0xFFFFC000  }
0xad: {  	[tilespmem:s26], [sflag:$0x2] =	stream.indirect.gather [hbm4b:s18+s3], $0x80, s12, s3, $0xb8;
	[tilespmem:$0x1E800] =	vst v63  }
0xae: {  	_ =	swait.ge [sflag:s28], $0x4000  }
0xaf: {  	[sflag:s28] =	ssyncset.done $0x0  }
0xb0: {  	[sflag:s28] =	ssyncadd.s32 $0xFFFFC000  }
0xb1: {  	[spmem:s1] =	stream.indirect.scatter.add.f32 [tilespmem:s25], [sflag:$0x3], $0x80, s7, s3, $0xb8;
	[tilespmem:$0x1E800] =	vst v63  }
0xb2: {  	_ =	swait.ge [sflag:s30], $0x4000  }
0xb3: {  	[sflag:s30] =	ssyncset.done $0x0  }
0xb4: {  	[sflag:s30] =	ssyncadd.s32 $0xFFFFC000  }
0xb5: {  	[spmem:s1] =	stream.indirect.scatter.add.f32 [tilespmem:s26], [sflag:$0x3], $0x80, s9, s3, $0xb8;
	[tilespmem:$0x1E800] =	vst v63  }
0xb6: {  	_ =	swait.ge [sflag:s5], $0x4000  }
0xb7: {  	[sflag:s5] =	ssyncset.done $0x0  }
0xb8: {  	[sflag:s5] =	ssyncadd.s32 $0xFFFFC000  }
0xb9: {  	_ =	swait.ge [sflag:s5], $0x4000  }
0xba: {  	[sflag:s5] =	ssyncset.done $0x0  }
0xbb: {  	[sflag:s5] =	ssyncadd.s32 $0xFFFFC000  }
0xbc: {  	[bflag:$0x0] =	sbarrier.arrive $0xFFFF  }
0xbd: {  	[tilespmem:s25], [sflag:$0x4] =	stream.linear.gather [spmem:s6], $0x4000, $0x38;
	[tilespmem:$0x1E800] =	vst v63  }
0xbe: {  	_ =	swait.ge [sflag:s29], $0x4000  }
0xbf: {  	[sflag:s29] =	ssyncset.done $0x0  }
0xc0: {  	[sflag:s29] =	ssyncadd.s32 $0xFFFFC000  }
0xc1: {  	[hbm4b:s19+s2] =	stream.linear.scatter [tilespmem:s25], [sflag:$0x3], $0x4000, $0x38;
	[tilespmem:$0x1E800] =	vst v63  }
0xc2: {  	_ = 	snop  }
0xc3: {  	[tilespmem:s26], [sflag:$0x4] =	stream.linear.gather [spmem:s8], $0x4000, $0x38;
	[tilespmem:$0x1E800] =	vst v63  }
0xc4: {  	_ =	swait.ge [sflag:s29], $0x4000  }
0xc5: {  	[sflag:s29] =	ssyncset.done $0x0  }
0xc6: {  	[sflag:s29] =	ssyncadd.s32 $0xFFFFC000  }
0xc7: {  	[hbm4b:s20+s2] =	stream.linear.scatter [tilespmem:s26], [sflag:$0x3], $0x4000, $0x38;
	[tilespmem:$0x1E800] =	vst v63  }
0xc8: {  	_ =	swait.ge [sflag:s5], $0x4000  }
0xc9: {  	[sflag:s5] =	ssyncset.done $0x0  }
0xca: {  	[sflag:s5] =	ssyncadd.s32 $0xFFFFC000  }
0xcb: {  	[tilespmem:s25], [sflag:$0x4] =	stream.linear.gather [spmem:s14], $0x4000, $0x38;
	[tilespmem:$0x1E800] =	vst v63  }
0xcc: {  	_ =	swait.ge [sflag:s29], $0x4000  }
0xcd: {  	[sflag:s29] =	ssyncset.done $0x0  }
0xce: {  	[sflag:s29] =	ssyncadd.s32 $0xFFFFC000  }
0xcf: {  	[hbm4b:s21+s2] =	stream.linear.scatter [tilespmem:s25], [sflag:$0x3], $0x4000, $0x38;
	[tilespmem:$0x1E800] =	vst v63  }
0xd0: {  	_ =	swait.ge [sflag:s5], $0x4000  }
0xd1: {  	[sflag:s5] =	ssyncset.done $0x0  }
0xd2: {  	[sflag:s5] =	ssyncadd.s32 $0xFFFFC000  }
0xd3: {  	[tilespmem:s26], [sflag:$0x4] =	stream.linear.gather [spmem:s16], $0x4000, $0x38;
	[tilespmem:$0x1E800] =	vst v63  }
0xd4: {  	_ =	swait.ge [sflag:s29], $0x4000  }
0xd5: {  	[sflag:s29] =	ssyncset.done $0x0  }
0xd6: {  	[sflag:s29] =	ssyncadd.s32 $0xFFFFC000  }
0xd7: {  	[hbm4b:s22+s2] =	stream.linear.scatter [tilespmem:s26], [sflag:$0x3], $0x4000, $0x38;
	[tilespmem:$0x1E800] =	vst v63  }
0xd8: {  	_ =	swait.ge [sflag:s5], $0x4000  }
0xd9: {  	[sflag:s5] =	ssyncset.done $0x0  }
0xda: {  	[sflag:s5] =	ssyncadd.s32 $0xFFFFC000  }
0xdb: {  	[tilespmem:s25], [sflag:$0x4] =	stream.linear.gather [spmem:s17], $0x4000, $0x38;
	[tilespmem:$0x1E800] =	vst v63  }
0xdc: {  	_ =	swait.ge [sflag:s29], $0x4000  }
0xdd: {  	[sflag:s29] =	ssyncset.done $0x0  }
0xde: {  	s10 =	sadd.s32 $0x1, s10;
	[sflag:s29] =	ssyncadd.s32 $0xFFFFC000  }
0xdf: {  	[hbm4b:s23+s2] =	stream.linear.scatter [tilespmem:s25], [sflag:$0x3], $0x4000, $0x38;
	[tilespmem:$0x1E800] =	vst v63  }
0xe0: {  	p0 =	sne.s32 s10, s24;
	_ =	swait.ge [sflag:s5], $0x4000  }
.Ltmp2:
0xe1: {  	[sflag:s5] =	ssyncset.done $0x0;
	(pc) =	sbr.rel @p0 .LBB2_1-.Ltmp2, $4  }
0xe2: {  	[sflag:s5] =	ssyncadd.s32 $0xFFFFC000  }
0xe3: {  	_ =	swait.ge [sflag:s5], $0x4000  }
0xe4: {  	[sflag:s5] =	ssyncset.done $0x0  }
0xe5: {  	[sflag:s5] =	ssyncadd.s32 $0xFFFFC000  }
0xe6: {  	_ =	sfence.sel $0x180000  }
0xe7: {  	[bflag:$0x0] =	sbarrier.arrive $0xFFFF  }
0xe8: {  	_ =	strace $0x9000004D  }
0xe9: {  	s0 =	stileid.u32;
	[bflag:$0x2] =	sbarrier.arrive $0xFFFF  }
0xea: {  	p0 =	sne.s32 s0, $0x0;
	s0 =	rddreg [dreg:$0x2]  }
0xeb: {  	s0 =	sadd.s32 @!p0 $0x100000, s0  }
0xec: {  	[sflag:s0] =	ssyncadd.tile.s32 @!p0 $0x1;
	_ =	shalt  }
.Lfunc_end2:
_tile_overlayer_lowered:
.L_overlay_start_2:
0xed: {  	(tag) =	ssettag $0x2  }
0xee: {  	s0 =	rddreg [dreg:$0x0];
	s2 =	stileid.u32  }
0xef: {  	s1 =	rddreg [dreg:$0x1];
	p0 =	sne.s32 s2, $0x0  }
0xf0: {  	s3 =	rddreg [dreg:$0x2];
	[bflag:$0x3] =	sbarrier.arrive $0xFFFF;
	s2 =	simm.s32 @!p0 $0x1C04  }
0xf1: {  	[timem:s3], [sflag:s2] =	dma.local @!p0 [hbm:s0], s1  }
0xf2: {  	s0 =	simm.s32 @!p0 $0x4  }
0xf3: {  	_ =	swait.ge @!p0 [sflag:s0], s1  }
0xf4: {  	s1 =	ssub.s32 @!p0 $0x0, s1;
	[sflag:s0] =	ssyncset.done @!p0 $0x0  }
0xf5: {  	[sflag:s0] =	ssyncadd.s32 @!p0 s1  }
0xf6: {  	[bflag:$0x3] =	sbarrier.arrive $0xFFFF  }
0xf7: {  	_ =	shalt  }

// kernel: kernel.8.cloned.1.call-start
scs
__scs_entry_jumppad:
0x0: {  	(pc) =	sbr.rel $0x88, $3  }
0x1: {  	(tag) =	ssettag $0x0;
	lr =	simm.s32 $0x1  }
0x2: {  	[smem:$0x3F91] =	sst lr;
	_ =	strace $0xD0000000  }
0x3: {  	_ = 	snop  }
0x4: {  	_ = 	snop  }
0x5: {  	_ = 	snop  }
0x6: {  	_ = 	snop  }
0x7: {  	_ = 	snop  }
__scs_overlays_trampoline_lowered:
0x8: {  	[smem:$0x3FA0] =	sst s0  }
0x9: {  	[smem:$0x3FA1] =	sst s1  }
0xa: {  	[smem:$0x3FA2] =	sst s2  }
0xb: {  	[smem:$0x3FA3] =	sst s3  }
0xc: {  	[smem:$0x3FA4] =	sst s4  }
0xd: {  	[smem:$0x3FA5] =	sst s5  }
0xe: {  	[smem:$0x3FA6] =	sst s6  }
0xf: {  	[smem:$0x3FA7] =	sst s7  }
0x10: {  	[smem:$0x3FA8] =	sst s8  }
0x11: {  	[smem:$0x3FA9] =	sst s9;
	s0 =	simm.s32 @!p0 $0x0  }
0x12: {  	s1 =	sld [smem:$0x3F8F];
	s0 =	simm.s32 @p0 $0x1  }
0x13: {  	[smem:$0x3FAA] =	sst s0;
	s0 =	simm.s32 @!p1 $0x0  }
0x14: {  	s2 =	sld [smem:$0x3F8E];
	s0 =	simm.s32 @p1 $0x1  }
0x15: {  	[smem:$0x3FAB] =	sst s0;
	s0 =	simm.s32 @!p2 $0x0  }
0x16: {  	s3 =	sld [smem:$0x3FDB];
	s0 =	simm.s32 @p2 $0x1  }
0x17: {  	s4 =	simm.s32 $0x1BF5;
	[smem:$0x3FAD] =	sst s0  }
0x18: {  	s0 =	sld [smem:$0x3F90];
	_ =	swait.ge [sflag:s4], $0x0  }
0x19: {  	s7 =	sld [smem:$0x3F91]  }
0x1a: {  	s8 =	sadd.s32 $0xFFFFE003, lr  }
0x1b: {  	s9 =	sadd.s32 $0xFFFFFEF7, lr;
	s5 =	simm.s32 $0xFFFFFFFF;
	p2 =	slt.u32 s8, $0xFFFFF086  }
0x1c: {  	p1 =	slt.u32 s9, $0xF7A;
	s5 =	simm.s32 @!p2 $0x0  }
0x1d: {  	s5 =	simm.s32 @p1 $0x1;
	p0 =	seq.s32 s7, s2  }
0x1e: {  	s7 =	smul.u32 @!p0 $0xF7A, s2;
	p2 =	seq.s32 @!p0 s5, $0x0  }
0x1f: {  	s9 =	smul.u32 $0xF7A, s1;
	s8 =	simm.s32 @!p0 $0x1BF5;
	p2 =	por !p2, p0  }
0x20: {  	[sflag:s8] =	ssyncset.s32 @!p0 $0xFFFFF086;
	s6 =	sadd.s32 @!p0 s3, s7;
	s7 =	simm.s32 @!p0 $0x108  }
0x21: {  	s3 =	sadd.s32 s3, s9;
	s6 =	sadd.s32 @!p0 $0x88, s6;
	s7 =	simm.s32 @p2 $0x1082  }
0x22: {  	[simem:s7], [sflag:s8] =	dma.local @!p0 [hbm:s6], $0xF7A  }
0x23: {  	s9 =	sor.u32 $0xD0000000, s2;
	s6 =	simm.s32 $0x108;
	_ =	swait.ge @!p0 [sflag:s8], $0x0  }
0x24: {  	s3 =	sadd.s32 $0x88, s3;
	s6 =	simm.s32 @!p1 $0x1082;
	[sflag:s4] =	ssyncset.s32 $0xFFFFF086  }
0x25: {  	[simem:s6], [sflag:s4] =	dma.local [hbm:s3], $0xF7A  }
0x26: {  	[smem:$0x3F91] =	sst s1;
	(tag) =	ssettag s2;
	_ =	strace s9  }
0x27: {  	s1 =	sld [smem:$0x3FA1]  }
0x28: {  	s2 =	sld [smem:$0x3FA2]  }
0x29: {  	s4 =	sld [smem:$0x3FA4]  }
0x2a: {  	p0 =	seq.s32 s5, $0x0;
	s5 =	sld [smem:$0x3FA5]  }
0x2b: {  	s6 =	sld [smem:$0x3FA6]  }
0x2c: {  	s7 =	sld [smem:$0x3FA7]  }
0x2d: {  	s3 =	simm.s32 $0x108;
	s8 =	sld [smem:$0x3FA8]  }
0x2e: {  	s3 =	simm.s32 @!p0 $0x1082;
	s9 =	sld [smem:$0x3FA9]  }
0x2f: {  	lr =	sadd.s32 s0, s3;
	s0 =	sld [smem:$0x3FA0]  }
0x30: {  	s3 =	sld [smem:$0x3FA3]  }
0x31: {  	[smem:$0x3FAC] =	sst s10  }
0x32: {  	s10 =	sld [smem:$0x3FAA];
	_ =	sdelay $0x3  }
0x33: {  	p0 =	seq.s32 s10, $0x1;
	s10 =	sld [smem:$0x3FAC];
	_ =	sdelay $0x3  }
0x34: {  	[smem:$0x3FAC] =	sst s10  }
0x35: {  	s10 =	sld [smem:$0x3FAB];
	_ =	sdelay $0x3  }
0x36: {  	p1 =	seq.s32 s10, $0x1;
	s10 =	sld [smem:$0x3FAC];
	_ =	sdelay $0x3  }
0x37: {  	[smem:$0x3FAC] =	sst s10  }
0x38: {  	s10 =	sld [smem:$0x3FAD]  }
0x39: {  	_ = 	snop;
	(pc) =	sbr.ind lr, $3  }
0x3a: {  	_ = 	snop  }
0x3b: {  	_ = 	snop  }
0x3c: {  	p2 =	seq.s32 s10, $0x1;
	s10 =	sld [smem:$0x3FAC]  }
0x3d: {  	_ =	shalt  }
0x3e: {  	_ =	shalt  }
0x3f: {  	_ =	shalt  }
0x40: {  	_ =	shalt  }
0x41: {  	_ =	shalt  }
0x42: {  	_ =	shalt  }
0x43: {  	_ =	shalt  }
0x44: {  	_ =	shalt  }
0x45: {  	_ =	shalt  }
0x46: {  	_ =	shalt  }
0x47: {  	_ =	shalt  }
0x48: {  	_ =	shalt  }
0x49: {  	_ =	shalt  }
0x4a: {  	_ =	shalt  }
0x4b: {  	_ =	shalt  }
0x4c: {  	_ =	shalt  }
0x4d: {  	_ =	shalt  }
0x4e: {  	_ =	shalt  }
0x4f: {  	_ =	shalt  }
0x50: {  	_ =	shalt  }
0x51: {  	_ =	shalt  }
0x52: {  	_ =	shalt  }
0x53: {  	_ =	shalt  }
0x54: {  	_ =	shalt  }
0x55: {  	_ =	shalt  }
0x56: {  	_ =	shalt  }
0x57: {  	_ =	shalt  }
0x58: {  	_ =	shalt  }
0x59: {  	_ =	shalt  }
0x5a: {  	_ =	shalt  }
0x5b: {  	_ =	shalt  }
0x5c: {  	_ =	shalt  }
0x5d: {  	_ =	shalt  }
0x5e: {  	_ =	shalt  }
0x5f: {  	_ =	shalt  }
0x60: {  	_ =	shalt  }
0x61: {  	_ =	shalt  }
0x62: {  	_ =	shalt  }
0x63: {  	_ =	shalt  }
0x64: {  	_ =	shalt  }
0x65: {  	_ =	shalt  }
0x66: {  	_ =	shalt  }
0x67: {  	_ =	shalt  }
0x68: {  	_ =	shalt  }
0x69: {  	_ =	shalt  }
0x6a: {  	_ =	shalt  }
0x6b: {  	_ =	shalt  }
0x6c: {  	_ =	shalt  }
0x6d: {  	_ =	shalt  }
0x6e: {  	_ =	shalt  }
0x6f: {  	_ =	shalt  }
0x70: {  	_ =	shalt  }
0x71: {  	_ =	shalt  }
0x72: {  	_ =	shalt  }
0x73: {  	_ =	shalt  }
0x74: {  	_ =	shalt  }
0x75: {  	_ =	shalt  }
0x76: {  	_ =	shalt  }
0x77: {  	_ =	shalt  }
0x78: {  	_ =	shalt  }
0x79: {  	_ =	shalt  }
0x7a: {  	_ =	shalt  }
0x7b: {  	_ =	shalt  }
0x7c: {  	_ =	shalt  }
0x7d: {  	_ =	shalt  }
0x7e: {  	_ =	shalt  }
0x7f: {  	_ =	shalt  }
0x80: {  	_ =	shalt  }
0x81: {  	_ =	shalt  }
0x82: {  	_ =	shalt  }
0x83: {  	_ =	shalt  }
0x84: {  	_ =	shalt  }
0x85: {  	_ =	shalt  }
0x86: {  	_ =	shalt  }
0x87: {  	_ =	shalt  }
.Lfunc_end0:
.L_simem_size_0:
called_computation_lowered:
.L_overlay_start_0:
0x88: {  	s2 =	sld [smem:$0x3FD9]  }
0x89: {  	s3 =	sld [smem:$0x3FFE];
	_ =	sdelay $0x1  }
0x8a: {  	s1 =	srdreg.scid  }
0x8b: {  	s0 =	sand.u32 $0x1, s1  }
0x8c: {  	s16 =	sshll.u32 s0, $0xA;
	s2 =	sadd.s32 s3, s2  }
0x8d: {  	s2 =	sadd.s32 s2, s16  }
0x8e: {  	[smem:$0x3FB8] =	sst s2  }
0x8f: {  	_ = 	snop  }
0x90: {  	(tm) =	ssettm $0x1  }
0x91: {  	s17 =	sld [smem:$0x3FFB];
	_ =	sdelay $0x3  }
0x92: {  	_ =	strace s17  }
0x93: {  	s2 =	sld [smem:$0x3FFC];
	_ =	sdelay $0x3  }
0x94: {  	_ =	strace s2  }
0x95: {  	s2 =	sld [smem:$0x3FFD];
	_ =	sdelay $0x3  }
0x96: {  	_ =	strace s2  }
0x97: {  	_ =	strace $0x8FFFFFFF  }
0x98: {  	s18 =	sld [smem:$0x3FDB];
	_ =	sdelay $0x1  }
0x99: {  	s19 =	simm.s32 $_scs_section_size  }
0x9a: {  	s4 =	simm.s32 $_size__tile_overlayer_lowered;
	s5 =	simm.s32 $_tile_overlayer_lowered  }
0x9b: {  	s22 =	simm.s32 $0x1BFF;
	s21 =	sshll.u32 s5, $0x1;
	s2 =	sadd.s32 s19, s18  }
0x9c: {  	s6 =	simm.s32 $0x0;
	s20 =	sshll.u32 s4, $0x1;
	s4 =	sadd.s32 s21, s2  }
0x9d: {  	[timem:s6], [sflag:s22] =	dma.local [hbm:s4], s20  }
0x9e: {  	_ =	swait.ge [sflag:s22], s20  }
0x9f: {  	s3 =	ssub.s32 $0x0, s20;
	[sflag:s22] =	ssyncset.done $0x0  }
0xa0: {  	[sflag:s22] =	ssyncadd.s32 s3;
	_ =	sdelay $0x1  }
0xa1: {  	s23 =	simm.s32 $0x1B8B  }
0xa2: {  	_ =	swait.ge [sflag:s23], $0x1  }
0xa3: {  	[sflag:s23] =	ssyncset.done $0x0  }
0xa4: {  	s25 =	simm.s32 $0x1B8E;
	s24 =	sld [smem:$0x3FFE];
	[sflag:s23] =	ssyncadd.s32 $0xFFFFFFFF  }
0xa5: {  	s26 =	simm.s32 $execute0_lowered;
	[smem:$0x3FD2] =	sst s25  }
0xa6: {  	s4 =	sshll.u32 s26, $0x1;
	_ =	strace $0x80000046;
	[dreg:$0x1] =	wrdreg $0xFFFFFFFF  }
0xa7: {  	s28 =	simm.s32 $_size_execute0_lowered;
	s2 =	sadd.s32 s2, s4;
	[dreg:$0x0] =	wrdreg $0x0  }
0xa8: {  	s4 =	sshll.u32 s28, $0x1;
	[dreg:$0x2] =	wrdreg s2  }
0xa9: {  	[dreg:$0x3] =	wrdreg s4  }
0xaa: {  	[dreg:$0x4] =	wrdreg $0xC0  }
0xab: {  	_ =	task [dreg:s6], $0x5FFFF  }
0xac: {  	[dreg:$0x1] =	wrdreg $0xFFFFFFFF  }
0xad: {  	[dreg:$0x0] =	wrdreg $0x60  }
0xae: {  	[dreg:$0x2] =	wrdreg s24  }
0xaf: {  	[dreg:$0x3] =	wrdreg $0x0  }
0xb0: {  	[dreg:$0x4] =	wrdreg $0x9  }
0xb1: {  	_ =	task.clear_ibuf [dreg:s6], $0x5FFFF;
	_ =	strace $0x90000046  }
0xb2: {  	s29 =	simm.s32 $0x9;
	_ =	strace $0x80000048  }
0xb3: {  	_ =	swait.ge [sflag:s29], $0x1  }
0xb4: {  	[sflag:s29] =	ssyncadd.s32 $0xFFFFFFFF  }
0xb5: {  	_ =	strace $0x90000048  }
0xb6: {  	_ =	sfence  }
0xb7: {  	s30 =	sld [smem:$0x0];
	_ =	sdelay $0x2  }
0xb8: {  	s31 =	sshll.u32 s1, $0xD;
	s1 =	sshrl.u32 s1, $0x2  }
0xb9: {  	s3 =	sand.u32 $0x4000, s31;
	s1 =	sadd.s32 s1, s30  }
0xba: {  	s0 =	sor.u32 s3, s0;
	s1 =	sshll.u32 s1, $0x11  }
0xbb: {  	s0 =	sor.u32 s1, s0  }
0xbc: {  	s0 =	sadd.s32 $0x8F2B, s0  }
0xbd: {  	[sflag:s0] =	ssyncadd.remote.s32 $0x1  }
0xbe: {  	_ =	sfence.sel $0xFFFF  }
0xbf: {  	[dreg:$0x0] =	wrdreg $0xFFFFFFFF;
	(pc) =	sbr.abs _section_cstart, $3  }
0xc0: {  	[dreg:$0x1] =	wrdreg $0xFFFFFFFF  }
0xc1: {  	_ =	task.clear_ibuf [dreg:s6], $0x2FFFF;
	_ =	strace $0x9FFFFFFF  }
0xc2: {  	(tm) =	ssettm $0x7FFFFFFF  }
0xc3: {  	_ =	shalt  }
tec
execute0_lowered:
.L_overlay_start_1:
0x0: {  	(tag) =	ssettag $0x1  }
0x1: {  	s0 =	srdreg.scid  }
0x2: {  	s1 =	rddreg [dreg:$0x0];
	s11 =	stileid.u32  }
0x3: {  	s2 =	rddreg [dreg:$0x1];
	s5 =	smul.u32 $0x1400, s11  }
0x4: {  	s3 =	simm.s32 $0x0;
	s28 =	simm.s32 $0x15400;
	s24 =	smul.u32 $0x50000, s11  }
0x5: {  	s29 =	simm.s32 $0x19400;
	s30 =	simm.s32 $0x1;
	s9 =	smul.u32 $0xA0000, s11  }
0x6: {  	s31 =	simm.s32 $0x80;
	s0 =	sand.u32 $0x1, s0;
	s13 =	smul.u32 $0x14000, s11  }
0x7: {  	[smem:$0x7FF] =	sst s3;
	s8 =	sadd.s32 $0x283A00, s1;
	s4 =	smul.u32 $0x14000, s0  }
0x8: {  	s6 =	sadd.s32 $0x12A00, s1;
	_ =	strace $0x80000047;
	s7 =	smul.u32 $0xA00000, s0  }
0x9: {  	[dreg:$0x3] =	wrdreg s6;
	s25 =	ssub.s32 $0x2, s0;
	s0 =	smul.u32 $0x140000, s0  }
0xa: {  	s10 =	sshrl.u32 s25, $0x1;
	s16 =	sadd.s32 $0x4000, s13;
	s22 =	sadd.s32 $0x8000, s13  }
0xb: {  	s4 =	sadd.s32 s5, s4;
	s18 =	ssub.s32 s25, s10;
	s5 =	sshrl.u32 s24, $0x2  }
0xc: {  	s26 =	sadd.s32 s9, s7;
	s15 =	sadd.s32 s13, s0;
	s19 =	sadd.s32 s0, s16  }
0xd: {  	s10 =	sadd.s32 s16, s2;
	s12 =	sadd.s32 s22, s2;
	s16 =	sadd.s32 $0x10000, s13  }
0xe: {  	s4 =	sshrl.u32 s4, $0x3;
	s6 =	sadd.s32 s5, s2;
	s14 =	sshrl.u32 s26, $0x3  }
0xf: {  	s17 =	sshrl.u32 s15, $0x3;
	s21 =	sshrl.u32 s19, $0x3;
	s18 =	smax.u32 s18, $0x1  }
0x10: {  	s24 =	sor.u32 $0xC000, s26;
	s25 =	sor.u32 $0x8000, s26;
	s4 =	sadd.s32 s4, s1  }
0x11: {  	s1 =	sadd.s32 $0x13200, s1;
	s7 =	sadd.s32 s8, s14;
	s14 =	sadd.s32 $0xC000, s13  }
0x12: {  	s19 =	sadd.s32 $0x4000, s6;
	s26 =	sshrl.u32 s25, $0x3;
	s25 =	simm.s32 $0x0  }
0x13: {  	s4 =	sadd.s32 $0x8A00, s4;
	s20 =	sadd.s32 $0x800, s7;
	s5 =	sadd.s32 s1, s17  }
0x14: {  	s11 =	sadd.s32 s1, s21;
	s15 =	sadd.s32 s0, s14;
	[dreg:$0x4] =	wrdreg s4  }
0x15: {  	s14 =	sadd.s32 s14, s2;
	s21 =	sadd.s32 $0xC000, s6;
	[dreg:$0x5] =	wrdreg s20  }
0x16: {  	[dreg:$0x6] =	wrdreg s5;
	s5 =	sadd.s32 s0, s22;
	s23 =	sshrl.u32 s15, $0x3  }
0x17: {  	s0 =	sadd.s32 s0, s16;
	s16 =	sadd.s32 s16, s2;
	s20 =	sadd.s32 $0x8000, s6  }
0x18: {  	s22 =	sadd.s32 $0x10000, s6;
	s5 =	sshrl.u32 s5, $0x3;
	s0 =	sshrl.u32 s0, $0x3  }
0x19: {  	s15 =	sadd.s32 s1, s23;
	s13 =	sadd.s32 s1, s5;
	s17 =	sadd.s32 s1, s0  }
0x1a: {  	s0 =	sshrl.u32 s24, $0x3;
	s24 =	sadd.s32 s26, s8;
	s26 =	simm.s32 $0x4  }
0x1b: {  	s1 =	simm.s32 $0x2;
	s23 =	sadd.s32 s0, s8;
	s0 =	simm.s32 $0x3  }
.LBB2_1:
0x1c: {  	s4 =	rddreg [dreg:$0x4];
	s5 =	simm.s32 $0x14000  }
0x1d: {  	[tilespmem:s5], [sflag:$0x4] =	stream.linear.gather [hbm4b:s4+s3], $0x1400, $0x38;
	[tilespmem:$0x1D400] =	vst v63  }
0x1e: {  	_ =	swait.ge [sflag:s26], $0x1400  }
0x1f: {  	[sflag:s26] =	ssyncset.done $0x0  }
0x20: {  	s8 =	rddreg [dreg:$0x3];
	[sflag:s26] =	ssyncadd.s32 $0xFFFFEC00  }
0x21: {  	[tilespmem:s28], [sflag:$0x4] =	stream.linear.gather [hbm4b:s8+s3], $0x4000, $0x38;
	[tilespmem:$0x1D400] =	vst v63  }
0x22: {  	_ =	swait.ge [sflag:s26], $0x4000  }
0x23: {  	[sflag:s26] =	ssyncset.done $0x0  }
0x24: {  	[sflag:s26] =	ssyncadd.s32 $0xFFFFC000  }
0x25: {  	[spmem:s6] =	stream.linear.scatter [tilespmem:s28], [sflag:$0x4], $0x4000, $0x38;
	[tilespmem:$0x1D400] =	vst v63  }
0x26: {  	_ =	swait.ge [sflag:s26], $0x4000  }
0x27: {  	[sflag:s26] =	ssyncset.done $0x0  }
0x28: {  	[sflag:s26] =	ssyncadd.s32 $0xFFFFC000  }
0x29: {  	[spmem:s19] =	stream.linear.scatter [tilespmem:s28], [sflag:$0x4], $0x4000, $0x38;
	[tilespmem:$0x1D400] =	vst v63  }
0x2a: {  	_ =	swait.ge [sflag:s26], $0x4000  }
0x2b: {  	[sflag:s26] =	ssyncset.done $0x0  }
0x2c: {  	[sflag:s26] =	ssyncadd.s32 $0xFFFFC000  }
0x2d: {  	[spmem:s20] =	stream.linear.scatter [tilespmem:s28], [sflag:$0x4], $0x4000, $0x38;
	[tilespmem:$0x1D400] =	vst v63  }
0x2e: {  	_ =	swait.ge [sflag:s26], $0x4000  }
0x2f: {  	[sflag:s26] =	ssyncset.done $0x0  }
0x30: {  	[sflag:s26] =	ssyncadd.s32 $0xFFFFC000  }
0x31: {  	[spmem:s21] =	stream.linear.scatter [tilespmem:s28], [sflag:$0x4], $0x4000, $0x38;
	[tilespmem:$0x1D400] =	vst v63  }
0x32: {  	_ =	swait.ge [sflag:s26], $0x4000  }
0x33: {  	[sflag:s26] =	ssyncset.done $0x0  }
0x34: {  	[sflag:s26] =	ssyncadd.s32 $0xFFFFC000  }
0x35: {  	[spmem:s22] =	stream.linear.scatter [tilespmem:s28], [sflag:$0x4], $0x4000, $0x38;
	[tilespmem:$0x1D400] =	vst v63  }
0x36: {  	_ =	swait.ge [sflag:s26], $0x4000  }
0x37: {  	[sflag:s26] =	ssyncset.done $0x0  }
0x38: {  	[sflag:s26] =	ssyncadd.s32 $0xFFFFC000  }
0x39: {  	[bflag:$0x0] =	sbarrier.arrive $0xFFFF  }
0x3a: {  	[tilespmem:s28], [sflag:$0x1] =	stream.linear.gather [hbm4b:s7+s3], $0x4000, $0x38;
	[tilespmem:$0x1D400] =	vst v63  }
0x3b: {  	s9 =	rddreg [dreg:$0x5]  }
0x3c: {  	[tilespmem:s29], [sflag:$0x2] =	stream.linear.gather [hbm4b:s9+s3], $0x4000, $0x38;
	[tilespmem:$0x1D400] =	vst v63  }
0x3d: {  	_ =	swait.ge [sflag:s30], $0x4000  }
0x3e: {  	[sflag:s30] =	ssyncset.done $0x0  }
0x3f: {  	s5 =	simm.s32 $0x14000;
	[sflag:s30] =	ssyncadd.s32 $0xFFFFC000  }
0x40: {  	[spmem:s2] =	stream.indirect.scatter.add.f32 [tilespmem:s28], [sflag:$0x3], $0x80, s5, s31, $0xb8;
	[tilespmem:$0x1D400] =	vst v63  }
0x41: {  	_ =	swait.ge [sflag:s1], $0x4000  }
0x42: {  	[sflag:s1] =	ssyncset.done $0x0  }
0x43: {  	s8 =	simm.s32 $0x14080;
	[sflag:s1] =	ssyncadd.s32 $0xFFFFC000  }
0x44: {  	[spmem:s2] =	stream.indirect.scatter.add.f32 [tilespmem:s29], [sflag:$0x3], $0x80, s8, s31, $0xb8;
	[tilespmem:$0x1D400] =	vst v63  }
0x45: {  	_ =	swait.ge [sflag:s0], $0x4000  }
0x46: {  	[sflag:s0] =	ssyncset.done $0x0  }
0x47: {  	s9 =	sadd.s32 $0x0, s24;
	[sflag:s0] =	ssyncadd.s32 $0xFFFFC000  }
0x48: {  	[tilespmem:s28], [sflag:$0x1] =	stream.linear.gather [hbm4b:s9+s3], $0x4000, $0x38;
	[tilespmem:$0x1D400] =	vst v63  }
0x49: {  	_ =	swait.ge [sflag:s0], $0x4000  }
0x4a: {  	s4 =	simm.s32 $0x1000;
	[sflag:s0] =	ssyncset.done $0x0  }
0x4b: {  	s5 =	simm.s32 $0x14180;
	s8 =	sadd.s32 $0x0, s23;
	[sflag:s0] =	ssyncadd.s32 $0xFFFFC000  }
.LBB2_2:
0x4c: {  	[tilespmem:s29], [sflag:$0x2] =	stream.linear.gather [hbm4b:s8+s3], $0x4000, $0x38;
	[tilespmem:$0x1D400] =	vst v63  }
0x4d: {  	s8 =	smov.u32 s4  }
0x4e: {  	p0 =	sne.s32 s4, $0x12000;
	s4 =	sadd.s32 $0x1000, s4;
	_ =	swait.ge [sflag:s30], $0x4000  }
0x4f: {  	[sflag:s30] =	ssyncset.done $0x0  }
0x50: {  	s9 =	sadd.s32 $0xFFFFFF80, s5;
	[sflag:s30] =	ssyncadd.s32 $0xFFFFC000  }
0x51: {  	[spmem:s2] =	stream.indirect.scatter.add.f32 [tilespmem:s28], [sflag:$0x3], $0x80, s9, s31, $0xb8;
	[tilespmem:$0x1D400] =	vst v63  }
0x52: {  	_ =	swait.ge [sflag:s1], $0x4000  }
0x53: {  	[sflag:s1] =	ssyncset.done $0x0  }
0x54: {  	[sflag:s1] =	ssyncadd.s32 $0xFFFFC000  }
0x55: {  	[spmem:s2] =	stream.indirect.scatter.add.f32 [tilespmem:s29], [sflag:$0x3], $0x80, s5, s31, $0xb8;
	[tilespmem:$0x1D400] =	vst v63  }
0x56: {  	_ =	swait.ge [sflag:s0], $0x4000  }
0x57: {  	[sflag:s0] =	ssyncset.done $0x0  }
.Ltmp0:
0x58: {  	s9 =	sadd.s32 s8, s24;
	[sflag:s0] =	ssyncadd.s32 $0xFFFFC000;
	(pc) =	sbr.rel @p0 .LBB2_2-.Ltmp0, $4  }
0x59: {  	[tilespmem:s28], [sflag:$0x1] =	stream.linear.gather [hbm4b:s9+s3], $0x4000, $0x38;
	[tilespmem:$0x1D400] =	vst v63  }
0x5a: {  	_ =	swait.ge [sflag:s0], $0x4000  }
0x5b: {  	[sflag:s0] =	ssyncset.done $0x0  }
0x5c: {  	s8 =	sadd.s32 s8, s23;
	s5 =	sadd.s32 $0x100, s5;
	[sflag:s0] =	ssyncadd.s32 $0xFFFFC000  }
0x5d: {  	[tilespmem:s29], [sflag:$0x2] =	stream.linear.gather [hbm4b:s8+s3], $0x4000, $0x38;
	[tilespmem:$0x1D400] =	vst v63  }
0x5e: {  	_ =	swait.ge [sflag:s30], $0x4000  }
0x5f: {  	[sflag:s30] =	ssyncset.done $0x0  }
0x60: {  	s4 =	simm.s32 $0x15300;
	[sflag:s30] =	ssyncadd.s32 $0xFFFFC000  }
0x61: {  	[spmem:s2] =	stream.indirect.scatter.add.f32 [tilespmem:s28], [sflag:$0x3], $0x80, s4, s31, $0xb8;
	[tilespmem:$0x1D400] =	vst v63  }
0x62: {  	_ =	swait.ge [sflag:s1], $0x4000  }
0x63: {  	[sflag:s1] =	ssyncset.done $0x0  }
0x64: {  	s8 =	simm.s32 $0x15380;
	[sflag:s1] =	ssyncadd.s32 $0xFFFFC000  }
0x65: {  	[spmem:s2] =	stream.indirect.scatter.add.f32 [tilespmem:s29], [sflag:$0x3], $0x80, s8, s31, $0xb8;
	[tilespmem:$0x1D400] =	vst v63  }
0x66: {  	_ =	swait.ge [sflag:s0], $0x4000  }
0x67: {  	[sflag:s0] =	ssyncset.done $0x0  }
0x68: {  	[sflag:s0] =	ssyncadd.s32 $0xFFFFC000  }
0x69: {  	_ =	swait.ge [sflag:s0], $0x4000  }
0x6a: {  	[sflag:s0] =	ssyncset.done $0x0  }
0x6b: {  	[sflag:s0] =	ssyncadd.s32 $0xFFFFC000  }
0x6c: {  	[bflag:$0x0] =	sbarrier.arrive $0xFFFF  }
0x6d: {  	[tilespmem:s28], [sflag:$0x4] =	stream.linear.gather [spmem:s6], $0x4000, $0x38;
	[tilespmem:$0x1D400] =	vst v63  }
0x6e: {  	_ =	swait.ge [sflag:s26], $0x4000  }
0x6f: {  	[sflag:s26] =	ssyncset.done $0x0  }
0x70: {  	s9 =	rddreg [dreg:$0x6];
	[sflag:s26] =	ssyncadd.s32 $0xFFFFC000  }
0x71: {  	[hbm4b:s9+s3] =	stream.linear.scatter [tilespmem:s28], [sflag:$0x3], $0x4000, $0x38;
	[tilespmem:$0x1D400] =	vst v63  }
0x72: {  	_ = 	snop  }
0x73: {  	[tilespmem:s29], [sflag:$0x4] =	stream.linear.gather [spmem:s10], $0x4000, $0x38;
	[tilespmem:$0x1D400] =	vst v63  }
0x74: {  	_ =	swait.ge [sflag:s26], $0x4000  }
0x75: {  	[sflag:s26] =	ssyncset.done $0x0  }
0x76: {  	[sflag:s26] =	ssyncadd.s32 $0xFFFFC000  }
0x77: {  	[hbm4b:s11+s3] =	stream.linear.scatter [tilespmem:s29], [sflag:$0x3], $0x4000, $0x38;
	[tilespmem:$0x1D400] =	vst v63  }
0x78: {  	_ =	swait.ge [sflag:s0], $0x4000  }
0x79: {  	[sflag:s0] =	ssyncset.done $0x0  }
0x7a: {  	[sflag:s0] =	ssyncadd.s32 $0xFFFFC000  }
0x7b: {  	[tilespmem:s28], [sflag:$0x4] =	stream.linear.gather [spmem:s12], $0x4000, $0x38;
	[tilespmem:$0x1D400] =	vst v63  }
0x7c: {  	_ =	swait.ge [sflag:s26], $0x4000  }
0x7d: {  	[sflag:s26] =	ssyncset.done $0x0  }
0x7e: {  	[sflag:s26] =	ssyncadd.s32 $0xFFFFC000  }
0x7f: {  	[hbm4b:s13+s3] =	stream.linear.scatter [tilespmem:s28], [sflag:$0x3], $0x4000, $0x38;
	[tilespmem:$0x1D400] =	vst v63  }
0x80: {  	_ =	swait.ge [sflag:s0], $0x4000  }
0x81: {  	[sflag:s0] =	ssyncset.done $0x0  }
0x82: {  	[sflag:s0] =	ssyncadd.s32 $0xFFFFC000  }
0x83: {  	[tilespmem:s29], [sflag:$0x4] =	stream.linear.gather [spmem:s14], $0x4000, $0x38;
	[tilespmem:$0x1D400] =	vst v63  }
0x84: {  	_ =	swait.ge [sflag:s26], $0x4000  }
0x85: {  	[sflag:s26] =	ssyncset.done $0x0  }
0x86: {  	[sflag:s26] =	ssyncadd.s32 $0xFFFFC000  }
0x87: {  	[hbm4b:s15+s3] =	stream.linear.scatter [tilespmem:s29], [sflag:$0x3], $0x4000, $0x38;
	[tilespmem:$0x1D400] =	vst v63  }
0x88: {  	_ =	swait.ge [sflag:s0], $0x4000  }
0x89: {  	[sflag:s0] =	ssyncset.done $0x0  }
0x8a: {  	[sflag:s0] =	ssyncadd.s32 $0xFFFFC000  }
0x8b: {  	[tilespmem:s28], [sflag:$0x4] =	stream.linear.gather [spmem:s16], $0x4000, $0x38;
	[tilespmem:$0x1D400] =	vst v63  }
0x8c: {  	_ =	swait.ge [sflag:s26], $0x4000  }
0x8d: {  	[sflag:s26] =	ssyncset.done $0x0  }
0x8e: {  	s25 =	sadd.s32 $0x1, s25;
	[sflag:s26] =	ssyncadd.s32 $0xFFFFC000  }
0x8f: {  	[hbm4b:s17+s3] =	stream.linear.scatter [tilespmem:s28], [sflag:$0x3], $0x4000, $0x38;
	[tilespmem:$0x1D400] =	vst v63  }
0x90: {  	p0 =	sne.s32 s25, s18;
	_ =	swait.ge [sflag:s0], $0x4000  }
.Ltmp1:
0x91: {  	[sflag:s0] =	ssyncset.done $0x0;
	(pc) =	sbr.rel @p0 .LBB2_1-.Ltmp1, $4  }
0x92: {  	[sflag:s0] =	ssyncadd.s32 $0xFFFFC000  }
0x93: {  	_ =	swait.ge [sflag:s0], $0x4000  }
0x94: {  	[sflag:s0] =	ssyncset.done $0x0  }
0x95: {  	[sflag:s0] =	ssyncadd.s32 $0xFFFFC000  }
0x96: {  	_ =	sfence.sel $0x180000  }
0x97: {  	[bflag:$0x0] =	sbarrier.arrive $0xFFFF  }
0x98: {  	_ =	strace $0x90000047  }
0x99: {  	s0 =	stileid.u32;
	[bflag:$0x2] =	sbarrier.arrive $0xFFFF  }
0x9a: {  	p0 =	sne.s32 s0, $0x0;
	s0 =	rddreg [dreg:$0x2]  }
0x9b: {  	s0 =	sadd.s32 @!p0 $0x100000, s0  }
0x9c: {  	[sflag:s0] =	ssyncadd.tile.s32 @!p0 $0x1;
	_ =	shalt  }
.Lfunc_end2:
_tile_overlayer_lowered:
.L_overlay_start_2:
0x9d: {  	(tag) =	ssettag $0x2  }
0x9e: {  	s0 =	rddreg [dreg:$0x0];
	s2 =	stileid.u32  }
0x9f: {  	s1 =	rddreg [dreg:$0x1];
	p0 =	sne.s32 s2, $0x0  }
0xa0: {  	s3 =	rddreg [dreg:$0x2];
	[bflag:$0x3] =	sbarrier.arrive $0xFFFF;
	s2 =	simm.s32 @!p0 $0x1C04  }
0xa1: {  	[timem:s3], [sflag:s2] =	dma.local @!p0 [hbm:s0], s1  }
0xa2: {  	s0 =	simm.s32 @!p0 $0x4  }
0xa3: {  	_ =	swait.ge @!p0 [sflag:s0], s1  }
0xa4: {  	s1 =	ssub.s32 @!p0 $0x0, s1;
	[sflag:s0] =	ssyncset.done @!p0 $0x0  }
0xa5: {  	[sflag:s0] =	ssyncadd.s32 @!p0 s1  }
0xa6: {  	[bflag:$0x3] =	sbarrier.arrive $0xFFFF  }
0xa7: {  	_ =	shalt  }

</sc_bundles>
